<compile_context>
chip_gen: v7x
topology: tpu7x:2x2x1
jax: 0.10.2.dev20260603
libtpu: 0.0.44.dev20260713+nightly
codegen_flags: <defaults>
</compile_context>

<pallas_src>
import functools

import jax
import jax.numpy as jnp
from jax import lax
from jax.experimental import pallas as pl
from jax.experimental.pallas import tpu as pltpu
from jax.experimental.pallas import tpu_sc as plsc


@functools.cache
def _make_lookup(V, D, B1, B2):
    info = plsc.get_sparse_core_info()
    NC = info.num_cores
    L = info.num_lanes
    NW = NC * info.num_subcores
    planes_per_w = D // NW
    assert D % NW == 0 and B1 % L == 0
    n_grp = B1 // L

    mesh = plsc.VectorSubcoreMesh(core_axis_name="c", subcore_axis_name="s")

    @functools.partial(
        pl.kernel,
        mesh=mesh,
        compiler_params=pltpu.CompilerParams(
            use_tc_tiling_on_sc=True, needs_layout_passes=False
        ),
        out_type=jax.ShapeDtypeStruct((B2, D, B1), jnp.float32),
        scratch_types=[
            pltpu.VMEM((V,), jnp.float32),
            pltpu.VMEM((B1,), jnp.int32),
            pltpu.VMEM((B1,), jnp.int32),
            pltpu.VMEM((B1,), jnp.int32),
            pltpu.VMEM((B1,), jnp.float32),
            pltpu.VMEM((B1,), jnp.float32),
            pltpu.VMEM((B1,), jnp.float32),
            pltpu.SemaphoreType.DMA,
            pltpu.SemaphoreType.DMA,
            pltpu.SemaphoreType.DMA,
            pltpu.SemaphoreType.DMA,
            pltpu.SemaphoreType.DMA,
            pltpu.SemaphoreType.DMA,
        ],
    )
    def lookup(tok_hbm, wt_hbm, out_hbm, plane_v, tok0_v, tok1_v, tok2_v,
               row0_v, row1_v, row2_v, tsem0, tsem1, tsem2,
               osem0, osem1, osem2):
        toks = (tok0_v, tok1_v, tok2_v)
        rows = (row0_v, row1_v, row2_v)
        tsems = (tsem0, tsem1, tsem2)
        osems = (osem0, osem1, osem2)
        R = 3
        wid = lax.axis_index("s") * NC + lax.axis_index("c")

        UNROLL = 16

        def gather_row(tok_b, row_b):
            def grp(g, carry):
                for u in range(UNROLL):
                    sl = pl.ds((g * UNROLL + u) * L, L)
                    row_b[sl] = plsc.load_gather(plane_v, [tok_b[sl]])
                return carry
            lax.fori_loop(0, n_grp // UNROLL, grp, 0)

        for dd in range(planes_per_w):
            d = wid * planes_per_w + dd
            pltpu.sync_copy(wt_hbm.at[d], plane_v)
            for b in range(R):
                pltpu.async_copy(tok_hbm.at[b], toks[b], tsems[b])

            def body(s, b):
                pltpu.make_async_copy(
                    tok_hbm.at[0], toks[b], tsems[b]
                ).wait()

                @pl.when(s >= R)
                def _():
                    pltpu.make_async_copy(
                        rows[b], out_hbm.at[0, 0], osems[b]
                    ).wait()

                gather_row(toks[b], rows[b])
                sn = s + R

                @pl.when(sn < B2)
                def _():
                    pltpu.async_copy(tok_hbm.at[sn], toks[b], tsems[b])

                pltpu.async_copy(rows[b], out_hbm.at[s, d], osems[b])

            def step(g, carry):
                for k in range(R):
                    body(g * R + k, k)
                return carry

            lax.fori_loop(0, B2 // R, step, 0)
            for s in range(B2 - B2 % R, B2):
                body(jnp.int32(s), s % R)
            for b in range(R):
                pltpu.make_async_copy(
                    rows[b], out_hbm.at[0, 0], osems[b]
                ).wait()

    return lookup


def kernel(token_ids, weight):
    B1, B2 = token_ids.shape
    V, D = weight.shape
    out_t = _make_lookup(V, D, B1, B2)(
        token_ids.astype(jnp.int32).T, weight.T
    )
    return out_t.transpose(2, 0, 1)

# --- scband reference (transcript-rebuilt; emitter-appended) ---
"""Pipeline reference for scband-embedding-65386582114481 (READ-ONLY COPY).

The authoritative reference and input builder live on the scoring server;
editing this copy changes nothing except your own understanding.
"""

import jax, jax.numpy as jnp
import numpy as np

NUM_EMBEDDINGS = 100000
EMBEDDING_DIM = 64

def setup_inputs(seed: int = 0) -> dict:
    key = jax.random.key(seed)
    k1, k2 = jax.random.split(key)
    token_ids = jax.random.randint(k1, (4096, 50), 0, NUM_EMBEDDINGS, dtype=jnp.int64 if jax.config.jax_enable_x64 else jnp.int32)
    # trunc_normal_(std=1, a=-3, b=3)
    weight = jax.random.truncated_normal(k2, -3.0, 3.0, (NUM_EMBEDDINGS, EMBEDDING_DIM), dtype=jnp.float32)
    return {"token_ids": token_ids, "weight": weight}

def reference(token_ids, weight):
    # Original: one_hot(token_ids, V) @ weight  ('... v, v d -> ... d')
    # Mathematically identical to a row gather from the table (one-hot matmul
    # selects exactly row token_ids[...] of weight); implemented as gather which
    # maps to the SparseCore embedding-lookup primitive.
    return jnp.take(weight, token_ids, axis=0)

if __name__ == "__main__":
    import jax
    _d = setup_inputs()
    print(jax.jit(kernel)(*tuple(_d.values())))

</pallas_src>

<mosaic_0001>
#map = affine_map<(d0, d1) -> (0, 0)>
#map1 = affine_map<(d0, d1) -> (0, 0, 0)>
module attributes {stable_mosaic.version = 14 : i64} {
  func.func @lookup(%arg0: i32, %arg1: i32, %arg2: memref<50x4096xi32, #tpu.memory_space<hbm>>, %arg3: memref<64x100000xf32, #tpu.memory_space<hbm>>, %arg4: memref<50x64x4096xf32, #tpu.memory_space<hbm>>, %arg5: memref<100000xf32, #tpu.memory_space<vmem>>, %arg6: memref<4096xi32, #tpu.memory_space<vmem>>, %arg7: memref<4096xi32, #tpu.memory_space<vmem>>, %arg8: memref<4096xi32, #tpu.memory_space<vmem>>, %arg9: memref<4096xf32, #tpu.memory_space<vmem>>, %arg10: memref<4096xf32, #tpu.memory_space<vmem>>, %arg11: memref<4096xf32, #tpu.memory_space<vmem>>, %arg12: memref<!tpu.dma_semaphore, #tpu.memory_space<semaphore_mem>>, %arg13: memref<!tpu.dma_semaphore, #tpu.memory_space<semaphore_mem>>, %arg14: memref<!tpu.dma_semaphore, #tpu.memory_space<semaphore_mem>>, %arg15: memref<!tpu.dma_semaphore, #tpu.memory_space<semaphore_mem>>, %arg16: memref<!tpu.dma_semaphore, #tpu.memory_space<semaphore_mem>>, %arg17: memref<!tpu.dma_semaphore, #tpu.memory_space<semaphore_mem>>) attributes {dimension_semantics = [#tpu.dimension_semantics<core_parallel>, #tpu.dimension_semantics<subcore_parallel>], iteration_bounds = array<i64: 2, 16>, scalar_prefetch = 0 : i64, scratch_operands = 13 : i64, tpu.core_type = #tpu.core_type<sc_vector_subcore>, window_params = [{transform_indices = #map}, {transform_indices = #map}, {transform_indices = #map1}]} {
    %mul3A = arith.constant 2 : i32
    %mul3A_0 = arith.muli %arg1, %mul3A : i32
    %add3A = arith.addi %mul3A_0, %arg0 : i32
    %mul3A_1 = arith.constant 2 : i32
    %mul3A_2 = arith.muli %add3A, %mul3A_1 : i32
    %add3A_3 = arith.constant 0 : i32
    %add3A_4 = arith.addi %mul3A_2, %add3A_3 : i32
    "tpu.region"() ({
      %run_scoped3A = tpu.sem_alloc : memref<!tpu.dma_semaphore, #tpu.memory_space<semaphore_mem>>
      %dma_start3A_240 = arith.constant 0 : i32
      %dma_start3A_241 = tpu.memref_slice %arg3[%add3A_4, %dma_start3A_240] : memref<64x100000xf32, #tpu.memory_space<hbm>> -> memref<1x100000xf32, #tpu.memory_space<hbm>>
      %dma_start3A_242 = tpu.memref_squeeze %dma_start3A_241 : memref<1x100000xf32, #tpu.memory_space<hbm>> -> memref<100000xf32, #tpu.memory_space<hbm>>
      %dma_start3A_243 = arith.constant 0 : i32
      %dma_start3A_244 = tpu.memref_slice %arg3[%add3A_4, %dma_start3A_243] : memref<64x100000xf32, #tpu.memory_space<hbm>> -> memref<1x100000xf32, #tpu.memory_space<hbm>>
      %dma_start3A_245 = tpu.memref_squeeze %dma_start3A_244 : memref<1x100000xf32, #tpu.memory_space<hbm>> -> memref<100000xf32, #tpu.memory_space<hbm>>
      tpu.enqueue_dma source(%dma_start3A_245 : memref<100000xf32, #tpu.memory_space<hbm>>) target(%arg5 : memref<100000xf32, #tpu.memory_space<vmem>>) target_semaphore(%run_scoped3A : memref<!tpu.dma_semaphore, #tpu.memory_space<semaphore_mem>>)
      %dma_wait3A_246 = arith.constant 0 : i32
      %dma_wait3A_247 = tpu.memref_slice %arg3[%add3A_4, %dma_wait3A_246] : memref<64x100000xf32, #tpu.memory_space<hbm>> -> memref<1x100000xf32, #tpu.memory_space<hbm>>
      %dma_wait3A_248 = tpu.memref_squeeze %dma_wait3A_247 : memref<1x100000xf32, #tpu.memory_space<hbm>> -> memref<100000xf32, #tpu.memory_space<hbm>>
      %dma_wait3A_249 = arith.constant 0 : i32
      %dma_wait3A_250 = tpu.memref_slice %arg3[%add3A_4, %dma_wait3A_249] : memref<64x100000xf32, #tpu.memory_space<hbm>> -> memref<1x100000xf32, #tpu.memory_space<hbm>>
      %dma_wait3A_251 = tpu.memref_squeeze %dma_wait3A_250 : memref<1x100000xf32, #tpu.memory_space<hbm>> -> memref<100000xf32, #tpu.memory_space<hbm>>
      tpu.wait_dma2 semaphore(%run_scoped3A : memref<!tpu.dma_semaphore, #tpu.memory_space<semaphore_mem>>) src(%dma_wait3A_251 : memref<100000xf32, #tpu.memory_space<hbm>>) dst(%arg5 : memref<100000xf32, #tpu.memory_space<vmem>>)
      tpu.yield
    }) : () -> ()
    %dma_start3A = arith.constant 0 : i32
    %dma_start3A_5 = arith.constant 0 : i32
    %dma_start3A_6 = tpu.memref_slice %arg2[%dma_start3A, %dma_start3A_5] : memref<50x4096xi32, #tpu.memory_space<hbm>> -> memref<1x4096xi32, #tpu.memory_space<hbm>>
    %dma_start3A_7 = tpu.memref_squeeze %dma_start3A_6 : memref<1x4096xi32, #tpu.memory_space<hbm>> -> memref<4096xi32, #tpu.memory_space<hbm>>
    %dma_start3A_8 = arith.constant 0 : i32
    %dma_start3A_9 = tpu.memref_slice %arg2[%dma_start3A, %dma_start3A_8] : memref<50x4096xi32, #tpu.memory_space<hbm>> -> memref<1x4096xi32, #tpu.memory_space<hbm>>
    %dma_start3A_10 = tpu.memref_squeeze %dma_start3A_9 : memref<1x4096xi32, #tpu.memory_space<hbm>> -> memref<4096xi32, #tpu.memory_space<hbm>>
    tpu.enqueue_dma source(%dma_start3A_10 : memref<4096xi32, #tpu.memory_space<hbm>>) target(%arg6 : memref<4096xi32, #tpu.memory_space<vmem>>) target_semaphore(%arg12 : memref<!tpu.dma_semaphore, #tpu.memory_space<semaphore_mem>>)
    %dma_start3A_11 = arith.constant 1 : i32
    %dma_start3A_12 = arith.constant 0 : i32
    %dma_start3A_13 = tpu.memref_slice %arg2[%dma_start3A_11, %dma_start3A_12] : memref<50x4096xi32, #tpu.memory_space<hbm>> -> memref<1x4096xi32, #tpu.memory_space<hbm>>
    %dma_start3A_14 = tpu.memref_squeeze %dma_start3A_13 : memref<1x4096xi32, #tpu.memory_space<hbm>> -> memref<4096xi32, #tpu.memory_space<hbm>>
    %dma_start3A_15 = arith.constant 0 : i32
    %dma_start3A_16 = tpu.memref_slice %arg2[%dma_start3A_11, %dma_start3A_15] : memref<50x4096xi32, #tpu.memory_space<hbm>> -> memref<1x4096xi32, #tpu.memory_space<hbm>>
    %dma_start3A_17 = tpu.memref_squeeze %dma_start3A_16 : memref<1x4096xi32, #tpu.memory_space<hbm>> -> memref<4096xi32, #tpu.memory_space<hbm>>
    tpu.enqueue_dma source(%dma_start3A_17 : memref<4096xi32, #tpu.memory_space<hbm>>) target(%arg7 : memref<4096xi32, #tpu.memory_space<vmem>>) target_semaphore(%arg13 : memref<!tpu.dma_semaphore, #tpu.memory_space<semaphore_mem>>)
    %dma_start3A_18 = arith.constant 2 : i32
    %dma_start3A_19 = arith.constant 0 : i32
    %dma_start3A_20 = tpu.memref_slice %arg2[%dma_start3A_18, %dma_start3A_19] : memref<50x4096xi32, #tpu.memory_space<hbm>> -> memref<1x4096xi32, #tpu.memory_space<hbm>>
    %dma_start3A_21 = tpu.memref_squeeze %dma_start3A_20 : memref<1x4096xi32, #tpu.memory_space<hbm>> -> memref<4096xi32, #tpu.memory_space<hbm>>
    %dma_start3A_22 = arith.constant 0 : i32
    %dma_start3A_23 = tpu.memref_slice %arg2[%dma_start3A_18, %dma_start3A_22] : memref<50x4096xi32, #tpu.memory_space<hbm>> -> memref<1x4096xi32, #tpu.memory_space<hbm>>
    %dma_start3A_24 = tpu.memref_squeeze %dma_start3A_23 : memref<1x4096xi32, #tpu.memory_space<hbm>> -> memref<4096xi32, #tpu.memory_space<hbm>>
    tpu.enqueue_dma source(%dma_start3A_24 : memref<4096xi32, #tpu.memory_space<hbm>>) target(%arg8 : memref<4096xi32, #tpu.memory_space<vmem>>) target_semaphore(%arg14 : memref<!tpu.dma_semaphore, #tpu.memory_space<semaphore_mem>>)
    %scan3A = arith.constant 0 : i32
    %scan3A_25 = arith.constant 0 : i32
    %scan3A_26 = arith.constant 16 : i32
    %scan3A_27 = arith.addi %scan3A_25, %scan3A_26 : i32
    %scan3A_28 = arith.constant 1 : i32
    scf.for %scan3A_240 = %scan3A_25 to %scan3A_27 step %scan3A_28  : i32 {
      %mul3A_241 = arith.constant 3 : i32
      %mul3A_242 = arith.muli %scan3A_240, %mul3A_241 : i32
      %add3A_243 = arith.constant 0 : i32
      %add3A_244 = arith.addi %mul3A_242, %add3A_243 : i32
      %dma_wait3A_245 = arith.constant 0 : i32
      %dma_wait3A_246 = arith.constant 0 : i32
      %dma_wait3A_247 = tpu.memref_slice %arg2[%dma_wait3A_245, %dma_wait3A_246] : memref<50x4096xi32, #tpu.memory_space<hbm>> -> memref<1x4096xi32, #tpu.memory_space<hbm>>
      %dma_wait3A_248 = tpu.memref_squeeze %dma_wait3A_247 : memref<1x4096xi32, #tpu.memory_space<hbm>> -> memref<4096xi32, #tpu.memory_space<hbm>>
      %dma_wait3A_249 = arith.constant 0 : i32
      %dma_wait3A_250 = tpu.memref_slice %arg2[%dma_wait3A_245, %dma_wait3A_249] : memref<50x4096xi32, #tpu.memory_space<hbm>> -> memref<1x4096xi32, #tpu.memory_space<hbm>>
      %dma_wait3A_251 = tpu.memref_squeeze %dma_wait3A_250 : memref<1x4096xi32, #tpu.memory_space<hbm>> -> memref<4096xi32, #tpu.memory_space<hbm>>
      tpu.wait_dma2 semaphore(%arg12 : memref<!tpu.dma_semaphore, #tpu.memory_space<semaphore_mem>>) src(%dma_wait3A_251 : memref<4096xi32, #tpu.memory_space<hbm>>) dst(%arg6 : memref<4096xi32, #tpu.memory_space<vmem>>)
      %ge3A_252 = arith.constant 3 : i32
      %ge3A_253 = arith.cmpi sge, %add3A_244, %ge3A_252 : i32
      %convert_element_type3A_254 = arith.extui %ge3A_253 : i1 to i32
      %cond3A_255 = arith.constant 0 : i32
      %cond3A_256 = arith.cmpi ne, %convert_element_type3A_254, %cond3A_255 : i32
      scf.if %cond3A_256 {
        %dma_wait3A_346 = arith.constant 0 : i32
        %dma_wait3A_347 = arith.constant 0 : i32
        %dma_wait3A_348 = arith.constant 0 : i32
        %dma_wait3A_349 = tpu.memref_slice %arg4[%dma_wait3A_346, %dma_wait3A_347, %dma_wait3A_348] : memref<50x64x4096xf32, #tpu.memory_space<hbm>> -> memref<1x1x4096xf32, #tpu.memory_space<hbm>>
        %dma_wait3A_350 = tpu.memref_squeeze %dma_wait3A_349 : memref<1x1x4096xf32, #tpu.memory_space<hbm>> -> memref<4096xf32, #tpu.memory_space<hbm>>
        %dma_wait3A_351 = arith.constant 0 : i32
        %dma_wait3A_352 = tpu.memref_slice %arg4[%dma_wait3A_346, %dma_wait3A_347, %dma_wait3A_351] : memref<50x64x4096xf32, #tpu.memory_space<hbm>> -> memref<1x1x4096xf32, #tpu.memory_space<hbm>>
        %dma_wait3A_353 = tpu.memref_squeeze %dma_wait3A_352 : memref<1x1x4096xf32, #tpu.memory_space<hbm>> -> memref<4096xf32, #tpu.memory_space<hbm>>
        tpu.wait_dma2 semaphore(%arg15 : memref<!tpu.dma_semaphore, #tpu.memory_space<semaphore_mem>>) src(%arg9 : memref<4096xf32, #tpu.memory_space<vmem>>) dst(%dma_wait3A_353 : memref<4096xf32, #tpu.memory_space<hbm>>)
      } else {
      }
      %scan3A_257 = arith.constant 0 : i32
      %scan3A_258 = arith.constant 0 : i32
      %scan3A_259 = arith.constant 16 : i32
      %scan3A_260 = arith.addi %scan3A_258, %scan3A_259 : i32
      %scan3A_261 = arith.constant 1 : i32
      scf.for %scan3A_346 = %scan3A_258 to %scan3A_260 step %scan3A_261  : i32 {
        %mul3A_347 = arith.constant 16 : i32
        %mul3A_348 = arith.muli %scan3A_346, %mul3A_347 : i32
        %add3A_349 = arith.constant 0 : i32
        %add3A_350 = arith.addi %mul3A_348, %add3A_349 : i32
        %mul3A_351 = arith.constant 16 : i32
        %mul3A_352 = arith.muli %add3A_350, %mul3A_351 : i32
        %get3A = arith.index_cast %mul3A_352 : i32 to index
        %get3A_353 = tpu.vector_load %arg6[%get3A] {strides = array<i32>} : memref<4096xi32, #tpu.memory_space<vmem>>, vector<16xi32>,
        %gather3A = tpu.vector_load_idx %arg5[%get3A_353] : memref<100000xf32, #tpu.memory_space<vmem>>[vector<16xi32>], vector<16xf32>,
        %swap3A = arith.index_cast %mul3A_352 : i32 to index
        %swap3A_354 = tpu.vector_load %arg9[%swap3A] {strides = array<i32>} : memref<4096xf32, #tpu.memory_space<vmem>>, vector<16xf32>,
        tpu.vector_store %arg9[%swap3A], %gather3A {strides = array<i32>} : memref<4096xf32, #tpu.memory_space<vmem>>, vector<16xf32>,
        %mul3A_355 = arith.constant 16 : i32
        %mul3A_356 = arith.muli %scan3A_346, %mul3A_355 : i32
        %add3A_357 = arith.constant 1 : i32
        %add3A_358 = arith.addi %mul3A_356, %add3A_357 : i32
        %mul3A_359 = arith.constant 16 : i32
        %mul3A_360 = arith.muli %add3A_358, %mul3A_359 : i32
        %get3A_361 = arith.index_cast %mul3A_360 : i32 to index
        %get3A_362 = tpu.vector_load %arg6[%get3A_361] {strides = array<i32>} : memref<4096xi32, #tpu.memory_space<vmem>>, vector<16xi32>,
        %gather3A_363 = tpu.vector_load_idx %arg5[%get3A_362] : memref<100000xf32, #tpu.memory_space<vmem>>[vector<16xi32>], vector<16xf32>,
        %swap3A_364 = arith.index_cast %mul3A_360 : i32 to index
        %swap3A_365 = tpu.vector_load %arg9[%swap3A_364] {strides = array<i32>} : memref<4096xf32, #tpu.memory_space<vmem>>, vector<16xf32>,
        tpu.vector_store %arg9[%swap3A_364], %gather3A_363 {strides = array<i32>} : memref<4096xf32, #tpu.memory_space<vmem>>, vector<16xf32>,
        %mul3A_366 = arith.constant 16 : i32
        %mul3A_367 = arith.muli %scan3A_346, %mul3A_366 : i32
        %add3A_368 = arith.constant 2 : i32
        %add3A_369 = arith.addi %mul3A_367, %add3A_368 : i32
        %mul3A_370 = arith.constant 16 : i32
        %mul3A_371 = arith.muli %add3A_369, %mul3A_370 : i32
        %get3A_372 = arith.index_cast %mul3A_371 : i32 to index
        %get3A_373 = tpu.vector_load %arg6[%get3A_372] {strides = array<i32>} : memref<4096xi32, #tpu.memory_space<vmem>>, vector<16xi32>,
        %gather3A_374 = tpu.vector_load_idx %arg5[%get3A_373] : memref<100000xf32, #tpu.memory_space<vmem>>[vector<16xi32>], vector<16xf32>,
        %swap3A_375 = arith.index_cast %mul3A_371 : i32 to index
        %swap3A_376 = tpu.vector_load %arg9[%swap3A_375] {strides = array<i32>} : memref<4096xf32, #tpu.memory_space<vmem>>, vector<16xf32>,
        tpu.vector_store %arg9[%swap3A_375], %gather3A_374 {strides = array<i32>} : memref<4096xf32, #tpu.memory_space<vmem>>, vector<16xf32>,
        %mul3A_377 = arith.constant 16 : i32
        %mul3A_378 = arith.muli %scan3A_346, %mul3A_377 : i32
        %add3A_379 = arith.constant 3 : i32
        %add3A_380 = arith.addi %mul3A_378, %add3A_379 : i32
        %mul3A_381 = arith.constant 16 : i32
        %mul3A_382 = arith.muli %add3A_380, %mul3A_381 : i32
        %get3A_383 = arith.index_cast %mul3A_382 : i32 to index
        %get3A_384 = tpu.vector_load %arg6[%get3A_383] {strides = array<i32>} : memref<4096xi32, #tpu.memory_space<vmem>>, vector<16xi32>,
        %gather3A_385 = tpu.vector_load_idx %arg5[%get3A_384] : memref<100000xf32, #tpu.memory_space<vmem>>[vector<16xi32>], vector<16xf32>,
        %swap3A_386 = arith.index_cast %mul3A_382 : i32 to index
        %swap3A_387 = tpu.vector_load %arg9[%swap3A_386] {strides = array<i32>} : memref<4096xf32, #tpu.memory_space<vmem>>, vector<16xf32>,
        tpu.vector_store %arg9[%swap3A_386], %gather3A_385 {strides = array<i32>} : memref<4096xf32, #tpu.memory_space<vmem>>, vector<16xf32>,
        %mul3A_388 = arith.constant 16 : i32
        %mul3A_389 = arith.muli %scan3A_346, %mul3A_388 : i32
        %add3A_390 = arith.constant 4 : i32
        %add3A_391 = arith.addi %mul3A_389, %add3A_390 : i32
        %mul3A_392 = arith.constant 16 : i32
        %mul3A_393 = arith.muli %add3A_391, %mul3A_392 : i32
        %get3A_394 = arith.index_cast %mul3A_393 : i32 to index
        %get3A_395 = tpu.vector_load %arg6[%get3A_394] {strides = array<i32>} : memref<4096xi32, #tpu.memory_space<vmem>>, vector<16xi32>,
        %gather3A_396 = tpu.vector_load_idx %arg5[%get3A_395] : memref<100000xf32, #tpu.memory_space<vmem>>[vector<16xi32>], vector<16xf32>,
        %swap3A_397 = arith.index_cast %mul3A_393 : i32 to index
        %swap3A_398 = tpu.vector_load %arg9[%swap3A_397] {strides = array<i32>} : memref<4096xf32, #tpu.memory_space<vmem>>, vector<16xf32>,
        tpu.vector_store %arg9[%swap3A_397], %gather3A_396 {strides = array<i32>} : memref<4096xf32, #tpu.memory_space<vmem>>, vector<16xf32>,
        %mul3A_399 = arith.constant 16 : i32
        %mul3A_400 = arith.muli %scan3A_346, %mul3A_399 : i32
        %add3A_401 = arith.constant 5 : i32
        %add3A_402 = arith.addi %mul3A_400, %add3A_401 : i32
        %mul3A_403 = arith.constant 16 : i32
        %mul3A_404 = arith.muli %add3A_402, %mul3A_403 : i32
        %get3A_405 = arith.index_cast %mul3A_404 : i32 to index
        %get3A_406 = tpu.vector_load %arg6[%get3A_405] {strides = array<i32>} : memref<4096xi32, #tpu.memory_space<vmem>>, vector<16xi32>,
        %gather3A_407 = tpu.vector_load_idx %arg5[%get3A_406] : memref<100000xf32, #tpu.memory_space<vmem>>[vector<16xi32>], vector<16xf32>,
        %swap3A_408 = arith.index_cast %mul3A_404 : i32 to index
        %swap3A_409 = tpu.vector_load %arg9[%swap3A_408] {strides = array<i32>} : memref<4096xf32, #tpu.memory_space<vmem>>, vector<16xf32>,
        tpu.vector_store %arg9[%swap3A_408], %gather3A_407 {strides = array<i32>} : memref<4096xf32, #tpu.memory_space<vmem>>, vector<16xf32>,
        %mul3A_410 = arith.constant 16 : i32
        %mul3A_411 = arith.muli %scan3A_346, %mul3A_410 : i32
        %add3A_412 = arith.constant 6 : i32
        %add3A_413 = arith.addi %mul3A_411, %add3A_412 : i32
        %mul3A_414 = arith.constant 16 : i32
        %mul3A_415 = arith.muli %add3A_413, %mul3A_414 : i32
        %get3A_416 = arith.index_cast %mul3A_415 : i32 to index
        %get3A_417 = tpu.vector_load %arg6[%get3A_416] {strides = array<i32>} : memref<4096xi32, #tpu.memory_space<vmem>>, vector<16xi32>,
        %gather3A_418 = tpu.vector_load_idx %arg5[%get3A_417] : memref<100000xf32, #tpu.memory_space<vmem>>[vector<16xi32>], vector<16xf32>,
        %swap3A_419 = arith.index_cast %mul3A_415 : i32 to index
        %swap3A_420 = tpu.vector_load %arg9[%swap3A_419] {strides = array<i32>} : memref<4096xf32, #tpu.memory_space<vmem>>, vector<16xf32>,
        tpu.vector_store %arg9[%swap3A_419], %gather3A_418 {strides = array<i32>} : memref<4096xf32, #tpu.memory_space<vmem>>, vector<16xf32>,
        %mul3A_421 = arith.constant 16 : i32
        %mul3A_422 = arith.muli %scan3A_346, %mul3A_421 : i32
        %add3A_423 = arith.constant 7 : i32
        %add3A_424 = arith.addi %mul3A_422, %add3A_423 : i32
        %mul3A_425 = arith.constant 16 : i32
        %mul3A_426 = arith.muli %add3A_424, %mul3A_425 : i32
        %get3A_427 = arith.index_cast %mul3A_426 : i32 to index
        %get3A_428 = tpu.vector_load %arg6[%get3A_427] {strides = array<i32>} : memref<4096xi32, #tpu.memory_space<vmem>>, vector<16xi32>,
        %gather3A_429 = tpu.vector_load_idx %arg5[%get3A_428] : memref<100000xf32, #tpu.memory_space<vmem>>[vector<16xi32>], vector<16xf32>,
        %swap3A_430 = arith.index_cast %mul3A_426 : i32 to index
        %swap3A_431 = tpu.vector_load %arg9[%swap3A_430] {strides = array<i32>} : memref<4096xf32, #tpu.memory_space<vmem>>, vector<16xf32>,
        tpu.vector_store %arg9[%swap3A_430], %gather3A_429 {strides = array<i32>} : memref<4096xf32, #tpu.memory_space<vmem>>, vector<16xf32>,
        %mul3A_432 = arith.constant 16 : i32
        %mul3A_433 = arith.muli %scan3A_346, %mul3A_432 : i32
        %add3A_434 = arith.constant 8 : i32
        %add3A_435 = arith.addi %mul3A_433, %add3A_434 : i32
        %mul3A_436 = arith.constant 16 : i32
        %mul3A_437 = arith.muli %add3A_435, %mul3A_436 : i32
        %get3A_438 = arith.index_cast %mul3A_437 : i32 to index
        %get3A_439 = tpu.vector_load %arg6[%get3A_438] {strides = array<i32>} : memref<4096xi32, #tpu.memory_space<vmem>>, vector<16xi32>,
        %gather3A_440 = tpu.vector_load_idx %arg5[%get3A_439] : memref<100000xf32, #tpu.memory_space<vmem>>[vector<16xi32>], vector<16xf32>,
        %swap3A_441 = arith.index_cast %mul3A_437 : i32 to index
        %swap3A_442 = tpu.vector_load %arg9[%swap3A_441] {strides = array<i32>} : memref<4096xf32, #tpu.memory_space<vmem>>, vector<16xf32>,
        tpu.vector_store %arg9[%swap3A_441], %gather3A_440 {strides = array<i32>} : memref<4096xf32, #tpu.memory_space<vmem>>, vector<16xf32>,
        %mul3A_443 = arith.constant 16 : i32
        %mul3A_444 = arith.muli %scan3A_346, %mul3A_443 : i32
        %add3A_445 = arith.constant 9 : i32
        %add3A_446 = arith.addi %mul3A_444, %add3A_445 : i32
        %mul3A_447 = arith.constant 16 : i32
        %mul3A_448 = arith.muli %add3A_446, %mul3A_447 : i32
        %get3A_449 = arith.index_cast %mul3A_448 : i32 to index
        %get3A_450 = tpu.vector_load %arg6[%get3A_449] {strides = array<i32>} : memref<4096xi32, #tpu.memory_space<vmem>>, vector<16xi32>,
        %gather3A_451 = tpu.vector_load_idx %arg5[%get3A_450] : memref<100000xf32, #tpu.memory_space<vmem>>[vector<16xi32>], vector<16xf32>,
        %swap3A_452 = arith.index_cast %mul3A_448 : i32 to index
        %swap3A_453 = tpu.vector_load %arg9[%swap3A_452] {strides = array<i32>} : memref<4096xf32, #tpu.memory_space<vmem>>, vector<16xf32>,
        tpu.vector_store %arg9[%swap3A_452], %gather3A_451 {strides = array<i32>} : memref<4096xf32, #tpu.memory_space<vmem>>, vector<16xf32>,
        %mul3A_454 = arith.constant 16 : i32
        %mul3A_455 = arith.muli %scan3A_346, %mul3A_454 : i32
        %add3A_456 = arith.constant 10 : i32
        %add3A_457 = arith.addi %mul3A_455, %add3A_456 : i32
        %mul3A_458 = arith.constant 16 : i32
        %mul3A_459 = arith.muli %add3A_457, %mul3A_458 : i32
        %get3A_460 = arith.index_cast %mul3A_459 : i32 to index
        %get3A_461 = tpu.vector_load %arg6[%get3A_460] {strides = array<i32>} : memref<4096xi32, #tpu.memory_space<vmem>>, vector<16xi32>,
        %gather3A_462 = tpu.vector_load_idx %arg5[%get3A_461] : memref<100000xf32, #tpu.memory_space<vmem>>[vector<16xi32>], vector<16xf32>,
        %swap3A_463 = arith.index_cast %mul3A_459 : i32 to index
        %swap3A_464 = tpu.vector_load %arg9[%swap3A_463] {strides = array<i32>} : memref<4096xf32, #tpu.memory_space<vmem>>, vector<16xf32>,
        tpu.vector_store %arg9[%swap3A_463], %gather3A_462 {strides = array<i32>} : memref<4096xf32, #tpu.memory_space<vmem>>, vector<16xf32>,
        %mul3A_465 = arith.constant 16 : i32
        %mul3A_466 = arith.muli %scan3A_346, %mul3A_465 : i32
        %add3A_467 = arith.constant 11 : i32
        %add3A_468 = arith.addi %mul3A_466, %add3A_467 : i32
        %mul3A_469 = arith.constant 16 : i32
        %mul3A_470 = arith.muli %add3A_468, %mul3A_469 : i32
        %get3A_471 = arith.index_cast %mul3A_470 : i32 to index
        %get3A_472 = tpu.vector_load %arg6[%get3A_471] {strides = array<i32>} : memref<4096xi32, #tpu.memory_space<vmem>>, vector<16xi32>,
        %gather3A_473 = tpu.vector_load_idx %arg5[%get3A_472] : memref<100000xf32, #tpu.memory_space<vmem>>[vector<16xi32>], vector<16xf32>,
        %swap3A_474 = arith.index_cast %mul3A_470 : i32 to index
        %swap3A_475 = tpu.vector_load %arg9[%swap3A_474] {strides = array<i32>} : memref<4096xf32, #tpu.memory_space<vmem>>, vector<16xf32>,
        tpu.vector_store %arg9[%swap3A_474], %gather3A_473 {strides = array<i32>} : memref<4096xf32, #tpu.memory_space<vmem>>, vector<16xf32>,
        %mul3A_476 = arith.constant 16 : i32
        %mul3A_477 = arith.muli %scan3A_346, %mul3A_476 : i32
        %add3A_478 = arith.constant 12 : i32
        %add3A_479 = arith.addi %mul3A_477, %add3A_478 : i32
        %mul3A_480 = arith.constant 16 : i32
        %mul3A_481 = arith.muli %add3A_479, %mul3A_480 : i32
        %get3A_482 = arith.index_cast %mul3A_481 : i32 to index
        %get3A_483 = tpu.vector_load %arg6[%get3A_482] {strides = array<i32>} : memref<4096xi32, #tpu.memory_space<vmem>>, vector<16xi32>,
        %gather3A_484 = tpu.vector_load_idx %arg5[%get3A_483] : memref<100000xf32, #tpu.memory_space<vmem>>[vector<16xi32>], vector<16xf32>,
        %swap3A_485 = arith.index_cast %mul3A_481 : i32 to index
        %swap3A_486 = tpu.vector_load %arg9[%swap3A_485] {strides = array<i32>} : memref<4096xf32, #tpu.memory_space<vmem>>, vector<16xf32>,
        tpu.vector_store %arg9[%swap3A_485], %gather3A_484 {strides = array<i32>} : memref<4096xf32, #tpu.memory_space<vmem>>, vector<16xf32>,
        %mul3A_487 = arith.constant 16 : i32
        %mul3A_488 = arith.muli %scan3A_346, %mul3A_487 : i32
        %add3A_489 = arith.constant 13 : i32
        %add3A_490 = arith.addi %mul3A_488, %add3A_489 : i32
        %mul3A_491 = arith.constant 16 : i32
        %mul3A_492 = arith.muli %add3A_490, %mul3A_491 : i32
        %get3A_493 = arith.index_cast %mul3A_492 : i32 to index
        %get3A_494 = tpu.vector_load %arg6[%get3A_493] {strides = array<i32>} : memref<4096xi32, #tpu.memory_space<vmem>>, vector<16xi32>,
        %gather3A_495 = tpu.vector_load_idx %arg5[%get3A_494] : memref<100000xf32, #tpu.memory_space<vmem>>[vector<16xi32>], vector<16xf32>,
        %swap3A_496 = arith.index_cast %mul3A_492 : i32 to index
        %swap3A_497 = tpu.vector_load %arg9[%swap3A_496] {strides = array<i32>} : memref<4096xf32, #tpu.memory_space<vmem>>, vector<16xf32>,
        tpu.vector_store %arg9[%swap3A_496], %gather3A_495 {strides = array<i32>} : memref<4096xf32, #tpu.memory_space<vmem>>, vector<16xf32>,
        %mul3A_498 = arith.constant 16 : i32
        %mul3A_499 = arith.muli %scan3A_346, %mul3A_498 : i32
        %add3A_500 = arith.constant 14 : i32
        %add3A_501 = arith.addi %mul3A_499, %add3A_500 : i32
        %mul3A_502 = arith.constant 16 : i32
        %mul3A_503 = arith.muli %add3A_501, %mul3A_502 : i32
        %get3A_504 = arith.index_cast %mul3A_503 : i32 to index
        %get3A_505 = tpu.vector_load %arg6[%get3A_504] {strides = array<i32>} : memref<4096xi32, #tpu.memory_space<vmem>>, vector<16xi32>,
        %gather3A_506 = tpu.vector_load_idx %arg5[%get3A_505] : memref<100000xf32, #tpu.memory_space<vmem>>[vector<16xi32>], vector<16xf32>,
        %swap3A_507 = arith.index_cast %mul3A_503 : i32 to index
        %swap3A_508 = tpu.vector_load %arg9[%swap3A_507] {strides = array<i32>} : memref<4096xf32, #tpu.memory_space<vmem>>, vector<16xf32>,
        tpu.vector_store %arg9[%swap3A_507], %gather3A_506 {strides = array<i32>} : memref<4096xf32, #tpu.memory_space<vmem>>, vector<16xf32>,
        %mul3A_509 = arith.constant 16 : i32
        %mul3A_510 = arith.muli %scan3A_346, %mul3A_509 : i32
        %add3A_511 = arith.constant 15 : i32
        %add3A_512 = arith.addi %mul3A_510, %add3A_511 : i32
        %mul3A_513 = arith.constant 16 : i32
        %mul3A_514 = arith.muli %add3A_512, %mul3A_513 : i32
        %get3A_515 = arith.index_cast %mul3A_514 : i32 to index
        %get3A_516 = tpu.vector_load %arg6[%get3A_515] {strides = array<i32>} : memref<4096xi32, #tpu.memory_space<vmem>>, vector<16xi32>,
        %gather3A_517 = tpu.vector_load_idx %arg5[%get3A_516] : memref<100000xf32, #tpu.memory_space<vmem>>[vector<16xi32>], vector<16xf32>,
        %swap3A_518 = arith.index_cast %mul3A_514 : i32 to index
        %swap3A_519 = tpu.vector_load %arg9[%swap3A_518] {strides = array<i32>} : memref<4096xf32, #tpu.memory_space<vmem>>, vector<16xf32>,
        tpu.vector_store %arg9[%swap3A_518], %gather3A_517 {strides = array<i32>} : memref<4096xf32, #tpu.memory_space<vmem>>, vector<16xf32>,
      }
      %scan3A_262 = arith.constant 16 : i32
      %add3A_263 = arith.constant 3 : i32
      %add3A_264 = arith.addi %add3A_244, %add3A_263 : i32
      %lt3A_265 = arith.constant 50 : i32
      %lt3A_266 = arith.cmpi slt, %add3A_264, %lt3A_265 : i32
      %convert_element_type3A_267 = arith.extui %lt3A_266 : i1 to i32
      %cond3A_268 = arith.constant 0 : i32
      %cond3A_269 = arith.cmpi ne, %convert_element_type3A_267, %cond3A_268 : i32
      scf.if %cond3A_269 {
        %dma_start3A_346 = arith.constant 0 : i32
        %dma_start3A_347 = tpu.memref_slice %arg2[%add3A_264, %dma_start3A_346] : memref<50x4096xi32, #tpu.memory_space<hbm>> -> memref<1x4096xi32, #tpu.memory_space<hbm>>
        %dma_start3A_348 = tpu.memref_squeeze %dma_start3A_347 : memref<1x4096xi32, #tpu.memory_space<hbm>> -> memref<4096xi32, #tpu.memory_space<hbm>>
        %dma_start3A_349 = arith.constant 0 : i32
        %dma_start3A_350 = tpu.memref_slice %arg2[%add3A_264, %dma_start3A_349] : memref<50x4096xi32, #tpu.memory_space<hbm>> -> memref<1x4096xi32, #tpu.memory_space<hbm>>
        %dma_start3A_351 = tpu.memref_squeeze %dma_start3A_350 : memref<1x4096xi32, #tpu.memory_space<hbm>> -> memref<4096xi32, #tpu.memory_space<hbm>>
        tpu.enqueue_dma source(%dma_start3A_351 : memref<4096xi32, #tpu.memory_space<hbm>>) target(%arg6 : memref<4096xi32, #tpu.memory_space<vmem>>) target_semaphore(%arg12 : memref<!tpu.dma_semaphore, #tpu.memory_space<semaphore_mem>>)
      } else {
      }
      %dma_start3A_270 = arith.constant 0 : i32
      %dma_start3A_271 = tpu.memref_slice %arg4[%add3A_244, %add3A_4, %dma_start3A_270] : memref<50x64x4096xf32, #tpu.memory_space<hbm>> -> memref<1x1x4096xf32, #tpu.memory_space<hbm>>
      %dma_start3A_272 = tpu.memref_squeeze %dma_start3A_271 : memref<1x1x4096xf32, #tpu.memory_space<hbm>> -> memref<4096xf32, #tpu.memory_space<hbm>>
      %dma_start3A_273 = arith.constant 0 : i32
      %dma_start3A_274 = tpu.memref_slice %arg4[%add3A_244, %add3A_4, %dma_start3A_273] : memref<50x64x4096xf32, #tpu.memory_space<hbm>> -> memref<1x1x4096xf32, #tpu.memory_space<hbm>>
      %dma_start3A_275 = tpu.memref_squeeze %dma_start3A_274 : memref<1x1x4096xf32, #tpu.memory_space<hbm>> -> memref<4096xf32, #tpu.memory_space<hbm>>
      tpu.enqueue_dma source(%arg9 : memref<4096xf32, #tpu.memory_space<vmem>>) target(%dma_start3A_275 : memref<4096xf32, #tpu.memory_space<hbm>>) target_semaphore(%arg15 : memref<!tpu.dma_semaphore, #tpu.memory_space<semaphore_mem>>)
      %mul3A_276 = arith.constant 3 : i32
      %mul3A_277 = arith.muli %scan3A_240, %mul3A_276 : i32
      %add3A_278 = arith.constant 1 : i32
      %add3A_279 = arith.addi %mul3A_277, %add3A_278 : i32
      %dma_wait3A_280 = arith.constant 0 : i32
      %dma_wait3A_281 = arith.constant 0 : i32
      %dma_wait3A_282 = tpu.memref_slice %arg2[%dma_wait3A_280, %dma_wait3A_281] : memref<50x4096xi32, #tpu.memory_space<hbm>> -> memref<1x4096xi32, #tpu.memory_space<hbm>>
      %dma_wait3A_283 = tpu.memref_squeeze %dma_wait3A_282 : memref<1x4096xi32, #tpu.memory_space<hbm>> -> memref<4096xi32, #tpu.memory_space<hbm>>
      %dma_wait3A_284 = arith.constant 0 : i32
      %dma_wait3A_285 = tpu.memref_slice %arg2[%dma_wait3A_280, %dma_wait3A_284] : memref<50x4096xi32, #tpu.memory_space<hbm>> -> memref<1x4096xi32, #tpu.memory_space<hbm>>
      %dma_wait3A_286 = tpu.memref_squeeze %dma_wait3A_285 : memref<1x4096xi32, #tpu.memory_space<hbm>> -> memref<4096xi32, #tpu.memory_space<hbm>>
      tpu.wait_dma2 semaphore(%arg13 : memref<!tpu.dma_semaphore, #tpu.memory_space<semaphore_mem>>) src(%dma_wait3A_286 : memref<4096xi32, #tpu.memory_space<hbm>>) dst(%arg7 : memref<4096xi32, #tpu.memory_space<vmem>>)
      %ge3A_287 = arith.constant 3 : i32
      %ge3A_288 = arith.cmpi sge, %add3A_279, %ge3A_287 : i32
      %convert_element_type3A_289 = arith.extui %ge3A_288 : i1 to i32
      %cond3A_290 = arith.constant 0 : i32
      %cond3A_291 = arith.cmpi ne, %convert_element_type3A_289, %cond3A_290 : i32
      scf.if %cond3A_291 {
        %dma_wait3A_346 = arith.constant 0 : i32
        %dma_wait3A_347 = arith.constant 0 : i32
        %dma_wait3A_348 = arith.constant 0 : i32
        %dma_wait3A_349 = tpu.memref_slice %arg4[%dma_wait3A_346, %dma_wait3A_347, %dma_wait3A_348] : memref<50x64x4096xf32, #tpu.memory_space<hbm>> -> memref<1x1x4096xf32, #tpu.memory_space<hbm>>
        %dma_wait3A_350 = tpu.memref_squeeze %dma_wait3A_349 : memref<1x1x4096xf32, #tpu.memory_space<hbm>> -> memref<4096xf32, #tpu.memory_space<hbm>>
        %dma_wait3A_351 = arith.constant 0 : i32
        %dma_wait3A_352 = tpu.memref_slice %arg4[%dma_wait3A_346, %dma_wait3A_347, %dma_wait3A_351] : memref<50x64x4096xf32, #tpu.memory_space<hbm>> -> memref<1x1x4096xf32, #tpu.memory_space<hbm>>
        %dma_wait3A_353 = tpu.memref_squeeze %dma_wait3A_352 : memref<1x1x4096xf32, #tpu.memory_space<hbm>> -> memref<4096xf32, #tpu.memory_space<hbm>>
        tpu.wait_dma2 semaphore(%arg16 : memref<!tpu.dma_semaphore, #tpu.memory_space<semaphore_mem>>) src(%arg10 : memref<4096xf32, #tpu.memory_space<vmem>>) dst(%dma_wait3A_353 : memref<4096xf32, #tpu.memory_space<hbm>>)
      } else {
      }
      %scan3A_292 = arith.constant 0 : i32
      %scan3A_293 = arith.constant 0 : i32
      %scan3A_294 = arith.constant 16 : i32
      %scan3A_295 = arith.addi %scan3A_293, %scan3A_294 : i32
      %scan3A_296 = arith.constant 1 : i32
      scf.for %scan3A_346 = %scan3A_293 to %scan3A_295 step %scan3A_296  : i32 {
        %mul3A_347 = arith.constant 16 : i32
        %mul3A_348 = arith.muli %scan3A_346, %mul3A_347 : i32
        %add3A_349 = arith.constant 0 : i32
        %add3A_350 = arith.addi %mul3A_348, %add3A_349 : i32
        %mul3A_351 = arith.constant 16 : i32
        %mul3A_352 = arith.muli %add3A_350, %mul3A_351 : i32
        %get3A = arith.index_cast %mul3A_352 : i32 to index
        %get3A_353 = tpu.vector_load %arg7[%get3A] {strides = array<i32>} : memref<4096xi32, #tpu.memory_space<vmem>>, vector<16xi32>,
        %gather3A = tpu.vector_load_idx %arg5[%get3A_353] : memref<100000xf32, #tpu.memory_space<vmem>>[vector<16xi32>], vector<16xf32>,
        %swap3A = arith.index_cast %mul3A_352 : i32 to index
        %swap3A_354 = tpu.vector_load %arg10[%swap3A] {strides = array<i32>} : memref<4096xf32, #tpu.memory_space<vmem>>, vector<16xf32>,
        tpu.vector_store %arg10[%swap3A], %gather3A {strides = array<i32>} : memref<4096xf32, #tpu.memory_space<vmem>>, vector<16xf32>,
        %mul3A_355 = arith.constant 16 : i32
        %mul3A_356 = arith.muli %scan3A_346, %mul3A_355 : i32
        %add3A_357 = arith.constant 1 : i32
        %add3A_358 = arith.addi %mul3A_356, %add3A_357 : i32
        %mul3A_359 = arith.constant 16 : i32
        %mul3A_360 = arith.muli %add3A_358, %mul3A_359 : i32
        %get3A_361 = arith.index_cast %mul3A_360 : i32 to index
        %get3A_362 = tpu.vector_load %arg7[%get3A_361] {strides = array<i32>} : memref<4096xi32, #tpu.memory_space<vmem>>, vector<16xi32>,
        %gather3A_363 = tpu.vector_load_idx %arg5[%get3A_362] : memref<100000xf32, #tpu.memory_space<vmem>>[vector<16xi32>], vector<16xf32>,
        %swap3A_364 = arith.index_cast %mul3A_360 : i32 to index
        %swap3A_365 = tpu.vector_load %arg10[%swap3A_364] {strides = array<i32>} : memref<4096xf32, #tpu.memory_space<vmem>>, vector<16xf32>,
        tpu.vector_store %arg10[%swap3A_364], %gather3A_363 {strides = array<i32>} : memref<4096xf32, #tpu.memory_space<vmem>>, vector<16xf32>,
        %mul3A_366 = arith.constant 16 : i32
        %mul3A_367 = arith.muli %scan3A_346, %mul3A_366 : i32
        %add3A_368 = arith.constant 2 : i32
        %add3A_369 = arith.addi %mul3A_367, %add3A_368 : i32
        %mul3A_370 = arith.constant 16 : i32
        %mul3A_371 = arith.muli %add3A_369, %mul3A_370 : i32
        %get3A_372 = arith.index_cast %mul3A_371 : i32 to index
        %get3A_373 = tpu.vector_load %arg7[%get3A_372] {strides = array<i32>} : memref<4096xi32, #tpu.memory_space<vmem>>, vector<16xi32>,
        %gather3A_374 = tpu.vector_load_idx %arg5[%get3A_373] : memref<100000xf32, #tpu.memory_space<vmem>>[vector<16xi32>], vector<16xf32>,
        %swap3A_375 = arith.index_cast %mul3A_371 : i32 to index
        %swap3A_376 = tpu.vector_load %arg10[%swap3A_375] {strides = array<i32>} : memref<4096xf32, #tpu.memory_space<vmem>>, vector<16xf32>,
        tpu.vector_store %arg10[%swap3A_375], %gather3A_374 {strides = array<i32>} : memref<4096xf32, #tpu.memory_space<vmem>>, vector<16xf32>,
        %mul3A_377 = arith.constant 16 : i32
        %mul3A_378 = arith.muli %scan3A_346, %mul3A_377 : i32
        %add3A_379 = arith.constant 3 : i32
        %add3A_380 = arith.addi %mul3A_378, %add3A_379 : i32
        %mul3A_381 = arith.constant 16 : i32
        %mul3A_382 = arith.muli %add3A_380, %mul3A_381 : i32
        %get3A_383 = arith.index_cast %mul3A_382 : i32 to index
        %get3A_384 = tpu.vector_load %arg7[%get3A_383] {strides = array<i32>} : memref<4096xi32, #tpu.memory_space<vmem>>, vector<16xi32>,
        %gather3A_385 = tpu.vector_load_idx %arg5[%get3A_384] : memref<100000xf32, #tpu.memory_space<vmem>>[vector<16xi32>], vector<16xf32>,
        %swap3A_386 = arith.index_cast %mul3A_382 : i32 to index
        %swap3A_387 = tpu.vector_load %arg10[%swap3A_386] {strides = array<i32>} : memref<4096xf32, #tpu.memory_space<vmem>>, vector<16xf32>,
        tpu.vector_store %arg10[%swap3A_386], %gather3A_385 {strides = array<i32>} : memref<4096xf32, #tpu.memory_space<vmem>>, vector<16xf32>,
        %mul3A_388 = arith.constant 16 : i32
        %mul3A_389 = arith.muli %scan3A_346, %mul3A_388 : i32
        %add3A_390 = arith.constant 4 : i32
        %add3A_391 = arith.addi %mul3A_389, %add3A_390 : i32
        %mul3A_392 = arith.constant 16 : i32
        %mul3A_393 = arith.muli %add3A_391, %mul3A_392 : i32
        %get3A_394 = arith.index_cast %mul3A_393 : i32 to index
        %get3A_395 = tpu.vector_load %arg7[%get3A_394] {strides = array<i32>} : memref<4096xi32, #tpu.memory_space<vmem>>, vector<16xi32>,
        %gather3A_396 = tpu.vector_load_idx %arg5[%get3A_395] : memref<100000xf32, #tpu.memory_space<vmem>>[vector<16xi32>], vector<16xf32>,
        %swap3A_397 = arith.index_cast %mul3A_393 : i32 to index
        %swap3A_398 = tpu.vector_load %arg10[%swap3A_397] {strides = array<i32>} : memref<4096xf32, #tpu.memory_space<vmem>>, vector<16xf32>,
        tpu.vector_store %arg10[%swap3A_397], %gather3A_396 {strides = array<i32>} : memref<4096xf32, #tpu.memory_space<vmem>>, vector<16xf32>,
        %mul3A_399 = arith.constant 16 : i32
        %mul3A_400 = arith.muli %scan3A_346, %mul3A_399 : i32
        %add3A_401 = arith.constant 5 : i32
        %add3A_402 = arith.addi %mul3A_400, %add3A_401 : i32
        %mul3A_403 = arith.constant 16 : i32
        %mul3A_404 = arith.muli %add3A_402, %mul3A_403 : i32
        %get3A_405 = arith.index_cast %mul3A_404 : i32 to index
        %get3A_406 = tpu.vector_load %arg7[%get3A_405] {strides = array<i32>} : memref<4096xi32, #tpu.memory_space<vmem>>, vector<16xi32>,
        %gather3A_407 = tpu.vector_load_idx %arg5[%get3A_406] : memref<100000xf32, #tpu.memory_space<vmem>>[vector<16xi32>], vector<16xf32>,
        %swap3A_408 = arith.index_cast %mul3A_404 : i32 to index
        %swap3A_409 = tpu.vector_load %arg10[%swap3A_408] {strides = array<i32>} : memref<4096xf32, #tpu.memory_space<vmem>>, vector<16xf32>,
        tpu.vector_store %arg10[%swap3A_408], %gather3A_407 {strides = array<i32>} : memref<4096xf32, #tpu.memory_space<vmem>>, vector<16xf32>,
        %mul3A_410 = arith.constant 16 : i32
        %mul3A_411 = arith.muli %scan3A_346, %mul3A_410 : i32
        %add3A_412 = arith.constant 6 : i32
        %add3A_413 = arith.addi %mul3A_411, %add3A_412 : i32
        %mul3A_414 = arith.constant 16 : i32
        %mul3A_415 = arith.muli %add3A_413, %mul3A_414 : i32
        %get3A_416 = arith.index_cast %mul3A_415 : i32 to index
        %get3A_417 = tpu.vector_load %arg7[%get3A_416] {strides = array<i32>} : memref<4096xi32, #tpu.memory_space<vmem>>, vector<16xi32>,
        %gather3A_418 = tpu.vector_load_idx %arg5[%get3A_417] : memref<100000xf32, #tpu.memory_space<vmem>>[vector<16xi32>], vector<16xf32>,
        %swap3A_419 = arith.index_cast %mul3A_415 : i32 to index
        %swap3A_420 = tpu.vector_load %arg10[%swap3A_419] {strides = array<i32>} : memref<4096xf32, #tpu.memory_space<vmem>>, vector<16xf32>,
        tpu.vector_store %arg10[%swap3A_419], %gather3A_418 {strides = array<i32>} : memref<4096xf32, #tpu.memory_space<vmem>>, vector<16xf32>,
        %mul3A_421 = arith.constant 16 : i32
        %mul3A_422 = arith.muli %scan3A_346, %mul3A_421 : i32
        %add3A_423 = arith.constant 7 : i32
        %add3A_424 = arith.addi %mul3A_422, %add3A_423 : i32
        %mul3A_425 = arith.constant 16 : i32
        %mul3A_426 = arith.muli %add3A_424, %mul3A_425 : i32
        %get3A_427 = arith.index_cast %mul3A_426 : i32 to index
        %get3A_428 = tpu.vector_load %arg7[%get3A_427] {strides = array<i32>} : memref<4096xi32, #tpu.memory_space<vmem>>, vector<16xi32>,
        %gather3A_429 = tpu.vector_load_idx %arg5[%get3A_428] : memref<100000xf32, #tpu.memory_space<vmem>>[vector<16xi32>], vector<16xf32>,
        %swap3A_430 = arith.index_cast %mul3A_426 : i32 to index
        %swap3A_431 = tpu.vector_load %arg10[%swap3A_430] {strides = array<i32>} : memref<4096xf32, #tpu.memory_space<vmem>>, vector<16xf32>,
        tpu.vector_store %arg10[%swap3A_430], %gather3A_429 {strides = array<i32>} : memref<4096xf32, #tpu.memory_space<vmem>>, vector<16xf32>,
        %mul3A_432 = arith.constant 16 : i32
        %mul3A_433 = arith.muli %scan3A_346, %mul3A_432 : i32
        %add3A_434 = arith.constant 8 : i32
        %add3A_435 = arith.addi %mul3A_433, %add3A_434 : i32
        %mul3A_436 = arith.constant 16 : i32
        %mul3A_437 = arith.muli %add3A_435, %mul3A_436 : i32
        %get3A_438 = arith.index_cast %mul3A_437 : i32 to index
        %get3A_439 = tpu.vector_load %arg7[%get3A_438] {strides = array<i32>} : memref<4096xi32, #tpu.memory_space<vmem>>, vector<16xi32>,
        %gather3A_440 = tpu.vector_load_idx %arg5[%get3A_439] : memref<100000xf32, #tpu.memory_space<vmem>>[vector<16xi32>], vector<16xf32>,
        %swap3A_441 = arith.index_cast %mul3A_437 : i32 to index
        %swap3A_442 = tpu.vector_load %arg10[%swap3A_441] {strides = array<i32>} : memref<4096xf32, #tpu.memory_space<vmem>>, vector<16xf32>,
        tpu.vector_store %arg10[%swap3A_441], %gather3A_440 {strides = array<i32>} : memref<4096xf32, #tpu.memory_space<vmem>>, vector<16xf32>,
        %mul3A_443 = arith.constant 16 : i32
        %mul3A_444 = arith.muli %scan3A_346, %mul3A_443 : i32
        %add3A_445 = arith.constant 9 : i32
        %add3A_446 = arith.addi %mul3A_444, %add3A_445 : i32
        %mul3A_447 = arith.constant 16 : i32
        %mul3A_448 = arith.muli %add3A_446, %mul3A_447 : i32
        %get3A_449 = arith.index_cast %mul3A_448 : i32 to index
        %get3A_450 = tpu.vector_load %arg7[%get3A_449] {strides = array<i32>} : memref<4096xi32, #tpu.memory_space<vmem>>, vector<16xi32>,
        %gather3A_451 = tpu.vector_load_idx %arg5[%get3A_450] : memref<100000xf32, #tpu.memory_space<vmem>>[vector<16xi32>], vector<16xf32>,
        %swap3A_452 = arith.index_cast %mul3A_448 : i32 to index
        %swap3A_453 = tpu.vector_load %arg10[%swap3A_452] {strides = array<i32>} : memref<4096xf32, #tpu.memory_space<vmem>>, vector<16xf32>,
        tpu.vector_store %arg10[%swap3A_452], %gather3A_451 {strides = array<i32>} : memref<4096xf32, #tpu.memory_space<vmem>>, vector<16xf32>,
        %mul3A_454 = arith.constant 16 : i32
        %mul3A_455 = arith.muli %scan3A_346, %mul3A_454 : i32
        %add3A_456 = arith.constant 10 : i32
        %add3A_457 = arith.addi %mul3A_455, %add3A_456 : i32
        %mul3A_458 = arith.constant 16 : i32
        %mul3A_459 = arith.muli %add3A_457, %mul3A_458 : i32
        %get3A_460 = arith.index_cast %mul3A_459 : i32 to index
        %get3A_461 = tpu.vector_load %arg7[%get3A_460] {strides = array<i32>} : memref<4096xi32, #tpu.memory_space<vmem>>, vector<16xi32>,
        %gather3A_462 = tpu.vector_load_idx %arg5[%get3A_461] : memref<100000xf32, #tpu.memory_space<vmem>>[vector<16xi32>], vector<16xf32>,
        %swap3A_463 = arith.index_cast %mul3A_459 : i32 to index
        %swap3A_464 = tpu.vector_load %arg10[%swap3A_463] {strides = array<i32>} : memref<4096xf32, #tpu.memory_space<vmem>>, vector<16xf32>,
        tpu.vector_store %arg10[%swap3A_463], %gather3A_462 {strides = array<i32>} : memref<4096xf32, #tpu.memory_space<vmem>>, vector<16xf32>,
        %mul3A_465 = arith.constant 16 : i32
        %mul3A_466 = arith.muli %scan3A_346, %mul3A_465 : i32
        %add3A_467 = arith.constant 11 : i32
        %add3A_468 = arith.addi %mul3A_466, %add3A_467 : i32
        %mul3A_469 = arith.constant 16 : i32
        %mul3A_470 = arith.muli %add3A_468, %mul3A_469 : i32
        %get3A_471 = arith.index_cast %mul3A_470 : i32 to index
        %get3A_472 = tpu.vector_load %arg7[%get3A_471] {strides = array<i32>} : memref<4096xi32, #tpu.memory_space<vmem>>, vector<16xi32>,
        %gather3A_473 = tpu.vector_load_idx %arg5[%get3A_472] : memref<100000xf32, #tpu.memory_space<vmem>>[vector<16xi32>], vector<16xf32>,
        %swap3A_474 = arith.index_cast %mul3A_470 : i32 to index
        %swap3A_475 = tpu.vector_load %arg10[%swap3A_474] {strides = array<i32>} : memref<4096xf32, #tpu.memory_space<vmem>>, vector<16xf32>,
        tpu.vector_store %arg10[%swap3A_474], %gather3A_473 {strides = array<i32>} : memref<4096xf32, #tpu.memory_space<vmem>>, vector<16xf32>,
        %mul3A_476 = arith.constant 16 : i32
        %mul3A_477 = arith.muli %scan3A_346, %mul3A_476 : i32
        %add3A_478 = arith.constant 12 : i32
        %add3A_479 = arith.addi %mul3A_477, %add3A_478 : i32
        %mul3A_480 = arith.constant 16 : i32
        %mul3A_481 = arith.muli %add3A_479, %mul3A_480 : i32
        %get3A_482 = arith.index_cast %mul3A_481 : i32 to index
        %get3A_483 = tpu.vector_load %arg7[%get3A_482] {strides = array<i32>} : memref<4096xi32, #tpu.memory_space<vmem>>, vector<16xi32>,
        %gather3A_484 = tpu.vector_load_idx %arg5[%get3A_483] : memref<100000xf32, #tpu.memory_space<vmem>>[vector<16xi32>], vector<16xf32>,
        %swap3A_485 = arith.index_cast %mul3A_481 : i32 to index
        %swap3A_486 = tpu.vector_load %arg10[%swap3A_485] {strides = array<i32>} : memref<4096xf32, #tpu.memory_space<vmem>>, vector<16xf32>,
        tpu.vector_store %arg10[%swap3A_485], %gather3A_484 {strides = array<i32>} : memref<4096xf32, #tpu.memory_space<vmem>>, vector<16xf32>,
        %mul3A_487 = arith.constant 16 : i32
        %mul3A_488 = arith.muli %scan3A_346, %mul3A_487 : i32
        %add3A_489 = arith.constant 13 : i32
        %add3A_490 = arith.addi %mul3A_488, %add3A_489 : i32
        %mul3A_491 = arith.constant 16 : i32
        %mul3A_492 = arith.muli %add3A_490, %mul3A_491 : i32
        %get3A_493 = arith.index_cast %mul3A_492 : i32 to index
        %get3A_494 = tpu.vector_load %arg7[%get3A_493] {strides = array<i32>} : memref<4096xi32, #tpu.memory_space<vmem>>, vector<16xi32>,
        %gather3A_495 = tpu.vector_load_idx %arg5[%get3A_494] : memref<100000xf32, #tpu.memory_space<vmem>>[vector<16xi32>], vector<16xf32>,
        %swap3A_496 = arith.index_cast %mul3A_492 : i32 to index
        %swap3A_497 = tpu.vector_load %arg10[%swap3A_496] {strides = array<i32>} : memref<4096xf32, #tpu.memory_space<vmem>>, vector<16xf32>,
        tpu.vector_store %arg10[%swap3A_496], %gather3A_495 {strides = array<i32>} : memref<4096xf32, #tpu.memory_space<vmem>>, vector<16xf32>,
        %mul3A_498 = arith.constant 16 : i32
        %mul3A_499 = arith.muli %scan3A_346, %mul3A_498 : i32
        %add3A_500 = arith.constant 14 : i32
        %add3A_501 = arith.addi %mul3A_499, %add3A_500 : i32
        %mul3A_502 = arith.constant 16 : i32
        %mul3A_503 = arith.muli %add3A_501, %mul3A_502 : i32
        %get3A_504 = arith.index_cast %mul3A_503 : i32 to index
        %get3A_505 = tpu.vector_load %arg7[%get3A_504] {strides = array<i32>} : memref<4096xi32, #tpu.memory_space<vmem>>, vector<16xi32>,
        %gather3A_506 = tpu.vector_load_idx %arg5[%get3A_505] : memref<100000xf32, #tpu.memory_space<vmem>>[vector<16xi32>], vector<16xf32>,
        %swap3A_507 = arith.index_cast %mul3A_503 : i32 to index
        %swap3A_508 = tpu.vector_load %arg10[%swap3A_507] {strides = array<i32>} : memref<4096xf32, #tpu.memory_space<vmem>>, vector<16xf32>,
        tpu.vector_store %arg10[%swap3A_507], %gather3A_506 {strides = array<i32>} : memref<4096xf32, #tpu.memory_space<vmem>>, vector<16xf32>,
        %mul3A_509 = arith.constant 16 : i32
        %mul3A_510 = arith.muli %scan3A_346, %mul3A_509 : i32
        %add3A_511 = arith.constant 15 : i32
        %add3A_512 = arith.addi %mul3A_510, %add3A_511 : i32
        %mul3A_513 = arith.constant 16 : i32
        %mul3A_514 = arith.muli %add3A_512, %mul3A_513 : i32
        %get3A_515 = arith.index_cast %mul3A_514 : i32 to index
        %get3A_516 = tpu.vector_load %arg7[%get3A_515] {strides = array<i32>} : memref<4096xi32, #tpu.memory_space<vmem>>, vector<16xi32>,
        %gather3A_517 = tpu.vector_load_idx %arg5[%get3A_516] : memref<100000xf32, #tpu.memory_space<vmem>>[vector<16xi32>], vector<16xf32>,
        %swap3A_518 = arith.index_cast %mul3A_514 : i32 to index
        %swap3A_519 = tpu.vector_load %arg10[%swap3A_518] {strides = array<i32>} : memref<4096xf32, #tpu.memory_space<vmem>>, vector<16xf32>,
        tpu.vector_store %arg10[%swap3A_518], %gather3A_517 {strides = array<i32>} : memref<4096xf32, #tpu.memory_space<vmem>>, vector<16xf32>,
      }
      %scan3A_297 = arith.constant 16 : i32
      %add3A_298 = arith.constant 3 : i32
      %add3A_299 = arith.addi %add3A_279, %add3A_298 : i32
      %lt3A_300 = arith.constant 50 : i32
      %lt3A_301 = arith.cmpi slt, %add3A_299, %lt3A_300 : i32
      %convert_element_type3A_302 = arith.extui %lt3A_301 : i1 to i32
      %cond3A_303 = arith.constant 0 : i32
      %cond3A_304 = arith.cmpi ne, %convert_element_type3A_302, %cond3A_303 : i32
      scf.if %cond3A_304 {
        %dma_start3A_346 = arith.constant 0 : i32
        %dma_start3A_347 = tpu.memref_slice %arg2[%add3A_299, %dma_start3A_346] : memref<50x4096xi32, #tpu.memory_space<hbm>> -> memref<1x4096xi32, #tpu.memory_space<hbm>>
        %dma_start3A_348 = tpu.memref_squeeze %dma_start3A_347 : memref<1x4096xi32, #tpu.memory_space<hbm>> -> memref<4096xi32, #tpu.memory_space<hbm>>
        %dma_start3A_349 = arith.constant 0 : i32
        %dma_start3A_350 = tpu.memref_slice %arg2[%add3A_299, %dma_start3A_349] : memref<50x4096xi32, #tpu.memory_space<hbm>> -> memref<1x4096xi32, #tpu.memory_space<hbm>>
        %dma_start3A_351 = tpu.memref_squeeze %dma_start3A_350 : memref<1x4096xi32, #tpu.memory_space<hbm>> -> memref<4096xi32, #tpu.memory_space<hbm>>
        tpu.enqueue_dma source(%dma_start3A_351 : memref<4096xi32, #tpu.memory_space<hbm>>) target(%arg7 : memref<4096xi32, #tpu.memory_space<vmem>>) target_semaphore(%arg13 : memref<!tpu.dma_semaphore, #tpu.memory_space<semaphore_mem>>)
      } else {
      }
      %dma_start3A_305 = arith.constant 0 : i32
      %dma_start3A_306 = tpu.memref_slice %arg4[%add3A_279, %add3A_4, %dma_start3A_305] : memref<50x64x4096xf32, #tpu.memory_space<hbm>> -> memref<1x1x4096xf32, #tpu.memory_space<hbm>>
      %dma_start3A_307 = tpu.memref_squeeze %dma_start3A_306 : memref<1x1x4096xf32, #tpu.memory_space<hbm>> -> memref<4096xf32, #tpu.memory_space<hbm>>
      %dma_start3A_308 = arith.constant 0 : i32
      %dma_start3A_309 = tpu.memref_slice %arg4[%add3A_279, %add3A_4, %dma_start3A_308] : memref<50x64x4096xf32, #tpu.memory_space<hbm>> -> memref<1x1x4096xf32, #tpu.memory_space<hbm>>
      %dma_start3A_310 = tpu.memref_squeeze %dma_start3A_309 : memref<1x1x4096xf32, #tpu.memory_space<hbm>> -> memref<4096xf32, #tpu.memory_space<hbm>>
      tpu.enqueue_dma source(%arg10 : memref<4096xf32, #tpu.memory_space<vmem>>) target(%dma_start3A_310 : memref<4096xf32, #tpu.memory_space<hbm>>) target_semaphore(%arg16 : memref<!tpu.dma_semaphore, #tpu.memory_space<semaphore_mem>>)
      %mul3A_311 = arith.constant 3 : i32
      %mul3A_312 = arith.muli %scan3A_240, %mul3A_311 : i32
      %add3A_313 = arith.constant 2 : i32
      %add3A_314 = arith.addi %mul3A_312, %add3A_313 : i32
      %dma_wait3A_315 = arith.constant 0 : i32
      %dma_wait3A_316 = arith.constant 0 : i32
      %dma_wait3A_317 = tpu.memref_slice %arg2[%dma_wait3A_315, %dma_wait3A_316] : memref<50x4096xi32, #tpu.memory_space<hbm>> -> memref<1x4096xi32, #tpu.memory_space<hbm>>
      %dma_wait3A_318 = tpu.memref_squeeze %dma_wait3A_317 : memref<1x4096xi32, #tpu.memory_space<hbm>> -> memref<4096xi32, #tpu.memory_space<hbm>>
      %dma_wait3A_319 = arith.constant 0 : i32
      %dma_wait3A_320 = tpu.memref_slice %arg2[%dma_wait3A_315, %dma_wait3A_319] : memref<50x4096xi32, #tpu.memory_space<hbm>> -> memref<1x4096xi32, #tpu.memory_space<hbm>>
      %dma_wait3A_321 = tpu.memref_squeeze %dma_wait3A_320 : memref<1x4096xi32, #tpu.memory_space<hbm>> -> memref<4096xi32, #tpu.memory_space<hbm>>
      tpu.wait_dma2 semaphore(%arg14 : memref<!tpu.dma_semaphore, #tpu.memory_space<semaphore_mem>>) src(%dma_wait3A_321 : memref<4096xi32, #tpu.memory_space<hbm>>) dst(%arg8 : memref<4096xi32, #tpu.memory_space<vmem>>)
      %ge3A_322 = arith.constant 3 : i32
      %ge3A_323 = arith.cmpi sge, %add3A_314, %ge3A_322 : i32
      %convert_element_type3A_324 = arith.extui %ge3A_323 : i1 to i32
      %cond3A_325 = arith.constant 0 : i32
      %cond3A_326 = arith.cmpi ne, %convert_element_type3A_324, %cond3A_325 : i32
      scf.if %cond3A_326 {
        %dma_wait3A_346 = arith.constant 0 : i32
        %dma_wait3A_347 = arith.constant 0 : i32
        %dma_wait3A_348 = arith.constant 0 : i32
        %dma_wait3A_349 = tpu.memref_slice %arg4[%dma_wait3A_346, %dma_wait3A_347, %dma_wait3A_348] : memref<50x64x4096xf32, #tpu.memory_space<hbm>> -> memref<1x1x4096xf32, #tpu.memory_space<hbm>>
        %dma_wait3A_350 = tpu.memref_squeeze %dma_wait3A_349 : memref<1x1x4096xf32, #tpu.memory_space<hbm>> -> memref<4096xf32, #tpu.memory_space<hbm>>
        %dma_wait3A_351 = arith.constant 0 : i32
        %dma_wait3A_352 = tpu.memref_slice %arg4[%dma_wait3A_346, %dma_wait3A_347, %dma_wait3A_351] : memref<50x64x4096xf32, #tpu.memory_space<hbm>> -> memref<1x1x4096xf32, #tpu.memory_space<hbm>>
        %dma_wait3A_353 = tpu.memref_squeeze %dma_wait3A_352 : memref<1x1x4096xf32, #tpu.memory_space<hbm>> -> memref<4096xf32, #tpu.memory_space<hbm>>
        tpu.wait_dma2 semaphore(%arg17 : memref<!tpu.dma_semaphore, #tpu.memory_space<semaphore_mem>>) src(%arg11 : memref<4096xf32, #tpu.memory_space<vmem>>) dst(%dma_wait3A_353 : memref<4096xf32, #tpu.memory_space<hbm>>)
      } else {
      }
      %scan3A_327 = arith.constant 0 : i32
      %scan3A_328 = arith.constant 0 : i32
      %scan3A_329 = arith.constant 16 : i32
      %scan3A_330 = arith.addi %scan3A_328, %scan3A_329 : i32
      %scan3A_331 = arith.constant 1 : i32
      scf.for %scan3A_346 = %scan3A_328 to %scan3A_330 step %scan3A_331  : i32 {
        %mul3A_347 = arith.constant 16 : i32
        %mul3A_348 = arith.muli %scan3A_346, %mul3A_347 : i32
        %add3A_349 = arith.constant 0 : i32
        %add3A_350 = arith.addi %mul3A_348, %add3A_349 : i32
        %mul3A_351 = arith.constant 16 : i32
        %mul3A_352 = arith.muli %add3A_350, %mul3A_351 : i32
        %get3A = arith.index_cast %mul3A_352 : i32 to index
        %get3A_353 = tpu.vector_load %arg8[%get3A] {strides = array<i32>} : memref<4096xi32, #tpu.memory_space<vmem>>, vector<16xi32>,
        %gather3A = tpu.vector_load_idx %arg5[%get3A_353] : memref<100000xf32, #tpu.memory_space<vmem>>[vector<16xi32>], vector<16xf32>,
        %swap3A = arith.index_cast %mul3A_352 : i32 to index
        %swap3A_354 = tpu.vector_load %arg11[%swap3A] {strides = array<i32>} : memref<4096xf32, #tpu.memory_space<vmem>>, vector<16xf32>,
        tpu.vector_store %arg11[%swap3A], %gather3A {strides = array<i32>} : memref<4096xf32, #tpu.memory_space<vmem>>, vector<16xf32>,
        %mul3A_355 = arith.constant 16 : i32
        %mul3A_356 = arith.muli %scan3A_346, %mul3A_355 : i32
        %add3A_357 = arith.constant 1 : i32
        %add3A_358 = arith.addi %mul3A_356, %add3A_357 : i32
        %mul3A_359 = arith.constant 16 : i32
        %mul3A_360 = arith.muli %add3A_358, %mul3A_359 : i32
        %get3A_361 = arith.index_cast %mul3A_360 : i32 to index
        %get3A_362 = tpu.vector_load %arg8[%get3A_361] {strides = array<i32>} : memref<4096xi32, #tpu.memory_space<vmem>>, vector<16xi32>,
        %gather3A_363 = tpu.vector_load_idx %arg5[%get3A_362] : memref<100000xf32, #tpu.memory_space<vmem>>[vector<16xi32>], vector<16xf32>,
        %swap3A_364 = arith.index_cast %mul3A_360 : i32 to index
        %swap3A_365 = tpu.vector_load %arg11[%swap3A_364] {strides = array<i32>} : memref<4096xf32, #tpu.memory_space<vmem>>, vector<16xf32>,
        tpu.vector_store %arg11[%swap3A_364], %gather3A_363 {strides = array<i32>} : memref<4096xf32, #tpu.memory_space<vmem>>, vector<16xf32>,
        %mul3A_366 = arith.constant 16 : i32
        %mul3A_367 = arith.muli %scan3A_346, %mul3A_366 : i32
        %add3A_368 = arith.constant 2 : i32
        %add3A_369 = arith.addi %mul3A_367, %add3A_368 : i32
        %mul3A_370 = arith.constant 16 : i32
        %mul3A_371 = arith.muli %add3A_369, %mul3A_370 : i32
        %get3A_372 = arith.index_cast %mul3A_371 : i32 to index
        %get3A_373 = tpu.vector_load %arg8[%get3A_372] {strides = array<i32>} : memref<4096xi32, #tpu.memory_space<vmem>>, vector<16xi32>,
        %gather3A_374 = tpu.vector_load_idx %arg5[%get3A_373] : memref<100000xf32, #tpu.memory_space<vmem>>[vector<16xi32>], vector<16xf32>,
        %swap3A_375 = arith.index_cast %mul3A_371 : i32 to index
        %swap3A_376 = tpu.vector_load %arg11[%swap3A_375] {strides = array<i32>} : memref<4096xf32, #tpu.memory_space<vmem>>, vector<16xf32>,
        tpu.vector_store %arg11[%swap3A_375], %gather3A_374 {strides = array<i32>} : memref<4096xf32, #tpu.memory_space<vmem>>, vector<16xf32>,
        %mul3A_377 = arith.constant 16 : i32
        %mul3A_378 = arith.muli %scan3A_346, %mul3A_377 : i32
        %add3A_379 = arith.constant 3 : i32
        %add3A_380 = arith.addi %mul3A_378, %add3A_379 : i32
        %mul3A_381 = arith.constant 16 : i32
        %mul3A_382 = arith.muli %add3A_380, %mul3A_381 : i32
        %get3A_383 = arith.index_cast %mul3A_382 : i32 to index
        %get3A_384 = tpu.vector_load %arg8[%get3A_383] {strides = array<i32>} : memref<4096xi32, #tpu.memory_space<vmem>>, vector<16xi32>,
        %gather3A_385 = tpu.vector_load_idx %arg5[%get3A_384] : memref<100000xf32, #tpu.memory_space<vmem>>[vector<16xi32>], vector<16xf32>,
        %swap3A_386 = arith.index_cast %mul3A_382 : i32 to index
        %swap3A_387 = tpu.vector_load %arg11[%swap3A_386] {strides = array<i32>} : memref<4096xf32, #tpu.memory_space<vmem>>, vector<16xf32>,
        tpu.vector_store %arg11[%swap3A_386], %gather3A_385 {strides = array<i32>} : memref<4096xf32, #tpu.memory_space<vmem>>, vector<16xf32>,
        %mul3A_388 = arith.constant 16 : i32
        %mul3A_389 = arith.muli %scan3A_346, %mul3A_388 : i32
        %add3A_390 = arith.constant 4 : i32
        %add3A_391 = arith.addi %mul3A_389, %add3A_390 : i32
        %mul3A_392 = arith.constant 16 : i32
        %mul3A_393 = arith.muli %add3A_391, %mul3A_392 : i32
        %get3A_394 = arith.index_cast %mul3A_393 : i32 to index
        %get3A_395 = tpu.vector_load %arg8[%get3A_394] {strides = array<i32>} : memref<4096xi32, #tpu.memory_space<vmem>>, vector<16xi32>,
        %gather3A_396 = tpu.vector_load_idx %arg5[%get3A_395] : memref<100000xf32, #tpu.memory_space<vmem>>[vector<16xi32>], vector<16xf32>,
        %swap3A_397 = arith.index_cast %mul3A_393 : i32 to index
        %swap3A_398 = tpu.vector_load %arg11[%swap3A_397] {strides = array<i32>} : memref<4096xf32, #tpu.memory_space<vmem>>, vector<16xf32>,
        tpu.vector_store %arg11[%swap3A_397], %gather3A_396 {strides = array<i32>} : memref<4096xf32, #tpu.memory_space<vmem>>, vector<16xf32>,
        %mul3A_399 = arith.constant 16 : i32
        %mul3A_400 = arith.muli %scan3A_346, %mul3A_399 : i32
        %add3A_401 = arith.constant 5 : i32
        %add3A_402 = arith.addi %mul3A_400, %add3A_401 : i32
        %mul3A_403 = arith.constant 16 : i32
        %mul3A_404 = arith.muli %add3A_402, %mul3A_403 : i32
        %get3A_405 = arith.index_cast %mul3A_404 : i32 to index
        %get3A_406 = tpu.vector_load %arg8[%get3A_405] {strides = array<i32>} : memref<4096xi32, #tpu.memory_space<vmem>>, vector<16xi32>,
        %gather3A_407 = tpu.vector_load_idx %arg5[%get3A_406] : memref<100000xf32, #tpu.memory_space<vmem>>[vector<16xi32>], vector<16xf32>,
        %swap3A_408 = arith.index_cast %mul3A_404 : i32 to index
        %swap3A_409 = tpu.vector_load %arg11[%swap3A_408] {strides = array<i32>} : memref<4096xf32, #tpu.memory_space<vmem>>, vector<16xf32>,
        tpu.vector_store %arg11[%swap3A_408], %gather3A_407 {strides = array<i32>} : memref<4096xf32, #tpu.memory_space<vmem>>, vector<16xf32>,
        %mul3A_410 = arith.constant 16 : i32
        %mul3A_411 = arith.muli %scan3A_346, %mul3A_410 : i32
        %add3A_412 = arith.constant 6 : i32
        %add3A_413 = arith.addi %mul3A_411, %add3A_412 : i32
        %mul3A_414 = arith.constant 16 : i32
        %mul3A_415 = arith.muli %add3A_413, %mul3A_414 : i32
        %get3A_416 = arith.index_cast %mul3A_415 : i32 to index
        %get3A_417 = tpu.vector_load %arg8[%get3A_416] {strides = array<i32>} : memref<4096xi32, #tpu.memory_space<vmem>>, vector<16xi32>,
        %gather3A_418 = tpu.vector_load_idx %arg5[%get3A_417] : memref<100000xf32, #tpu.memory_space<vmem>>[vector<16xi32>], vector<16xf32>,
        %swap3A_419 = arith.index_cast %mul3A_415 : i32 to index
        %swap3A_420 = tpu.vector_load %arg11[%swap3A_419] {strides = array<i32>} : memref<4096xf32, #tpu.memory_space<vmem>>, vector<16xf32>,
        tpu.vector_store %arg11[%swap3A_419], %gather3A_418 {strides = array<i32>} : memref<4096xf32, #tpu.memory_space<vmem>>, vector<16xf32>,
        %mul3A_421 = arith.constant 16 : i32
        %mul3A_422 = arith.muli %scan3A_346, %mul3A_421 : i32
        %add3A_423 = arith.constant 7 : i32
        %add3A_424 = arith.addi %mul3A_422, %add3A_423 : i32
        %mul3A_425 = arith.constant 16 : i32
        %mul3A_426 = arith.muli %add3A_424, %mul3A_425 : i32
        %get3A_427 = arith.index_cast %mul3A_426 : i32 to index
        %get3A_428 = tpu.vector_load %arg8[%get3A_427] {strides = array<i32>} : memref<4096xi32, #tpu.memory_space<vmem>>, vector<16xi32>,
        %gather3A_429 = tpu.vector_load_idx %arg5[%get3A_428] : memref<100000xf32, #tpu.memory_space<vmem>>[vector<16xi32>], vector<16xf32>,
        %swap3A_430 = arith.index_cast %mul3A_426 : i32 to index
        %swap3A_431 = tpu.vector_load %arg11[%swap3A_430] {strides = array<i32>} : memref<4096xf32, #tpu.memory_space<vmem>>, vector<16xf32>,
        tpu.vector_store %arg11[%swap3A_430], %gather3A_429 {strides = array<i32>} : memref<4096xf32, #tpu.memory_space<vmem>>, vector<16xf32>,
        %mul3A_432 = arith.constant 16 : i32
        %mul3A_433 = arith.muli %scan3A_346, %mul3A_432 : i32
        %add3A_434 = arith.constant 8 : i32
        %add3A_435 = arith.addi %mul3A_433, %add3A_434 : i32
        %mul3A_436 = arith.constant 16 : i32
        %mul3A_437 = arith.muli %add3A_435, %mul3A_436 : i32
        %get3A_438 = arith.index_cast %mul3A_437 : i32 to index
        %get3A_439 = tpu.vector_load %arg8[%get3A_438] {strides = array<i32>} : memref<4096xi32, #tpu.memory_space<vmem>>, vector<16xi32>,
        %gather3A_440 = tpu.vector_load_idx %arg5[%get3A_439] : memref<100000xf32, #tpu.memory_space<vmem>>[vector<16xi32>], vector<16xf32>,
        %swap3A_441 = arith.index_cast %mul3A_437 : i32 to index
        %swap3A_442 = tpu.vector_load %arg11[%swap3A_441] {strides = array<i32>} : memref<4096xf32, #tpu.memory_space<vmem>>, vector<16xf32>,
        tpu.vector_store %arg11[%swap3A_441], %gather3A_440 {strides = array<i32>} : memref<4096xf32, #tpu.memory_space<vmem>>, vector<16xf32>,
        %mul3A_443 = arith.constant 16 : i32
        %mul3A_444 = arith.muli %scan3A_346, %mul3A_443 : i32
        %add3A_445 = arith.constant 9 : i32
        %add3A_446 = arith.addi %mul3A_444, %add3A_445 : i32
        %mul3A_447 = arith.constant 16 : i32
        %mul3A_448 = arith.muli %add3A_446, %mul3A_447 : i32
        %get3A_449 = arith.index_cast %mul3A_448 : i32 to index
        %get3A_450 = tpu.vector_load %arg8[%get3A_449] {strides = array<i32>} : memref<4096xi32, #tpu.memory_space<vmem>>, vector<16xi32>,
        %gather3A_451 = tpu.vector_load_idx %arg5[%get3A_450] : memref<100000xf32, #tpu.memory_space<vmem>>[vector<16xi32>], vector<16xf32>,
        %swap3A_452 = arith.index_cast %mul3A_448 : i32 to index
        %swap3A_453 = tpu.vector_load %arg11[%swap3A_452] {strides = array<i32>} : memref<4096xf32, #tpu.memory_space<vmem>>, vector<16xf32>,
        tpu.vector_store %arg11[%swap3A_452], %gather3A_451 {strides = array<i32>} : memref<4096xf32, #tpu.memory_space<vmem>>, vector<16xf32>,
        %mul3A_454 = arith.constant 16 : i32
        %mul3A_455 = arith.muli %scan3A_346, %mul3A_454 : i32
        %add3A_456 = arith.constant 10 : i32
        %add3A_457 = arith.addi %mul3A_455, %add3A_456 : i32
        %mul3A_458 = arith.constant 16 : i32
        %mul3A_459 = arith.muli %add3A_457, %mul3A_458 : i32
        %get3A_460 = arith.index_cast %mul3A_459 : i32 to index
        %get3A_461 = tpu.vector_load %arg8[%get3A_460] {strides = array<i32>} : memref<4096xi32, #tpu.memory_space<vmem>>, vector<16xi32>,
        %gather3A_462 = tpu.vector_load_idx %arg5[%get3A_461] : memref<100000xf32, #tpu.memory_space<vmem>>[vector<16xi32>], vector<16xf32>,
        %swap3A_463 = arith.index_cast %mul3A_459 : i32 to index
        %swap3A_464 = tpu.vector_load %arg11[%swap3A_463] {strides = array<i32>} : memref<4096xf32, #tpu.memory_space<vmem>>, vector<16xf32>,
        tpu.vector_store %arg11[%swap3A_463], %gather3A_462 {strides = array<i32>} : memref<4096xf32, #tpu.memory_space<vmem>>, vector<16xf32>,
        %mul3A_465 = arith.constant 16 : i32
        %mul3A_466 = arith.muli %scan3A_346, %mul3A_465 : i32
        %add3A_467 = arith.constant 11 : i32
        %add3A_468 = arith.addi %mul3A_466, %add3A_467 : i32
        %mul3A_469 = arith.constant 16 : i32
        %mul3A_470 = arith.muli %add3A_468, %mul3A_469 : i32
        %get3A_471 = arith.index_cast %mul3A_470 : i32 to index
        %get3A_472 = tpu.vector_load %arg8[%get3A_471] {strides = array<i32>} : memref<4096xi32, #tpu.memory_space<vmem>>, vector<16xi32>,
        %gather3A_473 = tpu.vector_load_idx %arg5[%get3A_472] : memref<100000xf32, #tpu.memory_space<vmem>>[vector<16xi32>], vector<16xf32>,
        %swap3A_474 = arith.index_cast %mul3A_470 : i32 to index
        %swap3A_475 = tpu.vector_load %arg11[%swap3A_474] {strides = array<i32>} : memref<4096xf32, #tpu.memory_space<vmem>>, vector<16xf32>,
        tpu.vector_store %arg11[%swap3A_474], %gather3A_473 {strides = array<i32>} : memref<4096xf32, #tpu.memory_space<vmem>>, vector<16xf32>,
        %mul3A_476 = arith.constant 16 : i32
        %mul3A_477 = arith.muli %scan3A_346, %mul3A_476 : i32
        %add3A_478 = arith.constant 12 : i32
        %add3A_479 = arith.addi %mul3A_477, %add3A_478 : i32
        %mul3A_480 = arith.constant 16 : i32
        %mul3A_481 = arith.muli %add3A_479, %mul3A_480 : i32
        %get3A_482 = arith.index_cast %mul3A_481 : i32 to index
        %get3A_483 = tpu.vector_load %arg8[%get3A_482] {strides = array<i32>} : memref<4096xi32, #tpu.memory_space<vmem>>, vector<16xi32>,
        %gather3A_484 = tpu.vector_load_idx %arg5[%get3A_483] : memref<100000xf32, #tpu.memory_space<vmem>>[vector<16xi32>], vector<16xf32>,
        %swap3A_485 = arith.index_cast %mul3A_481 : i32 to index
        %swap3A_486 = tpu.vector_load %arg11[%swap3A_485] {strides = array<i32>} : memref<4096xf32, #tpu.memory_space<vmem>>, vector<16xf32>,
        tpu.vector_store %arg11[%swap3A_485], %gather3A_484 {strides = array<i32>} : memref<4096xf32, #tpu.memory_space<vmem>>, vector<16xf32>,
        %mul3A_487 = arith.constant 16 : i32
        %mul3A_488 = arith.muli %scan3A_346, %mul3A_487 : i32
        %add3A_489 = arith.constant 13 : i32
        %add3A_490 = arith.addi %mul3A_488, %add3A_489 : i32
        %mul3A_491 = arith.constant 16 : i32
        %mul3A_492 = arith.muli %add3A_490, %mul3A_491 : i32
        %get3A_493 = arith.index_cast %mul3A_492 : i32 to index
        %get3A_494 = tpu.vector_load %arg8[%get3A_493] {strides = array<i32>} : memref<4096xi32, #tpu.memory_space<vmem>>, vector<16xi32>,
        %gather3A_495 = tpu.vector_load_idx %arg5[%get3A_494] : memref<100000xf32, #tpu.memory_space<vmem>>[vector<16xi32>], vector<16xf32>,
        %swap3A_496 = arith.index_cast %mul3A_492 : i32 to index
        %swap3A_497 = tpu.vector_load %arg11[%swap3A_496] {strides = array<i32>} : memref<4096xf32, #tpu.memory_space<vmem>>, vector<16xf32>,
        tpu.vector_store %arg11[%swap3A_496], %gather3A_495 {strides = array<i32>} : memref<4096xf32, #tpu.memory_space<vmem>>, vector<16xf32>,
        %mul3A_498 = arith.constant 16 : i32
        %mul3A_499 = arith.muli %scan3A_346, %mul3A_498 : i32
        %add3A_500 = arith.constant 14 : i32
        %add3A_501 = arith.addi %mul3A_499, %add3A_500 : i32
        %mul3A_502 = arith.constant 16 : i32
        %mul3A_503 = arith.muli %add3A_501, %mul3A_502 : i32
        %get3A_504 = arith.index_cast %mul3A_503 : i32 to index
        %get3A_505 = tpu.vector_load %arg8[%get3A_504] {strides = array<i32>} : memref<4096xi32, #tpu.memory_space<vmem>>, vector<16xi32>,
        %gather3A_506 = tpu.vector_load_idx %arg5[%get3A_505] : memref<100000xf32, #tpu.memory_space<vmem>>[vector<16xi32>], vector<16xf32>,
        %swap3A_507 = arith.index_cast %mul3A_503 : i32 to index
        %swap3A_508 = tpu.vector_load %arg11[%swap3A_507] {strides = array<i32>} : memref<4096xf32, #tpu.memory_space<vmem>>, vector<16xf32>,
        tpu.vector_store %arg11[%swap3A_507], %gather3A_506 {strides = array<i32>} : memref<4096xf32, #tpu.memory_space<vmem>>, vector<16xf32>,
        %mul3A_509 = arith.constant 16 : i32
        %mul3A_510 = arith.muli %scan3A_346, %mul3A_509 : i32
        %add3A_511 = arith.constant 15 : i32
        %add3A_512 = arith.addi %mul3A_510, %add3A_511 : i32
        %mul3A_513 = arith.constant 16 : i32
        %mul3A_514 = arith.muli %add3A_512, %mul3A_513 : i32
        %get3A_515 = arith.index_cast %mul3A_514 : i32 to index
        %get3A_516 = tpu.vector_load %arg8[%get3A_515] {strides = array<i32>} : memref<4096xi32, #tpu.memory_space<vmem>>, vector<16xi32>,
        %gather3A_517 = tpu.vector_load_idx %arg5[%get3A_516] : memref<100000xf32, #tpu.memory_space<vmem>>[vector<16xi32>], vector<16xf32>,
        %swap3A_518 = arith.index_cast %mul3A_514 : i32 to index
        %swap3A_519 = tpu.vector_load %arg11[%swap3A_518] {strides = array<i32>} : memref<4096xf32, #tpu.memory_space<vmem>>, vector<16xf32>,
        tpu.vector_store %arg11[%swap3A_518], %gather3A_517 {strides = array<i32>} : memref<4096xf32, #tpu.memory_space<vmem>>, vector<16xf32>,
      }
      %scan3A_332 = arith.constant 16 : i32
      %add3A_333 = arith.constant 3 : i32
      %add3A_334 = arith.addi %add3A_314, %add3A_333 : i32
      %lt3A_335 = arith.constant 50 : i32
      %lt3A_336 = arith.cmpi slt, %add3A_334, %lt3A_335 : i32
      %convert_element_type3A_337 = arith.extui %lt3A_336 : i1 to i32
      %cond3A_338 = arith.constant 0 : i32
      %cond3A_339 = arith.cmpi ne, %convert_element_type3A_337, %cond3A_338 : i32
      scf.if %cond3A_339 {
        %dma_start3A_346 = arith.constant 0 : i32
        %dma_start3A_347 = tpu.memref_slice %arg2[%add3A_334, %dma_start3A_346] : memref<50x4096xi32, #tpu.memory_space<hbm>> -> memref<1x4096xi32, #tpu.memory_space<hbm>>
        %dma_start3A_348 = tpu.memref_squeeze %dma_start3A_347 : memref<1x4096xi32, #tpu.memory_space<hbm>> -> memref<4096xi32, #tpu.memory_space<hbm>>
        %dma_start3A_349 = arith.constant 0 : i32
        %dma_start3A_350 = tpu.memref_slice %arg2[%add3A_334, %dma_start3A_349] : memref<50x4096xi32, #tpu.memory_space<hbm>> -> memref<1x4096xi32, #tpu.memory_space<hbm>>
        %dma_start3A_351 = tpu.memref_squeeze %dma_start3A_350 : memref<1x4096xi32, #tpu.memory_space<hbm>> -> memref<4096xi32, #tpu.memory_space<hbm>>
        tpu.enqueue_dma source(%dma_start3A_351 : memref<4096xi32, #tpu.memory_space<hbm>>) target(%arg8 : memref<4096xi32, #tpu.memory_space<vmem>>) target_semaphore(%arg14 : memref<!tpu.dma_semaphore, #tpu.memory_space<semaphore_mem>>)
      } else {
      }
      %dma_start3A_340 = arith.constant 0 : i32
      %dma_start3A_341 = tpu.memref_slice %arg4[%add3A_314, %add3A_4, %dma_start3A_340] : memref<50x64x4096xf32, #tpu.memory_space<hbm>> -> memref<1x1x4096xf32, #tpu.memory_space<hbm>>
      %dma_start3A_342 = tpu.memref_squeeze %dma_start3A_341 : memref<1x1x4096xf32, #tpu.memory_space<hbm>> -> memref<4096xf32, #tpu.memory_space<hbm>>
      %dma_start3A_343 = arith.constant 0 : i32
      %dma_start3A_344 = tpu.memref_slice %arg4[%add3A_314, %add3A_4, %dma_start3A_343] : memref<50x64x4096xf32, #tpu.memory_space<hbm>> -> memref<1x1x4096xf32, #tpu.memory_space<hbm>>
      %dma_start3A_345 = tpu.memref_squeeze %dma_start3A_344 : memref<1x1x4096xf32, #tpu.memory_space<hbm>> -> memref<4096xf32, #tpu.memory_space<hbm>>
      tpu.enqueue_dma source(%arg11 : memref<4096xf32, #tpu.memory_space<vmem>>) target(%dma_start3A_345 : memref<4096xf32, #tpu.memory_space<hbm>>) target_semaphore(%arg17 : memref<!tpu.dma_semaphore, #tpu.memory_space<semaphore_mem>>)
    }
    %scan3A_29 = arith.constant 16 : i32
    %dma_wait3A = arith.constant 0 : i32
    %dma_wait3A_30 = arith.constant 0 : i32
    %dma_wait3A_31 = tpu.memref_slice %arg2[%dma_wait3A, %dma_wait3A_30] : memref<50x4096xi32, #tpu.memory_space<hbm>> -> memref<1x4096xi32, #tpu.memory_space<hbm>>
    %dma_wait3A_32 = tpu.memref_squeeze %dma_wait3A_31 : memref<1x4096xi32, #tpu.memory_space<hbm>> -> memref<4096xi32, #tpu.memory_space<hbm>>
    %dma_wait3A_33 = arith.constant 0 : i32
    %dma_wait3A_34 = tpu.memref_slice %arg2[%dma_wait3A, %dma_wait3A_33] : memref<50x4096xi32, #tpu.memory_space<hbm>> -> memref<1x4096xi32, #tpu.memory_space<hbm>>
    %dma_wait3A_35 = tpu.memref_squeeze %dma_wait3A_34 : memref<1x4096xi32, #tpu.memory_space<hbm>> -> memref<4096xi32, #tpu.memory_space<hbm>>
    tpu.wait_dma2 semaphore(%arg12 : memref<!tpu.dma_semaphore, #tpu.memory_space<semaphore_mem>>) src(%dma_wait3A_35 : memref<4096xi32, #tpu.memory_space<hbm>>) dst(%arg6 : memref<4096xi32, #tpu.memory_space<vmem>>)
    %ge3A = arith.constant 48 : i32
    %ge3A_36 = arith.constant 3 : i32
    %ge3A_37 = arith.cmpi sge, %ge3A, %ge3A_36 : i32
    %convert_element_type3A = arith.extui %ge3A_37 : i1 to i32
    %cond3A = arith.constant 0 : i32
    %cond3A_38 = arith.cmpi ne, %convert_element_type3A, %cond3A : i32
    scf.if %cond3A_38 {
      %dma_wait3A_240 = arith.constant 0 : i32
      %dma_wait3A_241 = arith.constant 0 : i32
      %dma_wait3A_242 = arith.constant 0 : i32
      %dma_wait3A_243 = tpu.memref_slice %arg4[%dma_wait3A_240, %dma_wait3A_241, %dma_wait3A_242] : memref<50x64x4096xf32, #tpu.memory_space<hbm>> -> memref<1x1x4096xf32, #tpu.memory_space<hbm>>
      %dma_wait3A_244 = tpu.memref_squeeze %dma_wait3A_243 : memref<1x1x4096xf32, #tpu.memory_space<hbm>> -> memref<4096xf32, #tpu.memory_space<hbm>>
      %dma_wait3A_245 = arith.constant 0 : i32
      %dma_wait3A_246 = tpu.memref_slice %arg4[%dma_wait3A_240, %dma_wait3A_241, %dma_wait3A_245] : memref<50x64x4096xf32, #tpu.memory_space<hbm>> -> memref<1x1x4096xf32, #tpu.memory_space<hbm>>
      %dma_wait3A_247 = tpu.memref_squeeze %dma_wait3A_246 : memref<1x1x4096xf32, #tpu.memory_space<hbm>> -> memref<4096xf32, #tpu.memory_space<hbm>>
      tpu.wait_dma2 semaphore(%arg15 : memref<!tpu.dma_semaphore, #tpu.memory_space<semaphore_mem>>) src(%arg9 : memref<4096xf32, #tpu.memory_space<vmem>>) dst(%dma_wait3A_247 : memref<4096xf32, #tpu.memory_space<hbm>>)
    } else {
    }
    %scan3A_39 = arith.constant 0 : i32
    %scan3A_40 = arith.constant 0 : i32
    %scan3A_41 = arith.constant 16 : i32
    %scan3A_42 = arith.addi %scan3A_40, %scan3A_41 : i32
    %scan3A_43 = arith.constant 1 : i32
    scf.for %scan3A_240 = %scan3A_40 to %scan3A_42 step %scan3A_43  : i32 {
      %mul3A_241 = arith.constant 16 : i32
      %mul3A_242 = arith.muli %scan3A_240, %mul3A_241 : i32
      %add3A_243 = arith.constant 0 : i32
      %add3A_244 = arith.addi %mul3A_242, %add3A_243 : i32
      %mul3A_245 = arith.constant 16 : i32
      %mul3A_246 = arith.muli %add3A_244, %mul3A_245 : i32
      %get3A = arith.index_cast %mul3A_246 : i32 to index
      %get3A_247 = tpu.vector_load %arg6[%get3A] {strides = array<i32>} : memref<4096xi32, #tpu.memory_space<vmem>>, vector<16xi32>,
      %gather3A = tpu.vector_load_idx %arg5[%get3A_247] : memref<100000xf32, #tpu.memory_space<vmem>>[vector<16xi32>], vector<16xf32>,
      %swap3A = arith.index_cast %mul3A_246 : i32 to index
      %swap3A_248 = tpu.vector_load %arg9[%swap3A] {strides = array<i32>} : memref<4096xf32, #tpu.memory_space<vmem>>, vector<16xf32>,
      tpu.vector_store %arg9[%swap3A], %gather3A {strides = array<i32>} : memref<4096xf32, #tpu.memory_space<vmem>>, vector<16xf32>,
      %mul3A_249 = arith.constant 16 : i32
      %mul3A_250 = arith.muli %scan3A_240, %mul3A_249 : i32
      %add3A_251 = arith.constant 1 : i32
      %add3A_252 = arith.addi %mul3A_250, %add3A_251 : i32
      %mul3A_253 = arith.constant 16 : i32
      %mul3A_254 = arith.muli %add3A_252, %mul3A_253 : i32
      %get3A_255 = arith.index_cast %mul3A_254 : i32 to index
      %get3A_256 = tpu.vector_load %arg6[%get3A_255] {strides = array<i32>} : memref<4096xi32, #tpu.memory_space<vmem>>, vector<16xi32>,
      %gather3A_257 = tpu.vector_load_idx %arg5[%get3A_256] : memref<100000xf32, #tpu.memory_space<vmem>>[vector<16xi32>], vector<16xf32>,
      %swap3A_258 = arith.index_cast %mul3A_254 : i32 to index
      %swap3A_259 = tpu.vector_load %arg9[%swap3A_258] {strides = array<i32>} : memref<4096xf32, #tpu.memory_space<vmem>>, vector<16xf32>,
      tpu.vector_store %arg9[%swap3A_258], %gather3A_257 {strides = array<i32>} : memref<4096xf32, #tpu.memory_space<vmem>>, vector<16xf32>,
      %mul3A_260 = arith.constant 16 : i32
      %mul3A_261 = arith.muli %scan3A_240, %mul3A_260 : i32
      %add3A_262 = arith.constant 2 : i32
      %add3A_263 = arith.addi %mul3A_261, %add3A_262 : i32
      %mul3A_264 = arith.constant 16 : i32
      %mul3A_265 = arith.muli %add3A_263, %mul3A_264 : i32
      %get3A_266 = arith.index_cast %mul3A_265 : i32 to index
      %get3A_267 = tpu.vector_load %arg6[%get3A_266] {strides = array<i32>} : memref<4096xi32, #tpu.memory_space<vmem>>, vector<16xi32>,
      %gather3A_268 = tpu.vector_load_idx %arg5[%get3A_267] : memref<100000xf32, #tpu.memory_space<vmem>>[vector<16xi32>], vector<16xf32>,
      %swap3A_269 = arith.index_cast %mul3A_265 : i32 to index
      %swap3A_270 = tpu.vector_load %arg9[%swap3A_269] {strides = array<i32>} : memref<4096xf32, #tpu.memory_space<vmem>>, vector<16xf32>,
      tpu.vector_store %arg9[%swap3A_269], %gather3A_268 {strides = array<i32>} : memref<4096xf32, #tpu.memory_space<vmem>>, vector<16xf32>,
      %mul3A_271 = arith.constant 16 : i32
      %mul3A_272 = arith.muli %scan3A_240, %mul3A_271 : i32
      %add3A_273 = arith.constant 3 : i32
      %add3A_274 = arith.addi %mul3A_272, %add3A_273 : i32
      %mul3A_275 = arith.constant 16 : i32
      %mul3A_276 = arith.muli %add3A_274, %mul3A_275 : i32
      %get3A_277 = arith.index_cast %mul3A_276 : i32 to index
      %get3A_278 = tpu.vector_load %arg6[%get3A_277] {strides = array<i32>} : memref<4096xi32, #tpu.memory_space<vmem>>, vector<16xi32>,
      %gather3A_279 = tpu.vector_load_idx %arg5[%get3A_278] : memref<100000xf32, #tpu.memory_space<vmem>>[vector<16xi32>], vector<16xf32>,
      %swap3A_280 = arith.index_cast %mul3A_276 : i32 to index
      %swap3A_281 = tpu.vector_load %arg9[%swap3A_280] {strides = array<i32>} : memref<4096xf32, #tpu.memory_space<vmem>>, vector<16xf32>,
      tpu.vector_store %arg9[%swap3A_280], %gather3A_279 {strides = array<i32>} : memref<4096xf32, #tpu.memory_space<vmem>>, vector<16xf32>,
      %mul3A_282 = arith.constant 16 : i32
      %mul3A_283 = arith.muli %scan3A_240, %mul3A_282 : i32
      %add3A_284 = arith.constant 4 : i32
      %add3A_285 = arith.addi %mul3A_283, %add3A_284 : i32
      %mul3A_286 = arith.constant 16 : i32
      %mul3A_287 = arith.muli %add3A_285, %mul3A_286 : i32
      %get3A_288 = arith.index_cast %mul3A_287 : i32 to index
      %get3A_289 = tpu.vector_load %arg6[%get3A_288] {strides = array<i32>} : memref<4096xi32, #tpu.memory_space<vmem>>, vector<16xi32>,
      %gather3A_290 = tpu.vector_load_idx %arg5[%get3A_289] : memref<100000xf32, #tpu.memory_space<vmem>>[vector<16xi32>], vector<16xf32>,
      %swap3A_291 = arith.index_cast %mul3A_287 : i32 to index
      %swap3A_292 = tpu.vector_load %arg9[%swap3A_291] {strides = array<i32>} : memref<4096xf32, #tpu.memory_space<vmem>>, vector<16xf32>,
      tpu.vector_store %arg9[%swap3A_291], %gather3A_290 {strides = array<i32>} : memref<4096xf32, #tpu.memory_space<vmem>>, vector<16xf32>,
      %mul3A_293 = arith.constant 16 : i32
      %mul3A_294 = arith.muli %scan3A_240, %mul3A_293 : i32
      %add3A_295 = arith.constant 5 : i32
      %add3A_296 = arith.addi %mul3A_294, %add3A_295 : i32
      %mul3A_297 = arith.constant 16 : i32
      %mul3A_298 = arith.muli %add3A_296, %mul3A_297 : i32
      %get3A_299 = arith.index_cast %mul3A_298 : i32 to index
      %get3A_300 = tpu.vector_load %arg6[%get3A_299] {strides = array<i32>} : memref<4096xi32, #tpu.memory_space<vmem>>, vector<16xi32>,
      %gather3A_301 = tpu.vector_load_idx %arg5[%get3A_300] : memref<100000xf32, #tpu.memory_space<vmem>>[vector<16xi32>], vector<16xf32>,
      %swap3A_302 = arith.index_cast %mul3A_298 : i32 to index
      %swap3A_303 = tpu.vector_load %arg9[%swap3A_302] {strides = array<i32>} : memref<4096xf32, #tpu.memory_space<vmem>>, vector<16xf32>,
      tpu.vector_store %arg9[%swap3A_302], %gather3A_301 {strides = array<i32>} : memref<4096xf32, #tpu.memory_space<vmem>>, vector<16xf32>,
      %mul3A_304 = arith.constant 16 : i32
      %mul3A_305 = arith.muli %scan3A_240, %mul3A_304 : i32
      %add3A_306 = arith.constant 6 : i32
      %add3A_307 = arith.addi %mul3A_305, %add3A_306 : i32
      %mul3A_308 = arith.constant 16 : i32
      %mul3A_309 = arith.muli %add3A_307, %mul3A_308 : i32
      %get3A_310 = arith.index_cast %mul3A_309 : i32 to index
      %get3A_311 = tpu.vector_load %arg6[%get3A_310] {strides = array<i32>} : memref<4096xi32, #tpu.memory_space<vmem>>, vector<16xi32>,
      %gather3A_312 = tpu.vector_load_idx %arg5[%get3A_311] : memref<100000xf32, #tpu.memory_space<vmem>>[vector<16xi32>], vector<16xf32>,
      %swap3A_313 = arith.index_cast %mul3A_309 : i32 to index
      %swap3A_314 = tpu.vector_load %arg9[%swap3A_313] {strides = array<i32>} : memref<4096xf32, #tpu.memory_space<vmem>>, vector<16xf32>,
      tpu.vector_store %arg9[%swap3A_313], %gather3A_312 {strides = array<i32>} : memref<4096xf32, #tpu.memory_space<vmem>>, vector<16xf32>,
      %mul3A_315 = arith.constant 16 : i32
      %mul3A_316 = arith.muli %scan3A_240, %mul3A_315 : i32
      %add3A_317 = arith.constant 7 : i32
      %add3A_318 = arith.addi %mul3A_316, %add3A_317 : i32
      %mul3A_319 = arith.constant 16 : i32
      %mul3A_320 = arith.muli %add3A_318, %mul3A_319 : i32
      %get3A_321 = arith.index_cast %mul3A_320 : i32 to index
      %get3A_322 = tpu.vector_load %arg6[%get3A_321] {strides = array<i32>} : memref<4096xi32, #tpu.memory_space<vmem>>, vector<16xi32>,
      %gather3A_323 = tpu.vector_load_idx %arg5[%get3A_322] : memref<100000xf32, #tpu.memory_space<vmem>>[vector<16xi32>], vector<16xf32>,
      %swap3A_324 = arith.index_cast %mul3A_320 : i32 to index
      %swap3A_325 = tpu.vector_load %arg9[%swap3A_324] {strides = array<i32>} : memref<4096xf32, #tpu.memory_space<vmem>>, vector<16xf32>,
      tpu.vector_store %arg9[%swap3A_324], %gather3A_323 {strides = array<i32>} : memref<4096xf32, #tpu.memory_space<vmem>>, vector<16xf32>,
      %mul3A_326 = arith.constant 16 : i32
      %mul3A_327 = arith.muli %scan3A_240, %mul3A_326 : i32
      %add3A_328 = arith.constant 8 : i32
      %add3A_329 = arith.addi %mul3A_327, %add3A_328 : i32
      %mul3A_330 = arith.constant 16 : i32
      %mul3A_331 = arith.muli %add3A_329, %mul3A_330 : i32
      %get3A_332 = arith.index_cast %mul3A_331 : i32 to index
      %get3A_333 = tpu.vector_load %arg6[%get3A_332] {strides = array<i32>} : memref<4096xi32, #tpu.memory_space<vmem>>, vector<16xi32>,
      %gather3A_334 = tpu.vector_load_idx %arg5[%get3A_333] : memref<100000xf32, #tpu.memory_space<vmem>>[vector<16xi32>], vector<16xf32>,
      %swap3A_335 = arith.index_cast %mul3A_331 : i32 to index
      %swap3A_336 = tpu.vector_load %arg9[%swap3A_335] {strides = array<i32>} : memref<4096xf32, #tpu.memory_space<vmem>>, vector<16xf32>,
      tpu.vector_store %arg9[%swap3A_335], %gather3A_334 {strides = array<i32>} : memref<4096xf32, #tpu.memory_space<vmem>>, vector<16xf32>,
      %mul3A_337 = arith.constant 16 : i32
      %mul3A_338 = arith.muli %scan3A_240, %mul3A_337 : i32
      %add3A_339 = arith.constant 9 : i32
      %add3A_340 = arith.addi %mul3A_338, %add3A_339 : i32
      %mul3A_341 = arith.constant 16 : i32
      %mul3A_342 = arith.muli %add3A_340, %mul3A_341 : i32
      %get3A_343 = arith.index_cast %mul3A_342 : i32 to index
      %get3A_344 = tpu.vector_load %arg6[%get3A_343] {strides = array<i32>} : memref<4096xi32, #tpu.memory_space<vmem>>, vector<16xi32>,
      %gather3A_345 = tpu.vector_load_idx %arg5[%get3A_344] : memref<100000xf32, #tpu.memory_space<vmem>>[vector<16xi32>], vector<16xf32>,
      %swap3A_346 = arith.index_cast %mul3A_342 : i32 to index
      %swap3A_347 = tpu.vector_load %arg9[%swap3A_346] {strides = array<i32>} : memref<4096xf32, #tpu.memory_space<vmem>>, vector<16xf32>,
      tpu.vector_store %arg9[%swap3A_346], %gather3A_345 {strides = array<i32>} : memref<4096xf32, #tpu.memory_space<vmem>>, vector<16xf32>,
      %mul3A_348 = arith.constant 16 : i32
      %mul3A_349 = arith.muli %scan3A_240, %mul3A_348 : i32
      %add3A_350 = arith.constant 10 : i32
      %add3A_351 = arith.addi %mul3A_349, %add3A_350 : i32
      %mul3A_352 = arith.constant 16 : i32
      %mul3A_353 = arith.muli %add3A_351, %mul3A_352 : i32
      %get3A_354 = arith.index_cast %mul3A_353 : i32 to index
      %get3A_355 = tpu.vector_load %arg6[%get3A_354] {strides = array<i32>} : memref<4096xi32, #tpu.memory_space<vmem>>, vector<16xi32>,
      %gather3A_356 = tpu.vector_load_idx %arg5[%get3A_355] : memref<100000xf32, #tpu.memory_space<vmem>>[vector<16xi32>], vector<16xf32>,
      %swap3A_357 = arith.index_cast %mul3A_353 : i32 to index
      %swap3A_358 = tpu.vector_load %arg9[%swap3A_357] {strides = array<i32>} : memref<4096xf32, #tpu.memory_space<vmem>>, vector<16xf32>,
      tpu.vector_store %arg9[%swap3A_357], %gather3A_356 {strides = array<i32>} : memref<4096xf32, #tpu.memory_space<vmem>>, vector<16xf32>,
      %mul3A_359 = arith.constant 16 : i32
      %mul3A_360 = arith.muli %scan3A_240, %mul3A_359 : i32
      %add3A_361 = arith.constant 11 : i32
      %add3A_362 = arith.addi %mul3A_360, %add3A_361 : i32
      %mul3A_363 = arith.constant 16 : i32
      %mul3A_364 = arith.muli %add3A_362, %mul3A_363 : i32
      %get3A_365 = arith.index_cast %mul3A_364 : i32 to index
      %get3A_366 = tpu.vector_load %arg6[%get3A_365] {strides = array<i32>} : memref<4096xi32, #tpu.memory_space<vmem>>, vector<16xi32>,
      %gather3A_367 = tpu.vector_load_idx %arg5[%get3A_366] : memref<100000xf32, #tpu.memory_space<vmem>>[vector<16xi32>], vector<16xf32>,
      %swap3A_368 = arith.index_cast %mul3A_364 : i32 to index
      %swap3A_369 = tpu.vector_load %arg9[%swap3A_368] {strides = array<i32>} : memref<4096xf32, #tpu.memory_space<vmem>>, vector<16xf32>,
      tpu.vector_store %arg9[%swap3A_368], %gather3A_367 {strides = array<i32>} : memref<4096xf32, #tpu.memory_space<vmem>>, vector<16xf32>,
      %mul3A_370 = arith.constant 16 : i32
      %mul3A_371 = arith.muli %scan3A_240, %mul3A_370 : i32
      %add3A_372 = arith.constant 12 : i32
      %add3A_373 = arith.addi %mul3A_371, %add3A_372 : i32
      %mul3A_374 = arith.constant 16 : i32
      %mul3A_375 = arith.muli %add3A_373, %mul3A_374 : i32
      %get3A_376 = arith.index_cast %mul3A_375 : i32 to index
      %get3A_377 = tpu.vector_load %arg6[%get3A_376] {strides = array<i32>} : memref<4096xi32, #tpu.memory_space<vmem>>, vector<16xi32>,
      %gather3A_378 = tpu.vector_load_idx %arg5[%get3A_377] : memref<100000xf32, #tpu.memory_space<vmem>>[vector<16xi32>], vector<16xf32>,
      %swap3A_379 = arith.index_cast %mul3A_375 : i32 to index
      %swap3A_380 = tpu.vector_load %arg9[%swap3A_379] {strides = array<i32>} : memref<4096xf32, #tpu.memory_space<vmem>>, vector<16xf32>,
      tpu.vector_store %arg9[%swap3A_379], %gather3A_378 {strides = array<i32>} : memref<4096xf32, #tpu.memory_space<vmem>>, vector<16xf32>,
      %mul3A_381 = arith.constant 16 : i32
      %mul3A_382 = arith.muli %scan3A_240, %mul3A_381 : i32
      %add3A_383 = arith.constant 13 : i32
      %add3A_384 = arith.addi %mul3A_382, %add3A_383 : i32
      %mul3A_385 = arith.constant 16 : i32
      %mul3A_386 = arith.muli %add3A_384, %mul3A_385 : i32
      %get3A_387 = arith.index_cast %mul3A_386 : i32 to index
      %get3A_388 = tpu.vector_load %arg6[%get3A_387] {strides = array<i32>} : memref<4096xi32, #tpu.memory_space<vmem>>, vector<16xi32>,
      %gather3A_389 = tpu.vector_load_idx %arg5[%get3A_388] : memref<100000xf32, #tpu.memory_space<vmem>>[vector<16xi32>], vector<16xf32>,
      %swap3A_390 = arith.index_cast %mul3A_386 : i32 to index
      %swap3A_391 = tpu.vector_load %arg9[%swap3A_390] {strides = array<i32>} : memref<4096xf32, #tpu.memory_space<vmem>>, vector<16xf32>,
      tpu.vector_store %arg9[%swap3A_390], %gather3A_389 {strides = array<i32>} : memref<4096xf32, #tpu.memory_space<vmem>>, vector<16xf32>,
      %mul3A_392 = arith.constant 16 : i32
      %mul3A_393 = arith.muli %scan3A_240, %mul3A_392 : i32
      %add3A_394 = arith.constant 14 : i32
      %add3A_395 = arith.addi %mul3A_393, %add3A_394 : i32
      %mul3A_396 = arith.constant 16 : i32
      %mul3A_397 = arith.muli %add3A_395, %mul3A_396 : i32
      %get3A_398 = arith.index_cast %mul3A_397 : i32 to index
      %get3A_399 = tpu.vector_load %arg6[%get3A_398] {strides = array<i32>} : memref<4096xi32, #tpu.memory_space<vmem>>, vector<16xi32>,
      %gather3A_400 = tpu.vector_load_idx %arg5[%get3A_399] : memref<100000xf32, #tpu.memory_space<vmem>>[vector<16xi32>], vector<16xf32>,
      %swap3A_401 = arith.index_cast %mul3A_397 : i32 to index
      %swap3A_402 = tpu.vector_load %arg9[%swap3A_401] {strides = array<i32>} : memref<4096xf32, #tpu.memory_space<vmem>>, vector<16xf32>,
      tpu.vector_store %arg9[%swap3A_401], %gather3A_400 {strides = array<i32>} : memref<4096xf32, #tpu.memory_space<vmem>>, vector<16xf32>,
      %mul3A_403 = arith.constant 16 : i32
      %mul3A_404 = arith.muli %scan3A_240, %mul3A_403 : i32
      %add3A_405 = arith.constant 15 : i32
      %add3A_406 = arith.addi %mul3A_404, %add3A_405 : i32
      %mul3A_407 = arith.constant 16 : i32
      %mul3A_408 = arith.muli %add3A_406, %mul3A_407 : i32
      %get3A_409 = arith.index_cast %mul3A_408 : i32 to index
      %get3A_410 = tpu.vector_load %arg6[%get3A_409] {strides = array<i32>} : memref<4096xi32, #tpu.memory_space<vmem>>, vector<16xi32>,
      %gather3A_411 = tpu.vector_load_idx %arg5[%get3A_410] : memref<100000xf32, #tpu.memory_space<vmem>>[vector<16xi32>], vector<16xf32>,
      %swap3A_412 = arith.index_cast %mul3A_408 : i32 to index
      %swap3A_413 = tpu.vector_load %arg9[%swap3A_412] {strides = array<i32>} : memref<4096xf32, #tpu.memory_space<vmem>>, vector<16xf32>,
      tpu.vector_store %arg9[%swap3A_412], %gather3A_411 {strides = array<i32>} : memref<4096xf32, #tpu.memory_space<vmem>>, vector<16xf32>,
    }
    %scan3A_44 = arith.constant 16 : i32
    %add3A_45 = arith.constant 48 : i32
    %add3A_46 = arith.constant 3 : i32
    %add3A_47 = arith.addi %add3A_45, %add3A_46 : i32
    %lt3A = arith.constant 50 : i32
    %lt3A_48 = arith.cmpi slt, %add3A_47, %lt3A : i32
    %convert_element_type3A_49 = arith.extui %lt3A_48 : i1 to i32
    %cond3A_50 = arith.constant 0 : i32
    %cond3A_51 = arith.cmpi ne, %convert_element_type3A_49, %cond3A_50 : i32
    scf.if %cond3A_51 {
      %dma_start3A_240 = arith.constant 0 : i32
      %dma_start3A_241 = tpu.memref_slice %arg2[%add3A_47, %dma_start3A_240] : memref<50x4096xi32, #tpu.memory_space<hbm>> -> memref<1x4096xi32, #tpu.memory_space<hbm>>
      %dma_start3A_242 = tpu.memref_squeeze %dma_start3A_241 : memref<1x4096xi32, #tpu.memory_space<hbm>> -> memref<4096xi32, #tpu.memory_space<hbm>>
      %dma_start3A_243 = arith.constant 0 : i32
      %dma_start3A_244 = tpu.memref_slice %arg2[%add3A_47, %dma_start3A_243] : memref<50x4096xi32, #tpu.memory_space<hbm>> -> memref<1x4096xi32, #tpu.memory_space<hbm>>
      %dma_start3A_245 = tpu.memref_squeeze %dma_start3A_244 : memref<1x4096xi32, #tpu.memory_space<hbm>> -> memref<4096xi32, #tpu.memory_space<hbm>>
      tpu.enqueue_dma source(%dma_start3A_245 : memref<4096xi32, #tpu.memory_space<hbm>>) target(%arg6 : memref<4096xi32, #tpu.memory_space<vmem>>) target_semaphore(%arg12 : memref<!tpu.dma_semaphore, #tpu.memory_space<semaphore_mem>>)
    } else {
    }
    %dma_start3A_52 = arith.constant 48 : i32
    %dma_start3A_53 = arith.constant 0 : i32
    %dma_start3A_54 = tpu.memref_slice %arg4[%dma_start3A_52, %add3A_4, %dma_start3A_53] : memref<50x64x4096xf32, #tpu.memory_space<hbm>> -> memref<1x1x4096xf32, #tpu.memory_space<hbm>>
    %dma_start3A_55 = tpu.memref_squeeze %dma_start3A_54 : memref<1x1x4096xf32, #tpu.memory_space<hbm>> -> memref<4096xf32, #tpu.memory_space<hbm>>
    %dma_start3A_56 = arith.constant 0 : i32
    %dma_start3A_57 = tpu.memref_slice %arg4[%dma_start3A_52, %add3A_4, %dma_start3A_56] : memref<50x64x4096xf32, #tpu.memory_space<hbm>> -> memref<1x1x4096xf32, #tpu.memory_space<hbm>>
    %dma_start3A_58 = tpu.memref_squeeze %dma_start3A_57 : memref<1x1x4096xf32, #tpu.memory_space<hbm>> -> memref<4096xf32, #tpu.memory_space<hbm>>
    tpu.enqueue_dma source(%arg9 : memref<4096xf32, #tpu.memory_space<vmem>>) target(%dma_start3A_58 : memref<4096xf32, #tpu.memory_space<hbm>>) target_semaphore(%arg15 : memref<!tpu.dma_semaphore, #tpu.memory_space<semaphore_mem>>)
    %dma_wait3A_59 = arith.constant 0 : i32
    %dma_wait3A_60 = arith.constant 0 : i32
    %dma_wait3A_61 = tpu.memref_slice %arg2[%dma_wait3A_59, %dma_wait3A_60] : memref<50x4096xi32, #tpu.memory_space<hbm>> -> memref<1x4096xi32, #tpu.memory_space<hbm>>
    %dma_wait3A_62 = tpu.memref_squeeze %dma_wait3A_61 : memref<1x4096xi32, #tpu.memory_space<hbm>> -> memref<4096xi32, #tpu.memory_space<hbm>>
    %dma_wait3A_63 = arith.constant 0 : i32
    %dma_wait3A_64 = tpu.memref_slice %arg2[%dma_wait3A_59, %dma_wait3A_63] : memref<50x4096xi32, #tpu.memory_space<hbm>> -> memref<1x4096xi32, #tpu.memory_space<hbm>>
    %dma_wait3A_65 = tpu.memref_squeeze %dma_wait3A_64 : memref<1x4096xi32, #tpu.memory_space<hbm>> -> memref<4096xi32, #tpu.memory_space<hbm>>
    tpu.wait_dma2 semaphore(%arg13 : memref<!tpu.dma_semaphore, #tpu.memory_space<semaphore_mem>>) src(%dma_wait3A_65 : memref<4096xi32, #tpu.memory_space<hbm>>) dst(%arg7 : memref<4096xi32, #tpu.memory_space<vmem>>)
    %ge3A_66 = arith.constant 49 : i32
    %ge3A_67 = arith.constant 3 : i32
    %ge3A_68 = arith.cmpi sge, %ge3A_66, %ge3A_67 : i32
    %convert_element_type3A_69 = arith.extui %ge3A_68 : i1 to i32
    %cond3A_70 = arith.constant 0 : i32
    %cond3A_71 = arith.cmpi ne, %convert_element_type3A_69, %cond3A_70 : i32
    scf.if %cond3A_71 {
      %dma_wait3A_240 = arith.constant 0 : i32
      %dma_wait3A_241 = arith.constant 0 : i32
      %dma_wait3A_242 = arith.constant 0 : i32
      %dma_wait3A_243 = tpu.memref_slice %arg4[%dma_wait3A_240, %dma_wait3A_241, %dma_wait3A_242] : memref<50x64x4096xf32, #tpu.memory_space<hbm>> -> memref<1x1x4096xf32, #tpu.memory_space<hbm>>
      %dma_wait3A_244 = tpu.memref_squeeze %dma_wait3A_243 : memref<1x1x4096xf32, #tpu.memory_space<hbm>> -> memref<4096xf32, #tpu.memory_space<hbm>>
      %dma_wait3A_245 = arith.constant 0 : i32
      %dma_wait3A_246 = tpu.memref_slice %arg4[%dma_wait3A_240, %dma_wait3A_241, %dma_wait3A_245] : memref<50x64x4096xf32, #tpu.memory_space<hbm>> -> memref<1x1x4096xf32, #tpu.memory_space<hbm>>
      %dma_wait3A_247 = tpu.memref_squeeze %dma_wait3A_246 : memref<1x1x4096xf32, #tpu.memory_space<hbm>> -> memref<4096xf32, #tpu.memory_space<hbm>>
      tpu.wait_dma2 semaphore(%arg16 : memref<!tpu.dma_semaphore, #tpu.memory_space<semaphore_mem>>) src(%arg10 : memref<4096xf32, #tpu.memory_space<vmem>>) dst(%dma_wait3A_247 : memref<4096xf32, #tpu.memory_space<hbm>>)
    } else {
    }
    %scan3A_72 = arith.constant 0 : i32
    %scan3A_73 = arith.constant 0 : i32
    %scan3A_74 = arith.constant 16 : i32
    %scan3A_75 = arith.addi %scan3A_73, %scan3A_74 : i32
    %scan3A_76 = arith.constant 1 : i32
    scf.for %scan3A_240 = %scan3A_73 to %scan3A_75 step %scan3A_76  : i32 {
      %mul3A_241 = arith.constant 16 : i32
      %mul3A_242 = arith.muli %scan3A_240, %mul3A_241 : i32
      %add3A_243 = arith.constant 0 : i32
      %add3A_244 = arith.addi %mul3A_242, %add3A_243 : i32
      %mul3A_245 = arith.constant 16 : i32
      %mul3A_246 = arith.muli %add3A_244, %mul3A_245 : i32
      %get3A = arith.index_cast %mul3A_246 : i32 to index
      %get3A_247 = tpu.vector_load %arg7[%get3A] {strides = array<i32>} : memref<4096xi32, #tpu.memory_space<vmem>>, vector<16xi32>,
      %gather3A = tpu.vector_load_idx %arg5[%get3A_247] : memref<100000xf32, #tpu.memory_space<vmem>>[vector<16xi32>], vector<16xf32>,
      %swap3A = arith.index_cast %mul3A_246 : i32 to index
      %swap3A_248 = tpu.vector_load %arg10[%swap3A] {strides = array<i32>} : memref<4096xf32, #tpu.memory_space<vmem>>, vector<16xf32>,
      tpu.vector_store %arg10[%swap3A], %gather3A {strides = array<i32>} : memref<4096xf32, #tpu.memory_space<vmem>>, vector<16xf32>,
      %mul3A_249 = arith.constant 16 : i32
      %mul3A_250 = arith.muli %scan3A_240, %mul3A_249 : i32
      %add3A_251 = arith.constant 1 : i32
      %add3A_252 = arith.addi %mul3A_250, %add3A_251 : i32
      %mul3A_253 = arith.constant 16 : i32
      %mul3A_254 = arith.muli %add3A_252, %mul3A_253 : i32
      %get3A_255 = arith.index_cast %mul3A_254 : i32 to index
      %get3A_256 = tpu.vector_load %arg7[%get3A_255] {strides = array<i32>} : memref<4096xi32, #tpu.memory_space<vmem>>, vector<16xi32>,
      %gather3A_257 = tpu.vector_load_idx %arg5[%get3A_256] : memref<100000xf32, #tpu.memory_space<vmem>>[vector<16xi32>], vector<16xf32>,
      %swap3A_258 = arith.index_cast %mul3A_254 : i32 to index
      %swap3A_259 = tpu.vector_load %arg10[%swap3A_258] {strides = array<i32>} : memref<4096xf32, #tpu.memory_space<vmem>>, vector<16xf32>,
      tpu.vector_store %arg10[%swap3A_258], %gather3A_257 {strides = array<i32>} : memref<4096xf32, #tpu.memory_space<vmem>>, vector<16xf32>,
      %mul3A_260 = arith.constant 16 : i32
      %mul3A_261 = arith.muli %scan3A_240, %mul3A_260 : i32
      %add3A_262 = arith.constant 2 : i32
      %add3A_263 = arith.addi %mul3A_261, %add3A_262 : i32
      %mul3A_264 = arith.constant 16 : i32
      %mul3A_265 = arith.muli %add3A_263, %mul3A_264 : i32
      %get3A_266 = arith.index_cast %mul3A_265 : i32 to index
      %get3A_267 = tpu.vector_load %arg7[%get3A_266] {strides = array<i32>} : memref<4096xi32, #tpu.memory_space<vmem>>, vector<16xi32>,
      %gather3A_268 = tpu.vector_load_idx %arg5[%get3A_267] : memref<100000xf32, #tpu.memory_space<vmem>>[vector<16xi32>], vector<16xf32>,
      %swap3A_269 = arith.index_cast %mul3A_265 : i32 to index
      %swap3A_270 = tpu.vector_load %arg10[%swap3A_269] {strides = array<i32>} : memref<4096xf32, #tpu.memory_space<vmem>>, vector<16xf32>,
      tpu.vector_store %arg10[%swap3A_269], %gather3A_268 {strides = array<i32>} : memref<4096xf32, #tpu.memory_space<vmem>>, vector<16xf32>,
      %mul3A_271 = arith.constant 16 : i32
      %mul3A_272 = arith.muli %scan3A_240, %mul3A_271 : i32
      %add3A_273 = arith.constant 3 : i32
      %add3A_274 = arith.addi %mul3A_272, %add3A_273 : i32
      %mul3A_275 = arith.constant 16 : i32
      %mul3A_276 = arith.muli %add3A_274, %mul3A_275 : i32
      %get3A_277 = arith.index_cast %mul3A_276 : i32 to index
      %get3A_278 = tpu.vector_load %arg7[%get3A_277] {strides = array<i32>} : memref<4096xi32, #tpu.memory_space<vmem>>, vector<16xi32>,
      %gather3A_279 = tpu.vector_load_idx %arg5[%get3A_278] : memref<100000xf32, #tpu.memory_space<vmem>>[vector<16xi32>], vector<16xf32>,
      %swap3A_280 = arith.index_cast %mul3A_276 : i32 to index
      %swap3A_281 = tpu.vector_load %arg10[%swap3A_280] {strides = array<i32>} : memref<4096xf32, #tpu.memory_space<vmem>>, vector<16xf32>,
      tpu.vector_store %arg10[%swap3A_280], %gather3A_279 {strides = array<i32>} : memref<4096xf32, #tpu.memory_space<vmem>>, vector<16xf32>,
      %mul3A_282 = arith.constant 16 : i32
      %mul3A_283 = arith.muli %scan3A_240, %mul3A_282 : i32
      %add3A_284 = arith.constant 4 : i32
      %add3A_285 = arith.addi %mul3A_283, %add3A_284 : i32
      %mul3A_286 = arith.constant 16 : i32
      %mul3A_287 = arith.muli %add3A_285, %mul3A_286 : i32
      %get3A_288 = arith.index_cast %mul3A_287 : i32 to index
      %get3A_289 = tpu.vector_load %arg7[%get3A_288] {strides = array<i32>} : memref<4096xi32, #tpu.memory_space<vmem>>, vector<16xi32>,
      %gather3A_290 = tpu.vector_load_idx %arg5[%get3A_289] : memref<100000xf32, #tpu.memory_space<vmem>>[vector<16xi32>], vector<16xf32>,
      %swap3A_291 = arith.index_cast %mul3A_287 : i32 to index
      %swap3A_292 = tpu.vector_load %arg10[%swap3A_291] {strides = array<i32>} : memref<4096xf32, #tpu.memory_space<vmem>>, vector<16xf32>,
      tpu.vector_store %arg10[%swap3A_291], %gather3A_290 {strides = array<i32>} : memref<4096xf32, #tpu.memory_space<vmem>>, vector<16xf32>,
      %mul3A_293 = arith.constant 16 : i32
      %mul3A_294 = arith.muli %scan3A_240, %mul3A_293 : i32
      %add3A_295 = arith.constant 5 : i32
      %add3A_296 = arith.addi %mul3A_294, %add3A_295 : i32
      %mul3A_297 = arith.constant 16 : i32
      %mul3A_298 = arith.muli %add3A_296, %mul3A_297 : i32
      %get3A_299 = arith.index_cast %mul3A_298 : i32 to index
      %get3A_300 = tpu.vector_load %arg7[%get3A_299] {strides = array<i32>} : memref<4096xi32, #tpu.memory_space<vmem>>, vector<16xi32>,
      %gather3A_301 = tpu.vector_load_idx %arg5[%get3A_300] : memref<100000xf32, #tpu.memory_space<vmem>>[vector<16xi32>], vector<16xf32>,
      %swap3A_302 = arith.index_cast %mul3A_298 : i32 to index
      %swap3A_303 = tpu.vector_load %arg10[%swap3A_302] {strides = array<i32>} : memref<4096xf32, #tpu.memory_space<vmem>>, vector<16xf32>,
      tpu.vector_store %arg10[%swap3A_302], %gather3A_301 {strides = array<i32>} : memref<4096xf32, #tpu.memory_space<vmem>>, vector<16xf32>,
      %mul3A_304 = arith.constant 16 : i32
      %mul3A_305 = arith.muli %scan3A_240, %mul3A_304 : i32
      %add3A_306 = arith.constant 6 : i32
      %add3A_307 = arith.addi %mul3A_305, %add3A_306 : i32
      %mul3A_308 = arith.constant 16 : i32
      %mul3A_309 = arith.muli %add3A_307, %mul3A_308 : i32
      %get3A_310 = arith.index_cast %mul3A_309 : i32 to index
      %get3A_311 = tpu.vector_load %arg7[%get3A_310] {strides = array<i32>} : memref<4096xi32, #tpu.memory_space<vmem>>, vector<16xi32>,
      %gather3A_312 = tpu.vector_load_idx %arg5[%get3A_311] : memref<100000xf32, #tpu.memory_space<vmem>>[vector<16xi32>], vector<16xf32>,
      %swap3A_313 = arith.index_cast %mul3A_309 : i32 to index
      %swap3A_314 = tpu.vector_load %arg10[%swap3A_313] {strides = array<i32>} : memref<4096xf32, #tpu.memory_space<vmem>>, vector<16xf32>,
      tpu.vector_store %arg10[%swap3A_313], %gather3A_312 {strides = array<i32>} : memref<4096xf32, #tpu.memory_space<vmem>>, vector<16xf32>,
      %mul3A_315 = arith.constant 16 : i32
      %mul3A_316 = arith.muli %scan3A_240, %mul3A_315 : i32
      %add3A_317 = arith.constant 7 : i32
      %add3A_318 = arith.addi %mul3A_316, %add3A_317 : i32
      %mul3A_319 = arith.constant 16 : i32
      %mul3A_320 = arith.muli %add3A_318, %mul3A_319 : i32
      %get3A_321 = arith.index_cast %mul3A_320 : i32 to index
      %get3A_322 = tpu.vector_load %arg7[%get3A_321] {strides = array<i32>} : memref<4096xi32, #tpu.memory_space<vmem>>, vector<16xi32>,
      %gather3A_323 = tpu.vector_load_idx %arg5[%get3A_322] : memref<100000xf32, #tpu.memory_space<vmem>>[vector<16xi32>], vector<16xf32>,
      %swap3A_324 = arith.index_cast %mul3A_320 : i32 to index
      %swap3A_325 = tpu.vector_load %arg10[%swap3A_324] {strides = array<i32>} : memref<4096xf32, #tpu.memory_space<vmem>>, vector<16xf32>,
      tpu.vector_store %arg10[%swap3A_324], %gather3A_323 {strides = array<i32>} : memref<4096xf32, #tpu.memory_space<vmem>>, vector<16xf32>,
      %mul3A_326 = arith.constant 16 : i32
      %mul3A_327 = arith.muli %scan3A_240, %mul3A_326 : i32
      %add3A_328 = arith.constant 8 : i32
      %add3A_329 = arith.addi %mul3A_327, %add3A_328 : i32
      %mul3A_330 = arith.constant 16 : i32
      %mul3A_331 = arith.muli %add3A_329, %mul3A_330 : i32
      %get3A_332 = arith.index_cast %mul3A_331 : i32 to index
      %get3A_333 = tpu.vector_load %arg7[%get3A_332] {strides = array<i32>} : memref<4096xi32, #tpu.memory_space<vmem>>, vector<16xi32>,
      %gather3A_334 = tpu.vector_load_idx %arg5[%get3A_333] : memref<100000xf32, #tpu.memory_space<vmem>>[vector<16xi32>], vector<16xf32>,
      %swap3A_335 = arith.index_cast %mul3A_331 : i32 to index
      %swap3A_336 = tpu.vector_load %arg10[%swap3A_335] {strides = array<i32>} : memref<4096xf32, #tpu.memory_space<vmem>>, vector<16xf32>,
      tpu.vector_store %arg10[%swap3A_335], %gather3A_334 {strides = array<i32>} : memref<4096xf32, #tpu.memory_space<vmem>>, vector<16xf32>,
      %mul3A_337 = arith.constant 16 : i32
      %mul3A_338 = arith.muli %scan3A_240, %mul3A_337 : i32
      %add3A_339 = arith.constant 9 : i32
      %add3A_340 = arith.addi %mul3A_338, %add3A_339 : i32
      %mul3A_341 = arith.constant 16 : i32
      %mul3A_342 = arith.muli %add3A_340, %mul3A_341 : i32
      %get3A_343 = arith.index_cast %mul3A_342 : i32 to index
      %get3A_344 = tpu.vector_load %arg7[%get3A_343] {strides = array<i32>} : memref<4096xi32, #tpu.memory_space<vmem>>, vector<16xi32>,
      %gather3A_345 = tpu.vector_load_idx %arg5[%get3A_344] : memref<100000xf32, #tpu.memory_space<vmem>>[vector<16xi32>], vector<16xf32>,
      %swap3A_346 = arith.index_cast %mul3A_342 : i32 to index
      %swap3A_347 = tpu.vector_load %arg10[%swap3A_346] {strides = array<i32>} : memref<4096xf32, #tpu.memory_space<vmem>>, vector<16xf32>,
      tpu.vector_store %arg10[%swap3A_346], %gather3A_345 {strides = array<i32>} : memref<4096xf32, #tpu.memory_space<vmem>>, vector<16xf32>,
      %mul3A_348 = arith.constant 16 : i32
      %mul3A_349 = arith.muli %scan3A_240, %mul3A_348 : i32
      %add3A_350 = arith.constant 10 : i32
      %add3A_351 = arith.addi %mul3A_349, %add3A_350 : i32
      %mul3A_352 = arith.constant 16 : i32
      %mul3A_353 = arith.muli %add3A_351, %mul3A_352 : i32
      %get3A_354 = arith.index_cast %mul3A_353 : i32 to index
      %get3A_355 = tpu.vector_load %arg7[%get3A_354] {strides = array<i32>} : memref<4096xi32, #tpu.memory_space<vmem>>, vector<16xi32>,
      %gather3A_356 = tpu.vector_load_idx %arg5[%get3A_355] : memref<100000xf32, #tpu.memory_space<vmem>>[vector<16xi32>], vector<16xf32>,
      %swap3A_357 = arith.index_cast %mul3A_353 : i32 to index
      %swap3A_358 = tpu.vector_load %arg10[%swap3A_357] {strides = array<i32>} : memref<4096xf32, #tpu.memory_space<vmem>>, vector<16xf32>,
      tpu.vector_store %arg10[%swap3A_357], %gather3A_356 {strides = array<i32>} : memref<4096xf32, #tpu.memory_space<vmem>>, vector<16xf32>,
      %mul3A_359 = arith.constant 16 : i32
      %mul3A_360 = arith.muli %scan3A_240, %mul3A_359 : i32
      %add3A_361 = arith.constant 11 : i32
      %add3A_362 = arith.addi %mul3A_360, %add3A_361 : i32
      %mul3A_363 = arith.constant 16 : i32
      %mul3A_364 = arith.muli %add3A_362, %mul3A_363 : i32
      %get3A_365 = arith.index_cast %mul3A_364 : i32 to index
      %get3A_366 = tpu.vector_load %arg7[%get3A_365] {strides = array<i32>} : memref<4096xi32, #tpu.memory_space<vmem>>, vector<16xi32>,
      %gather3A_367 = tpu.vector_load_idx %arg5[%get3A_366] : memref<100000xf32, #tpu.memory_space<vmem>>[vector<16xi32>], vector<16xf32>,
      %swap3A_368 = arith.index_cast %mul3A_364 : i32 to index
      %swap3A_369 = tpu.vector_load %arg10[%swap3A_368] {strides = array<i32>} : memref<4096xf32, #tpu.memory_space<vmem>>, vector<16xf32>,
      tpu.vector_store %arg10[%swap3A_368], %gather3A_367 {strides = array<i32>} : memref<4096xf32, #tpu.memory_space<vmem>>, vector<16xf32>,
      %mul3A_370 = arith.constant 16 : i32
      %mul3A_371 = arith.muli %scan3A_240, %mul3A_370 : i32
      %add3A_372 = arith.constant 12 : i32
      %add3A_373 = arith.addi %mul3A_371, %add3A_372 : i32
      %mul3A_374 = arith.constant 16 : i32
      %mul3A_375 = arith.muli %add3A_373, %mul3A_374 : i32
      %get3A_376 = arith.index_cast %mul3A_375 : i32 to index
      %get3A_377 = tpu.vector_load %arg7[%get3A_376] {strides = array<i32>} : memref<4096xi32, #tpu.memory_space<vmem>>, vector<16xi32>,
      %gather3A_378 = tpu.vector_load_idx %arg5[%get3A_377] : memref<100000xf32, #tpu.memory_space<vmem>>[vector<16xi32>], vector<16xf32>,
      %swap3A_379 = arith.index_cast %mul3A_375 : i32 to index
      %swap3A_380 = tpu.vector_load %arg10[%swap3A_379] {strides = array<i32>} : memref<4096xf32, #tpu.memory_space<vmem>>, vector<16xf32>,
      tpu.vector_store %arg10[%swap3A_379], %gather3A_378 {strides = array<i32>} : memref<4096xf32, #tpu.memory_space<vmem>>, vector<16xf32>,
      %mul3A_381 = arith.constant 16 : i32
      %mul3A_382 = arith.muli %scan3A_240, %mul3A_381 : i32
      %add3A_383 = arith.constant 13 : i32
      %add3A_384 = arith.addi %mul3A_382, %add3A_383 : i32
      %mul3A_385 = arith.constant 16 : i32
      %mul3A_386 = arith.muli %add3A_384, %mul3A_385 : i32
      %get3A_387 = arith.index_cast %mul3A_386 : i32 to index
      %get3A_388 = tpu.vector_load %arg7[%get3A_387] {strides = array<i32>} : memref<4096xi32, #tpu.memory_space<vmem>>, vector<16xi32>,
      %gather3A_389 = tpu.vector_load_idx %arg5[%get3A_388] : memref<100000xf32, #tpu.memory_space<vmem>>[vector<16xi32>], vector<16xf32>,
      %swap3A_390 = arith.index_cast %mul3A_386 : i32 to index
      %swap3A_391 = tpu.vector_load %arg10[%swap3A_390] {strides = array<i32>} : memref<4096xf32, #tpu.memory_space<vmem>>, vector<16xf32>,
      tpu.vector_store %arg10[%swap3A_390], %gather3A_389 {strides = array<i32>} : memref<4096xf32, #tpu.memory_space<vmem>>, vector<16xf32>,
      %mul3A_392 = arith.constant 16 : i32
      %mul3A_393 = arith.muli %scan3A_240, %mul3A_392 : i32
      %add3A_394 = arith.constant 14 : i32
      %add3A_395 = arith.addi %mul3A_393, %add3A_394 : i32
      %mul3A_396 = arith.constant 16 : i32
      %mul3A_397 = arith.muli %add3A_395, %mul3A_396 : i32
      %get3A_398 = arith.index_cast %mul3A_397 : i32 to index
      %get3A_399 = tpu.vector_load %arg7[%get3A_398] {strides = array<i32>} : memref<4096xi32, #tpu.memory_space<vmem>>, vector<16xi32>,
      %gather3A_400 = tpu.vector_load_idx %arg5[%get3A_399] : memref<100000xf32, #tpu.memory_space<vmem>>[vector<16xi32>], vector<16xf32>,
      %swap3A_401 = arith.index_cast %mul3A_397 : i32 to index
      %swap3A_402 = tpu.vector_load %arg10[%swap3A_401] {strides = array<i32>} : memref<4096xf32, #tpu.memory_space<vmem>>, vector<16xf32>,
      tpu.vector_store %arg10[%swap3A_401], %gather3A_400 {strides = array<i32>} : memref<4096xf32, #tpu.memory_space<vmem>>, vector<16xf32>,
      %mul3A_403 = arith.constant 16 : i32
      %mul3A_404 = arith.muli %scan3A_240, %mul3A_403 : i32
      %add3A_405 = arith.constant 15 : i32
      %add3A_406 = arith.addi %mul3A_404, %add3A_405 : i32
      %mul3A_407 = arith.constant 16 : i32
      %mul3A_408 = arith.muli %add3A_406, %mul3A_407 : i32
      %get3A_409 = arith.index_cast %mul3A_408 : i32 to index
      %get3A_410 = tpu.vector_load %arg7[%get3A_409] {strides = array<i32>} : memref<4096xi32, #tpu.memory_space<vmem>>, vector<16xi32>,
      %gather3A_411 = tpu.vector_load_idx %arg5[%get3A_410] : memref<100000xf32, #tpu.memory_space<vmem>>[vector<16xi32>], vector<16xf32>,
      %swap3A_412 = arith.index_cast %mul3A_408 : i32 to index
      %swap3A_413 = tpu.vector_load %arg10[%swap3A_412] {strides = array<i32>} : memref<4096xf32, #tpu.memory_space<vmem>>, vector<16xf32>,
      tpu.vector_store %arg10[%swap3A_412], %gather3A_411 {strides = array<i32>} : memref<4096xf32, #tpu.memory_space<vmem>>, vector<16xf32>,
    }
    %scan3A_77 = arith.constant 16 : i32
    %add3A_78 = arith.constant 49 : i32
    %add3A_79 = arith.constant 3 : i32
    %add3A_80 = arith.addi %add3A_78, %add3A_79 : i32
    %lt3A_81 = arith.constant 50 : i32
    %lt3A_82 = arith.cmpi slt, %add3A_80, %lt3A_81 : i32
    %convert_element_type3A_83 = arith.extui %lt3A_82 : i1 to i32
    %cond3A_84 = arith.constant 0 : i32
    %cond3A_85 = arith.cmpi ne, %convert_element_type3A_83, %cond3A_84 : i32
    scf.if %cond3A_85 {
      %dma_start3A_240 = arith.constant 0 : i32
      %dma_start3A_241 = tpu.memref_slice %arg2[%add3A_80, %dma_start3A_240] : memref<50x4096xi32, #tpu.memory_space<hbm>> -> memref<1x4096xi32, #tpu.memory_space<hbm>>
      %dma_start3A_242 = tpu.memref_squeeze %dma_start3A_241 : memref<1x4096xi32, #tpu.memory_space<hbm>> -> memref<4096xi32, #tpu.memory_space<hbm>>
      %dma_start3A_243 = arith.constant 0 : i32
      %dma_start3A_244 = tpu.memref_slice %arg2[%add3A_80, %dma_start3A_243] : memref<50x4096xi32, #tpu.memory_space<hbm>> -> memref<1x4096xi32, #tpu.memory_space<hbm>>
      %dma_start3A_245 = tpu.memref_squeeze %dma_start3A_244 : memref<1x4096xi32, #tpu.memory_space<hbm>> -> memref<4096xi32, #tpu.memory_space<hbm>>
      tpu.enqueue_dma source(%dma_start3A_245 : memref<4096xi32, #tpu.memory_space<hbm>>) target(%arg7 : memref<4096xi32, #tpu.memory_space<vmem>>) target_semaphore(%arg13 : memref<!tpu.dma_semaphore, #tpu.memory_space<semaphore_mem>>)
    } else {
    }
    %dma_start3A_86 = arith.constant 49 : i32
    %dma_start3A_87 = arith.constant 0 : i32
    %dma_start3A_88 = tpu.memref_slice %arg4[%dma_start3A_86, %add3A_4, %dma_start3A_87] : memref<50x64x4096xf32, #tpu.memory_space<hbm>> -> memref<1x1x4096xf32, #tpu.memory_space<hbm>>
    %dma_start3A_89 = tpu.memref_squeeze %dma_start3A_88 : memref<1x1x4096xf32, #tpu.memory_space<hbm>> -> memref<4096xf32, #tpu.memory_space<hbm>>
    %dma_start3A_90 = arith.constant 0 : i32
    %dma_start3A_91 = tpu.memref_slice %arg4[%dma_start3A_86, %add3A_4, %dma_start3A_90] : memref<50x64x4096xf32, #tpu.memory_space<hbm>> -> memref<1x1x4096xf32, #tpu.memory_space<hbm>>
    %dma_start3A_92 = tpu.memref_squeeze %dma_start3A_91 : memref<1x1x4096xf32, #tpu.memory_space<hbm>> -> memref<4096xf32, #tpu.memory_space<hbm>>
    tpu.enqueue_dma source(%arg10 : memref<4096xf32, #tpu.memory_space<vmem>>) target(%dma_start3A_92 : memref<4096xf32, #tpu.memory_space<hbm>>) target_semaphore(%arg16 : memref<!tpu.dma_semaphore, #tpu.memory_space<semaphore_mem>>)
    %dma_wait3A_93 = arith.constant 0 : i32
    %dma_wait3A_94 = arith.constant 0 : i32
    %dma_wait3A_95 = arith.constant 0 : i32
    %dma_wait3A_96 = tpu.memref_slice %arg4[%dma_wait3A_93, %dma_wait3A_94, %dma_wait3A_95] : memref<50x64x4096xf32, #tpu.memory_space<hbm>> -> memref<1x1x4096xf32, #tpu.memory_space<hbm>>
    %dma_wait3A_97 = tpu.memref_squeeze %dma_wait3A_96 : memref<1x1x4096xf32, #tpu.memory_space<hbm>> -> memref<4096xf32, #tpu.memory_space<hbm>>
    %dma_wait3A_98 = arith.constant 0 : i32
    %dma_wait3A_99 = tpu.memref_slice %arg4[%dma_wait3A_93, %dma_wait3A_94, %dma_wait3A_98] : memref<50x64x4096xf32, #tpu.memory_space<hbm>> -> memref<1x1x4096xf32, #tpu.memory_space<hbm>>
    %dma_wait3A_100 = tpu.memref_squeeze %dma_wait3A_99 : memref<1x1x4096xf32, #tpu.memory_space<hbm>> -> memref<4096xf32, #tpu.memory_space<hbm>>
    tpu.wait_dma2 semaphore(%arg15 : memref<!tpu.dma_semaphore, #tpu.memory_space<semaphore_mem>>) src(%arg9 : memref<4096xf32, #tpu.memory_space<vmem>>) dst(%dma_wait3A_100 : memref<4096xf32, #tpu.memory_space<hbm>>)
    %dma_wait3A_101 = arith.constant 0 : i32
    %dma_wait3A_102 = arith.constant 0 : i32
    %dma_wait3A_103 = arith.constant 0 : i32
    %dma_wait3A_104 = tpu.memref_slice %arg4[%dma_wait3A_101, %dma_wait3A_102, %dma_wait3A_103] : memref<50x64x4096xf32, #tpu.memory_space<hbm>> -> memref<1x1x4096xf32, #tpu.memory_space<hbm>>
    %dma_wait3A_105 = tpu.memref_squeeze %dma_wait3A_104 : memref<1x1x4096xf32, #tpu.memory_space<hbm>> -> memref<4096xf32, #tpu.memory_space<hbm>>
    %dma_wait3A_106 = arith.constant 0 : i32
    %dma_wait3A_107 = tpu.memref_slice %arg4[%dma_wait3A_101, %dma_wait3A_102, %dma_wait3A_106] : memref<50x64x4096xf32, #tpu.memory_space<hbm>> -> memref<1x1x4096xf32, #tpu.memory_space<hbm>>
    %dma_wait3A_108 = tpu.memref_squeeze %dma_wait3A_107 : memref<1x1x4096xf32, #tpu.memory_space<hbm>> -> memref<4096xf32, #tpu.memory_space<hbm>>
    tpu.wait_dma2 semaphore(%arg16 : memref<!tpu.dma_semaphore, #tpu.memory_space<semaphore_mem>>) src(%arg10 : memref<4096xf32, #tpu.memory_space<vmem>>) dst(%dma_wait3A_108 : memref<4096xf32, #tpu.memory_space<hbm>>)
    %dma_wait3A_109 = arith.constant 0 : i32
    %dma_wait3A_110 = arith.constant 0 : i32
    %dma_wait3A_111 = arith.constant 0 : i32
    %dma_wait3A_112 = tpu.memref_slice %arg4[%dma_wait3A_109, %dma_wait3A_110, %dma_wait3A_111] : memref<50x64x4096xf32, #tpu.memory_space<hbm>> -> memref<1x1x4096xf32, #tpu.memory_space<hbm>>
    %dma_wait3A_113 = tpu.memref_squeeze %dma_wait3A_112 : memref<1x1x4096xf32, #tpu.memory_space<hbm>> -> memref<4096xf32, #tpu.memory_space<hbm>>
    %dma_wait3A_114 = arith.constant 0 : i32
    %dma_wait3A_115 = tpu.memref_slice %arg4[%dma_wait3A_109, %dma_wait3A_110, %dma_wait3A_114] : memref<50x64x4096xf32, #tpu.memory_space<hbm>> -> memref<1x1x4096xf32, #tpu.memory_space<hbm>>
    %dma_wait3A_116 = tpu.memref_squeeze %dma_wait3A_115 : memref<1x1x4096xf32, #tpu.memory_space<hbm>> -> memref<4096xf32, #tpu.memory_space<hbm>>
    tpu.wait_dma2 semaphore(%arg17 : memref<!tpu.dma_semaphore, #tpu.memory_space<semaphore_mem>>) src(%arg11 : memref<4096xf32, #tpu.memory_space<vmem>>) dst(%dma_wait3A_116 : memref<4096xf32, #tpu.memory_space<hbm>>)
    %mul3A_117 = arith.constant 2 : i32
    %mul3A_118 = arith.muli %add3A, %mul3A_117 : i32
    %add3A_119 = arith.constant 1 : i32
    %add3A_120 = arith.addi %mul3A_118, %add3A_119 : i32
    "tpu.region"() ({
      %run_scoped3A = tpu.sem_alloc : memref<!tpu.dma_semaphore, #tpu.memory_space<semaphore_mem>>
      %dma_start3A_240 = arith.constant 0 : i32
      %dma_start3A_241 = tpu.memref_slice %arg3[%add3A_120, %dma_start3A_240] : memref<64x100000xf32, #tpu.memory_space<hbm>> -> memref<1x100000xf32, #tpu.memory_space<hbm>>
      %dma_start3A_242 = tpu.memref_squeeze %dma_start3A_241 : memref<1x100000xf32, #tpu.memory_space<hbm>> -> memref<100000xf32, #tpu.memory_space<hbm>>
      %dma_start3A_243 = arith.constant 0 : i32
      %dma_start3A_244 = tpu.memref_slice %arg3[%add3A_120, %dma_start3A_243] : memref<64x100000xf32, #tpu.memory_space<hbm>> -> memref<1x100000xf32, #tpu.memory_space<hbm>>
      %dma_start3A_245 = tpu.memref_squeeze %dma_start3A_244 : memref<1x100000xf32, #tpu.memory_space<hbm>> -> memref<100000xf32, #tpu.memory_space<hbm>>
      tpu.enqueue_dma source(%dma_start3A_245 : memref<100000xf32, #tpu.memory_space<hbm>>) target(%arg5 : memref<100000xf32, #tpu.memory_space<vmem>>) target_semaphore(%run_scoped3A : memref<!tpu.dma_semaphore, #tpu.memory_space<semaphore_mem>>)
      %dma_wait3A_246 = arith.constant 0 : i32
      %dma_wait3A_247 = tpu.memref_slice %arg3[%add3A_120, %dma_wait3A_246] : memref<64x100000xf32, #tpu.memory_space<hbm>> -> memref<1x100000xf32, #tpu.memory_space<hbm>>
      %dma_wait3A_248 = tpu.memref_squeeze %dma_wait3A_247 : memref<1x100000xf32, #tpu.memory_space<hbm>> -> memref<100000xf32, #tpu.memory_space<hbm>>
      %dma_wait3A_249 = arith.constant 0 : i32
      %dma_wait3A_250 = tpu.memref_slice %arg3[%add3A_120, %dma_wait3A_249] : memref<64x100000xf32, #tpu.memory_space<hbm>> -> memref<1x100000xf32, #tpu.memory_space<hbm>>
      %dma_wait3A_251 = tpu.memref_squeeze %dma_wait3A_250 : memref<1x100000xf32, #tpu.memory_space<hbm>> -> memref<100000xf32, #tpu.memory_space<hbm>>
      tpu.wait_dma2 semaphore(%run_scoped3A : memref<!tpu.dma_semaphore, #tpu.memory_space<semaphore_mem>>) src(%dma_wait3A_251 : memref<100000xf32, #tpu.memory_space<hbm>>) dst(%arg5 : memref<100000xf32, #tpu.memory_space<vmem>>)
      tpu.yield
    }) : () -> ()
    %dma_start3A_121 = arith.constant 0 : i32
    %dma_start3A_122 = arith.constant 0 : i32
    %dma_start3A_123 = tpu.memref_slice %arg2[%dma_start3A_121, %dma_start3A_122] : memref<50x4096xi32, #tpu.memory_space<hbm>> -> memref<1x4096xi32, #tpu.memory_space<hbm>>
    %dma_start3A_124 = tpu.memref_squeeze %dma_start3A_123 : memref<1x4096xi32, #tpu.memory_space<hbm>> -> memref<4096xi32, #tpu.memory_space<hbm>>
    %dma_start3A_125 = arith.constant 0 : i32
    %dma_start3A_126 = tpu.memref_slice %arg2[%dma_start3A_121, %dma_start3A_125] : memref<50x4096xi32, #tpu.memory_space<hbm>> -> memref<1x4096xi32, #tpu.memory_space<hbm>>
    %dma_start3A_127 = tpu.memref_squeeze %dma_start3A_126 : memref<1x4096xi32, #tpu.memory_space<hbm>> -> memref<4096xi32, #tpu.memory_space<hbm>>
    tpu.enqueue_dma source(%dma_start3A_127 : memref<4096xi32, #tpu.memory_space<hbm>>) target(%arg6 : memref<4096xi32, #tpu.memory_space<vmem>>) target_semaphore(%arg12 : memref<!tpu.dma_semaphore, #tpu.memory_space<semaphore_mem>>)
    %dma_start3A_128 = arith.constant 1 : i32
    %dma_start3A_129 = arith.constant 0 : i32
    %dma_start3A_130 = tpu.memref_slice %arg2[%dma_start3A_128, %dma_start3A_129] : memref<50x4096xi32, #tpu.memory_space<hbm>> -> memref<1x4096xi32, #tpu.memory_space<hbm>>
    %dma_start3A_131 = tpu.memref_squeeze %dma_start3A_130 : memref<1x4096xi32, #tpu.memory_space<hbm>> -> memref<4096xi32, #tpu.memory_space<hbm>>
    %dma_start3A_132 = arith.constant 0 : i32
    %dma_start3A_133 = tpu.memref_slice %arg2[%dma_start3A_128, %dma_start3A_132] : memref<50x4096xi32, #tpu.memory_space<hbm>> -> memref<1x4096xi32, #tpu.memory_space<hbm>>
    %dma_start3A_134 = tpu.memref_squeeze %dma_start3A_133 : memref<1x4096xi32, #tpu.memory_space<hbm>> -> memref<4096xi32, #tpu.memory_space<hbm>>
    tpu.enqueue_dma source(%dma_start3A_134 : memref<4096xi32, #tpu.memory_space<hbm>>) target(%arg7 : memref<4096xi32, #tpu.memory_space<vmem>>) target_semaphore(%arg13 : memref<!tpu.dma_semaphore, #tpu.memory_space<semaphore_mem>>)
    %dma_start3A_135 = arith.constant 2 : i32
    %dma_start3A_136 = arith.constant 0 : i32
    %dma_start3A_137 = tpu.memref_slice %arg2[%dma_start3A_135, %dma_start3A_136] : memref<50x4096xi32, #tpu.memory_space<hbm>> -> memref<1x4096xi32, #tpu.memory_space<hbm>>
    %dma_start3A_138 = tpu.memref_squeeze %dma_start3A_137 : memref<1x4096xi32, #tpu.memory_space<hbm>> -> memref<4096xi32, #tpu.memory_space<hbm>>
    %dma_start3A_139 = arith.constant 0 : i32
    %dma_start3A_140 = tpu.memref_slice %arg2[%dma_start3A_135, %dma_start3A_139] : memref<50x4096xi32, #tpu.memory_space<hbm>> -> memref<1x4096xi32, #tpu.memory_space<hbm>>
    %dma_start3A_141 = tpu.memref_squeeze %dma_start3A_140 : memref<1x4096xi32, #tpu.memory_space<hbm>> -> memref<4096xi32, #tpu.memory_space<hbm>>
    tpu.enqueue_dma source(%dma_start3A_141 : memref<4096xi32, #tpu.memory_space<hbm>>) target(%arg8 : memref<4096xi32, #tpu.memory_space<vmem>>) target_semaphore(%arg14 : memref<!tpu.dma_semaphore, #tpu.memory_space<semaphore_mem>>)
    %scan3A_142 = arith.constant 0 : i32
    %scan3A_143 = arith.constant 0 : i32
    %scan3A_144 = arith.constant 16 : i32
    %scan3A_145 = arith.addi %scan3A_143, %scan3A_144 : i32
    %scan3A_146 = arith.constant 1 : i32
    scf.for %scan3A_240 = %scan3A_143 to %scan3A_145 step %scan3A_146  : i32 {
      %mul3A_241 = arith.constant 3 : i32
      %mul3A_242 = arith.muli %scan3A_240, %mul3A_241 : i32
      %add3A_243 = arith.constant 0 : i32
      %add3A_244 = arith.addi %mul3A_242, %add3A_243 : i32
      %dma_wait3A_245 = arith.constant 0 : i32
      %dma_wait3A_246 = arith.constant 0 : i32
      %dma_wait3A_247 = tpu.memref_slice %arg2[%dma_wait3A_245, %dma_wait3A_246] : memref<50x4096xi32, #tpu.memory_space<hbm>> -> memref<1x4096xi32, #tpu.memory_space<hbm>>
      %dma_wait3A_248 = tpu.memref_squeeze %dma_wait3A_247 : memref<1x4096xi32, #tpu.memory_space<hbm>> -> memref<4096xi32, #tpu.memory_space<hbm>>
      %dma_wait3A_249 = arith.constant 0 : i32
      %dma_wait3A_250 = tpu.memref_slice %arg2[%dma_wait3A_245, %dma_wait3A_249] : memref<50x4096xi32, #tpu.memory_space<hbm>> -> memref<1x4096xi32, #tpu.memory_space<hbm>>
      %dma_wait3A_251 = tpu.memref_squeeze %dma_wait3A_250 : memref<1x4096xi32, #tpu.memory_space<hbm>> -> memref<4096xi32, #tpu.memory_space<hbm>>
      tpu.wait_dma2 semaphore(%arg12 : memref<!tpu.dma_semaphore, #tpu.memory_space<semaphore_mem>>) src(%dma_wait3A_251 : memref<4096xi32, #tpu.memory_space<hbm>>) dst(%arg6 : memref<4096xi32, #tpu.memory_space<vmem>>)
      %ge3A_252 = arith.constant 3 : i32
      %ge3A_253 = arith.cmpi sge, %add3A_244, %ge3A_252 : i32
      %convert_element_type3A_254 = arith.extui %ge3A_253 : i1 to i32
      %cond3A_255 = arith.constant 0 : i32
      %cond3A_256 = arith.cmpi ne, %convert_element_type3A_254, %cond3A_255 : i32
      scf.if %cond3A_256 {
        %dma_wait3A_346 = arith.constant 0 : i32
        %dma_wait3A_347 = arith.constant 0 : i32
        %dma_wait3A_348 = arith.constant 0 : i32
        %dma_wait3A_349 = tpu.memref_slice %arg4[%dma_wait3A_346, %dma_wait3A_347, %dma_wait3A_348] : memref<50x64x4096xf32, #tpu.memory_space<hbm>> -> memref<1x1x4096xf32, #tpu.memory_space<hbm>>
        %dma_wait3A_350 = tpu.memref_squeeze %dma_wait3A_349 : memref<1x1x4096xf32, #tpu.memory_space<hbm>> -> memref<4096xf32, #tpu.memory_space<hbm>>
        %dma_wait3A_351 = arith.constant 0 : i32
        %dma_wait3A_352 = tpu.memref_slice %arg4[%dma_wait3A_346, %dma_wait3A_347, %dma_wait3A_351] : memref<50x64x4096xf32, #tpu.memory_space<hbm>> -> memref<1x1x4096xf32, #tpu.memory_space<hbm>>
        %dma_wait3A_353 = tpu.memref_squeeze %dma_wait3A_352 : memref<1x1x4096xf32, #tpu.memory_space<hbm>> -> memref<4096xf32, #tpu.memory_space<hbm>>
        tpu.wait_dma2 semaphore(%arg15 : memref<!tpu.dma_semaphore, #tpu.memory_space<semaphore_mem>>) src(%arg9 : memref<4096xf32, #tpu.memory_space<vmem>>) dst(%dma_wait3A_353 : memref<4096xf32, #tpu.memory_space<hbm>>)
      } else {
      }
      %scan3A_257 = arith.constant 0 : i32
      %scan3A_258 = arith.constant 0 : i32
      %scan3A_259 = arith.constant 16 : i32
      %scan3A_260 = arith.addi %scan3A_258, %scan3A_259 : i32
      %scan3A_261 = arith.constant 1 : i32
      scf.for %scan3A_346 = %scan3A_258 to %scan3A_260 step %scan3A_261  : i32 {
        %mul3A_347 = arith.constant 16 : i32
        %mul3A_348 = arith.muli %scan3A_346, %mul3A_347 : i32
        %add3A_349 = arith.constant 0 : i32
        %add3A_350 = arith.addi %mul3A_348, %add3A_349 : i32
        %mul3A_351 = arith.constant 16 : i32
        %mul3A_352 = arith.muli %add3A_350, %mul3A_351 : i32
        %get3A = arith.index_cast %mul3A_352 : i32 to index
        %get3A_353 = tpu.vector_load %arg6[%get3A] {strides = array<i32>} : memref<4096xi32, #tpu.memory_space<vmem>>, vector<16xi32>,
        %gather3A = tpu.vector_load_idx %arg5[%get3A_353] : memref<100000xf32, #tpu.memory_space<vmem>>[vector<16xi32>], vector<16xf32>,
        %swap3A = arith.index_cast %mul3A_352 : i32 to index
        %swap3A_354 = tpu.vector_load %arg9[%swap3A] {strides = array<i32>} : memref<4096xf32, #tpu.memory_space<vmem>>, vector<16xf32>,
        tpu.vector_store %arg9[%swap3A], %gather3A {strides = array<i32>} : memref<4096xf32, #tpu.memory_space<vmem>>, vector<16xf32>,
        %mul3A_355 = arith.constant 16 : i32
        %mul3A_356 = arith.muli %scan3A_346, %mul3A_355 : i32
        %add3A_357 = arith.constant 1 : i32
        %add3A_358 = arith.addi %mul3A_356, %add3A_357 : i32
        %mul3A_359 = arith.constant 16 : i32
        %mul3A_360 = arith.muli %add3A_358, %mul3A_359 : i32
        %get3A_361 = arith.index_cast %mul3A_360 : i32 to index
        %get3A_362 = tpu.vector_load %arg6[%get3A_361] {strides = array<i32>} : memref<4096xi32, #tpu.memory_space<vmem>>, vector<16xi32>,
        %gather3A_363 = tpu.vector_load_idx %arg5[%get3A_362] : memref<100000xf32, #tpu.memory_space<vmem>>[vector<16xi32>], vector<16xf32>,
        %swap3A_364 = arith.index_cast %mul3A_360 : i32 to index
        %swap3A_365 = tpu.vector_load %arg9[%swap3A_364] {strides = array<i32>} : memref<4096xf32, #tpu.memory_space<vmem>>, vector<16xf32>,
        tpu.vector_store %arg9[%swap3A_364], %gather3A_363 {strides = array<i32>} : memref<4096xf32, #tpu.memory_space<vmem>>, vector<16xf32>,
        %mul3A_366 = arith.constant 16 : i32
        %mul3A_367 = arith.muli %scan3A_346, %mul3A_366 : i32
        %add3A_368 = arith.constant 2 : i32
        %add3A_369 = arith.addi %mul3A_367, %add3A_368 : i32
        %mul3A_370 = arith.constant 16 : i32
        %mul3A_371 = arith.muli %add3A_369, %mul3A_370 : i32
        %get3A_372 = arith.index_cast %mul3A_371 : i32 to index
        %get3A_373 = tpu.vector_load %arg6[%get3A_372] {strides = array<i32>} : memref<4096xi32, #tpu.memory_space<vmem>>, vector<16xi32>,
        %gather3A_374 = tpu.vector_load_idx %arg5[%get3A_373] : memref<100000xf32, #tpu.memory_space<vmem>>[vector<16xi32>], vector<16xf32>,
        %swap3A_375 = arith.index_cast %mul3A_371 : i32 to index
        %swap3A_376 = tpu.vector_load %arg9[%swap3A_375] {strides = array<i32>} : memref<4096xf32, #tpu.memory_space<vmem>>, vector<16xf32>,
        tpu.vector_store %arg9[%swap3A_375], %gather3A_374 {strides = array<i32>} : memref<4096xf32, #tpu.memory_space<vmem>>, vector<16xf32>,
        %mul3A_377 = arith.constant 16 : i32
        %mul3A_378 = arith.muli %scan3A_346, %mul3A_377 : i32
        %add3A_379 = arith.constant 3 : i32
        %add3A_380 = arith.addi %mul3A_378, %add3A_379 : i32
        %mul3A_381 = arith.constant 16 : i32
        %mul3A_382 = arith.muli %add3A_380, %mul3A_381 : i32
        %get3A_383 = arith.index_cast %mul3A_382 : i32 to index
        %get3A_384 = tpu.vector_load %arg6[%get3A_383] {strides = array<i32>} : memref<4096xi32, #tpu.memory_space<vmem>>, vector<16xi32>,
        %gather3A_385 = tpu.vector_load_idx %arg5[%get3A_384] : memref<100000xf32, #tpu.memory_space<vmem>>[vector<16xi32>], vector<16xf32>,
        %swap3A_386 = arith.index_cast %mul3A_382 : i32 to index
        %swap3A_387 = tpu.vector_load %arg9[%swap3A_386] {strides = array<i32>} : memref<4096xf32, #tpu.memory_space<vmem>>, vector<16xf32>,
        tpu.vector_store %arg9[%swap3A_386], %gather3A_385 {strides = array<i32>} : memref<4096xf32, #tpu.memory_space<vmem>>, vector<16xf32>,
        %mul3A_388 = arith.constant 16 : i32
        %mul3A_389 = arith.muli %scan3A_346, %mul3A_388 : i32
        %add3A_390 = arith.constant 4 : i32
        %add3A_391 = arith.addi %mul3A_389, %add3A_390 : i32
        %mul3A_392 = arith.constant 16 : i32
        %mul3A_393 = arith.muli %add3A_391, %mul3A_392 : i32
        %get3A_394 = arith.index_cast %mul3A_393 : i32 to index
        %get3A_395 = tpu.vector_load %arg6[%get3A_394] {strides = array<i32>} : memref<4096xi32, #tpu.memory_space<vmem>>, vector<16xi32>,
        %gather3A_396 = tpu.vector_load_idx %arg5[%get3A_395] : memref<100000xf32, #tpu.memory_space<vmem>>[vector<16xi32>], vector<16xf32>,
        %swap3A_397 = arith.index_cast %mul3A_393 : i32 to index
        %swap3A_398 = tpu.vector_load %arg9[%swap3A_397] {strides = array<i32>} : memref<4096xf32, #tpu.memory_space<vmem>>, vector<16xf32>,
        tpu.vector_store %arg9[%swap3A_397], %gather3A_396 {strides = array<i32>} : memref<4096xf32, #tpu.memory_space<vmem>>, vector<16xf32>,
        %mul3A_399 = arith.constant 16 : i32
        %mul3A_400 = arith.muli %scan3A_346, %mul3A_399 : i32
        %add3A_401 = arith.constant 5 : i32
        %add3A_402 = arith.addi %mul3A_400, %add3A_401 : i32
        %mul3A_403 = arith.constant 16 : i32
        %mul3A_404 = arith.muli %add3A_402, %mul3A_403 : i32
        %get3A_405 = arith.index_cast %mul3A_404 : i32 to index
        %get3A_406 = tpu.vector_load %arg6[%get3A_405] {strides = array<i32>} : memref<4096xi32, #tpu.memory_space<vmem>>, vector<16xi32>,
        %gather3A_407 = tpu.vector_load_idx %arg5[%get3A_406] : memref<100000xf32, #tpu.memory_space<vmem>>[vector<16xi32>], vector<16xf32>,
        %swap3A_408 = arith.index_cast %mul3A_404 : i32 to index
        %swap3A_409 = tpu.vector_load %arg9[%swap3A_408] {strides = array<i32>} : memref<4096xf32, #tpu.memory_space<vmem>>, vector<16xf32>,
        tpu.vector_store %arg9[%swap3A_408], %gather3A_407 {strides = array<i32>} : memref<4096xf32, #tpu.memory_space<vmem>>, vector<16xf32>,
        %mul3A_410 = arith.constant 16 : i32
        %mul3A_411 = arith.muli %scan3A_346, %mul3A_410 : i32
        %add3A_412 = arith.constant 6 : i32
        %add3A_413 = arith.addi %mul3A_411, %add3A_412 : i32
        %mul3A_414 = arith.constant 16 : i32
        %mul3A_415 = arith.muli %add3A_413, %mul3A_414 : i32
        %get3A_416 = arith.index_cast %mul3A_415 : i32 to index
        %get3A_417 = tpu.vector_load %arg6[%get3A_416] {strides = array<i32>} : memref<4096xi32, #tpu.memory_space<vmem>>, vector<16xi32>,
        %gather3A_418 = tpu.vector_load_idx %arg5[%get3A_417] : memref<100000xf32, #tpu.memory_space<vmem>>[vector<16xi32>], vector<16xf32>,
        %swap3A_419 = arith.index_cast %mul3A_415 : i32 to index
        %swap3A_420 = tpu.vector_load %arg9[%swap3A_419] {strides = array<i32>} : memref<4096xf32, #tpu.memory_space<vmem>>, vector<16xf32>,
        tpu.vector_store %arg9[%swap3A_419], %gather3A_418 {strides = array<i32>} : memref<4096xf32, #tpu.memory_space<vmem>>, vector<16xf32>,
        %mul3A_421 = arith.constant 16 : i32
        %mul3A_422 = arith.muli %scan3A_346, %mul3A_421 : i32
        %add3A_423 = arith.constant 7 : i32
        %add3A_424 = arith.addi %mul3A_422, %add3A_423 : i32
        %mul3A_425 = arith.constant 16 : i32
        %mul3A_426 = arith.muli %add3A_424, %mul3A_425 : i32
        %get3A_427 = arith.index_cast %mul3A_426 : i32 to index
        %get3A_428 = tpu.vector_load %arg6[%get3A_427] {strides = array<i32>} : memref<4096xi32, #tpu.memory_space<vmem>>, vector<16xi32>,
        %gather3A_429 = tpu.vector_load_idx %arg5[%get3A_428] : memref<100000xf32, #tpu.memory_space<vmem>>[vector<16xi32>], vector<16xf32>,
        %swap3A_430 = arith.index_cast %mul3A_426 : i32 to index
        %swap3A_431 = tpu.vector_load %arg9[%swap3A_430] {strides = array<i32>} : memref<4096xf32, #tpu.memory_space<vmem>>, vector<16xf32>,
        tpu.vector_store %arg9[%swap3A_430], %gather3A_429 {strides = array<i32>} : memref<4096xf32, #tpu.memory_space<vmem>>, vector<16xf32>,
        %mul3A_432 = arith.constant 16 : i32
        %mul3A_433 = arith.muli %scan3A_346, %mul3A_432 : i32
        %add3A_434 = arith.constant 8 : i32
        %add3A_435 = arith.addi %mul3A_433, %add3A_434 : i32
        %mul3A_436 = arith.constant 16 : i32
        %mul3A_437 = arith.muli %add3A_435, %mul3A_436 : i32
        %get3A_438 = arith.index_cast %mul3A_437 : i32 to index
        %get3A_439 = tpu.vector_load %arg6[%get3A_438] {strides = array<i32>} : memref<4096xi32, #tpu.memory_space<vmem>>, vector<16xi32>,
        %gather3A_440 = tpu.vector_load_idx %arg5[%get3A_439] : memref<100000xf32, #tpu.memory_space<vmem>>[vector<16xi32>], vector<16xf32>,
        %swap3A_441 = arith.index_cast %mul3A_437 : i32 to index
        %swap3A_442 = tpu.vector_load %arg9[%swap3A_441] {strides = array<i32>} : memref<4096xf32, #tpu.memory_space<vmem>>, vector<16xf32>,
        tpu.vector_store %arg9[%swap3A_441], %gather3A_440 {strides = array<i32>} : memref<4096xf32, #tpu.memory_space<vmem>>, vector<16xf32>,
        %mul3A_443 = arith.constant 16 : i32
        %mul3A_444 = arith.muli %scan3A_346, %mul3A_443 : i32
        %add3A_445 = arith.constant 9 : i32
        %add3A_446 = arith.addi %mul3A_444, %add3A_445 : i32
        %mul3A_447 = arith.constant 16 : i32
        %mul3A_448 = arith.muli %add3A_446, %mul3A_447 : i32
        %get3A_449 = arith.index_cast %mul3A_448 : i32 to index
        %get3A_450 = tpu.vector_load %arg6[%get3A_449] {strides = array<i32>} : memref<4096xi32, #tpu.memory_space<vmem>>, vector<16xi32>,
        %gather3A_451 = tpu.vector_load_idx %arg5[%get3A_450] : memref<100000xf32, #tpu.memory_space<vmem>>[vector<16xi32>], vector<16xf32>,
        %swap3A_452 = arith.index_cast %mul3A_448 : i32 to index
        %swap3A_453 = tpu.vector_load %arg9[%swap3A_452] {strides = array<i32>} : memref<4096xf32, #tpu.memory_space<vmem>>, vector<16xf32>,
        tpu.vector_store %arg9[%swap3A_452], %gather3A_451 {strides = array<i32>} : memref<4096xf32, #tpu.memory_space<vmem>>, vector<16xf32>,
        %mul3A_454 = arith.constant 16 : i32
        %mul3A_455 = arith.muli %scan3A_346, %mul3A_454 : i32
        %add3A_456 = arith.constant 10 : i32
        %add3A_457 = arith.addi %mul3A_455, %add3A_456 : i32
        %mul3A_458 = arith.constant 16 : i32
        %mul3A_459 = arith.muli %add3A_457, %mul3A_458 : i32
        %get3A_460 = arith.index_cast %mul3A_459 : i32 to index
        %get3A_461 = tpu.vector_load %arg6[%get3A_460] {strides = array<i32>} : memref<4096xi32, #tpu.memory_space<vmem>>, vector<16xi32>,
        %gather3A_462 = tpu.vector_load_idx %arg5[%get3A_461] : memref<100000xf32, #tpu.memory_space<vmem>>[vector<16xi32>], vector<16xf32>,
        %swap3A_463 = arith.index_cast %mul3A_459 : i32 to index
        %swap3A_464 = tpu.vector_load %arg9[%swap3A_463] {strides = array<i32>} : memref<4096xf32, #tpu.memory_space<vmem>>, vector<16xf32>,
        tpu.vector_store %arg9[%swap3A_463], %gather3A_462 {strides = array<i32>} : memref<4096xf32, #tpu.memory_space<vmem>>, vector<16xf32>,
        %mul3A_465 = arith.constant 16 : i32
        %mul3A_466 = arith.muli %scan3A_346, %mul3A_465 : i32
        %add3A_467 = arith.constant 11 : i32
        %add3A_468 = arith.addi %mul3A_466, %add3A_467 : i32
        %mul3A_469 = arith.constant 16 : i32
        %mul3A_470 = arith.muli %add3A_468, %mul3A_469 : i32
        %get3A_471 = arith.index_cast %mul3A_470 : i32 to index
        %get3A_472 = tpu.vector_load %arg6[%get3A_471] {strides = array<i32>} : memref<4096xi32, #tpu.memory_space<vmem>>, vector<16xi32>,
        %gather3A_473 = tpu.vector_load_idx %arg5[%get3A_472] : memref<100000xf32, #tpu.memory_space<vmem>>[vector<16xi32>], vector<16xf32>,
        %swap3A_474 = arith.index_cast %mul3A_470 : i32 to index
        %swap3A_475 = tpu.vector_load %arg9[%swap3A_474] {strides = array<i32>} : memref<4096xf32, #tpu.memory_space<vmem>>, vector<16xf32>,
        tpu.vector_store %arg9[%swap3A_474], %gather3A_473 {strides = array<i32>} : memref<4096xf32, #tpu.memory_space<vmem>>, vector<16xf32>,
        %mul3A_476 = arith.constant 16 : i32
        %mul3A_477 = arith.muli %scan3A_346, %mul3A_476 : i32
        %add3A_478 = arith.constant 12 : i32
        %add3A_479 = arith.addi %mul3A_477, %add3A_478 : i32
        %mul3A_480 = arith.constant 16 : i32
        %mul3A_481 = arith.muli %add3A_479, %mul3A_480 : i32
        %get3A_482 = arith.index_cast %mul3A_481 : i32 to index
        %get3A_483 = tpu.vector_load %arg6[%get3A_482] {strides = array<i32>} : memref<4096xi32, #tpu.memory_space<vmem>>, vector<16xi32>,
        %gather3A_484 = tpu.vector_load_idx %arg5[%get3A_483] : memref<100000xf32, #tpu.memory_space<vmem>>[vector<16xi32>], vector<16xf32>,
        %swap3A_485 = arith.index_cast %mul3A_481 : i32 to index
        %swap3A_486 = tpu.vector_load %arg9[%swap3A_485] {strides = array<i32>} : memref<4096xf32, #tpu.memory_space<vmem>>, vector<16xf32>,
        tpu.vector_store %arg9[%swap3A_485], %gather3A_484 {strides = array<i32>} : memref<4096xf32, #tpu.memory_space<vmem>>, vector<16xf32>,
        %mul3A_487 = arith.constant 16 : i32
        %mul3A_488 = arith.muli %scan3A_346, %mul3A_487 : i32
        %add3A_489 = arith.constant 13 : i32
        %add3A_490 = arith.addi %mul3A_488, %add3A_489 : i32
        %mul3A_491 = arith.constant 16 : i32
        %mul3A_492 = arith.muli %add3A_490, %mul3A_491 : i32
        %get3A_493 = arith.index_cast %mul3A_492 : i32 to index
        %get3A_494 = tpu.vector_load %arg6[%get3A_493] {strides = array<i32>} : memref<4096xi32, #tpu.memory_space<vmem>>, vector<16xi32>,
        %gather3A_495 = tpu.vector_load_idx %arg5[%get3A_494] : memref<100000xf32, #tpu.memory_space<vmem>>[vector<16xi32>], vector<16xf32>,
        %swap3A_496 = arith.index_cast %mul3A_492 : i32 to index
        %swap3A_497 = tpu.vector_load %arg9[%swap3A_496] {strides = array<i32>} : memref<4096xf32, #tpu.memory_space<vmem>>, vector<16xf32>,
        tpu.vector_store %arg9[%swap3A_496], %gather3A_495 {strides = array<i32>} : memref<4096xf32, #tpu.memory_space<vmem>>, vector<16xf32>,
        %mul3A_498 = arith.constant 16 : i32
        %mul3A_499 = arith.muli %scan3A_346, %mul3A_498 : i32
        %add3A_500 = arith.constant 14 : i32
        %add3A_501 = arith.addi %mul3A_499, %add3A_500 : i32
        %mul3A_502 = arith.constant 16 : i32
        %mul3A_503 = arith.muli %add3A_501, %mul3A_502 : i32
        %get3A_504 = arith.index_cast %mul3A_503 : i32 to index
        %get3A_505 = tpu.vector_load %arg6[%get3A_504] {strides = array<i32>} : memref<4096xi32, #tpu.memory_space<vmem>>, vector<16xi32>,
        %gather3A_506 = tpu.vector_load_idx %arg5[%get3A_505] : memref<100000xf32, #tpu.memory_space<vmem>>[vector<16xi32>], vector<16xf32>,
        %swap3A_507 = arith.index_cast %mul3A_503 : i32 to index
        %swap3A_508 = tpu.vector_load %arg9[%swap3A_507] {strides = array<i32>} : memref<4096xf32, #tpu.memory_space<vmem>>, vector<16xf32>,
        tpu.vector_store %arg9[%swap3A_507], %gather3A_506 {strides = array<i32>} : memref<4096xf32, #tpu.memory_space<vmem>>, vector<16xf32>,
        %mul3A_509 = arith.constant 16 : i32
        %mul3A_510 = arith.muli %scan3A_346, %mul3A_509 : i32
        %add3A_511 = arith.constant 15 : i32
        %add3A_512 = arith.addi %mul3A_510, %add3A_511 : i32
        %mul3A_513 = arith.constant 16 : i32
        %mul3A_514 = arith.muli %add3A_512, %mul3A_513 : i32
        %get3A_515 = arith.index_cast %mul3A_514 : i32 to index
        %get3A_516 = tpu.vector_load %arg6[%get3A_515] {strides = array<i32>} : memref<4096xi32, #tpu.memory_space<vmem>>, vector<16xi32>,
        %gather3A_517 = tpu.vector_load_idx %arg5[%get3A_516] : memref<100000xf32, #tpu.memory_space<vmem>>[vector<16xi32>], vector<16xf32>,
        %swap3A_518 = arith.index_cast %mul3A_514 : i32 to index
        %swap3A_519 = tpu.vector_load %arg9[%swap3A_518] {strides = array<i32>} : memref<4096xf32, #tpu.memory_space<vmem>>, vector<16xf32>,
        tpu.vector_store %arg9[%swap3A_518], %gather3A_517 {strides = array<i32>} : memref<4096xf32, #tpu.memory_space<vmem>>, vector<16xf32>,
      }
      %scan3A_262 = arith.constant 16 : i32
      %add3A_263 = arith.constant 3 : i32
      %add3A_264 = arith.addi %add3A_244, %add3A_263 : i32
      %lt3A_265 = arith.constant 50 : i32
      %lt3A_266 = arith.cmpi slt, %add3A_264, %lt3A_265 : i32
      %convert_element_type3A_267 = arith.extui %lt3A_266 : i1 to i32
      %cond3A_268 = arith.constant 0 : i32
      %cond3A_269 = arith.cmpi ne, %convert_element_type3A_267, %cond3A_268 : i32
      scf.if %cond3A_269 {
        %dma_start3A_346 = arith.constant 0 : i32
        %dma_start3A_347 = tpu.memref_slice %arg2[%add3A_264, %dma_start3A_346] : memref<50x4096xi32, #tpu.memory_space<hbm>> -> memref<1x4096xi32, #tpu.memory_space<hbm>>
        %dma_start3A_348 = tpu.memref_squeeze %dma_start3A_347 : memref<1x4096xi32, #tpu.memory_space<hbm>> -> memref<4096xi32, #tpu.memory_space<hbm>>
        %dma_start3A_349 = arith.constant 0 : i32
        %dma_start3A_350 = tpu.memref_slice %arg2[%add3A_264, %dma_start3A_349] : memref<50x4096xi32, #tpu.memory_space<hbm>> -> memref<1x4096xi32, #tpu.memory_space<hbm>>
        %dma_start3A_351 = tpu.memref_squeeze %dma_start3A_350 : memref<1x4096xi32, #tpu.memory_space<hbm>> -> memref<4096xi32, #tpu.memory_space<hbm>>
        tpu.enqueue_dma source(%dma_start3A_351 : memref<4096xi32, #tpu.memory_space<hbm>>) target(%arg6 : memref<4096xi32, #tpu.memory_space<vmem>>) target_semaphore(%arg12 : memref<!tpu.dma_semaphore, #tpu.memory_space<semaphore_mem>>)
      } else {
      }
      %dma_start3A_270 = arith.constant 0 : i32
      %dma_start3A_271 = tpu.memref_slice %arg4[%add3A_244, %add3A_120, %dma_start3A_270] : memref<50x64x4096xf32, #tpu.memory_space<hbm>> -> memref<1x1x4096xf32, #tpu.memory_space<hbm>>
      %dma_start3A_272 = tpu.memref_squeeze %dma_start3A_271 : memref<1x1x4096xf32, #tpu.memory_space<hbm>> -> memref<4096xf32, #tpu.memory_space<hbm>>
      %dma_start3A_273 = arith.constant 0 : i32
      %dma_start3A_274 = tpu.memref_slice %arg4[%add3A_244, %add3A_120, %dma_start3A_273] : memref<50x64x4096xf32, #tpu.memory_space<hbm>> -> memref<1x1x4096xf32, #tpu.memory_space<hbm>>
      %dma_start3A_275 = tpu.memref_squeeze %dma_start3A_274 : memref<1x1x4096xf32, #tpu.memory_space<hbm>> -> memref<4096xf32, #tpu.memory_space<hbm>>
      tpu.enqueue_dma source(%arg9 : memref<4096xf32, #tpu.memory_space<vmem>>) target(%dma_start3A_275 : memref<4096xf32, #tpu.memory_space<hbm>>) target_semaphore(%arg15 : memref<!tpu.dma_semaphore, #tpu.memory_space<semaphore_mem>>)
      %mul3A_276 = arith.constant 3 : i32
      %mul3A_277 = arith.muli %scan3A_240, %mul3A_276 : i32
      %add3A_278 = arith.constant 1 : i32
      %add3A_279 = arith.addi %mul3A_277, %add3A_278 : i32
      %dma_wait3A_280 = arith.constant 0 : i32
      %dma_wait3A_281 = arith.constant 0 : i32
      %dma_wait3A_282 = tpu.memref_slice %arg2[%dma_wait3A_280, %dma_wait3A_281] : memref<50x4096xi32, #tpu.memory_space<hbm>> -> memref<1x4096xi32, #tpu.memory_space<hbm>>
      %dma_wait3A_283 = tpu.memref_squeeze %dma_wait3A_282 : memref<1x4096xi32, #tpu.memory_space<hbm>> -> memref<4096xi32, #tpu.memory_space<hbm>>
      %dma_wait3A_284 = arith.constant 0 : i32
      %dma_wait3A_285 = tpu.memref_slice %arg2[%dma_wait3A_280, %dma_wait3A_284] : memref<50x4096xi32, #tpu.memory_space<hbm>> -> memref<1x4096xi32, #tpu.memory_space<hbm>>
      %dma_wait3A_286 = tpu.memref_squeeze %dma_wait3A_285 : memref<1x4096xi32, #tpu.memory_space<hbm>> -> memref<4096xi32, #tpu.memory_space<hbm>>
      tpu.wait_dma2 semaphore(%arg13 : memref<!tpu.dma_semaphore, #tpu.memory_space<semaphore_mem>>) src(%dma_wait3A_286 : memref<4096xi32, #tpu.memory_space<hbm>>) dst(%arg7 : memref<4096xi32, #tpu.memory_space<vmem>>)
      %ge3A_287 = arith.constant 3 : i32
      %ge3A_288 = arith.cmpi sge, %add3A_279, %ge3A_287 : i32
      %convert_element_type3A_289 = arith.extui %ge3A_288 : i1 to i32
      %cond3A_290 = arith.constant 0 : i32
      %cond3A_291 = arith.cmpi ne, %convert_element_type3A_289, %cond3A_290 : i32
      scf.if %cond3A_291 {
        %dma_wait3A_346 = arith.constant 0 : i32
        %dma_wait3A_347 = arith.constant 0 : i32
        %dma_wait3A_348 = arith.constant 0 : i32
        %dma_wait3A_349 = tpu.memref_slice %arg4[%dma_wait3A_346, %dma_wait3A_347, %dma_wait3A_348] : memref<50x64x4096xf32, #tpu.memory_space<hbm>> -> memref<1x1x4096xf32, #tpu.memory_space<hbm>>
        %dma_wait3A_350 = tpu.memref_squeeze %dma_wait3A_349 : memref<1x1x4096xf32, #tpu.memory_space<hbm>> -> memref<4096xf32, #tpu.memory_space<hbm>>
        %dma_wait3A_351 = arith.constant 0 : i32
        %dma_wait3A_352 = tpu.memref_slice %arg4[%dma_wait3A_346, %dma_wait3A_347, %dma_wait3A_351] : memref<50x64x4096xf32, #tpu.memory_space<hbm>> -> memref<1x1x4096xf32, #tpu.memory_space<hbm>>
        %dma_wait3A_353 = tpu.memref_squeeze %dma_wait3A_352 : memref<1x1x4096xf32, #tpu.memory_space<hbm>> -> memref<4096xf32, #tpu.memory_space<hbm>>
        tpu.wait_dma2 semaphore(%arg16 : memref<!tpu.dma_semaphore, #tpu.memory_space<semaphore_mem>>) src(%arg10 : memref<4096xf32, #tpu.memory_space<vmem>>) dst(%dma_wait3A_353 : memref<4096xf32, #tpu.memory_space<hbm>>)
      } else {
      }
      %scan3A_292 = arith.constant 0 : i32
      %scan3A_293 = arith.constant 0 : i32
      %scan3A_294 = arith.constant 16 : i32
      %scan3A_295 = arith.addi %scan3A_293, %scan3A_294 : i32
      %scan3A_296 = arith.constant 1 : i32
      scf.for %scan3A_346 = %scan3A_293 to %scan3A_295 step %scan3A_296  : i32 {
        %mul3A_347 = arith.constant 16 : i32
        %mul3A_348 = arith.muli %scan3A_346, %mul3A_347 : i32
        %add3A_349 = arith.constant 0 : i32
        %add3A_350 = arith.addi %mul3A_348, %add3A_349 : i32
        %mul3A_351 = arith.constant 16 : i32
        %mul3A_352 = arith.muli %add3A_350, %mul3A_351 : i32
        %get3A = arith.index_cast %mul3A_352 : i32 to index
        %get3A_353 = tpu.vector_load %arg7[%get3A] {strides = array<i32>} : memref<4096xi32, #tpu.memory_space<vmem>>, vector<16xi32>,
        %gather3A = tpu.vector_load_idx %arg5[%get3A_353] : memref<100000xf32, #tpu.memory_space<vmem>>[vector<16xi32>], vector<16xf32>,
        %swap3A = arith.index_cast %mul3A_352 : i32 to index
        %swap3A_354 = tpu.vector_load %arg10[%swap3A] {strides = array<i32>} : memref<4096xf32, #tpu.memory_space<vmem>>, vector<16xf32>,
        tpu.vector_store %arg10[%swap3A], %gather3A {strides = array<i32>} : memref<4096xf32, #tpu.memory_space<vmem>>, vector<16xf32>,
        %mul3A_355 = arith.constant 16 : i32
        %mul3A_356 = arith.muli %scan3A_346, %mul3A_355 : i32
        %add3A_357 = arith.constant 1 : i32
        %add3A_358 = arith.addi %mul3A_356, %add3A_357 : i32
        %mul3A_359 = arith.constant 16 : i32
        %mul3A_360 = arith.muli %add3A_358, %mul3A_359 : i32
        %get3A_361 = arith.index_cast %mul3A_360 : i32 to index
        %get3A_362 = tpu.vector_load %arg7[%get3A_361] {strides = array<i32>} : memref<4096xi32, #tpu.memory_space<vmem>>, vector<16xi32>,
        %gather3A_363 = tpu.vector_load_idx %arg5[%get3A_362] : memref<100000xf32, #tpu.memory_space<vmem>>[vector<16xi32>], vector<16xf32>,
        %swap3A_364 = arith.index_cast %mul3A_360 : i32 to index
        %swap3A_365 = tpu.vector_load %arg10[%swap3A_364] {strides = array<i32>} : memref<4096xf32, #tpu.memory_space<vmem>>, vector<16xf32>,
        tpu.vector_store %arg10[%swap3A_364], %gather3A_363 {strides = array<i32>} : memref<4096xf32, #tpu.memory_space<vmem>>, vector<16xf32>,
        %mul3A_366 = arith.constant 16 : i32
        %mul3A_367 = arith.muli %scan3A_346, %mul3A_366 : i32
        %add3A_368 = arith.constant 2 : i32
        %add3A_369 = arith.addi %mul3A_367, %add3A_368 : i32
        %mul3A_370 = arith.constant 16 : i32
        %mul3A_371 = arith.muli %add3A_369, %mul3A_370 : i32
        %get3A_372 = arith.index_cast %mul3A_371 : i32 to index
        %get3A_373 = tpu.vector_load %arg7[%get3A_372] {strides = array<i32>} : memref<4096xi32, #tpu.memory_space<vmem>>, vector<16xi32>,
        %gather3A_374 = tpu.vector_load_idx %arg5[%get3A_373] : memref<100000xf32, #tpu.memory_space<vmem>>[vector<16xi32>], vector<16xf32>,
        %swap3A_375 = arith.index_cast %mul3A_371 : i32 to index
        %swap3A_376 = tpu.vector_load %arg10[%swap3A_375] {strides = array<i32>} : memref<4096xf32, #tpu.memory_space<vmem>>, vector<16xf32>,
        tpu.vector_store %arg10[%swap3A_375], %gather3A_374 {strides = array<i32>} : memref<4096xf32, #tpu.memory_space<vmem>>, vector<16xf32>,
        %mul3A_377 = arith.constant 16 : i32
        %mul3A_378 = arith.muli %scan3A_346, %mul3A_377 : i32
        %add3A_379 = arith.constant 3 : i32
        %add3A_380 = arith.addi %mul3A_378, %add3A_379 : i32
        %mul3A_381 = arith.constant 16 : i32
        %mul3A_382 = arith.muli %add3A_380, %mul3A_381 : i32
        %get3A_383 = arith.index_cast %mul3A_382 : i32 to index
        %get3A_384 = tpu.vector_load %arg7[%get3A_383] {strides = array<i32>} : memref<4096xi32, #tpu.memory_space<vmem>>, vector<16xi32>,
        %gather3A_385 = tpu.vector_load_idx %arg5[%get3A_384] : memref<100000xf32, #tpu.memory_space<vmem>>[vector<16xi32>], vector<16xf32>,
        %swap3A_386 = arith.index_cast %mul3A_382 : i32 to index
        %swap3A_387 = tpu.vector_load %arg10[%swap3A_386] {strides = array<i32>} : memref<4096xf32, #tpu.memory_space<vmem>>, vector<16xf32>,
        tpu.vector_store %arg10[%swap3A_386], %gather3A_385 {strides = array<i32>} : memref<4096xf32, #tpu.memory_space<vmem>>, vector<16xf32>,
        %mul3A_388 = arith.constant 16 : i32
        %mul3A_389 = arith.muli %scan3A_346, %mul3A_388 : i32
        %add3A_390 = arith.constant 4 : i32
        %add3A_391 = arith.addi %mul3A_389, %add3A_390 : i32
        %mul3A_392 = arith.constant 16 : i32
        %mul3A_393 = arith.muli %add3A_391, %mul3A_392 : i32
        %get3A_394 = arith.index_cast %mul3A_393 : i32 to index
        %get3A_395 = tpu.vector_load %arg7[%get3A_394] {strides = array<i32>} : memref<4096xi32, #tpu.memory_space<vmem>>, vector<16xi32>,
        %gather3A_396 = tpu.vector_load_idx %arg5[%get3A_395] : memref<100000xf32, #tpu.memory_space<vmem>>[vector<16xi32>], vector<16xf32>,
        %swap3A_397 = arith.index_cast %mul3A_393 : i32 to index
        %swap3A_398 = tpu.vector_load %arg10[%swap3A_397] {strides = array<i32>} : memref<4096xf32, #tpu.memory_space<vmem>>, vector<16xf32>,
        tpu.vector_store %arg10[%swap3A_397], %gather3A_396 {strides = array<i32>} : memref<4096xf32, #tpu.memory_space<vmem>>, vector<16xf32>,
        %mul3A_399 = arith.constant 16 : i32
        %mul3A_400 = arith.muli %scan3A_346, %mul3A_399 : i32
        %add3A_401 = arith.constant 5 : i32
        %add3A_402 = arith.addi %mul3A_400, %add3A_401 : i32
        %mul3A_403 = arith.constant 16 : i32
        %mul3A_404 = arith.muli %add3A_402, %mul3A_403 : i32
        %get3A_405 = arith.index_cast %mul3A_404 : i32 to index
        %get3A_406 = tpu.vector_load %arg7[%get3A_405] {strides = array<i32>} : memref<4096xi32, #tpu.memory_space<vmem>>, vector<16xi32>,
        %gather3A_407 = tpu.vector_load_idx %arg5[%get3A_406] : memref<100000xf32, #tpu.memory_space<vmem>>[vector<16xi32>], vector<16xf32>,
        %swap3A_408 = arith.index_cast %mul3A_404 : i32 to index
        %swap3A_409 = tpu.vector_load %arg10[%swap3A_408] {strides = array<i32>} : memref<4096xf32, #tpu.memory_space<vmem>>, vector<16xf32>,
        tpu.vector_store %arg10[%swap3A_408], %gather3A_407 {strides = array<i32>} : memref<4096xf32, #tpu.memory_space<vmem>>, vector<16xf32>,
        %mul3A_410 = arith.constant 16 : i32
        %mul3A_411 = arith.muli %scan3A_346, %mul3A_410 : i32
        %add3A_412 = arith.constant 6 : i32
        %add3A_413 = arith.addi %mul3A_411, %add3A_412 : i32
        %mul3A_414 = arith.constant 16 : i32
        %mul3A_415 = arith.muli %add3A_413, %mul3A_414 : i32
        %get3A_416 = arith.index_cast %mul3A_415 : i32 to index
        %get3A_417 = tpu.vector_load %arg7[%get3A_416] {strides = array<i32>} : memref<4096xi32, #tpu.memory_space<vmem>>, vector<16xi32>,
        %gather3A_418 = tpu.vector_load_idx %arg5[%get3A_417] : memref<100000xf32, #tpu.memory_space<vmem>>[vector<16xi32>], vector<16xf32>,
        %swap3A_419 = arith.index_cast %mul3A_415 : i32 to index
        %swap3A_420 = tpu.vector_load %arg10[%swap3A_419] {strides = array<i32>} : memref<4096xf32, #tpu.memory_space<vmem>>, vector<16xf32>,
        tpu.vector_store %arg10[%swap3A_419], %gather3A_418 {strides = array<i32>} : memref<4096xf32, #tpu.memory_space<vmem>>, vector<16xf32>,
        %mul3A_421 = arith.constant 16 : i32
        %mul3A_422 = arith.muli %scan3A_346, %mul3A_421 : i32
        %add3A_423 = arith.constant 7 : i32
        %add3A_424 = arith.addi %mul3A_422, %add3A_423 : i32
        %mul3A_425 = arith.constant 16 : i32
        %mul3A_426 = arith.muli %add3A_424, %mul3A_425 : i32
        %get3A_427 = arith.index_cast %mul3A_426 : i32 to index
        %get3A_428 = tpu.vector_load %arg7[%get3A_427] {strides = array<i32>} : memref<4096xi32, #tpu.memory_space<vmem>>, vector<16xi32>,
        %gather3A_429 = tpu.vector_load_idx %arg5[%get3A_428] : memref<100000xf32, #tpu.memory_space<vmem>>[vector<16xi32>], vector<16xf32>,
        %swap3A_430 = arith.index_cast %mul3A_426 : i32 to index
        %swap3A_431 = tpu.vector_load %arg10[%swap3A_430] {strides = array<i32>} : memref<4096xf32, #tpu.memory_space<vmem>>, vector<16xf32>,
        tpu.vector_store %arg10[%swap3A_430], %gather3A_429 {strides = array<i32>} : memref<4096xf32, #tpu.memory_space<vmem>>, vector<16xf32>,
        %mul3A_432 = arith.constant 16 : i32
        %mul3A_433 = arith.muli %scan3A_346, %mul3A_432 : i32
        %add3A_434 = arith.constant 8 : i32
        %add3A_435 = arith.addi %mul3A_433, %add3A_434 : i32
        %mul3A_436 = arith.constant 16 : i32
        %mul3A_437 = arith.muli %add3A_435, %mul3A_436 : i32
        %get3A_438 = arith.index_cast %mul3A_437 : i32 to index
        %get3A_439 = tpu.vector_load %arg7[%get3A_438] {strides = array<i32>} : memref<4096xi32, #tpu.memory_space<vmem>>, vector<16xi32>,
        %gather3A_440 = tpu.vector_load_idx %arg5[%get3A_439] : memref<100000xf32, #tpu.memory_space<vmem>>[vector<16xi32>], vector<16xf32>,
        %swap3A_441 = arith.index_cast %mul3A_437 : i32 to index
        %swap3A_442 = tpu.vector_load %arg10[%swap3A_441] {strides = array<i32>} : memref<4096xf32, #tpu.memory_space<vmem>>, vector<16xf32>,
        tpu.vector_store %arg10[%swap3A_441], %gather3A_440 {strides = array<i32>} : memref<4096xf32, #tpu.memory_space<vmem>>, vector<16xf32>,
        %mul3A_443 = arith.constant 16 : i32
        %mul3A_444 = arith.muli %scan3A_346, %mul3A_443 : i32
        %add3A_445 = arith.constant 9 : i32
        %add3A_446 = arith.addi %mul3A_444, %add3A_445 : i32
        %mul3A_447 = arith.constant 16 : i32
        %mul3A_448 = arith.muli %add3A_446, %mul3A_447 : i32
        %get3A_449 = arith.index_cast %mul3A_448 : i32 to index
        %get3A_450 = tpu.vector_load %arg7[%get3A_449] {strides = array<i32>} : memref<4096xi32, #tpu.memory_space<vmem>>, vector<16xi32>,
        %gather3A_451 = tpu.vector_load_idx %arg5[%get3A_450] : memref<100000xf32, #tpu.memory_space<vmem>>[vector<16xi32>], vector<16xf32>,
        %swap3A_452 = arith.index_cast %mul3A_448 : i32 to index
        %swap3A_453 = tpu.vector_load %arg10[%swap3A_452] {strides = array<i32>} : memref<4096xf32, #tpu.memory_space<vmem>>, vector<16xf32>,
        tpu.vector_store %arg10[%swap3A_452], %gather3A_451 {strides = array<i32>} : memref<4096xf32, #tpu.memory_space<vmem>>, vector<16xf32>,
        %mul3A_454 = arith.constant 16 : i32
        %mul3A_455 = arith.muli %scan3A_346, %mul3A_454 : i32
        %add3A_456 = arith.constant 10 : i32
        %add3A_457 = arith.addi %mul3A_455, %add3A_456 : i32
        %mul3A_458 = arith.constant 16 : i32
        %mul3A_459 = arith.muli %add3A_457, %mul3A_458 : i32
        %get3A_460 = arith.index_cast %mul3A_459 : i32 to index
        %get3A_461 = tpu.vector_load %arg7[%get3A_460] {strides = array<i32>} : memref<4096xi32, #tpu.memory_space<vmem>>, vector<16xi32>,
        %gather3A_462 = tpu.vector_load_idx %arg5[%get3A_461] : memref<100000xf32, #tpu.memory_space<vmem>>[vector<16xi32>], vector<16xf32>,
        %swap3A_463 = arith.index_cast %mul3A_459 : i32 to index
        %swap3A_464 = tpu.vector_load %arg10[%swap3A_463] {strides = array<i32>} : memref<4096xf32, #tpu.memory_space<vmem>>, vector<16xf32>,
        tpu.vector_store %arg10[%swap3A_463], %gather3A_462 {strides = array<i32>} : memref<4096xf32, #tpu.memory_space<vmem>>, vector<16xf32>,
        %mul3A_465 = arith.constant 16 : i32
        %mul3A_466 = arith.muli %scan3A_346, %mul3A_465 : i32
        %add3A_467 = arith.constant 11 : i32
        %add3A_468 = arith.addi %mul3A_466, %add3A_467 : i32
        %mul3A_469 = arith.constant 16 : i32
        %mul3A_470 = arith.muli %add3A_468, %mul3A_469 : i32
        %get3A_471 = arith.index_cast %mul3A_470 : i32 to index
        %get3A_472 = tpu.vector_load %arg7[%get3A_471] {strides = array<i32>} : memref<4096xi32, #tpu.memory_space<vmem>>, vector<16xi32>,
        %gather3A_473 = tpu.vector_load_idx %arg5[%get3A_472] : memref<100000xf32, #tpu.memory_space<vmem>>[vector<16xi32>], vector<16xf32>,
        %swap3A_474 = arith.index_cast %mul3A_470 : i32 to index
        %swap3A_475 = tpu.vector_load %arg10[%swap3A_474] {strides = array<i32>} : memref<4096xf32, #tpu.memory_space<vmem>>, vector<16xf32>,
        tpu.vector_store %arg10[%swap3A_474], %gather3A_473 {strides = array<i32>} : memref<4096xf32, #tpu.memory_space<vmem>>, vector<16xf32>,
        %mul3A_476 = arith.constant 16 : i32
        %mul3A_477 = arith.muli %scan3A_346, %mul3A_476 : i32
        %add3A_478 = arith.constant 12 : i32
        %add3A_479 = arith.addi %mul3A_477, %add3A_478 : i32
        %mul3A_480 = arith.constant 16 : i32
        %mul3A_481 = arith.muli %add3A_479, %mul3A_480 : i32
        %get3A_482 = arith.index_cast %mul3A_481 : i32 to index
        %get3A_483 = tpu.vector_load %arg7[%get3A_482] {strides = array<i32>} : memref<4096xi32, #tpu.memory_space<vmem>>, vector<16xi32>,
        %gather3A_484 = tpu.vector_load_idx %arg5[%get3A_483] : memref<100000xf32, #tpu.memory_space<vmem>>[vector<16xi32>], vector<16xf32>,
        %swap3A_485 = arith.index_cast %mul3A_481 : i32 to index
        %swap3A_486 = tpu.vector_load %arg10[%swap3A_485] {strides = array<i32>} : memref<4096xf32, #tpu.memory_space<vmem>>, vector<16xf32>,
        tpu.vector_store %arg10[%swap3A_485], %gather3A_484 {strides = array<i32>} : memref<4096xf32, #tpu.memory_space<vmem>>, vector<16xf32>,
        %mul3A_487 = arith.constant 16 : i32
        %mul3A_488 = arith.muli %scan3A_346, %mul3A_487 : i32
        %add3A_489 = arith.constant 13 : i32
        %add3A_490 = arith.addi %mul3A_488, %add3A_489 : i32
        %mul3A_491 = arith.constant 16 : i32
        %mul3A_492 = arith.muli %add3A_490, %mul3A_491 : i32
        %get3A_493 = arith.index_cast %mul3A_492 : i32 to index
        %get3A_494 = tpu.vector_load %arg7[%get3A_493] {strides = array<i32>} : memref<4096xi32, #tpu.memory_space<vmem>>, vector<16xi32>,
        %gather3A_495 = tpu.vector_load_idx %arg5[%get3A_494] : memref<100000xf32, #tpu.memory_space<vmem>>[vector<16xi32>], vector<16xf32>,
        %swap3A_496 = arith.index_cast %mul3A_492 : i32 to index
        %swap3A_497 = tpu.vector_load %arg10[%swap3A_496] {strides = array<i32>} : memref<4096xf32, #tpu.memory_space<vmem>>, vector<16xf32>,
        tpu.vector_store %arg10[%swap3A_496], %gather3A_495 {strides = array<i32>} : memref<4096xf32, #tpu.memory_space<vmem>>, vector<16xf32>,
        %mul3A_498 = arith.constant 16 : i32
        %mul3A_499 = arith.muli %scan3A_346, %mul3A_498 : i32
        %add3A_500 = arith.constant 14 : i32
        %add3A_501 = arith.addi %mul3A_499, %add3A_500 : i32
        %mul3A_502 = arith.constant 16 : i32
        %mul3A_503 = arith.muli %add3A_501, %mul3A_502 : i32
        %get3A_504 = arith.index_cast %mul3A_503 : i32 to index
        %get3A_505 = tpu.vector_load %arg7[%get3A_504] {strides = array<i32>} : memref<4096xi32, #tpu.memory_space<vmem>>, vector<16xi32>,
        %gather3A_506 = tpu.vector_load_idx %arg5[%get3A_505] : memref<100000xf32, #tpu.memory_space<vmem>>[vector<16xi32>], vector<16xf32>,
        %swap3A_507 = arith.index_cast %mul3A_503 : i32 to index
        %swap3A_508 = tpu.vector_load %arg10[%swap3A_507] {strides = array<i32>} : memref<4096xf32, #tpu.memory_space<vmem>>, vector<16xf32>,
        tpu.vector_store %arg10[%swap3A_507], %gather3A_506 {strides = array<i32>} : memref<4096xf32, #tpu.memory_space<vmem>>, vector<16xf32>,
        %mul3A_509 = arith.constant 16 : i32
        %mul3A_510 = arith.muli %scan3A_346, %mul3A_509 : i32
        %add3A_511 = arith.constant 15 : i32
        %add3A_512 = arith.addi %mul3A_510, %add3A_511 : i32
        %mul3A_513 = arith.constant 16 : i32
        %mul3A_514 = arith.muli %add3A_512, %mul3A_513 : i32
        %get3A_515 = arith.index_cast %mul3A_514 : i32 to index
        %get3A_516 = tpu.vector_load %arg7[%get3A_515] {strides = array<i32>} : memref<4096xi32, #tpu.memory_space<vmem>>, vector<16xi32>,
        %gather3A_517 = tpu.vector_load_idx %arg5[%get3A_516] : memref<100000xf32, #tpu.memory_space<vmem>>[vector<16xi32>], vector<16xf32>,
        %swap3A_518 = arith.index_cast %mul3A_514 : i32 to index
        %swap3A_519 = tpu.vector_load %arg10[%swap3A_518] {strides = array<i32>} : memref<4096xf32, #tpu.memory_space<vmem>>, vector<16xf32>,
        tpu.vector_store %arg10[%swap3A_518], %gather3A_517 {strides = array<i32>} : memref<4096xf32, #tpu.memory_space<vmem>>, vector<16xf32>,
      }
      %scan3A_297 = arith.constant 16 : i32
      %add3A_298 = arith.constant 3 : i32
      %add3A_299 = arith.addi %add3A_279, %add3A_298 : i32
      %lt3A_300 = arith.constant 50 : i32
      %lt3A_301 = arith.cmpi slt, %add3A_299, %lt3A_300 : i32
      %convert_element_type3A_302 = arith.extui %lt3A_301 : i1 to i32
      %cond3A_303 = arith.constant 0 : i32
      %cond3A_304 = arith.cmpi ne, %convert_element_type3A_302, %cond3A_303 : i32
      scf.if %cond3A_304 {
        %dma_start3A_346 = arith.constant 0 : i32
        %dma_start3A_347 = tpu.memref_slice %arg2[%add3A_299, %dma_start3A_346] : memref<50x4096xi32, #tpu.memory_space<hbm>> -> memref<1x4096xi32, #tpu.memory_space<hbm>>
        %dma_start3A_348 = tpu.memref_squeeze %dma_start3A_347 : memref<1x4096xi32, #tpu.memory_space<hbm>> -> memref<4096xi32, #tpu.memory_space<hbm>>
        %dma_start3A_349 = arith.constant 0 : i32
        %dma_start3A_350 = tpu.memref_slice %arg2[%add3A_299, %dma_start3A_349] : memref<50x4096xi32, #tpu.memory_space<hbm>> -> memref<1x4096xi32, #tpu.memory_space<hbm>>
        %dma_start3A_351 = tpu.memref_squeeze %dma_start3A_350 : memref<1x4096xi32, #tpu.memory_space<hbm>> -> memref<4096xi32, #tpu.memory_space<hbm>>
        tpu.enqueue_dma source(%dma_start3A_351 : memref<4096xi32, #tpu.memory_space<hbm>>) target(%arg7 : memref<4096xi32, #tpu.memory_space<vmem>>) target_semaphore(%arg13 : memref<!tpu.dma_semaphore, #tpu.memory_space<semaphore_mem>>)
      } else {
      }
      %dma_start3A_305 = arith.constant 0 : i32
      %dma_start3A_306 = tpu.memref_slice %arg4[%add3A_279, %add3A_120, %dma_start3A_305] : memref<50x64x4096xf32, #tpu.memory_space<hbm>> -> memref<1x1x4096xf32, #tpu.memory_space<hbm>>
      %dma_start3A_307 = tpu.memref_squeeze %dma_start3A_306 : memref<1x1x4096xf32, #tpu.memory_space<hbm>> -> memref<4096xf32, #tpu.memory_space<hbm>>
      %dma_start3A_308 = arith.constant 0 : i32
      %dma_start3A_309 = tpu.memref_slice %arg4[%add3A_279, %add3A_120, %dma_start3A_308] : memref<50x64x4096xf32, #tpu.memory_space<hbm>> -> memref<1x1x4096xf32, #tpu.memory_space<hbm>>
      %dma_start3A_310 = tpu.memref_squeeze %dma_start3A_309 : memref<1x1x4096xf32, #tpu.memory_space<hbm>> -> memref<4096xf32, #tpu.memory_space<hbm>>
      tpu.enqueue_dma source(%arg10 : memref<4096xf32, #tpu.memory_space<vmem>>) target(%dma_start3A_310 : memref<4096xf32, #tpu.memory_space<hbm>>) target_semaphore(%arg16 : memref<!tpu.dma_semaphore, #tpu.memory_space<semaphore_mem>>)
      %mul3A_311 = arith.constant 3 : i32
      %mul3A_312 = arith.muli %scan3A_240, %mul3A_311 : i32
      %add3A_313 = arith.constant 2 : i32
      %add3A_314 = arith.addi %mul3A_312, %add3A_313 : i32
      %dma_wait3A_315 = arith.constant 0 : i32
      %dma_wait3A_316 = arith.constant 0 : i32
      %dma_wait3A_317 = tpu.memref_slice %arg2[%dma_wait3A_315, %dma_wait3A_316] : memref<50x4096xi32, #tpu.memory_space<hbm>> -> memref<1x4096xi32, #tpu.memory_space<hbm>>
      %dma_wait3A_318 = tpu.memref_squeeze %dma_wait3A_317 : memref<1x4096xi32, #tpu.memory_space<hbm>> -> memref<4096xi32, #tpu.memory_space<hbm>>
      %dma_wait3A_319 = arith.constant 0 : i32
      %dma_wait3A_320 = tpu.memref_slice %arg2[%dma_wait3A_315, %dma_wait3A_319] : memref<50x4096xi32, #tpu.memory_space<hbm>> -> memref<1x4096xi32, #tpu.memory_space<hbm>>
      %dma_wait3A_321 = tpu.memref_squeeze %dma_wait3A_320 : memref<1x4096xi32, #tpu.memory_space<hbm>> -> memref<4096xi32, #tpu.memory_space<hbm>>
      tpu.wait_dma2 semaphore(%arg14 : memref<!tpu.dma_semaphore, #tpu.memory_space<semaphore_mem>>) src(%dma_wait3A_321 : memref<4096xi32, #tpu.memory_space<hbm>>) dst(%arg8 : memref<4096xi32, #tpu.memory_space<vmem>>)
      %ge3A_322 = arith.constant 3 : i32
      %ge3A_323 = arith.cmpi sge, %add3A_314, %ge3A_322 : i32
      %convert_element_type3A_324 = arith.extui %ge3A_323 : i1 to i32
      %cond3A_325 = arith.constant 0 : i32
      %cond3A_326 = arith.cmpi ne, %convert_element_type3A_324, %cond3A_325 : i32
      scf.if %cond3A_326 {
        %dma_wait3A_346 = arith.constant 0 : i32
        %dma_wait3A_347 = arith.constant 0 : i32
        %dma_wait3A_348 = arith.constant 0 : i32
        %dma_wait3A_349 = tpu.memref_slice %arg4[%dma_wait3A_346, %dma_wait3A_347, %dma_wait3A_348] : memref<50x64x4096xf32, #tpu.memory_space<hbm>> -> memref<1x1x4096xf32, #tpu.memory_space<hbm>>
        %dma_wait3A_350 = tpu.memref_squeeze %dma_wait3A_349 : memref<1x1x4096xf32, #tpu.memory_space<hbm>> -> memref<4096xf32, #tpu.memory_space<hbm>>
        %dma_wait3A_351 = arith.constant 0 : i32
        %dma_wait3A_352 = tpu.memref_slice %arg4[%dma_wait3A_346, %dma_wait3A_347, %dma_wait3A_351] : memref<50x64x4096xf32, #tpu.memory_space<hbm>> -> memref<1x1x4096xf32, #tpu.memory_space<hbm>>
        %dma_wait3A_353 = tpu.memref_squeeze %dma_wait3A_352 : memref<1x1x4096xf32, #tpu.memory_space<hbm>> -> memref<4096xf32, #tpu.memory_space<hbm>>
        tpu.wait_dma2 semaphore(%arg17 : memref<!tpu.dma_semaphore, #tpu.memory_space<semaphore_mem>>) src(%arg11 : memref<4096xf32, #tpu.memory_space<vmem>>) dst(%dma_wait3A_353 : memref<4096xf32, #tpu.memory_space<hbm>>)
      } else {
      }
      %scan3A_327 = arith.constant 0 : i32
      %scan3A_328 = arith.constant 0 : i32
      %scan3A_329 = arith.constant 16 : i32
      %scan3A_330 = arith.addi %scan3A_328, %scan3A_329 : i32
      %scan3A_331 = arith.constant 1 : i32
      scf.for %scan3A_346 = %scan3A_328 to %scan3A_330 step %scan3A_331  : i32 {
        %mul3A_347 = arith.constant 16 : i32
        %mul3A_348 = arith.muli %scan3A_346, %mul3A_347 : i32
        %add3A_349 = arith.constant 0 : i32
        %add3A_350 = arith.addi %mul3A_348, %add3A_349 : i32
        %mul3A_351 = arith.constant 16 : i32
        %mul3A_352 = arith.muli %add3A_350, %mul3A_351 : i32
        %get3A = arith.index_cast %mul3A_352 : i32 to index
        %get3A_353 = tpu.vector_load %arg8[%get3A] {strides = array<i32>} : memref<4096xi32, #tpu.memory_space<vmem>>, vector<16xi32>,
        %gather3A = tpu.vector_load_idx %arg5[%get3A_353] : memref<100000xf32, #tpu.memory_space<vmem>>[vector<16xi32>], vector<16xf32>,
        %swap3A = arith.index_cast %mul3A_352 : i32 to index
        %swap3A_354 = tpu.vector_load %arg11[%swap3A] {strides = array<i32>} : memref<4096xf32, #tpu.memory_space<vmem>>, vector<16xf32>,
        tpu.vector_store %arg11[%swap3A], %gather3A {strides = array<i32>} : memref<4096xf32, #tpu.memory_space<vmem>>, vector<16xf32>,
        %mul3A_355 = arith.constant 16 : i32
        %mul3A_356 = arith.muli %scan3A_346, %mul3A_355 : i32
        %add3A_357 = arith.constant 1 : i32
        %add3A_358 = arith.addi %mul3A_356, %add3A_357 : i32
        %mul3A_359 = arith.constant 16 : i32
        %mul3A_360 = arith.muli %add3A_358, %mul3A_359 : i32
        %get3A_361 = arith.index_cast %mul3A_360 : i32 to index
        %get3A_362 = tpu.vector_load %arg8[%get3A_361] {strides = array<i32>} : memref<4096xi32, #tpu.memory_space<vmem>>, vector<16xi32>,
        %gather3A_363 = tpu.vector_load_idx %arg5[%get3A_362] : memref<100000xf32, #tpu.memory_space<vmem>>[vector<16xi32>], vector<16xf32>,
        %swap3A_364 = arith.index_cast %mul3A_360 : i32 to index
        %swap3A_365 = tpu.vector_load %arg11[%swap3A_364] {strides = array<i32>} : memref<4096xf32, #tpu.memory_space<vmem>>, vector<16xf32>,
        tpu.vector_store %arg11[%swap3A_364], %gather3A_363 {strides = array<i32>} : memref<4096xf32, #tpu.memory_space<vmem>>, vector<16xf32>,
        %mul3A_366 = arith.constant 16 : i32
        %mul3A_367 = arith.muli %scan3A_346, %mul3A_366 : i32
        %add3A_368 = arith.constant 2 : i32
        %add3A_369 = arith.addi %mul3A_367, %add3A_368 : i32
        %mul3A_370 = arith.constant 16 : i32
        %mul3A_371 = arith.muli %add3A_369, %mul3A_370 : i32
        %get3A_372 = arith.index_cast %mul3A_371 : i32 to index
        %get3A_373 = tpu.vector_load %arg8[%get3A_372] {strides = array<i32>} : memref<4096xi32, #tpu.memory_space<vmem>>, vector<16xi32>,
        %gather3A_374 = tpu.vector_load_idx %arg5[%get3A_373] : memref<100000xf32, #tpu.memory_space<vmem>>[vector<16xi32>], vector<16xf32>,
        %swap3A_375 = arith.index_cast %mul3A_371 : i32 to index
        %swap3A_376 = tpu.vector_load %arg11[%swap3A_375] {strides = array<i32>} : memref<4096xf32, #tpu.memory_space<vmem>>, vector<16xf32>,
        tpu.vector_store %arg11[%swap3A_375], %gather3A_374 {strides = array<i32>} : memref<4096xf32, #tpu.memory_space<vmem>>, vector<16xf32>,
        %mul3A_377 = arith.constant 16 : i32
        %mul3A_378 = arith.muli %scan3A_346, %mul3A_377 : i32
        %add3A_379 = arith.constant 3 : i32
        %add3A_380 = arith.addi %mul3A_378, %add3A_379 : i32
        %mul3A_381 = arith.constant 16 : i32
        %mul3A_382 = arith.muli %add3A_380, %mul3A_381 : i32
        %get3A_383 = arith.index_cast %mul3A_382 : i32 to index
        %get3A_384 = tpu.vector_load %arg8[%get3A_383] {strides = array<i32>} : memref<4096xi32, #tpu.memory_space<vmem>>, vector<16xi32>,
        %gather3A_385 = tpu.vector_load_idx %arg5[%get3A_384] : memref<100000xf32, #tpu.memory_space<vmem>>[vector<16xi32>], vector<16xf32>,
        %swap3A_386 = arith.index_cast %mul3A_382 : i32 to index
        %swap3A_387 = tpu.vector_load %arg11[%swap3A_386] {strides = array<i32>} : memref<4096xf32, #tpu.memory_space<vmem>>, vector<16xf32>,
        tpu.vector_store %arg11[%swap3A_386], %gather3A_385 {strides = array<i32>} : memref<4096xf32, #tpu.memory_space<vmem>>, vector<16xf32>,
        %mul3A_388 = arith.constant 16 : i32
        %mul3A_389 = arith.muli %scan3A_346, %mul3A_388 : i32
        %add3A_390 = arith.constant 4 : i32
        %add3A_391 = arith.addi %mul3A_389, %add3A_390 : i32
        %mul3A_392 = arith.constant 16 : i32
        %mul3A_393 = arith.muli %add3A_391, %mul3A_392 : i32
        %get3A_394 = arith.index_cast %mul3A_393 : i32 to index
        %get3A_395 = tpu.vector_load %arg8[%get3A_394] {strides = array<i32>} : memref<4096xi32, #tpu.memory_space<vmem>>, vector<16xi32>,
        %gather3A_396 = tpu.vector_load_idx %arg5[%get3A_395] : memref<100000xf32, #tpu.memory_space<vmem>>[vector<16xi32>], vector<16xf32>,
        %swap3A_397 = arith.index_cast %mul3A_393 : i32 to index
        %swap3A_398 = tpu.vector_load %arg11[%swap3A_397] {strides = array<i32>} : memref<4096xf32, #tpu.memory_space<vmem>>, vector<16xf32>,
        tpu.vector_store %arg11[%swap3A_397], %gather3A_396 {strides = array<i32>} : memref<4096xf32, #tpu.memory_space<vmem>>, vector<16xf32>,
        %mul3A_399 = arith.constant 16 : i32
        %mul3A_400 = arith.muli %scan3A_346, %mul3A_399 : i32
        %add3A_401 = arith.constant 5 : i32
        %add3A_402 = arith.addi %mul3A_400, %add3A_401 : i32
        %mul3A_403 = arith.constant 16 : i32
        %mul3A_404 = arith.muli %add3A_402, %mul3A_403 : i32
        %get3A_405 = arith.index_cast %mul3A_404 : i32 to index
        %get3A_406 = tpu.vector_load %arg8[%get3A_405] {strides = array<i32>} : memref<4096xi32, #tpu.memory_space<vmem>>, vector<16xi32>,
        %gather3A_407 = tpu.vector_load_idx %arg5[%get3A_406] : memref<100000xf32, #tpu.memory_space<vmem>>[vector<16xi32>], vector<16xf32>,
        %swap3A_408 = arith.index_cast %mul3A_404 : i32 to index
        %swap3A_409 = tpu.vector_load %arg11[%swap3A_408] {strides = array<i32>} : memref<4096xf32, #tpu.memory_space<vmem>>, vector<16xf32>,
        tpu.vector_store %arg11[%swap3A_408], %gather3A_407 {strides = array<i32>} : memref<4096xf32, #tpu.memory_space<vmem>>, vector<16xf32>,
        %mul3A_410 = arith.constant 16 : i32
        %mul3A_411 = arith.muli %scan3A_346, %mul3A_410 : i32
        %add3A_412 = arith.constant 6 : i32
        %add3A_413 = arith.addi %mul3A_411, %add3A_412 : i32
        %mul3A_414 = arith.constant 16 : i32
        %mul3A_415 = arith.muli %add3A_413, %mul3A_414 : i32
        %get3A_416 = arith.index_cast %mul3A_415 : i32 to index
        %get3A_417 = tpu.vector_load %arg8[%get3A_416] {strides = array<i32>} : memref<4096xi32, #tpu.memory_space<vmem>>, vector<16xi32>,
        %gather3A_418 = tpu.vector_load_idx %arg5[%get3A_417] : memref<100000xf32, #tpu.memory_space<vmem>>[vector<16xi32>], vector<16xf32>,
        %swap3A_419 = arith.index_cast %mul3A_415 : i32 to index
        %swap3A_420 = tpu.vector_load %arg11[%swap3A_419] {strides = array<i32>} : memref<4096xf32, #tpu.memory_space<vmem>>, vector<16xf32>,
        tpu.vector_store %arg11[%swap3A_419], %gather3A_418 {strides = array<i32>} : memref<4096xf32, #tpu.memory_space<vmem>>, vector<16xf32>,
        %mul3A_421 = arith.constant 16 : i32
        %mul3A_422 = arith.muli %scan3A_346, %mul3A_421 : i32
        %add3A_423 = arith.constant 7 : i32
        %add3A_424 = arith.addi %mul3A_422, %add3A_423 : i32
        %mul3A_425 = arith.constant 16 : i32
        %mul3A_426 = arith.muli %add3A_424, %mul3A_425 : i32
        %get3A_427 = arith.index_cast %mul3A_426 : i32 to index
        %get3A_428 = tpu.vector_load %arg8[%get3A_427] {strides = array<i32>} : memref<4096xi32, #tpu.memory_space<vmem>>, vector<16xi32>,
        %gather3A_429 = tpu.vector_load_idx %arg5[%get3A_428] : memref<100000xf32, #tpu.memory_space<vmem>>[vector<16xi32>], vector<16xf32>,
        %swap3A_430 = arith.index_cast %mul3A_426 : i32 to index
        %swap3A_431 = tpu.vector_load %arg11[%swap3A_430] {strides = array<i32>} : memref<4096xf32, #tpu.memory_space<vmem>>, vector<16xf32>,
        tpu.vector_store %arg11[%swap3A_430], %gather3A_429 {strides = array<i32>} : memref<4096xf32, #tpu.memory_space<vmem>>, vector<16xf32>,
        %mul3A_432 = arith.constant 16 : i32
        %mul3A_433 = arith.muli %scan3A_346, %mul3A_432 : i32
        %add3A_434 = arith.constant 8 : i32
        %add3A_435 = arith.addi %mul3A_433, %add3A_434 : i32
        %mul3A_436 = arith.constant 16 : i32
        %mul3A_437 = arith.muli %add3A_435, %mul3A_436 : i32
        %get3A_438 = arith.index_cast %mul3A_437 : i32 to index
        %get3A_439 = tpu.vector_load %arg8[%get3A_438] {strides = array<i32>} : memref<4096xi32, #tpu.memory_space<vmem>>, vector<16xi32>,
        %gather3A_440 = tpu.vector_load_idx %arg5[%get3A_439] : memref<100000xf32, #tpu.memory_space<vmem>>[vector<16xi32>], vector<16xf32>,
        %swap3A_441 = arith.index_cast %mul3A_437 : i32 to index
        %swap3A_442 = tpu.vector_load %arg11[%swap3A_441] {strides = array<i32>} : memref<4096xf32, #tpu.memory_space<vmem>>, vector<16xf32>,
        tpu.vector_store %arg11[%swap3A_441], %gather3A_440 {strides = array<i32>} : memref<4096xf32, #tpu.memory_space<vmem>>, vector<16xf32>,
        %mul3A_443 = arith.constant 16 : i32
        %mul3A_444 = arith.muli %scan3A_346, %mul3A_443 : i32
        %add3A_445 = arith.constant 9 : i32
        %add3A_446 = arith.addi %mul3A_444, %add3A_445 : i32
        %mul3A_447 = arith.constant 16 : i32
        %mul3A_448 = arith.muli %add3A_446, %mul3A_447 : i32
        %get3A_449 = arith.index_cast %mul3A_448 : i32 to index
        %get3A_450 = tpu.vector_load %arg8[%get3A_449] {strides = array<i32>} : memref<4096xi32, #tpu.memory_space<vmem>>, vector<16xi32>,
        %gather3A_451 = tpu.vector_load_idx %arg5[%get3A_450] : memref<100000xf32, #tpu.memory_space<vmem>>[vector<16xi32>], vector<16xf32>,
        %swap3A_452 = arith.index_cast %mul3A_448 : i32 to index
        %swap3A_453 = tpu.vector_load %arg11[%swap3A_452] {strides = array<i32>} : memref<4096xf32, #tpu.memory_space<vmem>>, vector<16xf32>,
        tpu.vector_store %arg11[%swap3A_452], %gather3A_451 {strides = array<i32>} : memref<4096xf32, #tpu.memory_space<vmem>>, vector<16xf32>,
        %mul3A_454 = arith.constant 16 : i32
        %mul3A_455 = arith.muli %scan3A_346, %mul3A_454 : i32
        %add3A_456 = arith.constant 10 : i32
        %add3A_457 = arith.addi %mul3A_455, %add3A_456 : i32
        %mul3A_458 = arith.constant 16 : i32
        %mul3A_459 = arith.muli %add3A_457, %mul3A_458 : i32
        %get3A_460 = arith.index_cast %mul3A_459 : i32 to index
        %get3A_461 = tpu.vector_load %arg8[%get3A_460] {strides = array<i32>} : memref<4096xi32, #tpu.memory_space<vmem>>, vector<16xi32>,
        %gather3A_462 = tpu.vector_load_idx %arg5[%get3A_461] : memref<100000xf32, #tpu.memory_space<vmem>>[vector<16xi32>], vector<16xf32>,
        %swap3A_463 = arith.index_cast %mul3A_459 : i32 to index
        %swap3A_464 = tpu.vector_load %arg11[%swap3A_463] {strides = array<i32>} : memref<4096xf32, #tpu.memory_space<vmem>>, vector<16xf32>,
        tpu.vector_store %arg11[%swap3A_463], %gather3A_462 {strides = array<i32>} : memref<4096xf32, #tpu.memory_space<vmem>>, vector<16xf32>,
        %mul3A_465 = arith.constant 16 : i32
        %mul3A_466 = arith.muli %scan3A_346, %mul3A_465 : i32
        %add3A_467 = arith.constant 11 : i32
        %add3A_468 = arith.addi %mul3A_466, %add3A_467 : i32
        %mul3A_469 = arith.constant 16 : i32
        %mul3A_470 = arith.muli %add3A_468, %mul3A_469 : i32
        %get3A_471 = arith.index_cast %mul3A_470 : i32 to index
        %get3A_472 = tpu.vector_load %arg8[%get3A_471] {strides = array<i32>} : memref<4096xi32, #tpu.memory_space<vmem>>, vector<16xi32>,
        %gather3A_473 = tpu.vector_load_idx %arg5[%get3A_472] : memref<100000xf32, #tpu.memory_space<vmem>>[vector<16xi32>], vector<16xf32>,
        %swap3A_474 = arith.index_cast %mul3A_470 : i32 to index
        %swap3A_475 = tpu.vector_load %arg11[%swap3A_474] {strides = array<i32>} : memref<4096xf32, #tpu.memory_space<vmem>>, vector<16xf32>,
        tpu.vector_store %arg11[%swap3A_474], %gather3A_473 {strides = array<i32>} : memref<4096xf32, #tpu.memory_space<vmem>>, vector<16xf32>,
        %mul3A_476 = arith.constant 16 : i32
        %mul3A_477 = arith.muli %scan3A_346, %mul3A_476 : i32
        %add3A_478 = arith.constant 12 : i32
        %add3A_479 = arith.addi %mul3A_477, %add3A_478 : i32
        %mul3A_480 = arith.constant 16 : i32
        %mul3A_481 = arith.muli %add3A_479, %mul3A_480 : i32
        %get3A_482 = arith.index_cast %mul3A_481 : i32 to index
        %get3A_483 = tpu.vector_load %arg8[%get3A_482] {strides = array<i32>} : memref<4096xi32, #tpu.memory_space<vmem>>, vector<16xi32>,
        %gather3A_484 = tpu.vector_load_idx %arg5[%get3A_483] : memref<100000xf32, #tpu.memory_space<vmem>>[vector<16xi32>], vector<16xf32>,
        %swap3A_485 = arith.index_cast %mul3A_481 : i32 to index
        %swap3A_486 = tpu.vector_load %arg11[%swap3A_485] {strides = array<i32>} : memref<4096xf32, #tpu.memory_space<vmem>>, vector<16xf32>,
        tpu.vector_store %arg11[%swap3A_485], %gather3A_484 {strides = array<i32>} : memref<4096xf32, #tpu.memory_space<vmem>>, vector<16xf32>,
        %mul3A_487 = arith.constant 16 : i32
        %mul3A_488 = arith.muli %scan3A_346, %mul3A_487 : i32
        %add3A_489 = arith.constant 13 : i32
        %add3A_490 = arith.addi %mul3A_488, %add3A_489 : i32
        %mul3A_491 = arith.constant 16 : i32
        %mul3A_492 = arith.muli %add3A_490, %mul3A_491 : i32
        %get3A_493 = arith.index_cast %mul3A_492 : i32 to index
        %get3A_494 = tpu.vector_load %arg8[%get3A_493] {strides = array<i32>} : memref<4096xi32, #tpu.memory_space<vmem>>, vector<16xi32>,
        %gather3A_495 = tpu.vector_load_idx %arg5[%get3A_494] : memref<100000xf32, #tpu.memory_space<vmem>>[vector<16xi32>], vector<16xf32>,
        %swap3A_496 = arith.index_cast %mul3A_492 : i32 to index
        %swap3A_497 = tpu.vector_load %arg11[%swap3A_496] {strides = array<i32>} : memref<4096xf32, #tpu.memory_space<vmem>>, vector<16xf32>,
        tpu.vector_store %arg11[%swap3A_496], %gather3A_495 {strides = array<i32>} : memref<4096xf32, #tpu.memory_space<vmem>>, vector<16xf32>,
        %mul3A_498 = arith.constant 16 : i32
        %mul3A_499 = arith.muli %scan3A_346, %mul3A_498 : i32
        %add3A_500 = arith.constant 14 : i32
        %add3A_501 = arith.addi %mul3A_499, %add3A_500 : i32
        %mul3A_502 = arith.constant 16 : i32
        %mul3A_503 = arith.muli %add3A_501, %mul3A_502 : i32
        %get3A_504 = arith.index_cast %mul3A_503 : i32 to index
        %get3A_505 = tpu.vector_load %arg8[%get3A_504] {strides = array<i32>} : memref<4096xi32, #tpu.memory_space<vmem>>, vector<16xi32>,
        %gather3A_506 = tpu.vector_load_idx %arg5[%get3A_505] : memref<100000xf32, #tpu.memory_space<vmem>>[vector<16xi32>], vector<16xf32>,
        %swap3A_507 = arith.index_cast %mul3A_503 : i32 to index
        %swap3A_508 = tpu.vector_load %arg11[%swap3A_507] {strides = array<i32>} : memref<4096xf32, #tpu.memory_space<vmem>>, vector<16xf32>,
        tpu.vector_store %arg11[%swap3A_507], %gather3A_506 {strides = array<i32>} : memref<4096xf32, #tpu.memory_space<vmem>>, vector<16xf32>,
        %mul3A_509 = arith.constant 16 : i32
        %mul3A_510 = arith.muli %scan3A_346, %mul3A_509 : i32
        %add3A_511 = arith.constant 15 : i32
        %add3A_512 = arith.addi %mul3A_510, %add3A_511 : i32
        %mul3A_513 = arith.constant 16 : i32
        %mul3A_514 = arith.muli %add3A_512, %mul3A_513 : i32
        %get3A_515 = arith.index_cast %mul3A_514 : i32 to index
        %get3A_516 = tpu.vector_load %arg8[%get3A_515] {strides = array<i32>} : memref<4096xi32, #tpu.memory_space<vmem>>, vector<16xi32>,
        %gather3A_517 = tpu.vector_load_idx %arg5[%get3A_516] : memref<100000xf32, #tpu.memory_space<vmem>>[vector<16xi32>], vector<16xf32>,
        %swap3A_518 = arith.index_cast %mul3A_514 : i32 to index
        %swap3A_519 = tpu.vector_load %arg11[%swap3A_518] {strides = array<i32>} : memref<4096xf32, #tpu.memory_space<vmem>>, vector<16xf32>,
        tpu.vector_store %arg11[%swap3A_518], %gather3A_517 {strides = array<i32>} : memref<4096xf32, #tpu.memory_space<vmem>>, vector<16xf32>,
      }
      %scan3A_332 = arith.constant 16 : i32
      %add3A_333 = arith.constant 3 : i32
      %add3A_334 = arith.addi %add3A_314, %add3A_333 : i32
      %lt3A_335 = arith.constant 50 : i32
      %lt3A_336 = arith.cmpi slt, %add3A_334, %lt3A_335 : i32
      %convert_element_type3A_337 = arith.extui %lt3A_336 : i1 to i32
      %cond3A_338 = arith.constant 0 : i32
      %cond3A_339 = arith.cmpi ne, %convert_element_type3A_337, %cond3A_338 : i32
      scf.if %cond3A_339 {
        %dma_start3A_346 = arith.constant 0 : i32
        %dma_start3A_347 = tpu.memref_slice %arg2[%add3A_334, %dma_start3A_346] : memref<50x4096xi32, #tpu.memory_space<hbm>> -> memref<1x4096xi32, #tpu.memory_space<hbm>>
        %dma_start3A_348 = tpu.memref_squeeze %dma_start3A_347 : memref<1x4096xi32, #tpu.memory_space<hbm>> -> memref<4096xi32, #tpu.memory_space<hbm>>
        %dma_start3A_349 = arith.constant 0 : i32
        %dma_start3A_350 = tpu.memref_slice %arg2[%add3A_334, %dma_start3A_349] : memref<50x4096xi32, #tpu.memory_space<hbm>> -> memref<1x4096xi32, #tpu.memory_space<hbm>>
        %dma_start3A_351 = tpu.memref_squeeze %dma_start3A_350 : memref<1x4096xi32, #tpu.memory_space<hbm>> -> memref<4096xi32, #tpu.memory_space<hbm>>
        tpu.enqueue_dma source(%dma_start3A_351 : memref<4096xi32, #tpu.memory_space<hbm>>) target(%arg8 : memref<4096xi32, #tpu.memory_space<vmem>>) target_semaphore(%arg14 : memref<!tpu.dma_semaphore, #tpu.memory_space<semaphore_mem>>)
      } else {
      }
      %dma_start3A_340 = arith.constant 0 : i32
      %dma_start3A_341 = tpu.memref_slice %arg4[%add3A_314, %add3A_120, %dma_start3A_340] : memref<50x64x4096xf32, #tpu.memory_space<hbm>> -> memref<1x1x4096xf32, #tpu.memory_space<hbm>>
      %dma_start3A_342 = tpu.memref_squeeze %dma_start3A_341 : memref<1x1x4096xf32, #tpu.memory_space<hbm>> -> memref<4096xf32, #tpu.memory_space<hbm>>
      %dma_start3A_343 = arith.constant 0 : i32
      %dma_start3A_344 = tpu.memref_slice %arg4[%add3A_314, %add3A_120, %dma_start3A_343] : memref<50x64x4096xf32, #tpu.memory_space<hbm>> -> memref<1x1x4096xf32, #tpu.memory_space<hbm>>
      %dma_start3A_345 = tpu.memref_squeeze %dma_start3A_344 : memref<1x1x4096xf32, #tpu.memory_space<hbm>> -> memref<4096xf32, #tpu.memory_space<hbm>>
      tpu.enqueue_dma source(%arg11 : memref<4096xf32, #tpu.memory_space<vmem>>) target(%dma_start3A_345 : memref<4096xf32, #tpu.memory_space<hbm>>) target_semaphore(%arg17 : memref<!tpu.dma_semaphore, #tpu.memory_space<semaphore_mem>>)
    }
    %scan3A_147 = arith.constant 16 : i32
    %dma_wait3A_148 = arith.constant 0 : i32
    %dma_wait3A_149 = arith.constant 0 : i32
    %dma_wait3A_150 = tpu.memref_slice %arg2[%dma_wait3A_148, %dma_wait3A_149] : memref<50x4096xi32, #tpu.memory_space<hbm>> -> memref<1x4096xi32, #tpu.memory_space<hbm>>
    %dma_wait3A_151 = tpu.memref_squeeze %dma_wait3A_150 : memref<1x4096xi32, #tpu.memory_space<hbm>> -> memref<4096xi32, #tpu.memory_space<hbm>>
    %dma_wait3A_152 = arith.constant 0 : i32
    %dma_wait3A_153 = tpu.memref_slice %arg2[%dma_wait3A_148, %dma_wait3A_152] : memref<50x4096xi32, #tpu.memory_space<hbm>> -> memref<1x4096xi32, #tpu.memory_space<hbm>>
    %dma_wait3A_154 = tpu.memref_squeeze %dma_wait3A_153 : memref<1x4096xi32, #tpu.memory_space<hbm>> -> memref<4096xi32, #tpu.memory_space<hbm>>
    tpu.wait_dma2 semaphore(%arg12 : memref<!tpu.dma_semaphore, #tpu.memory_space<semaphore_mem>>) src(%dma_wait3A_154 : memref<4096xi32, #tpu.memory_space<hbm>>) dst(%arg6 : memref<4096xi32, #tpu.memory_space<vmem>>)
    %ge3A_155 = arith.constant 48 : i32
    %ge3A_156 = arith.constant 3 : i32
    %ge3A_157 = arith.cmpi sge, %ge3A_155, %ge3A_156 : i32
    %convert_element_type3A_158 = arith.extui %ge3A_157 : i1 to i32
    %cond3A_159 = arith.constant 0 : i32
    %cond3A_160 = arith.cmpi ne, %convert_element_type3A_158, %cond3A_159 : i32
    scf.if %cond3A_160 {
      %dma_wait3A_240 = arith.constant 0 : i32
      %dma_wait3A_241 = arith.constant 0 : i32
      %dma_wait3A_242 = arith.constant 0 : i32
      %dma_wait3A_243 = tpu.memref_slice %arg4[%dma_wait3A_240, %dma_wait3A_241, %dma_wait3A_242] : memref<50x64x4096xf32, #tpu.memory_space<hbm>> -> memref<1x1x4096xf32, #tpu.memory_space<hbm>>
      %dma_wait3A_244 = tpu.memref_squeeze %dma_wait3A_243 : memref<1x1x4096xf32, #tpu.memory_space<hbm>> -> memref<4096xf32, #tpu.memory_space<hbm>>
      %dma_wait3A_245 = arith.constant 0 : i32
      %dma_wait3A_246 = tpu.memref_slice %arg4[%dma_wait3A_240, %dma_wait3A_241, %dma_wait3A_245] : memref<50x64x4096xf32, #tpu.memory_space<hbm>> -> memref<1x1x4096xf32, #tpu.memory_space<hbm>>
      %dma_wait3A_247 = tpu.memref_squeeze %dma_wait3A_246 : memref<1x1x4096xf32, #tpu.memory_space<hbm>> -> memref<4096xf32, #tpu.memory_space<hbm>>
      tpu.wait_dma2 semaphore(%arg15 : memref<!tpu.dma_semaphore, #tpu.memory_space<semaphore_mem>>) src(%arg9 : memref<4096xf32, #tpu.memory_space<vmem>>) dst(%dma_wait3A_247 : memref<4096xf32, #tpu.memory_space<hbm>>)
    } else {
    }
    %scan3A_161 = arith.constant 0 : i32
    %scan3A_162 = arith.constant 0 : i32
    %scan3A_163 = arith.constant 16 : i32
    %scan3A_164 = arith.addi %scan3A_162, %scan3A_163 : i32
    %scan3A_165 = arith.constant 1 : i32
    scf.for %scan3A_240 = %scan3A_162 to %scan3A_164 step %scan3A_165  : i32 {
      %mul3A_241 = arith.constant 16 : i32
      %mul3A_242 = arith.muli %scan3A_240, %mul3A_241 : i32
      %add3A_243 = arith.constant 0 : i32
      %add3A_244 = arith.addi %mul3A_242, %add3A_243 : i32
      %mul3A_245 = arith.constant 16 : i32
      %mul3A_246 = arith.muli %add3A_244, %mul3A_245 : i32
      %get3A = arith.index_cast %mul3A_246 : i32 to index
      %get3A_247 = tpu.vector_load %arg6[%get3A] {strides = array<i32>} : memref<4096xi32, #tpu.memory_space<vmem>>, vector<16xi32>,
      %gather3A = tpu.vector_load_idx %arg5[%get3A_247] : memref<100000xf32, #tpu.memory_space<vmem>>[vector<16xi32>], vector<16xf32>,
      %swap3A = arith.index_cast %mul3A_246 : i32 to index
      %swap3A_248 = tpu.vector_load %arg9[%swap3A] {strides = array<i32>} : memref<4096xf32, #tpu.memory_space<vmem>>, vector<16xf32>,
      tpu.vector_store %arg9[%swap3A], %gather3A {strides = array<i32>} : memref<4096xf32, #tpu.memory_space<vmem>>, vector<16xf32>,
      %mul3A_249 = arith.constant 16 : i32
      %mul3A_250 = arith.muli %scan3A_240, %mul3A_249 : i32
      %add3A_251 = arith.constant 1 : i32
      %add3A_252 = arith.addi %mul3A_250, %add3A_251 : i32
      %mul3A_253 = arith.constant 16 : i32
      %mul3A_254 = arith.muli %add3A_252, %mul3A_253 : i32
      %get3A_255 = arith.index_cast %mul3A_254 : i32 to index
      %get3A_256 = tpu.vector_load %arg6[%get3A_255] {strides = array<i32>} : memref<4096xi32, #tpu.memory_space<vmem>>, vector<16xi32>,
      %gather3A_257 = tpu.vector_load_idx %arg5[%get3A_256] : memref<100000xf32, #tpu.memory_space<vmem>>[vector<16xi32>], vector<16xf32>,
      %swap3A_258 = arith.index_cast %mul3A_254 : i32 to index
      %swap3A_259 = tpu.vector_load %arg9[%swap3A_258] {strides = array<i32>} : memref<4096xf32, #tpu.memory_space<vmem>>, vector<16xf32>,
      tpu.vector_store %arg9[%swap3A_258], %gather3A_257 {strides = array<i32>} : memref<4096xf32, #tpu.memory_space<vmem>>, vector<16xf32>,
      %mul3A_260 = arith.constant 16 : i32
      %mul3A_261 = arith.muli %scan3A_240, %mul3A_260 : i32
      %add3A_262 = arith.constant 2 : i32
      %add3A_263 = arith.addi %mul3A_261, %add3A_262 : i32
      %mul3A_264 = arith.constant 16 : i32
      %mul3A_265 = arith.muli %add3A_263, %mul3A_264 : i32
      %get3A_266 = arith.index_cast %mul3A_265 : i32 to index
      %get3A_267 = tpu.vector_load %arg6[%get3A_266] {strides = array<i32>} : memref<4096xi32, #tpu.memory_space<vmem>>, vector<16xi32>,
      %gather3A_268 = tpu.vector_load_idx %arg5[%get3A_267] : memref<100000xf32, #tpu.memory_space<vmem>>[vector<16xi32>], vector<16xf32>,
      %swap3A_269 = arith.index_cast %mul3A_265 : i32 to index
      %swap3A_270 = tpu.vector_load %arg9[%swap3A_269] {strides = array<i32>} : memref<4096xf32, #tpu.memory_space<vmem>>, vector<16xf32>,
      tpu.vector_store %arg9[%swap3A_269], %gather3A_268 {strides = array<i32>} : memref<4096xf32, #tpu.memory_space<vmem>>, vector<16xf32>,
      %mul3A_271 = arith.constant 16 : i32
      %mul3A_272 = arith.muli %scan3A_240, %mul3A_271 : i32
      %add3A_273 = arith.constant 3 : i32
      %add3A_274 = arith.addi %mul3A_272, %add3A_273 : i32
      %mul3A_275 = arith.constant 16 : i32
      %mul3A_276 = arith.muli %add3A_274, %mul3A_275 : i32
      %get3A_277 = arith.index_cast %mul3A_276 : i32 to index
      %get3A_278 = tpu.vector_load %arg6[%get3A_277] {strides = array<i32>} : memref<4096xi32, #tpu.memory_space<vmem>>, vector<16xi32>,
      %gather3A_279 = tpu.vector_load_idx %arg5[%get3A_278] : memref<100000xf32, #tpu.memory_space<vmem>>[vector<16xi32>], vector<16xf32>,
      %swap3A_280 = arith.index_cast %mul3A_276 : i32 to index
      %swap3A_281 = tpu.vector_load %arg9[%swap3A_280] {strides = array<i32>} : memref<4096xf32, #tpu.memory_space<vmem>>, vector<16xf32>,
      tpu.vector_store %arg9[%swap3A_280], %gather3A_279 {strides = array<i32>} : memref<4096xf32, #tpu.memory_space<vmem>>, vector<16xf32>,
      %mul3A_282 = arith.constant 16 : i32
      %mul3A_283 = arith.muli %scan3A_240, %mul3A_282 : i32
      %add3A_284 = arith.constant 4 : i32
      %add3A_285 = arith.addi %mul3A_283, %add3A_284 : i32
      %mul3A_286 = arith.constant 16 : i32
      %mul3A_287 = arith.muli %add3A_285, %mul3A_286 : i32
      %get3A_288 = arith.index_cast %mul3A_287 : i32 to index
      %get3A_289 = tpu.vector_load %arg6[%get3A_288] {strides = array<i32>} : memref<4096xi32, #tpu.memory_space<vmem>>, vector<16xi32>,
      %gather3A_290 = tpu.vector_load_idx %arg5[%get3A_289] : memref<100000xf32, #tpu.memory_space<vmem>>[vector<16xi32>], vector<16xf32>,
      %swap3A_291 = arith.index_cast %mul3A_287 : i32 to index
      %swap3A_292 = tpu.vector_load %arg9[%swap3A_291] {strides = array<i32>} : memref<4096xf32, #tpu.memory_space<vmem>>, vector<16xf32>,
      tpu.vector_store %arg9[%swap3A_291], %gather3A_290 {strides = array<i32>} : memref<4096xf32, #tpu.memory_space<vmem>>, vector<16xf32>,
      %mul3A_293 = arith.constant 16 : i32
      %mul3A_294 = arith.muli %scan3A_240, %mul3A_293 : i32
      %add3A_295 = arith.constant 5 : i32
      %add3A_296 = arith.addi %mul3A_294, %add3A_295 : i32
      %mul3A_297 = arith.constant 16 : i32
      %mul3A_298 = arith.muli %add3A_296, %mul3A_297 : i32
      %get3A_299 = arith.index_cast %mul3A_298 : i32 to index
      %get3A_300 = tpu.vector_load %arg6[%get3A_299] {strides = array<i32>} : memref<4096xi32, #tpu.memory_space<vmem>>, vector<16xi32>,
      %gather3A_301 = tpu.vector_load_idx %arg5[%get3A_300] : memref<100000xf32, #tpu.memory_space<vmem>>[vector<16xi32>], vector<16xf32>,
      %swap3A_302 = arith.index_cast %mul3A_298 : i32 to index
      %swap3A_303 = tpu.vector_load %arg9[%swap3A_302] {strides = array<i32>} : memref<4096xf32, #tpu.memory_space<vmem>>, vector<16xf32>,
      tpu.vector_store %arg9[%swap3A_302], %gather3A_301 {strides = array<i32>} : memref<4096xf32, #tpu.memory_space<vmem>>, vector<16xf32>,
      %mul3A_304 = arith.constant 16 : i32
      %mul3A_305 = arith.muli %scan3A_240, %mul3A_304 : i32
      %add3A_306 = arith.constant 6 : i32
      %add3A_307 = arith.addi %mul3A_305, %add3A_306 : i32
      %mul3A_308 = arith.constant 16 : i32
      %mul3A_309 = arith.muli %add3A_307, %mul3A_308 : i32
      %get3A_310 = arith.index_cast %mul3A_309 : i32 to index
      %get3A_311 = tpu.vector_load %arg6[%get3A_310] {strides = array<i32>} : memref<4096xi32, #tpu.memory_space<vmem>>, vector<16xi32>,
      %gather3A_312 = tpu.vector_load_idx %arg5[%get3A_311] : memref<100000xf32, #tpu.memory_space<vmem>>[vector<16xi32>], vector<16xf32>,
      %swap3A_313 = arith.index_cast %mul3A_309 : i32 to index
      %swap3A_314 = tpu.vector_load %arg9[%swap3A_313] {strides = array<i32>} : memref<4096xf32, #tpu.memory_space<vmem>>, vector<16xf32>,
      tpu.vector_store %arg9[%swap3A_313], %gather3A_312 {strides = array<i32>} : memref<4096xf32, #tpu.memory_space<vmem>>, vector<16xf32>,
      %mul3A_315 = arith.constant 16 : i32
      %mul3A_316 = arith.muli %scan3A_240, %mul3A_315 : i32
      %add3A_317 = arith.constant 7 : i32
      %add3A_318 = arith.addi %mul3A_316, %add3A_317 : i32
      %mul3A_319 = arith.constant 16 : i32
      %mul3A_320 = arith.muli %add3A_318, %mul3A_319 : i32
      %get3A_321 = arith.index_cast %mul3A_320 : i32 to index
      %get3A_322 = tpu.vector_load %arg6[%get3A_321] {strides = array<i32>} : memref<4096xi32, #tpu.memory_space<vmem>>, vector<16xi32>,
      %gather3A_323 = tpu.vector_load_idx %arg5[%get3A_322] : memref<100000xf32, #tpu.memory_space<vmem>>[vector<16xi32>], vector<16xf32>,
      %swap3A_324 = arith.index_cast %mul3A_320 : i32 to index
      %swap3A_325 = tpu.vector_load %arg9[%swap3A_324] {strides = array<i32>} : memref<4096xf32, #tpu.memory_space<vmem>>, vector<16xf32>,
      tpu.vector_store %arg9[%swap3A_324], %gather3A_323 {strides = array<i32>} : memref<4096xf32, #tpu.memory_space<vmem>>, vector<16xf32>,
      %mul3A_326 = arith.constant 16 : i32
      %mul3A_327 = arith.muli %scan3A_240, %mul3A_326 : i32
      %add3A_328 = arith.constant 8 : i32
      %add3A_329 = arith.addi %mul3A_327, %add3A_328 : i32
      %mul3A_330 = arith.constant 16 : i32
      %mul3A_331 = arith.muli %add3A_329, %mul3A_330 : i32
      %get3A_332 = arith.index_cast %mul3A_331 : i32 to index
      %get3A_333 = tpu.vector_load %arg6[%get3A_332] {strides = array<i32>} : memref<4096xi32, #tpu.memory_space<vmem>>, vector<16xi32>,
      %gather3A_334 = tpu.vector_load_idx %arg5[%get3A_333] : memref<100000xf32, #tpu.memory_space<vmem>>[vector<16xi32>], vector<16xf32>,
      %swap3A_335 = arith.index_cast %mul3A_331 : i32 to index
      %swap3A_336 = tpu.vector_load %arg9[%swap3A_335] {strides = array<i32>} : memref<4096xf32, #tpu.memory_space<vmem>>, vector<16xf32>,
      tpu.vector_store %arg9[%swap3A_335], %gather3A_334 {strides = array<i32>} : memref<4096xf32, #tpu.memory_space<vmem>>, vector<16xf32>,
      %mul3A_337 = arith.constant 16 : i32
      %mul3A_338 = arith.muli %scan3A_240, %mul3A_337 : i32
      %add3A_339 = arith.constant 9 : i32
      %add3A_340 = arith.addi %mul3A_338, %add3A_339 : i32
      %mul3A_341 = arith.constant 16 : i32
      %mul3A_342 = arith.muli %add3A_340, %mul3A_341 : i32
      %get3A_343 = arith.index_cast %mul3A_342 : i32 to index
      %get3A_344 = tpu.vector_load %arg6[%get3A_343] {strides = array<i32>} : memref<4096xi32, #tpu.memory_space<vmem>>, vector<16xi32>,
      %gather3A_345 = tpu.vector_load_idx %arg5[%get3A_344] : memref<100000xf32, #tpu.memory_space<vmem>>[vector<16xi32>], vector<16xf32>,
      %swap3A_346 = arith.index_cast %mul3A_342 : i32 to index
      %swap3A_347 = tpu.vector_load %arg9[%swap3A_346] {strides = array<i32>} : memref<4096xf32, #tpu.memory_space<vmem>>, vector<16xf32>,
      tpu.vector_store %arg9[%swap3A_346], %gather3A_345 {strides = array<i32>} : memref<4096xf32, #tpu.memory_space<vmem>>, vector<16xf32>,
      %mul3A_348 = arith.constant 16 : i32
      %mul3A_349 = arith.muli %scan3A_240, %mul3A_348 : i32
      %add3A_350 = arith.constant 10 : i32
      %add3A_351 = arith.addi %mul3A_349, %add3A_350 : i32
      %mul3A_352 = arith.constant 16 : i32
      %mul3A_353 = arith.muli %add3A_351, %mul3A_352 : i32
      %get3A_354 = arith.index_cast %mul3A_353 : i32 to index
      %get3A_355 = tpu.vector_load %arg6[%get3A_354] {strides = array<i32>} : memref<4096xi32, #tpu.memory_space<vmem>>, vector<16xi32>,
      %gather3A_356 = tpu.vector_load_idx %arg5[%get3A_355] : memref<100000xf32, #tpu.memory_space<vmem>>[vector<16xi32>], vector<16xf32>,
      %swap3A_357 = arith.index_cast %mul3A_353 : i32 to index
      %swap3A_358 = tpu.vector_load %arg9[%swap3A_357] {strides = array<i32>} : memref<4096xf32, #tpu.memory_space<vmem>>, vector<16xf32>,
      tpu.vector_store %arg9[%swap3A_357], %gather3A_356 {strides = array<i32>} : memref<4096xf32, #tpu.memory_space<vmem>>, vector<16xf32>,
      %mul3A_359 = arith.constant 16 : i32
      %mul3A_360 = arith.muli %scan3A_240, %mul3A_359 : i32
      %add3A_361 = arith.constant 11 : i32
      %add3A_362 = arith.addi %mul3A_360, %add3A_361 : i32
      %mul3A_363 = arith.constant 16 : i32
      %mul3A_364 = arith.muli %add3A_362, %mul3A_363 : i32
      %get3A_365 = arith.index_cast %mul3A_364 : i32 to index
      %get3A_366 = tpu.vector_load %arg6[%get3A_365] {strides = array<i32>} : memref<4096xi32, #tpu.memory_space<vmem>>, vector<16xi32>,
      %gather3A_367 = tpu.vector_load_idx %arg5[%get3A_366] : memref<100000xf32, #tpu.memory_space<vmem>>[vector<16xi32>], vector<16xf32>,
      %swap3A_368 = arith.index_cast %mul3A_364 : i32 to index
      %swap3A_369 = tpu.vector_load %arg9[%swap3A_368] {strides = array<i32>} : memref<4096xf32, #tpu.memory_space<vmem>>, vector<16xf32>,
      tpu.vector_store %arg9[%swap3A_368], %gather3A_367 {strides = array<i32>} : memref<4096xf32, #tpu.memory_space<vmem>>, vector<16xf32>,
      %mul3A_370 = arith.constant 16 : i32
      %mul3A_371 = arith.muli %scan3A_240, %mul3A_370 : i32
      %add3A_372 = arith.constant 12 : i32
      %add3A_373 = arith.addi %mul3A_371, %add3A_372 : i32
      %mul3A_374 = arith.constant 16 : i32
      %mul3A_375 = arith.muli %add3A_373, %mul3A_374 : i32
      %get3A_376 = arith.index_cast %mul3A_375 : i32 to index
      %get3A_377 = tpu.vector_load %arg6[%get3A_376] {strides = array<i32>} : memref<4096xi32, #tpu.memory_space<vmem>>, vector<16xi32>,
      %gather3A_378 = tpu.vector_load_idx %arg5[%get3A_377] : memref<100000xf32, #tpu.memory_space<vmem>>[vector<16xi32>], vector<16xf32>,
      %swap3A_379 = arith.index_cast %mul3A_375 : i32 to index
      %swap3A_380 = tpu.vector_load %arg9[%swap3A_379] {strides = array<i32>} : memref<4096xf32, #tpu.memory_space<vmem>>, vector<16xf32>,
      tpu.vector_store %arg9[%swap3A_379], %gather3A_378 {strides = array<i32>} : memref<4096xf32, #tpu.memory_space<vmem>>, vector<16xf32>,
      %mul3A_381 = arith.constant 16 : i32
      %mul3A_382 = arith.muli %scan3A_240, %mul3A_381 : i32
      %add3A_383 = arith.constant 13 : i32
      %add3A_384 = arith.addi %mul3A_382, %add3A_383 : i32
      %mul3A_385 = arith.constant 16 : i32
      %mul3A_386 = arith.muli %add3A_384, %mul3A_385 : i32
      %get3A_387 = arith.index_cast %mul3A_386 : i32 to index
      %get3A_388 = tpu.vector_load %arg6[%get3A_387] {strides = array<i32>} : memref<4096xi32, #tpu.memory_space<vmem>>, vector<16xi32>,
      %gather3A_389 = tpu.vector_load_idx %arg5[%get3A_388] : memref<100000xf32, #tpu.memory_space<vmem>>[vector<16xi32>], vector<16xf32>,
      %swap3A_390 = arith.index_cast %mul3A_386 : i32 to index
      %swap3A_391 = tpu.vector_load %arg9[%swap3A_390] {strides = array<i32>} : memref<4096xf32, #tpu.memory_space<vmem>>, vector<16xf32>,
      tpu.vector_store %arg9[%swap3A_390], %gather3A_389 {strides = array<i32>} : memref<4096xf32, #tpu.memory_space<vmem>>, vector<16xf32>,
      %mul3A_392 = arith.constant 16 : i32
      %mul3A_393 = arith.muli %scan3A_240, %mul3A_392 : i32
      %add3A_394 = arith.constant 14 : i32
      %add3A_395 = arith.addi %mul3A_393, %add3A_394 : i32
      %mul3A_396 = arith.constant 16 : i32
      %mul3A_397 = arith.muli %add3A_395, %mul3A_396 : i32
      %get3A_398 = arith.index_cast %mul3A_397 : i32 to index
      %get3A_399 = tpu.vector_load %arg6[%get3A_398] {strides = array<i32>} : memref<4096xi32, #tpu.memory_space<vmem>>, vector<16xi32>,
      %gather3A_400 = tpu.vector_load_idx %arg5[%get3A_399] : memref<100000xf32, #tpu.memory_space<vmem>>[vector<16xi32>], vector<16xf32>,
      %swap3A_401 = arith.index_cast %mul3A_397 : i32 to index
      %swap3A_402 = tpu.vector_load %arg9[%swap3A_401] {strides = array<i32>} : memref<4096xf32, #tpu.memory_space<vmem>>, vector<16xf32>,
      tpu.vector_store %arg9[%swap3A_401], %gather3A_400 {strides = array<i32>} : memref<4096xf32, #tpu.memory_space<vmem>>, vector<16xf32>,
      %mul3A_403 = arith.constant 16 : i32
      %mul3A_404 = arith.muli %scan3A_240, %mul3A_403 : i32
      %add3A_405 = arith.constant 15 : i32
      %add3A_406 = arith.addi %mul3A_404, %add3A_405 : i32
      %mul3A_407 = arith.constant 16 : i32
      %mul3A_408 = arith.muli %add3A_406, %mul3A_407 : i32
      %get3A_409 = arith.index_cast %mul3A_408 : i32 to index
      %get3A_410 = tpu.vector_load %arg6[%get3A_409] {strides = array<i32>} : memref<4096xi32, #tpu.memory_space<vmem>>, vector<16xi32>,
      %gather3A_411 = tpu.vector_load_idx %arg5[%get3A_410] : memref<100000xf32, #tpu.memory_space<vmem>>[vector<16xi32>], vector<16xf32>,
      %swap3A_412 = arith.index_cast %mul3A_408 : i32 to index
      %swap3A_413 = tpu.vector_load %arg9[%swap3A_412] {strides = array<i32>} : memref<4096xf32, #tpu.memory_space<vmem>>, vector<16xf32>,
      tpu.vector_store %arg9[%swap3A_412], %gather3A_411 {strides = array<i32>} : memref<4096xf32, #tpu.memory_space<vmem>>, vector<16xf32>,
    }
    %scan3A_166 = arith.constant 16 : i32
    %add3A_167 = arith.constant 48 : i32
    %add3A_168 = arith.constant 3 : i32
    %add3A_169 = arith.addi %add3A_167, %add3A_168 : i32
    %lt3A_170 = arith.constant 50 : i32
    %lt3A_171 = arith.cmpi slt, %add3A_169, %lt3A_170 : i32
    %convert_element_type3A_172 = arith.extui %lt3A_171 : i1 to i32
    %cond3A_173 = arith.constant 0 : i32
    %cond3A_174 = arith.cmpi ne, %convert_element_type3A_172, %cond3A_173 : i32
    scf.if %cond3A_174 {
      %dma_start3A_240 = arith.constant 0 : i32
      %dma_start3A_241 = tpu.memref_slice %arg2[%add3A_169, %dma_start3A_240] : memref<50x4096xi32, #tpu.memory_space<hbm>> -> memref<1x4096xi32, #tpu.memory_space<hbm>>
      %dma_start3A_242 = tpu.memref_squeeze %dma_start3A_241 : memref<1x4096xi32, #tpu.memory_space<hbm>> -> memref<4096xi32, #tpu.memory_space<hbm>>
      %dma_start3A_243 = arith.constant 0 : i32
      %dma_start3A_244 = tpu.memref_slice %arg2[%add3A_169, %dma_start3A_243] : memref<50x4096xi32, #tpu.memory_space<hbm>> -> memref<1x4096xi32, #tpu.memory_space<hbm>>
      %dma_start3A_245 = tpu.memref_squeeze %dma_start3A_244 : memref<1x4096xi32, #tpu.memory_space<hbm>> -> memref<4096xi32, #tpu.memory_space<hbm>>
      tpu.enqueue_dma source(%dma_start3A_245 : memref<4096xi32, #tpu.memory_space<hbm>>) target(%arg6 : memref<4096xi32, #tpu.memory_space<vmem>>) target_semaphore(%arg12 : memref<!tpu.dma_semaphore, #tpu.memory_space<semaphore_mem>>)
    } else {
    }
    %dma_start3A_175 = arith.constant 48 : i32
    %dma_start3A_176 = arith.constant 0 : i32
    %dma_start3A_177 = tpu.memref_slice %arg4[%dma_start3A_175, %add3A_120, %dma_start3A_176] : memref<50x64x4096xf32, #tpu.memory_space<hbm>> -> memref<1x1x4096xf32, #tpu.memory_space<hbm>>
    %dma_start3A_178 = tpu.memref_squeeze %dma_start3A_177 : memref<1x1x4096xf32, #tpu.memory_space<hbm>> -> memref<4096xf32, #tpu.memory_space<hbm>>
    %dma_start3A_179 = arith.constant 0 : i32
    %dma_start3A_180 = tpu.memref_slice %arg4[%dma_start3A_175, %add3A_120, %dma_start3A_179] : memref<50x64x4096xf32, #tpu.memory_space<hbm>> -> memref<1x1x4096xf32, #tpu.memory_space<hbm>>
    %dma_start3A_181 = tpu.memref_squeeze %dma_start3A_180 : memref<1x1x4096xf32, #tpu.memory_space<hbm>> -> memref<4096xf32, #tpu.memory_space<hbm>>
    tpu.enqueue_dma source(%arg9 : memref<4096xf32, #tpu.memory_space<vmem>>) target(%dma_start3A_181 : memref<4096xf32, #tpu.memory_space<hbm>>) target_semaphore(%arg15 : memref<!tpu.dma_semaphore, #tpu.memory_space<semaphore_mem>>)
    %dma_wait3A_182 = arith.constant 0 : i32
    %dma_wait3A_183 = arith.constant 0 : i32
    %dma_wait3A_184 = tpu.memref_slice %arg2[%dma_wait3A_182, %dma_wait3A_183] : memref<50x4096xi32, #tpu.memory_space<hbm>> -> memref<1x4096xi32, #tpu.memory_space<hbm>>
    %dma_wait3A_185 = tpu.memref_squeeze %dma_wait3A_184 : memref<1x4096xi32, #tpu.memory_space<hbm>> -> memref<4096xi32, #tpu.memory_space<hbm>>
    %dma_wait3A_186 = arith.constant 0 : i32
    %dma_wait3A_187 = tpu.memref_slice %arg2[%dma_wait3A_182, %dma_wait3A_186] : memref<50x4096xi32, #tpu.memory_space<hbm>> -> memref<1x4096xi32, #tpu.memory_space<hbm>>
    %dma_wait3A_188 = tpu.memref_squeeze %dma_wait3A_187 : memref<1x4096xi32, #tpu.memory_space<hbm>> -> memref<4096xi32, #tpu.memory_space<hbm>>
    tpu.wait_dma2 semaphore(%arg13 : memref<!tpu.dma_semaphore, #tpu.memory_space<semaphore_mem>>) src(%dma_wait3A_188 : memref<4096xi32, #tpu.memory_space<hbm>>) dst(%arg7 : memref<4096xi32, #tpu.memory_space<vmem>>)
    %ge3A_189 = arith.constant 49 : i32
    %ge3A_190 = arith.constant 3 : i32
    %ge3A_191 = arith.cmpi sge, %ge3A_189, %ge3A_190 : i32
    %convert_element_type3A_192 = arith.extui %ge3A_191 : i1 to i32
    %cond3A_193 = arith.constant 0 : i32
    %cond3A_194 = arith.cmpi ne, %convert_element_type3A_192, %cond3A_193 : i32
    scf.if %cond3A_194 {
      %dma_wait3A_240 = arith.constant 0 : i32
      %dma_wait3A_241 = arith.constant 0 : i32
      %dma_wait3A_242 = arith.constant 0 : i32
      %dma_wait3A_243 = tpu.memref_slice %arg4[%dma_wait3A_240, %dma_wait3A_241, %dma_wait3A_242] : memref<50x64x4096xf32, #tpu.memory_space<hbm>> -> memref<1x1x4096xf32, #tpu.memory_space<hbm>>
      %dma_wait3A_244 = tpu.memref_squeeze %dma_wait3A_243 : memref<1x1x4096xf32, #tpu.memory_space<hbm>> -> memref<4096xf32, #tpu.memory_space<hbm>>
      %dma_wait3A_245 = arith.constant 0 : i32
      %dma_wait3A_246 = tpu.memref_slice %arg4[%dma_wait3A_240, %dma_wait3A_241, %dma_wait3A_245] : memref<50x64x4096xf32, #tpu.memory_space<hbm>> -> memref<1x1x4096xf32, #tpu.memory_space<hbm>>
      %dma_wait3A_247 = tpu.memref_squeeze %dma_wait3A_246 : memref<1x1x4096xf32, #tpu.memory_space<hbm>> -> memref<4096xf32, #tpu.memory_space<hbm>>
      tpu.wait_dma2 semaphore(%arg16 : memref<!tpu.dma_semaphore, #tpu.memory_space<semaphore_mem>>) src(%arg10 : memref<4096xf32, #tpu.memory_space<vmem>>) dst(%dma_wait3A_247 : memref<4096xf32, #tpu.memory_space<hbm>>)
    } else {
    }
    %scan3A_195 = arith.constant 0 : i32
    %scan3A_196 = arith.constant 0 : i32
    %scan3A_197 = arith.constant 16 : i32
    %scan3A_198 = arith.addi %scan3A_196, %scan3A_197 : i32
    %scan3A_199 = arith.constant 1 : i32
    scf.for %scan3A_240 = %scan3A_196 to %scan3A_198 step %scan3A_199  : i32 {
      %mul3A_241 = arith.constant 16 : i32
      %mul3A_242 = arith.muli %scan3A_240, %mul3A_241 : i32
      %add3A_243 = arith.constant 0 : i32
      %add3A_244 = arith.addi %mul3A_242, %add3A_243 : i32
      %mul3A_245 = arith.constant 16 : i32
      %mul3A_246 = arith.muli %add3A_244, %mul3A_245 : i32
      %get3A = arith.index_cast %mul3A_246 : i32 to index
      %get3A_247 = tpu.vector_load %arg7[%get3A] {strides = array<i32>} : memref<4096xi32, #tpu.memory_space<vmem>>, vector<16xi32>,
      %gather3A = tpu.vector_load_idx %arg5[%get3A_247] : memref<100000xf32, #tpu.memory_space<vmem>>[vector<16xi32>], vector<16xf32>,
      %swap3A = arith.index_cast %mul3A_246 : i32 to index
      %swap3A_248 = tpu.vector_load %arg10[%swap3A] {strides = array<i32>} : memref<4096xf32, #tpu.memory_space<vmem>>, vector<16xf32>,
      tpu.vector_store %arg10[%swap3A], %gather3A {strides = array<i32>} : memref<4096xf32, #tpu.memory_space<vmem>>, vector<16xf32>,
      %mul3A_249 = arith.constant 16 : i32
      %mul3A_250 = arith.muli %scan3A_240, %mul3A_249 : i32
      %add3A_251 = arith.constant 1 : i32
      %add3A_252 = arith.addi %mul3A_250, %add3A_251 : i32
      %mul3A_253 = arith.constant 16 : i32
      %mul3A_254 = arith.muli %add3A_252, %mul3A_253 : i32
      %get3A_255 = arith.index_cast %mul3A_254 : i32 to index
      %get3A_256 = tpu.vector_load %arg7[%get3A_255] {strides = array<i32>} : memref<4096xi32, #tpu.memory_space<vmem>>, vector<16xi32>,
      %gather3A_257 = tpu.vector_load_idx %arg5[%get3A_256] : memref<100000xf32, #tpu.memory_space<vmem>>[vector<16xi32>], vector<16xf32>,
      %swap3A_258 = arith.index_cast %mul3A_254 : i32 to index
      %swap3A_259 = tpu.vector_load %arg10[%swap3A_258] {strides = array<i32>} : memref<4096xf32, #tpu.memory_space<vmem>>, vector<16xf32>,
      tpu.vector_store %arg10[%swap3A_258], %gather3A_257 {strides = array<i32>} : memref<4096xf32, #tpu.memory_space<vmem>>, vector<16xf32>,
      %mul3A_260 = arith.constant 16 : i32
      %mul3A_261 = arith.muli %scan3A_240, %mul3A_260 : i32
      %add3A_262 = arith.constant 2 : i32
      %add3A_263 = arith.addi %mul3A_261, %add3A_262 : i32
      %mul3A_264 = arith.constant 16 : i32
      %mul3A_265 = arith.muli %add3A_263, %mul3A_264 : i32
      %get3A_266 = arith.index_cast %mul3A_265 : i32 to index
      %get3A_267 = tpu.vector_load %arg7[%get3A_266] {strides = array<i32>} : memref<4096xi32, #tpu.memory_space<vmem>>, vector<16xi32>,
      %gather3A_268 = tpu.vector_load_idx %arg5[%get3A_267] : memref<100000xf32, #tpu.memory_space<vmem>>[vector<16xi32>], vector<16xf32>,
      %swap3A_269 = arith.index_cast %mul3A_265 : i32 to index
      %swap3A_270 = tpu.vector_load %arg10[%swap3A_269] {strides = array<i32>} : memref<4096xf32, #tpu.memory_space<vmem>>, vector<16xf32>,
      tpu.vector_store %arg10[%swap3A_269], %gather3A_268 {strides = array<i32>} : memref<4096xf32, #tpu.memory_space<vmem>>, vector<16xf32>,
      %mul3A_271 = arith.constant 16 : i32
      %mul3A_272 = arith.muli %scan3A_240, %mul3A_271 : i32
      %add3A_273 = arith.constant 3 : i32
      %add3A_274 = arith.addi %mul3A_272, %add3A_273 : i32
      %mul3A_275 = arith.constant 16 : i32
      %mul3A_276 = arith.muli %add3A_274, %mul3A_275 : i32
      %get3A_277 = arith.index_cast %mul3A_276 : i32 to index
      %get3A_278 = tpu.vector_load %arg7[%get3A_277] {strides = array<i32>} : memref<4096xi32, #tpu.memory_space<vmem>>, vector<16xi32>,
      %gather3A_279 = tpu.vector_load_idx %arg5[%get3A_278] : memref<100000xf32, #tpu.memory_space<vmem>>[vector<16xi32>], vector<16xf32>,
      %swap3A_280 = arith.index_cast %mul3A_276 : i32 to index
      %swap3A_281 = tpu.vector_load %arg10[%swap3A_280] {strides = array<i32>} : memref<4096xf32, #tpu.memory_space<vmem>>, vector<16xf32>,
      tpu.vector_store %arg10[%swap3A_280], %gather3A_279 {strides = array<i32>} : memref<4096xf32, #tpu.memory_space<vmem>>, vector<16xf32>,
      %mul3A_282 = arith.constant 16 : i32
      %mul3A_283 = arith.muli %scan3A_240, %mul3A_282 : i32
      %add3A_284 = arith.constant 4 : i32
      %add3A_285 = arith.addi %mul3A_283, %add3A_284 : i32
      %mul3A_286 = arith.constant 16 : i32
      %mul3A_287 = arith.muli %add3A_285, %mul3A_286 : i32
      %get3A_288 = arith.index_cast %mul3A_287 : i32 to index
      %get3A_289 = tpu.vector_load %arg7[%get3A_288] {strides = array<i32>} : memref<4096xi32, #tpu.memory_space<vmem>>, vector<16xi32>,
      %gather3A_290 = tpu.vector_load_idx %arg5[%get3A_289] : memref<100000xf32, #tpu.memory_space<vmem>>[vector<16xi32>], vector<16xf32>,
      %swap3A_291 = arith.index_cast %mul3A_287 : i32 to index
      %swap3A_292 = tpu.vector_load %arg10[%swap3A_291] {strides = array<i32>} : memref<4096xf32, #tpu.memory_space<vmem>>, vector<16xf32>,
      tpu.vector_store %arg10[%swap3A_291], %gather3A_290 {strides = array<i32>} : memref<4096xf32, #tpu.memory_space<vmem>>, vector<16xf32>,
      %mul3A_293 = arith.constant 16 : i32
      %mul3A_294 = arith.muli %scan3A_240, %mul3A_293 : i32
      %add3A_295 = arith.constant 5 : i32
      %add3A_296 = arith.addi %mul3A_294, %add3A_295 : i32
      %mul3A_297 = arith.constant 16 : i32
      %mul3A_298 = arith.muli %add3A_296, %mul3A_297 : i32
      %get3A_299 = arith.index_cast %mul3A_298 : i32 to index
      %get3A_300 = tpu.vector_load %arg7[%get3A_299] {strides = array<i32>} : memref<4096xi32, #tpu.memory_space<vmem>>, vector<16xi32>,
      %gather3A_301 = tpu.vector_load_idx %arg5[%get3A_300] : memref<100000xf32, #tpu.memory_space<vmem>>[vector<16xi32>], vector<16xf32>,
      %swap3A_302 = arith.index_cast %mul3A_298 : i32 to index
      %swap3A_303 = tpu.vector_load %arg10[%swap3A_302] {strides = array<i32>} : memref<4096xf32, #tpu.memory_space<vmem>>, vector<16xf32>,
      tpu.vector_store %arg10[%swap3A_302], %gather3A_301 {strides = array<i32>} : memref<4096xf32, #tpu.memory_space<vmem>>, vector<16xf32>,
      %mul3A_304 = arith.constant 16 : i32
      %mul3A_305 = arith.muli %scan3A_240, %mul3A_304 : i32
      %add3A_306 = arith.constant 6 : i32
      %add3A_307 = arith.addi %mul3A_305, %add3A_306 : i32
      %mul3A_308 = arith.constant 16 : i32
      %mul3A_309 = arith.muli %add3A_307, %mul3A_308 : i32
      %get3A_310 = arith.index_cast %mul3A_309 : i32 to index
      %get3A_311 = tpu.vector_load %arg7[%get3A_310] {strides = array<i32>} : memref<4096xi32, #tpu.memory_space<vmem>>, vector<16xi32>,
      %gather3A_312 = tpu.vector_load_idx %arg5[%get3A_311] : memref<100000xf32, #tpu.memory_space<vmem>>[vector<16xi32>], vector<16xf32>,
      %swap3A_313 = arith.index_cast %mul3A_309 : i32 to index
      %swap3A_314 = tpu.vector_load %arg10[%swap3A_313] {strides = array<i32>} : memref<4096xf32, #tpu.memory_space<vmem>>, vector<16xf32>,
      tpu.vector_store %arg10[%swap3A_313], %gather3A_312 {strides = array<i32>} : memref<4096xf32, #tpu.memory_space<vmem>>, vector<16xf32>,
      %mul3A_315 = arith.constant 16 : i32
      %mul3A_316 = arith.muli %scan3A_240, %mul3A_315 : i32
      %add3A_317 = arith.constant 7 : i32
      %add3A_318 = arith.addi %mul3A_316, %add3A_317 : i32
      %mul3A_319 = arith.constant 16 : i32
      %mul3A_320 = arith.muli %add3A_318, %mul3A_319 : i32
      %get3A_321 = arith.index_cast %mul3A_320 : i32 to index
      %get3A_322 = tpu.vector_load %arg7[%get3A_321] {strides = array<i32>} : memref<4096xi32, #tpu.memory_space<vmem>>, vector<16xi32>,
      %gather3A_323 = tpu.vector_load_idx %arg5[%get3A_322] : memref<100000xf32, #tpu.memory_space<vmem>>[vector<16xi32>], vector<16xf32>,
      %swap3A_324 = arith.index_cast %mul3A_320 : i32 to index
      %swap3A_325 = tpu.vector_load %arg10[%swap3A_324] {strides = array<i32>} : memref<4096xf32, #tpu.memory_space<vmem>>, vector<16xf32>,
      tpu.vector_store %arg10[%swap3A_324], %gather3A_323 {strides = array<i32>} : memref<4096xf32, #tpu.memory_space<vmem>>, vector<16xf32>,
      %mul3A_326 = arith.constant 16 : i32
      %mul3A_327 = arith.muli %scan3A_240, %mul3A_326 : i32
      %add3A_328 = arith.constant 8 : i32
      %add3A_329 = arith.addi %mul3A_327, %add3A_328 : i32
      %mul3A_330 = arith.constant 16 : i32
      %mul3A_331 = arith.muli %add3A_329, %mul3A_330 : i32
      %get3A_332 = arith.index_cast %mul3A_331 : i32 to index
      %get3A_333 = tpu.vector_load %arg7[%get3A_332] {strides = array<i32>} : memref<4096xi32, #tpu.memory_space<vmem>>, vector<16xi32>,
      %gather3A_334 = tpu.vector_load_idx %arg5[%get3A_333] : memref<100000xf32, #tpu.memory_space<vmem>>[vector<16xi32>], vector<16xf32>,
      %swap3A_335 = arith.index_cast %mul3A_331 : i32 to index
      %swap3A_336 = tpu.vector_load %arg10[%swap3A_335] {strides = array<i32>} : memref<4096xf32, #tpu.memory_space<vmem>>, vector<16xf32>,
      tpu.vector_store %arg10[%swap3A_335], %gather3A_334 {strides = array<i32>} : memref<4096xf32, #tpu.memory_space<vmem>>, vector<16xf32>,
      %mul3A_337 = arith.constant 16 : i32
      %mul3A_338 = arith.muli %scan3A_240, %mul3A_337 : i32
      %add3A_339 = arith.constant 9 : i32
      %add3A_340 = arith.addi %mul3A_338, %add3A_339 : i32
      %mul3A_341 = arith.constant 16 : i32
      %mul3A_342 = arith.muli %add3A_340, %mul3A_341 : i32
      %get3A_343 = arith.index_cast %mul3A_342 : i32 to index
      %get3A_344 = tpu.vector_load %arg7[%get3A_343] {strides = array<i32>} : memref<4096xi32, #tpu.memory_space<vmem>>, vector<16xi32>,
      %gather3A_345 = tpu.vector_load_idx %arg5[%get3A_344] : memref<100000xf32, #tpu.memory_space<vmem>>[vector<16xi32>], vector<16xf32>,
      %swap3A_346 = arith.index_cast %mul3A_342 : i32 to index
      %swap3A_347 = tpu.vector_load %arg10[%swap3A_346] {strides = array<i32>} : memref<4096xf32, #tpu.memory_space<vmem>>, vector<16xf32>,
      tpu.vector_store %arg10[%swap3A_346], %gather3A_345 {strides = array<i32>} : memref<4096xf32, #tpu.memory_space<vmem>>, vector<16xf32>,
      %mul3A_348 = arith.constant 16 : i32
      %mul3A_349 = arith.muli %scan3A_240, %mul3A_348 : i32
      %add3A_350 = arith.constant 10 : i32
      %add3A_351 = arith.addi %mul3A_349, %add3A_350 : i32
      %mul3A_352 = arith.constant 16 : i32
      %mul3A_353 = arith.muli %add3A_351, %mul3A_352 : i32
      %get3A_354 = arith.index_cast %mul3A_353 : i32 to index
      %get3A_355 = tpu.vector_load %arg7[%get3A_354] {strides = array<i32>} : memref<4096xi32, #tpu.memory_space<vmem>>, vector<16xi32>,
      %gather3A_356 = tpu.vector_load_idx %arg5[%get3A_355] : memref<100000xf32, #tpu.memory_space<vmem>>[vector<16xi32>], vector<16xf32>,
      %swap3A_357 = arith.index_cast %mul3A_353 : i32 to index
      %swap3A_358 = tpu.vector_load %arg10[%swap3A_357] {strides = array<i32>} : memref<4096xf32, #tpu.memory_space<vmem>>, vector<16xf32>,
      tpu.vector_store %arg10[%swap3A_357], %gather3A_356 {strides = array<i32>} : memref<4096xf32, #tpu.memory_space<vmem>>, vector<16xf32>,
      %mul3A_359 = arith.constant 16 : i32
      %mul3A_360 = arith.muli %scan3A_240, %mul3A_359 : i32
      %add3A_361 = arith.constant 11 : i32
      %add3A_362 = arith.addi %mul3A_360, %add3A_361 : i32
      %mul3A_363 = arith.constant 16 : i32
      %mul3A_364 = arith.muli %add3A_362, %mul3A_363 : i32
      %get3A_365 = arith.index_cast %mul3A_364 : i32 to index
      %get3A_366 = tpu.vector_load %arg7[%get3A_365] {strides = array<i32>} : memref<4096xi32, #tpu.memory_space<vmem>>, vector<16xi32>,
      %gather3A_367 = tpu.vector_load_idx %arg5[%get3A_366] : memref<100000xf32, #tpu.memory_space<vmem>>[vector<16xi32>], vector<16xf32>,
      %swap3A_368 = arith.index_cast %mul3A_364 : i32 to index
      %swap3A_369 = tpu.vector_load %arg10[%swap3A_368] {strides = array<i32>} : memref<4096xf32, #tpu.memory_space<vmem>>, vector<16xf32>,
      tpu.vector_store %arg10[%swap3A_368], %gather3A_367 {strides = array<i32>} : memref<4096xf32, #tpu.memory_space<vmem>>, vector<16xf32>,
      %mul3A_370 = arith.constant 16 : i32
      %mul3A_371 = arith.muli %scan3A_240, %mul3A_370 : i32
      %add3A_372 = arith.constant 12 : i32
      %add3A_373 = arith.addi %mul3A_371, %add3A_372 : i32
      %mul3A_374 = arith.constant 16 : i32
      %mul3A_375 = arith.muli %add3A_373, %mul3A_374 : i32
      %get3A_376 = arith.index_cast %mul3A_375 : i32 to index
      %get3A_377 = tpu.vector_load %arg7[%get3A_376] {strides = array<i32>} : memref<4096xi32, #tpu.memory_space<vmem>>, vector<16xi32>,
      %gather3A_378 = tpu.vector_load_idx %arg5[%get3A_377] : memref<100000xf32, #tpu.memory_space<vmem>>[vector<16xi32>], vector<16xf32>,
      %swap3A_379 = arith.index_cast %mul3A_375 : i32 to index
      %swap3A_380 = tpu.vector_load %arg10[%swap3A_379] {strides = array<i32>} : memref<4096xf32, #tpu.memory_space<vmem>>, vector<16xf32>,
      tpu.vector_store %arg10[%swap3A_379], %gather3A_378 {strides = array<i32>} : memref<4096xf32, #tpu.memory_space<vmem>>, vector<16xf32>,
      %mul3A_381 = arith.constant 16 : i32
      %mul3A_382 = arith.muli %scan3A_240, %mul3A_381 : i32
      %add3A_383 = arith.constant 13 : i32
      %add3A_384 = arith.addi %mul3A_382, %add3A_383 : i32
      %mul3A_385 = arith.constant 16 : i32
      %mul3A_386 = arith.muli %add3A_384, %mul3A_385 : i32
      %get3A_387 = arith.index_cast %mul3A_386 : i32 to index
      %get3A_388 = tpu.vector_load %arg7[%get3A_387] {strides = array<i32>} : memref<4096xi32, #tpu.memory_space<vmem>>, vector<16xi32>,
      %gather3A_389 = tpu.vector_load_idx %arg5[%get3A_388] : memref<100000xf32, #tpu.memory_space<vmem>>[vector<16xi32>], vector<16xf32>,
      %swap3A_390 = arith.index_cast %mul3A_386 : i32 to index
      %swap3A_391 = tpu.vector_load %arg10[%swap3A_390] {strides = array<i32>} : memref<4096xf32, #tpu.memory_space<vmem>>, vector<16xf32>,
      tpu.vector_store %arg10[%swap3A_390], %gather3A_389 {strides = array<i32>} : memref<4096xf32, #tpu.memory_space<vmem>>, vector<16xf32>,
      %mul3A_392 = arith.constant 16 : i32
      %mul3A_393 = arith.muli %scan3A_240, %mul3A_392 : i32
      %add3A_394 = arith.constant 14 : i32
      %add3A_395 = arith.addi %mul3A_393, %add3A_394 : i32
      %mul3A_396 = arith.constant 16 : i32
      %mul3A_397 = arith.muli %add3A_395, %mul3A_396 : i32
      %get3A_398 = arith.index_cast %mul3A_397 : i32 to index
      %get3A_399 = tpu.vector_load %arg7[%get3A_398] {strides = array<i32>} : memref<4096xi32, #tpu.memory_space<vmem>>, vector<16xi32>,
      %gather3A_400 = tpu.vector_load_idx %arg5[%get3A_399] : memref<100000xf32, #tpu.memory_space<vmem>>[vector<16xi32>], vector<16xf32>,
      %swap3A_401 = arith.index_cast %mul3A_397 : i32 to index
      %swap3A_402 = tpu.vector_load %arg10[%swap3A_401] {strides = array<i32>} : memref<4096xf32, #tpu.memory_space<vmem>>, vector<16xf32>,
      tpu.vector_store %arg10[%swap3A_401], %gather3A_400 {strides = array<i32>} : memref<4096xf32, #tpu.memory_space<vmem>>, vector<16xf32>,
      %mul3A_403 = arith.constant 16 : i32
      %mul3A_404 = arith.muli %scan3A_240, %mul3A_403 : i32
      %add3A_405 = arith.constant 15 : i32
      %add3A_406 = arith.addi %mul3A_404, %add3A_405 : i32
      %mul3A_407 = arith.constant 16 : i32
      %mul3A_408 = arith.muli %add3A_406, %mul3A_407 : i32
      %get3A_409 = arith.index_cast %mul3A_408 : i32 to index
      %get3A_410 = tpu.vector_load %arg7[%get3A_409] {strides = array<i32>} : memref<4096xi32, #tpu.memory_space<vmem>>, vector<16xi32>,
      %gather3A_411 = tpu.vector_load_idx %arg5[%get3A_410] : memref<100000xf32, #tpu.memory_space<vmem>>[vector<16xi32>], vector<16xf32>,
      %swap3A_412 = arith.index_cast %mul3A_408 : i32 to index
      %swap3A_413 = tpu.vector_load %arg10[%swap3A_412] {strides = array<i32>} : memref<4096xf32, #tpu.memory_space<vmem>>, vector<16xf32>,
      tpu.vector_store %arg10[%swap3A_412], %gather3A_411 {strides = array<i32>} : memref<4096xf32, #tpu.memory_space<vmem>>, vector<16xf32>,
    }
    %scan3A_200 = arith.constant 16 : i32
    %add3A_201 = arith.constant 49 : i32
    %add3A_202 = arith.constant 3 : i32
    %add3A_203 = arith.addi %add3A_201, %add3A_202 : i32
    %lt3A_204 = arith.constant 50 : i32
    %lt3A_205 = arith.cmpi slt, %add3A_203, %lt3A_204 : i32
    %convert_element_type3A_206 = arith.extui %lt3A_205 : i1 to i32
    %cond3A_207 = arith.constant 0 : i32
    %cond3A_208 = arith.cmpi ne, %convert_element_type3A_206, %cond3A_207 : i32
    scf.if %cond3A_208 {
      %dma_start3A_240 = arith.constant 0 : i32
      %dma_start3A_241 = tpu.memref_slice %arg2[%add3A_203, %dma_start3A_240] : memref<50x4096xi32, #tpu.memory_space<hbm>> -> memref<1x4096xi32, #tpu.memory_space<hbm>>
      %dma_start3A_242 = tpu.memref_squeeze %dma_start3A_241 : memref<1x4096xi32, #tpu.memory_space<hbm>> -> memref<4096xi32, #tpu.memory_space<hbm>>
      %dma_start3A_243 = arith.constant 0 : i32
      %dma_start3A_244 = tpu.memref_slice %arg2[%add3A_203, %dma_start3A_243] : memref<50x4096xi32, #tpu.memory_space<hbm>> -> memref<1x4096xi32, #tpu.memory_space<hbm>>
      %dma_start3A_245 = tpu.memref_squeeze %dma_start3A_244 : memref<1x4096xi32, #tpu.memory_space<hbm>> -> memref<4096xi32, #tpu.memory_space<hbm>>
      tpu.enqueue_dma source(%dma_start3A_245 : memref<4096xi32, #tpu.memory_space<hbm>>) target(%arg7 : memref<4096xi32, #tpu.memory_space<vmem>>) target_semaphore(%arg13 : memref<!tpu.dma_semaphore, #tpu.memory_space<semaphore_mem>>)
    } else {
    }
    %dma_start3A_209 = arith.constant 49 : i32
    %dma_start3A_210 = arith.constant 0 : i32
    %dma_start3A_211 = tpu.memref_slice %arg4[%dma_start3A_209, %add3A_120, %dma_start3A_210] : memref<50x64x4096xf32, #tpu.memory_space<hbm>> -> memref<1x1x4096xf32, #tpu.memory_space<hbm>>
    %dma_start3A_212 = tpu.memref_squeeze %dma_start3A_211 : memref<1x1x4096xf32, #tpu.memory_space<hbm>> -> memref<4096xf32, #tpu.memory_space<hbm>>
    %dma_start3A_213 = arith.constant 0 : i32
    %dma_start3A_214 = tpu.memref_slice %arg4[%dma_start3A_209, %add3A_120, %dma_start3A_213] : memref<50x64x4096xf32, #tpu.memory_space<hbm>> -> memref<1x1x4096xf32, #tpu.memory_space<hbm>>
    %dma_start3A_215 = tpu.memref_squeeze %dma_start3A_214 : memref<1x1x4096xf32, #tpu.memory_space<hbm>> -> memref<4096xf32, #tpu.memory_space<hbm>>
    tpu.enqueue_dma source(%arg10 : memref<4096xf32, #tpu.memory_space<vmem>>) target(%dma_start3A_215 : memref<4096xf32, #tpu.memory_space<hbm>>) target_semaphore(%arg16 : memref<!tpu.dma_semaphore, #tpu.memory_space<semaphore_mem>>)
    %dma_wait3A_216 = arith.constant 0 : i32
    %dma_wait3A_217 = arith.constant 0 : i32
    %dma_wait3A_218 = arith.constant 0 : i32
    %dma_wait3A_219 = tpu.memref_slice %arg4[%dma_wait3A_216, %dma_wait3A_217, %dma_wait3A_218] : memref<50x64x4096xf32, #tpu.memory_space<hbm>> -> memref<1x1x4096xf32, #tpu.memory_space<hbm>>
    %dma_wait3A_220 = tpu.memref_squeeze %dma_wait3A_219 : memref<1x1x4096xf32, #tpu.memory_space<hbm>> -> memref<4096xf32, #tpu.memory_space<hbm>>
    %dma_wait3A_221 = arith.constant 0 : i32
    %dma_wait3A_222 = tpu.memref_slice %arg4[%dma_wait3A_216, %dma_wait3A_217, %dma_wait3A_221] : memref<50x64x4096xf32, #tpu.memory_space<hbm>> -> memref<1x1x4096xf32, #tpu.memory_space<hbm>>
    %dma_wait3A_223 = tpu.memref_squeeze %dma_wait3A_222 : memref<1x1x4096xf32, #tpu.memory_space<hbm>> -> memref<4096xf32, #tpu.memory_space<hbm>>
    tpu.wait_dma2 semaphore(%arg15 : memref<!tpu.dma_semaphore, #tpu.memory_space<semaphore_mem>>) src(%arg9 : memref<4096xf32, #tpu.memory_space<vmem>>) dst(%dma_wait3A_223 : memref<4096xf32, #tpu.memory_space<hbm>>)
    %dma_wait3A_224 = arith.constant 0 : i32
    %dma_wait3A_225 = arith.constant 0 : i32
    %dma_wait3A_226 = arith.constant 0 : i32
    %dma_wait3A_227 = tpu.memref_slice %arg4[%dma_wait3A_224, %dma_wait3A_225, %dma_wait3A_226] : memref<50x64x4096xf32, #tpu.memory_space<hbm>> -> memref<1x1x4096xf32, #tpu.memory_space<hbm>>
    %dma_wait3A_228 = tpu.memref_squeeze %dma_wait3A_227 : memref<1x1x4096xf32, #tpu.memory_space<hbm>> -> memref<4096xf32, #tpu.memory_space<hbm>>
    %dma_wait3A_229 = arith.constant 0 : i32
    %dma_wait3A_230 = tpu.memref_slice %arg4[%dma_wait3A_224, %dma_wait3A_225, %dma_wait3A_229] : memref<50x64x4096xf32, #tpu.memory_space<hbm>> -> memref<1x1x4096xf32, #tpu.memory_space<hbm>>
    %dma_wait3A_231 = tpu.memref_squeeze %dma_wait3A_230 : memref<1x1x4096xf32, #tpu.memory_space<hbm>> -> memref<4096xf32, #tpu.memory_space<hbm>>
    tpu.wait_dma2 semaphore(%arg16 : memref<!tpu.dma_semaphore, #tpu.memory_space<semaphore_mem>>) src(%arg10 : memref<4096xf32, #tpu.memory_space<vmem>>) dst(%dma_wait3A_231 : memref<4096xf32, #tpu.memory_space<hbm>>)
    %dma_wait3A_232 = arith.constant 0 : i32
    %dma_wait3A_233 = arith.constant 0 : i32
    %dma_wait3A_234 = arith.constant 0 : i32
    %dma_wait3A_235 = tpu.memref_slice %arg4[%dma_wait3A_232, %dma_wait3A_233, %dma_wait3A_234] : memref<50x64x4096xf32, #tpu.memory_space<hbm>> -> memref<1x1x4096xf32, #tpu.memory_space<hbm>>
    %dma_wait3A_236 = tpu.memref_squeeze %dma_wait3A_235 : memref<1x1x4096xf32, #tpu.memory_space<hbm>> -> memref<4096xf32, #tpu.memory_space<hbm>>
    %dma_wait3A_237 = arith.constant 0 : i32
    %dma_wait3A_238 = tpu.memref_slice %arg4[%dma_wait3A_232, %dma_wait3A_233, %dma_wait3A_237] : memref<50x64x4096xf32, #tpu.memory_space<hbm>> -> memref<1x1x4096xf32, #tpu.memory_space<hbm>>
    %dma_wait3A_239 = tpu.memref_squeeze %dma_wait3A_238 : memref<1x1x4096xf32, #tpu.memory_space<hbm>> -> memref<4096xf32, #tpu.memory_space<hbm>>
    tpu.wait_dma2 semaphore(%arg17 : memref<!tpu.dma_semaphore, #tpu.memory_space<semaphore_mem>>) src(%arg11 : memref<4096xf32, #tpu.memory_space<vmem>>) dst(%dma_wait3A_239 : memref<4096xf32, #tpu.memory_space<hbm>>)
    return
  }
}

</mosaic_0001>

<sc_bundles>
// kernel: kernel.3.cloned.1.call-start
scs
__scs_entry_jumppad:
0x0: {  	(pc) =	sbr.rel $0x88, $3  }
0x1: {  	(tag) =	ssettag $0x0;
	lr =	simm.s32 $0x1  }
0x2: {  	[smem:$0x3F9F] =	sst lr;
	_ =	strace $0xD0000000  }
0x3: {  	_ = 	snop  }
0x4: {  	_ = 	snop  }
0x5: {  	_ = 	snop  }
0x6: {  	_ = 	snop  }
0x7: {  	_ = 	snop  }
__scs_overlays_trampoline_lowered:
0x8: {  	[smem:$0x3FAE] =	sst s0  }
0x9: {  	[smem:$0x3FAF] =	sst s1  }
0xa: {  	[smem:$0x3FB0] =	sst s2  }
0xb: {  	[smem:$0x3FB1] =	sst s3  }
0xc: {  	[smem:$0x3FB2] =	sst s4  }
0xd: {  	[smem:$0x3FB3] =	sst s5  }
0xe: {  	[smem:$0x3FB4] =	sst s6  }
0xf: {  	[smem:$0x3FB5] =	sst s7  }
0x10: {  	[smem:$0x3FB6] =	sst s8  }
0x11: {  	[smem:$0x3FB7] =	sst s9;
	s0 =	simm.s32 @!p0 $0x0  }
0x12: {  	s1 =	sld [smem:$0x3F9D];
	s0 =	simm.s32 @p0 $0x1  }
0x13: {  	[smem:$0x3FB8] =	sst s0;
	s0 =	simm.s32 @!p1 $0x0  }
0x14: {  	s2 =	sld [smem:$0x3F9C];
	s0 =	simm.s32 @p1 $0x1  }
0x15: {  	[smem:$0x3FB9] =	sst s0;
	s0 =	simm.s32 @!p2 $0x0  }
0x16: {  	s3 =	sld [smem:$0x3FDB];
	s0 =	simm.s32 @p2 $0x1  }
0x17: {  	s4 =	simm.s32 $0x1BF5;
	[smem:$0x3FBB] =	sst s0  }
0x18: {  	s0 =	sld [smem:$0x3F9E];
	_ =	swait.ge [sflag:s4], $0x0  }
0x19: {  	s7 =	sld [smem:$0x3F9F]  }
0x1a: {  	s8 =	sadd.s32 $0xFFFFE003, lr  }
0x1b: {  	s9 =	sadd.s32 $0xFFFFFEF7, lr;
	s5 =	simm.s32 $0xFFFFFFFF;
	p2 =	slt.u32 s8, $0xFFFFF086  }
0x1c: {  	p1 =	slt.u32 s9, $0xF7A;
	s5 =	simm.s32 @!p2 $0x0  }
0x1d: {  	s5 =	simm.s32 @p1 $0x1;
	p0 =	seq.s32 s7, s2  }
0x1e: {  	s7 =	smul.u32 @!p0 $0xF7A, s2;
	p2 =	seq.s32 @!p0 s5, $0x0  }
0x1f: {  	s9 =	smul.u32 $0xF7A, s1;
	s8 =	simm.s32 @!p0 $0x1BF5;
	p2 =	por !p2, p0  }
0x20: {  	[sflag:s8] =	ssyncset.s32 @!p0 $0xFFFFF086;
	s6 =	sadd.s32 @!p0 s3, s7;
	s7 =	simm.s32 @!p0 $0x108  }
0x21: {  	s3 =	sadd.s32 s3, s9;
	s6 =	sadd.s32 @!p0 $0x88, s6;
	s7 =	simm.s32 @p2 $0x1082  }
0x22: {  	[simem:s7], [sflag:s8] =	dma.local @!p0 [hbm:s6], $0xF7A  }
0x23: {  	s9 =	sor.u32 $0xD0000000, s2;
	s6 =	simm.s32 $0x108;
	_ =	swait.ge @!p0 [sflag:s8], $0x0  }
0x24: {  	s3 =	sadd.s32 $0x88, s3;
	s6 =	simm.s32 @!p1 $0x1082;
	[sflag:s4] =	ssyncset.s32 $0xFFFFF086  }
0x25: {  	[simem:s6], [sflag:s4] =	dma.local [hbm:s3], $0xF7A  }
0x26: {  	[smem:$0x3F9F] =	sst s1;
	(tag) =	ssettag s2;
	_ =	strace s9  }
0x27: {  	s1 =	sld [smem:$0x3FAF]  }
0x28: {  	s2 =	sld [smem:$0x3FB0]  }
0x29: {  	s4 =	sld [smem:$0x3FB2]  }
0x2a: {  	p0 =	seq.s32 s5, $0x0;
	s5 =	sld [smem:$0x3FB3]  }
0x2b: {  	s6 =	sld [smem:$0x3FB4]  }
0x2c: {  	s7 =	sld [smem:$0x3FB5]  }
0x2d: {  	s3 =	simm.s32 $0x108;
	s8 =	sld [smem:$0x3FB6]  }
0x2e: {  	s3 =	simm.s32 @!p0 $0x1082;
	s9 =	sld [smem:$0x3FB7]  }
0x2f: {  	lr =	sadd.s32 s0, s3;
	s0 =	sld [smem:$0x3FAE]  }
0x30: {  	s3 =	sld [smem:$0x3FB1]  }
0x31: {  	[smem:$0x3FBA] =	sst s10  }
0x32: {  	s10 =	sld [smem:$0x3FB8];
	_ =	sdelay $0x3  }
0x33: {  	p0 =	seq.s32 s10, $0x1;
	s10 =	sld [smem:$0x3FBA];
	_ =	sdelay $0x3  }
0x34: {  	[smem:$0x3FBA] =	sst s10  }
0x35: {  	s10 =	sld [smem:$0x3FB9];
	_ =	sdelay $0x3  }
0x36: {  	p1 =	seq.s32 s10, $0x1;
	s10 =	sld [smem:$0x3FBA];
	_ =	sdelay $0x3  }
0x37: {  	[smem:$0x3FBA] =	sst s10  }
0x38: {  	s10 =	sld [smem:$0x3FBB]  }
0x39: {  	_ = 	snop;
	(pc) =	sbr.ind lr, $3  }
0x3a: {  	_ = 	snop  }
0x3b: {  	_ = 	snop  }
0x3c: {  	p2 =	seq.s32 s10, $0x1;
	s10 =	sld [smem:$0x3FBA]  }
0x3d: {  	_ =	shalt  }
0x3e: {  	_ =	shalt  }
0x3f: {  	_ =	shalt  }
0x40: {  	_ =	shalt  }
0x41: {  	_ =	shalt  }
0x42: {  	_ =	shalt  }
0x43: {  	_ =	shalt  }
0x44: {  	_ =	shalt  }
0x45: {  	_ =	shalt  }
0x46: {  	_ =	shalt  }
0x47: {  	_ =	shalt  }
0x48: {  	_ =	shalt  }
0x49: {  	_ =	shalt  }
0x4a: {  	_ =	shalt  }
0x4b: {  	_ =	shalt  }
0x4c: {  	_ =	shalt  }
0x4d: {  	_ =	shalt  }
0x4e: {  	_ =	shalt  }
0x4f: {  	_ =	shalt  }
0x50: {  	_ =	shalt  }
0x51: {  	_ =	shalt  }
0x52: {  	_ =	shalt  }
0x53: {  	_ =	shalt  }
0x54: {  	_ =	shalt  }
0x55: {  	_ =	shalt  }
0x56: {  	_ =	shalt  }
0x57: {  	_ =	shalt  }
0x58: {  	_ =	shalt  }
0x59: {  	_ =	shalt  }
0x5a: {  	_ =	shalt  }
0x5b: {  	_ =	shalt  }
0x5c: {  	_ =	shalt  }
0x5d: {  	_ =	shalt  }
0x5e: {  	_ =	shalt  }
0x5f: {  	_ =	shalt  }
0x60: {  	_ =	shalt  }
0x61: {  	_ =	shalt  }
0x62: {  	_ =	shalt  }
0x63: {  	_ =	shalt  }
0x64: {  	_ =	shalt  }
0x65: {  	_ =	shalt  }
0x66: {  	_ =	shalt  }
0x67: {  	_ =	shalt  }
0x68: {  	_ =	shalt  }
0x69: {  	_ =	shalt  }
0x6a: {  	_ =	shalt  }
0x6b: {  	_ =	shalt  }
0x6c: {  	_ =	shalt  }
0x6d: {  	_ =	shalt  }
0x6e: {  	_ =	shalt  }
0x6f: {  	_ =	shalt  }
0x70: {  	_ =	shalt  }
0x71: {  	_ =	shalt  }
0x72: {  	_ =	shalt  }
0x73: {  	_ =	shalt  }
0x74: {  	_ =	shalt  }
0x75: {  	_ =	shalt  }
0x76: {  	_ =	shalt  }
0x77: {  	_ =	shalt  }
0x78: {  	_ =	shalt  }
0x79: {  	_ =	shalt  }
0x7a: {  	_ =	shalt  }
0x7b: {  	_ =	shalt  }
0x7c: {  	_ =	shalt  }
0x7d: {  	_ =	shalt  }
0x7e: {  	_ =	shalt  }
0x7f: {  	_ =	shalt  }
0x80: {  	_ =	shalt  }
0x81: {  	_ =	shalt  }
0x82: {  	_ =	shalt  }
0x83: {  	_ =	shalt  }
0x84: {  	_ =	shalt  }
0x85: {  	_ =	shalt  }
0x86: {  	_ =	shalt  }
0x87: {  	_ =	shalt  }
.Lfunc_end0:
.L_simem_size_0:
called_computation_lowered:
.L_overlay_start_0:
0x88: {  	s2 =	sld [smem:$0x3FD9]  }
0x89: {  	s3 =	sld [smem:$0x3FFE];
	_ =	sdelay $0x1  }
0x8a: {  	s1 =	srdreg.scid  }
0x8b: {  	s0 =	sand.u32 $0x1, s1  }
0x8c: {  	s18 =	sshll.u32 s0, $0xA;
	s2 =	sadd.s32 s3, s2  }
0x8d: {  	s2 =	sadd.s32 s2, s18  }
0x8e: {  	[smem:$0x3FC6] =	sst s2  }
0x8f: {  	_ = 	snop  }
0x90: {  	s2 =	sld [smem:$0x3FC9]  }
0x91: {  	s19 =	sld [smem:$0x3FC8]  }
0x92: {  	s4 =	sld [smem:$0x3FD0];
	(tm) =	ssettm $0x1  }
0x93: {  	s5 =	sld [smem:$0x3FFB];
	_ =	sdelay $0x3  }
0x94: {  	_ =	strace s5  }
0x95: {  	s5 =	sld [smem:$0x3FFC];
	_ =	sdelay $0x3  }
0x96: {  	_ =	strace s5  }
0x97: {  	s5 =	sld [smem:$0x3FFD];
	_ =	sdelay $0x3  }
0x98: {  	_ =	strace s5  }
0x99: {  	_ =	strace $0x8FFFFFFF  }
0x9a: {  	s20 =	sld [smem:$0x3FDB];
	_ =	sdelay $0x1  }
0x9b: {  	s6 =	simm.s32 $_scs_section_size  }
0x9c: {  	s7 =	simm.s32 $_size__tile_overlayer_lowered;
	s8 =	simm.s32 $_tile_overlayer_lowered  }
0x9d: {  	s23 =	simm.s32 $0x1BFF;
	s22 =	sshll.u32 s8, $0x1;
	s5 =	sadd.s32 s6, s20  }
0x9e: {  	s9 =	simm.s32 $0x0;
	s21 =	sshll.u32 s7, $0x1;
	s7 =	sadd.s32 s22, s5  }
0x9f: {  	[timem:s9], [sflag:s23] =	dma.local [hbm:s7], s21  }
0xa0: {  	_ =	swait.ge [sflag:s23], s21  }
0xa1: {  	s6 =	ssub.s32 $0x0, s21;
	[sflag:s23] =	ssyncset.done $0x0  }
0xa2: {  	[sflag:s23] =	ssyncadd.s32 s6;
	_ =	sdelay $0x1  }
0xa3: {  	s24 =	simm.s32 $0x1B8B  }
0xa4: {  	_ =	swait.ge [sflag:s24], $0x1  }
0xa5: {  	[sflag:s24] =	ssyncset.done $0x0  }
0xa6: {  	s25 =	simm.s32 $0x1B8E;
	[sflag:s24] =	ssyncadd.s32 $0xFFFFFFFF  }
0xa7: {  	s26 =	simm.s32 $execute0_lowered;
	[smem:$0x3FD2] =	sst s25  }
0xa8: {  	s6 =	sshll.u32 s26, $0x1;
	_ =	strace $0x80000046;
	[dreg:$0x1] =	wrdreg $0xFFFFFFFF  }
0xa9: {  	s28 =	simm.s32 $_size_execute0_lowered;
	s5 =	sadd.s32 s5, s6;
	[dreg:$0x0] =	wrdreg $0x0  }
0xaa: {  	s6 =	sshll.u32 s28, $0x1;
	[dreg:$0x2] =	wrdreg s5  }
0xab: {  	[dreg:$0x3] =	wrdreg s6  }
0xac: {  	[dreg:$0x4] =	wrdreg $0xC0  }
0xad: {  	_ =	task [dreg:s9], $0x5FFFF  }
0xae: {  	[dreg:$0x1] =	wrdreg $0xFFFFFFFF  }
0xaf: {  	[dreg:$0x0] =	wrdreg $0x60  }
0xb0: {  	[dreg:$0x2] =	wrdreg s2  }
0xb1: {  	[dreg:$0x3] =	wrdreg s19  }
0xb2: {  	[dreg:$0x4] =	wrdreg s4  }
0xb3: {  	[dreg:$0x5] =	wrdreg $0x9  }
0xb4: {  	_ =	task.clear_ibuf [dreg:s9], $0x6FFFF;
	_ =	strace $0x90000046  }
0xb5: {  	s29 =	simm.s32 $0x9;
	_ =	strace $0x80000048  }
0xb6: {  	_ =	swait.ge [sflag:s29], $0x1  }
0xb7: {  	[sflag:s29] =	ssyncadd.s32 $0xFFFFFFFF  }
0xb8: {  	_ =	strace $0x90000048  }
0xb9: {  	_ =	sfence  }
0xba: {  	s30 =	sld [smem:$0x0];
	_ =	sdelay $0x2  }
0xbb: {  	s31 =	sshll.u32 s1, $0xD;
	s1 =	sshrl.u32 s1, $0x2  }
0xbc: {  	s3 =	sand.u32 $0x4000, s31;
	s1 =	sadd.s32 s1, s30  }
0xbd: {  	s0 =	sor.u32 s3, s0;
	s1 =	sshll.u32 s1, $0x11  }
0xbe: {  	s0 =	sor.u32 s1, s0  }
0xbf: {  	s0 =	sadd.s32 $0x8F2B, s0  }
0xc0: {  	[sflag:s0] =	ssyncadd.remote.s32 $0x1  }
0xc1: {  	_ =	sfence.sel $0xFFFF  }
0xc2: {  	[dreg:$0x0] =	wrdreg $0xFFFFFFFF;
	(pc) =	sbr.abs _section_cstart, $3  }
0xc3: {  	[dreg:$0x1] =	wrdreg $0xFFFFFFFF  }
0xc4: {  	_ =	task.clear_ibuf [dreg:s9], $0x2FFFF;
	_ =	strace $0x9FFFFFFF  }
0xc5: {  	(tm) =	ssettm $0x7FFFFFFF  }
tec
execute0_lowered:
.L_overlay_start_1:
0x0: {  	(tag) =	ssettag $0x1  }
0x1: {  	s1 =	rddreg [dreg:$0x0]  }
0x2: {  	s0 =	rddreg [dreg:$0x1]  }
0x3: {  	s3 =	rddreg [dreg:$0x2]  }
0x4: {  	s4 =	simm.s32 $0x0;
	s2 =	srdreg.scid;
	s6 =	stileid.u32  }
0x5: {  	s28 =	simm.s32 $0x1B700;
	s29 =	simm.s32 $0x2;
	s30 =	simm.s32 $0x1C700  }
0x6: {  	s31 =	simm.s32 $0x3;
	s2 =	sand.u32 $0x1, s2;
	s5 =	sshll.u32 s6, $0x9  }
0x7: {  	s6 =	sshrl.u32 s6, $0x1;
	[smem:$0x7FF] =	sst s4;
	s21 =	sadd.s32 $0x10, s1  }
0x8: {  	s7 =	sshll.u32 s2, $0x8;
	s5 =	sand.u32 $0x200, s5;
	s11 =	smul.u32 $0xC3800, s6  }
0x9: {  	_ =	strace $0x80000047;
	s2 =	ssub.s32 $0x2, s2;
	s12 =	sshll.u32 s6, $0xF  }
0xa: {  	[dreg:$0x5] =	wrdreg s21;
	s21 =	simm.s32 $0x400;
	s5 =	sor.u32 s7, s5  }
0xb: {  	s8 =	sshrl.u32 s2, $0x1;
	s22 =	sor.u32 $0xC00000, s12;
	s13 =	sor.u32 $0xC40000, s12  }
0xc: {  	s7 =	sor.u32 s11, s5;
	s2 =	ssub.s32 s2, s8;
	s6 =	sor.u32 s12, s5  }
0xd: {  	s8 =	sadd.s32 $0x20, s1;
	s14 =	sor.u32 s5, s22;
	s15 =	sor.u32 s5, s13  }
0xe: {  	s5 =	sor.u32 $0x80, s5;
	s7 =	sshrl.u32 s7, $0x3;
	s9 =	sor.u32 $0x40000, s6  }
0xf: {  	s10 =	sor.u32 $0x80000, s6;
	s14 =	sshrl.u32 s14, $0x3;
	s15 =	sshrl.u32 s15, $0x3  }
0x10: {  	s11 =	sor.u32 s11, s5;
	s24 =	sor.u32 s22, s5;
	s26 =	smax.u32 s2, $0x1  }
0x11: {  	s22 =	simm.s32 $0x7;
	s20 =	sadd.s32 s0, s7;
	[dreg:$0xb] =	wrdreg s26  }
0x12: {  	s2 =	simm.s32 $0x4;
	s14 =	sadd.s32 s3, s14;
	[dreg:$0x4] =	wrdreg s20  }
0x13: {  	s23 =	sadd.s32 s3, s15;
	s11 =	sshrl.u32 s11, $0x3;
	[dreg:$0x6] =	wrdreg s14  }
0x14: {  	s26 =	simm.s32 $0x1;
	[dreg:$0x7] =	wrdreg s23;
	s0 =	sadd.s32 s0, s11  }
0x15: {  	s14 =	sor.u32 s5, s12;
	s5 =	sor.u32 s13, s5;
	s20 =	simm.s32 $0x80  }
0x16: {  	s23 =	simm.s32 $0x18700;
	s11 =	simm.s32 $0x0;
	[dreg:$0x8] =	wrdreg s0  }
0x17: {  	s15 =	sor.u32 $0x40000, s14;
	s0 =	sshrl.u32 s24, $0x3;
	s16 =	sor.u32 $0x80000, s14  }
0x18: {  	s25 =	sshrl.u32 s5, $0x3;
	s24 =	simm.s32 $0x19700;
	s0 =	sadd.s32 s3, s0  }
0x19: {  	s5 =	simm.s32 $0x6;
	[dreg:$0x9] =	wrdreg s0;
	s0 =	sadd.s32 s3, s25  }
0x1a: {  	s25 =	simm.s32 $0x5;
	[dreg:$0xa] =	wrdreg s0;
	s0 =	simm.s32 $0x1D700  }
.LBB2_1:
0x1b: {  	s7 =	rddreg [dreg:$0x4]  }
0x1c: {  	[tilespmem:s4], [sflag:$0x7] =	stream.strided.gather [hbm4b:s7+s20], $0x18700, s21, s20, $0x38;
	[tilespmem:$0x1E700] =	vst v63  }
0x1d: {  	_ =	swait.ge [sflag:s22], $0x18700  }
0x1e: {  	[sflag:s22] =	ssyncset.done $0x0  }
0x1f: {  	[sflag:s22] =	ssyncadd.s32 $0xFFFE7900  }
0x20: {  	[tilespmem:s23], [sflag:$0x1] =	stream.strided.gather [hbm4b:s1+s20], $0x1000, s21, s20, $0x38;
	[tilespmem:$0x1E700] =	vst v63  }
0x21: {  	s18 =	rddreg [dreg:$0x5]  }
0x22: {  	[tilespmem:s24], [sflag:$0x2] =	stream.strided.gather [hbm4b:s18+s20], $0x1000, s21, s20, $0x38;
	[tilespmem:$0x1E700] =	vst v63  }
0x23: {  	s19 =	simm.s32 $0x1A700;
	s12 =	simm.s32 $0x0  }
0x24: {  	[tilespmem:s19], [sflag:$0x3] =	stream.strided.gather [hbm4b:s8+s20], $0x1000, s21, s20, $0x38;
	[tilespmem:$0x1E700] =	vst v63  }
.LBB2_2:
0x25: {  	_ =	swait.ge [sflag:s26], $0x1000  }
0x26: {  	p0 =	seq.s32 s12, $0x0;
	[sflag:s26] =	ssyncset.done $0x0  }
0x27: {  	s7 =	simm.s32 @!p0 $0x4;
	[sflag:s26] =	ssyncadd.s32 $0xFFFFF000  }
0x28: {  	_ =	swait.ge @!p0 [sflag:s7], $0x1000  }
0x29: {  	[sflag:s7] =	ssyncset.done @!p0 $0x0  }
0x2a: {  	s17 =	simm.s32 $0x0;
	[sflag:s7] =	ssyncadd.s32 @!p0 $0xFFFFF000  }
0x2b: {  	v0 =	vld [tilespmem:s17+$0x18700];
	_ =	sdelay $0x5  }
0x2c: {  	v1 =	vld [tilespmem:s17+$0x18710];
	_ =	sdelay $0x1  }
0x2d: {  	v0 =	vld.idx.msk [tilespmem:v0+s4+$0x0], $0xffff;
	_ =	sdelay $0x4  }
0x2e: {  	[tilespmem:s17+$0x1B700] =	vst v0;
	v0 =	vld [tilespmem:s17+$0x18720]  }
0x2f: {  	v1 =	vld.idx.msk [tilespmem:v1+s4+$0x0], $0xffff;
	_ =	sdelay $0x4  }
0x30: {  	[tilespmem:s17+$0x1B710] =	vst v1;
	v1 =	vld [tilespmem:s17+$0x18730];
	_ =	sdelay $0x1  }
0x31: {  	v0 =	vld.idx.msk [tilespmem:v0+s4+$0x0], $0xffff;
	_ =	sdelay $0x4  }
0x32: {  	[tilespmem:s17+$0x1B720] =	vst v0;
	v0 =	vld [tilespmem:s17+$0x18740]  }
0x33: {  	v1 =	vld.idx.msk [tilespmem:v1+s4+$0x0], $0xffff;
	_ =	sdelay $0x4  }
0x34: {  	[tilespmem:s17+$0x1B730] =	vst v1;
	v1 =	vld [tilespmem:s17+$0x18750];
	_ =	sdelay $0x1  }
0x35: {  	v0 =	vld.idx.msk [tilespmem:v0+s4+$0x0], $0xffff;
	_ =	sdelay $0x4  }
0x36: {  	[tilespmem:s17+$0x1B740] =	vst v0;
	v0 =	vld [tilespmem:s17+$0x18760]  }
0x37: {  	v1 =	vld.idx.msk [tilespmem:v1+s4+$0x0], $0xffff;
	_ =	sdelay $0x4  }
0x38: {  	[tilespmem:s17+$0x1B750] =	vst v1;
	v1 =	vld [tilespmem:s17+$0x18770];
	_ =	sdelay $0x1  }
0x39: {  	v0 =	vld.idx.msk [tilespmem:v0+s4+$0x0], $0xffff;
	_ =	sdelay $0x4  }
0x3a: {  	[tilespmem:s17+$0x1B760] =	vst v0;
	v0 =	vld [tilespmem:s17+$0x18780]  }
0x3b: {  	v1 =	vld.idx.msk [tilespmem:v1+s4+$0x0], $0xffff;
	_ =	sdelay $0x4  }
0x3c: {  	[tilespmem:s17+$0x1B770] =	vst v1;
	v1 =	vld [tilespmem:s17+$0x18790];
	_ =	sdelay $0x1  }
0x3d: {  	v0 =	vld.idx.msk [tilespmem:v0+s4+$0x0], $0xffff;
	_ =	sdelay $0x4  }
0x3e: {  	[tilespmem:s17+$0x1B780] =	vst v0;
	v0 =	vld [tilespmem:s17+$0x187A0]  }
0x3f: {  	v1 =	vld.idx.msk [tilespmem:v1+s4+$0x0], $0xffff;
	_ =	sdelay $0x4  }
0x40: {  	[tilespmem:s17+$0x1B790] =	vst v1;
	v1 =	vld [tilespmem:s17+$0x187B0];
	_ =	sdelay $0x1  }
0x41: {  	v0 =	vld.idx.msk [tilespmem:v0+s4+$0x0], $0xffff;
	_ =	sdelay $0x4  }
0x42: {  	[tilespmem:s17+$0x1B7A0] =	vst v0;
	v0 =	vld [tilespmem:s17+$0x187C0]  }
0x43: {  	v1 =	vld.idx.msk [tilespmem:v1+s4+$0x0], $0xffff;
	_ =	sdelay $0x4  }
0x44: {  	[tilespmem:s17+$0x1B7B0] =	vst v1;
	v1 =	vld [tilespmem:s17+$0x187D0];
	_ =	sdelay $0x1  }
0x45: {  	v0 =	vld.idx.msk [tilespmem:v0+s4+$0x0], $0xffff;
	_ =	sdelay $0x4  }
0x46: {  	v2 =	vld [tilespmem:s17+$0x187E0];
	[tilespmem:s17+$0x1B7C0] =	vst v0  }
0x47: {  	v0 =	vld.idx.msk [tilespmem:v1+s4+$0x0], $0xffff;
	_ =	sdelay $0x4  }
0x48: {  	[tilespmem:s17+$0x1B7D0] =	vst v0;
	v0 =	vld [tilespmem:s17+$0x187F0];
	_ =	sdelay $0x1  }
0x49: {  	v1 =	vld.idx.msk [tilespmem:v2+s4+$0x0], $0xffff;
	_ =	sdelay $0x3  }
0x4a: {  	s13 =	smul.u32 $0x3, s12;
	s18 =	simm.s32 $0x800;
	s7 =	simm.s32 $0x100  }
.LBB2_3:
0x4b: {  	p1 =	sne.s32 s18, $0x3C00;
	v2 =	vld [tilespmem:s7+$0x18700];
	[tilespmem:s17+$0x1B7E0] =	vst v1  }
0x4c: {  	v0 =	vld.idx.msk [tilespmem:v0+s4+$0x0], $0xffff;
	_ =	sdelay $0x5  }
0x4d: {  	v1 =	vld [tilespmem:s7+$0x18710];
	[tilespmem:s17+$0x1B7F0] =	vst v0;
	s17 =	smov.u32 s7  }
0x4e: {  	v0 =	vld.idx.msk [tilespmem:v2+s4+$0x0], $0xffff;
	_ =	sdelay $0x5  }
0x4f: {  	[tilespmem:s17+$0x1B700] =	vst v0;
	v0 =	vld [tilespmem:s17+$0x18720]  }
0x50: {  	v1 =	vld.idx.msk [tilespmem:v1+s4+$0x0], $0xffff;
	_ =	sdelay $0x5  }
0x51: {  	[tilespmem:s17+$0x1B710] =	vst v1;
	v1 =	vld [tilespmem:s17+$0x18730]  }
0x52: {  	v0 =	vld.idx.msk [tilespmem:v0+s4+$0x0], $0xffff;
	_ =	sdelay $0x5  }
0x53: {  	[tilespmem:s17+$0x1B720] =	vst v0;
	v0 =	vld [tilespmem:s17+$0x18740]  }
0x54: {  	v1 =	vld.idx.msk [tilespmem:v1+s4+$0x0], $0xffff;
	_ =	sdelay $0x5  }
0x55: {  	[tilespmem:s17+$0x1B730] =	vst v1;
	v1 =	vld [tilespmem:s17+$0x18750]  }
0x56: {  	v0 =	vld.idx.msk [tilespmem:v0+s4+$0x0], $0xffff;
	_ =	sdelay $0x5  }
0x57: {  	[tilespmem:s17+$0x1B740] =	vst v0;
	v0 =	vld [tilespmem:s17+$0x18760]  }
0x58: {  	v1 =	vld.idx.msk [tilespmem:v1+s4+$0x0], $0xffff;
	_ =	sdelay $0x5  }
0x59: {  	[tilespmem:s17+$0x1B750] =	vst v1;
	v1 =	vld [tilespmem:s17+$0x18770]  }
0x5a: {  	v0 =	vld.idx.msk [tilespmem:v0+s4+$0x0], $0xffff;
	_ =	sdelay $0x5  }
0x5b: {  	[tilespmem:s17+$0x1B760] =	vst v0;
	v0 =	vld [tilespmem:s17+$0x18780]  }
0x5c: {  	v1 =	vld.idx.msk [tilespmem:v1+s4+$0x0], $0xffff;
	_ =	sdelay $0x5  }
0x5d: {  	[tilespmem:s17+$0x1B770] =	vst v1;
	v1 =	vld [tilespmem:s17+$0x18790]  }
0x5e: {  	v0 =	vld.idx.msk [tilespmem:v0+s4+$0x0], $0xffff;
	_ =	sdelay $0x5  }
0x5f: {  	[tilespmem:s17+$0x1B780] =	vst v0;
	v0 =	vld [tilespmem:s17+$0x187A0]  }
0x60: {  	v1 =	vld.idx.msk [tilespmem:v1+s4+$0x0], $0xffff;
	_ =	sdelay $0x5  }
0x61: {  	[tilespmem:s17+$0x1B790] =	vst v1;
	v1 =	vld [tilespmem:s17+$0x187B0]  }
0x62: {  	v0 =	vld.idx.msk [tilespmem:v0+s4+$0x0], $0xffff;
	_ =	sdelay $0x5  }
0x63: {  	[tilespmem:s17+$0x1B7A0] =	vst v0;
	v0 =	vld [tilespmem:s17+$0x187C0]  }
0x64: {  	v1 =	vld.idx.msk [tilespmem:v1+s4+$0x0], $0xffff;
	_ =	sdelay $0x5  }
0x65: {  	[tilespmem:s17+$0x1B7B0] =	vst v1;
	v1 =	vld [tilespmem:s17+$0x187D0]  }
0x66: {  	v0 =	vld.idx.msk [tilespmem:v0+s4+$0x0], $0xffff;
	_ =	sdelay $0x5  }
0x67: {  	[tilespmem:s17+$0x1B7C0] =	vst v0;
	v2 =	vld [tilespmem:s17+$0x187E0]  }
0x68: {  	v0 =	vld.idx.msk [tilespmem:v1+s4+$0x0], $0xffff;
	_ =	sdelay $0x5  }
0x69: {  	[tilespmem:s17+$0x1B7D0] =	vst v0;
	v0 =	vld [tilespmem:s17+$0x187F0]  }
0x6a: {  	v1 =	vld.idx.msk [tilespmem:v2+s4+$0x0], $0xffff  }
.Ltmp0:
0x6b: {  	(pc) =	sbr.rel @p1 .LBB2_3-.Ltmp0, $2  }
0x6c: {  	_ =	sdelay $0x2  }
0x6d: {  	s7 =	sshra.s32 s18, $0x2;
	s18 =	sadd.s32 $0x400, s18  }
0x6e: {  	_ =	sdelay $0x1  }
0x6f: {  	v2 =	vld [tilespmem:s7+$0x18700]  }
0x70: {  	[tilespmem:s17+$0x1B7E0] =	vst v1  }
0x71: {  	v0 =	vld.idx.msk [tilespmem:v0+s4+$0x0], $0xffff;
	_ =	sdelay $0x3  }
0x72: {  	v1 =	vld [tilespmem:s7+$0x18710]  }
0x73: {  	[tilespmem:s17+$0x1B7F0] =	vst v0  }
0x74: {  	v0 =	vld.idx.msk [tilespmem:v2+s4+$0x0], $0xffff;
	_ =	sdelay $0x4  }
0x75: {  	[tilespmem:s7+$0x1B700] =	vst v0;
	v0 =	vld [tilespmem:s7+$0x18720]  }
0x76: {  	v1 =	vld.idx.msk [tilespmem:v1+s4+$0x0], $0xffff;
	_ =	sdelay $0x4  }
0x77: {  	[tilespmem:s7+$0x1B710] =	vst v1;
	v1 =	vld [tilespmem:s7+$0x18730];
	_ =	sdelay $0x1  }
0x78: {  	v0 =	vld.idx.msk [tilespmem:v0+s4+$0x0], $0xffff;
	_ =	sdelay $0x4  }
0x79: {  	[tilespmem:s7+$0x1B720] =	vst v0;
	v0 =	vld [tilespmem:s7+$0x18740]  }
0x7a: {  	v1 =	vld.idx.msk [tilespmem:v1+s4+$0x0], $0xffff;
	_ =	sdelay $0x4  }
0x7b: {  	[tilespmem:s7+$0x1B730] =	vst v1;
	v1 =	vld [tilespmem:s7+$0x18750];
	_ =	sdelay $0x1  }
0x7c: {  	v0 =	vld.idx.msk [tilespmem:v0+s4+$0x0], $0xffff;
	_ =	sdelay $0x4  }
0x7d: {  	[tilespmem:s7+$0x1B740] =	vst v0;
	v0 =	vld [tilespmem:s7+$0x18760]  }
0x7e: {  	v1 =	vld.idx.msk [tilespmem:v1+s4+$0x0], $0xffff;
	_ =	sdelay $0x4  }
0x7f: {  	[tilespmem:s7+$0x1B750] =	vst v1;
	v1 =	vld [tilespmem:s7+$0x18770];
	_ =	sdelay $0x1  }
0x80: {  	v0 =	vld.idx.msk [tilespmem:v0+s4+$0x0], $0xffff;
	_ =	sdelay $0x4  }
0x81: {  	[tilespmem:s7+$0x1B760] =	vst v0;
	v0 =	vld [tilespmem:s7+$0x18780]  }
0x82: {  	v1 =	vld.idx.msk [tilespmem:v1+s4+$0x0], $0xffff;
	_ =	sdelay $0x4  }
0x83: {  	[tilespmem:s7+$0x1B770] =	vst v1;
	v1 =	vld [tilespmem:s7+$0x18790];
	_ =	sdelay $0x1  }
0x84: {  	v0 =	vld.idx.msk [tilespmem:v0+s4+$0x0], $0xffff;
	_ =	sdelay $0x4  }
0x85: {  	[tilespmem:s7+$0x1B780] =	vst v0;
	v0 =	vld [tilespmem:s7+$0x187A0]  }
0x86: {  	v1 =	vld.idx.msk [tilespmem:v1+s4+$0x0], $0xffff;
	_ =	sdelay $0x4  }
0x87: {  	[tilespmem:s7+$0x1B790] =	vst v1;
	v1 =	vld [tilespmem:s7+$0x187B0];
	_ =	sdelay $0x1  }
0x88: {  	v0 =	vld.idx.msk [tilespmem:v0+s4+$0x0], $0xffff;
	_ =	sdelay $0x4  }
0x89: {  	[tilespmem:s7+$0x1B7A0] =	vst v0;
	v0 =	vld [tilespmem:s7+$0x187C0]  }
0x8a: {  	v1 =	vld.idx.msk [tilespmem:v1+s4+$0x0], $0xffff;
	_ =	sdelay $0x4  }
0x8b: {  	[tilespmem:s7+$0x1B7B0] =	vst v1;
	v1 =	vld [tilespmem:s7+$0x187D0];
	_ =	sdelay $0x1  }
0x8c: {  	v0 =	vld.idx.msk [tilespmem:v0+s4+$0x0], $0xffff;
	_ =	sdelay $0x4  }
0x8d: {  	[tilespmem:s7+$0x1B7C0] =	vst v0;
	v0 =	vld [tilespmem:s7+$0x187E0]  }
0x8e: {  	v1 =	vld.idx.msk [tilespmem:v1+s4+$0x0], $0xffff;
	_ =	sdelay $0x4  }
0x8f: {  	[tilespmem:s7+$0x1B7D0] =	vst v1;
	v1 =	vld [tilespmem:s7+$0x187F0];
	_ =	sdelay $0x1  }
0x90: {  	v0 =	vld.idx.msk [tilespmem:v0+s4+$0x0], $0xffff;
	_ =	sdelay $0x3  }
0x91: {  	s19 =	sadd.s32 $0x3, s13  }
0x92: {  	s18 =	sshll.u32 s19, $0x4;
	[tilespmem:s7+$0x1B7E0] =	vst v0  }
0x93: {  	s18 =	sand.u32 $0x70, s18;
	s17 =	sshll.u32 s19, $0x9;
	v0 =	vld.idx.msk [tilespmem:v1+s4+$0x0], $0xffff  }
0x94: {  	s18 =	sadd.s32 s1, s18;
	s17 =	sand.u32 $0xF000, s17  }
0x95: {  	s18 =	sadd.s32 s17, s18;
	s17 =	smul.u32 $0xC0000, s12;
	_ =	sdelay $0x1  }
0x96: {  	s19 =	sor.u32 s17, s6  }
0x97: {  	[tilespmem:s7+$0x1B7F0] =	vst v0;
	s7 =	sshrl.u32 s19, $0x3  }
0x98: {  	[tilespmem:s23], [sflag:$0x1] =	stream.strided.gather [hbm4b:s18+s20], $0x1000, s21, s20, $0x38;
	[tilespmem:$0x1E700] =	vst v63  }
0x99: {  	s7 =	sadd.s32 s3, s7  }
0x9a: {  	[hbm4b:s7+s20] =	stream.strided.scatter [tilespmem:s28], [sflag:$0x4], $0x1000, s21, s20, $0x38;
	[tilespmem:$0x1E700] =	vst v63  }
0x9b: {  	_ =	swait.ge [sflag:s29], $0x1000  }
0x9c: {  	[sflag:s29] =	ssyncset.done $0x0  }
0x9d: {  	s7 =	simm.s32 @!p0 $0x5;
	[sflag:s29] =	ssyncadd.s32 $0xFFFFF000  }
0x9e: {  	_ =	swait.ge @!p0 [sflag:s7], $0x1000  }
0x9f: {  	[sflag:s7] =	ssyncset.done @!p0 $0x0  }
0xa0: {  	s18 =	simm.s32 $0x0;
	[sflag:s7] =	ssyncadd.s32 @!p0 $0xFFFFF000  }
0xa1: {  	v0 =	vld [tilespmem:s18+$0x19700];
	_ =	sdelay $0x5  }
0xa2: {  	v1 =	vld [tilespmem:s18+$0x19710];
	_ =	sdelay $0x1  }
0xa3: {  	v0 =	vld.idx.msk [tilespmem:v0+s4+$0x0], $0xffff;
	_ =	sdelay $0x4  }
0xa4: {  	[tilespmem:s18+$0x1C700] =	vst v0;
	v0 =	vld [tilespmem:s18+$0x19720]  }
0xa5: {  	v1 =	vld.idx.msk [tilespmem:v1+s4+$0x0], $0xffff;
	_ =	sdelay $0x4  }
0xa6: {  	[tilespmem:s18+$0x1C710] =	vst v1;
	v1 =	vld [tilespmem:s18+$0x19730];
	_ =	sdelay $0x1  }
0xa7: {  	v0 =	vld.idx.msk [tilespmem:v0+s4+$0x0], $0xffff;
	_ =	sdelay $0x4  }
0xa8: {  	[tilespmem:s18+$0x1C720] =	vst v0;
	v0 =	vld [tilespmem:s18+$0x19740]  }
0xa9: {  	v1 =	vld.idx.msk [tilespmem:v1+s4+$0x0], $0xffff;
	_ =	sdelay $0x4  }
0xaa: {  	[tilespmem:s18+$0x1C730] =	vst v1;
	v1 =	vld [tilespmem:s18+$0x19750];
	_ =	sdelay $0x1  }
0xab: {  	v0 =	vld.idx.msk [tilespmem:v0+s4+$0x0], $0xffff;
	_ =	sdelay $0x4  }
0xac: {  	[tilespmem:s18+$0x1C740] =	vst v0;
	v0 =	vld [tilespmem:s18+$0x19760]  }
0xad: {  	v1 =	vld.idx.msk [tilespmem:v1+s4+$0x0], $0xffff;
	_ =	sdelay $0x4  }
0xae: {  	[tilespmem:s18+$0x1C750] =	vst v1;
	v1 =	vld [tilespmem:s18+$0x19770];
	_ =	sdelay $0x1  }
0xaf: {  	v0 =	vld.idx.msk [tilespmem:v0+s4+$0x0], $0xffff;
	_ =	sdelay $0x4  }
0xb0: {  	[tilespmem:s18+$0x1C760] =	vst v0;
	v0 =	vld [tilespmem:s18+$0x19780]  }
0xb1: {  	v1 =	vld.idx.msk [tilespmem:v1+s4+$0x0], $0xffff;
	_ =	sdelay $0x4  }
0xb2: {  	[tilespmem:s18+$0x1C770] =	vst v1;
	v1 =	vld [tilespmem:s18+$0x19790];
	_ =	sdelay $0x1  }
0xb3: {  	v0 =	vld.idx.msk [tilespmem:v0+s4+$0x0], $0xffff;
	_ =	sdelay $0x4  }
0xb4: {  	[tilespmem:s18+$0x1C780] =	vst v0;
	v0 =	vld [tilespmem:s18+$0x197A0]  }
0xb5: {  	v1 =	vld.idx.msk [tilespmem:v1+s4+$0x0], $0xffff;
	_ =	sdelay $0x4  }
0xb6: {  	[tilespmem:s18+$0x1C790] =	vst v1;
	v1 =	vld [tilespmem:s18+$0x197B0];
	_ =	sdelay $0x1  }
0xb7: {  	v0 =	vld.idx.msk [tilespmem:v0+s4+$0x0], $0xffff;
	_ =	sdelay $0x4  }
0xb8: {  	[tilespmem:s18+$0x1C7A0] =	vst v0;
	v0 =	vld [tilespmem:s18+$0x197C0]  }
0xb9: {  	v1 =	vld.idx.msk [tilespmem:v1+s4+$0x0], $0xffff;
	_ =	sdelay $0x4  }
0xba: {  	[tilespmem:s18+$0x1C7B0] =	vst v1;
	v1 =	vld [tilespmem:s18+$0x197D0];
	_ =	sdelay $0x1  }
0xbb: {  	v0 =	vld.idx.msk [tilespmem:v0+s4+$0x0], $0xffff;
	_ =	sdelay $0x4  }
0xbc: {  	v2 =	vld [tilespmem:s18+$0x197E0];
	[tilespmem:s18+$0x1C7C0] =	vst v0  }
0xbd: {  	v0 =	vld.idx.msk [tilespmem:v1+s4+$0x0], $0xffff;
	_ =	sdelay $0x4  }
0xbe: {  	[tilespmem:s18+$0x1C7D0] =	vst v0;
	v0 =	vld [tilespmem:s18+$0x197F0];
	_ =	sdelay $0x1  }
0xbf: {  	v1 =	vld.idx.msk [tilespmem:v2+s4+$0x0], $0xffff;
	_ =	sdelay $0x3  }
0xc0: {  	s19 =	simm.s32 $0x800;
	s7 =	simm.s32 $0x100  }
.LBB2_5:
0xc1: {  	p1 =	sne.s32 s19, $0x3C00;
	v2 =	vld [tilespmem:s7+$0x19700];
	[tilespmem:s18+$0x1C7E0] =	vst v1  }
0xc2: {  	v0 =	vld.idx.msk [tilespmem:v0+s4+$0x0], $0xffff;
	_ =	sdelay $0x5  }
0xc3: {  	v1 =	vld [tilespmem:s7+$0x19710];
	[tilespmem:s18+$0x1C7F0] =	vst v0;
	s18 =	smov.u32 s7  }
0xc4: {  	v0 =	vld.idx.msk [tilespmem:v2+s4+$0x0], $0xffff;
	_ =	sdelay $0x5  }
0xc5: {  	[tilespmem:s18+$0x1C700] =	vst v0;
	v0 =	vld [tilespmem:s18+$0x19720]  }
0xc6: {  	v1 =	vld.idx.msk [tilespmem:v1+s4+$0x0], $0xffff;
	_ =	sdelay $0x5  }
0xc7: {  	[tilespmem:s18+$0x1C710] =	vst v1;
	v1 =	vld [tilespmem:s18+$0x19730]  }
0xc8: {  	v0 =	vld.idx.msk [tilespmem:v0+s4+$0x0], $0xffff;
	_ =	sdelay $0x5  }
0xc9: {  	[tilespmem:s18+$0x1C720] =	vst v0;
	v0 =	vld [tilespmem:s18+$0x19740]  }
0xca: {  	v1 =	vld.idx.msk [tilespmem:v1+s4+$0x0], $0xffff;
	_ =	sdelay $0x5  }
0xcb: {  	[tilespmem:s18+$0x1C730] =	vst v1;
	v1 =	vld [tilespmem:s18+$0x19750]  }
0xcc: {  	v0 =	vld.idx.msk [tilespmem:v0+s4+$0x0], $0xffff;
	_ =	sdelay $0x5  }
0xcd: {  	[tilespmem:s18+$0x1C740] =	vst v0;
	v0 =	vld [tilespmem:s18+$0x19760]  }
0xce: {  	v1 =	vld.idx.msk [tilespmem:v1+s4+$0x0], $0xffff;
	_ =	sdelay $0x5  }
0xcf: {  	[tilespmem:s18+$0x1C750] =	vst v1;
	v1 =	vld [tilespmem:s18+$0x19770]  }
0xd0: {  	v0 =	vld.idx.msk [tilespmem:v0+s4+$0x0], $0xffff;
	_ =	sdelay $0x5  }
0xd1: {  	[tilespmem:s18+$0x1C760] =	vst v0;
	v0 =	vld [tilespmem:s18+$0x19780]  }
0xd2: {  	v1 =	vld.idx.msk [tilespmem:v1+s4+$0x0], $0xffff;
	_ =	sdelay $0x5  }
0xd3: {  	[tilespmem:s18+$0x1C770] =	vst v1;
	v1 =	vld [tilespmem:s18+$0x19790]  }
0xd4: {  	v0 =	vld.idx.msk [tilespmem:v0+s4+$0x0], $0xffff;
	_ =	sdelay $0x5  }
0xd5: {  	[tilespmem:s18+$0x1C780] =	vst v0;
	v0 =	vld [tilespmem:s18+$0x197A0]  }
0xd6: {  	v1 =	vld.idx.msk [tilespmem:v1+s4+$0x0], $0xffff;
	_ =	sdelay $0x5  }
0xd7: {  	[tilespmem:s18+$0x1C790] =	vst v1;
	v1 =	vld [tilespmem:s18+$0x197B0]  }
0xd8: {  	v0 =	vld.idx.msk [tilespmem:v0+s4+$0x0], $0xffff;
	_ =	sdelay $0x5  }
0xd9: {  	[tilespmem:s18+$0x1C7A0] =	vst v0;
	v0 =	vld [tilespmem:s18+$0x197C0]  }
0xda: {  	v1 =	vld.idx.msk [tilespmem:v1+s4+$0x0], $0xffff;
	_ =	sdelay $0x5  }
0xdb: {  	[tilespmem:s18+$0x1C7B0] =	vst v1;
	v1 =	vld [tilespmem:s18+$0x197D0]  }
0xdc: {  	v0 =	vld.idx.msk [tilespmem:v0+s4+$0x0], $0xffff;
	_ =	sdelay $0x5  }
0xdd: {  	[tilespmem:s18+$0x1C7C0] =	vst v0;
	v2 =	vld [tilespmem:s18+$0x197E0]  }
0xde: {  	v0 =	vld.idx.msk [tilespmem:v1+s4+$0x0], $0xffff;
	_ =	sdelay $0x5  }
0xdf: {  	[tilespmem:s18+$0x1C7D0] =	vst v0;
	v0 =	vld [tilespmem:s18+$0x197F0]  }
0xe0: {  	v1 =	vld.idx.msk [tilespmem:v2+s4+$0x0], $0xffff  }
.Ltmp1:
0xe1: {  	(pc) =	sbr.rel @p1 .LBB2_5-.Ltmp1, $2  }
0xe2: {  	_ =	sdelay $0x2  }
0xe3: {  	s7 =	sshra.s32 s19, $0x2;
	s19 =	sadd.s32 $0x400, s19  }
0xe4: {  	_ =	sdelay $0x1  }
0xe5: {  	v2 =	vld [tilespmem:s7+$0x19700]  }
0xe6: {  	[tilespmem:s18+$0x1C7E0] =	vst v1  }
0xe7: {  	v0 =	vld.idx.msk [tilespmem:v0+s4+$0x0], $0xffff;
	_ =	sdelay $0x3  }
0xe8: {  	v1 =	vld [tilespmem:s7+$0x19710]  }
0xe9: {  	[tilespmem:s18+$0x1C7F0] =	vst v0  }
0xea: {  	v0 =	vld.idx.msk [tilespmem:v2+s4+$0x0], $0xffff;
	_ =	sdelay $0x4  }
0xeb: {  	[tilespmem:s7+$0x1C700] =	vst v0;
	v0 =	vld [tilespmem:s7+$0x19720]  }
0xec: {  	v1 =	vld.idx.msk [tilespmem:v1+s4+$0x0], $0xffff;
	_ =	sdelay $0x4  }
0xed: {  	[tilespmem:s7+$0x1C710] =	vst v1;
	v1 =	vld [tilespmem:s7+$0x19730];
	_ =	sdelay $0x1  }
0xee: {  	v0 =	vld.idx.msk [tilespmem:v0+s4+$0x0], $0xffff;
	_ =	sdelay $0x4  }
0xef: {  	[tilespmem:s7+$0x1C720] =	vst v0;
	v0 =	vld [tilespmem:s7+$0x19740]  }
0xf0: {  	v1 =	vld.idx.msk [tilespmem:v1+s4+$0x0], $0xffff;
	_ =	sdelay $0x4  }
0xf1: {  	[tilespmem:s7+$0x1C730] =	vst v1;
	v1 =	vld [tilespmem:s7+$0x19750];
	_ =	sdelay $0x1  }
0xf2: {  	v0 =	vld.idx.msk [tilespmem:v0+s4+$0x0], $0xffff;
	_ =	sdelay $0x4  }
0xf3: {  	[tilespmem:s7+$0x1C740] =	vst v0;
	v0 =	vld [tilespmem:s7+$0x19760]  }
0xf4: {  	v1 =	vld.idx.msk [tilespmem:v1+s4+$0x0], $0xffff;
	_ =	sdelay $0x4  }
0xf5: {  	[tilespmem:s7+$0x1C750] =	vst v1;
	v1 =	vld [tilespmem:s7+$0x19770];
	_ =	sdelay $0x1  }
0xf6: {  	v0 =	vld.idx.msk [tilespmem:v0+s4+$0x0], $0xffff;
	_ =	sdelay $0x4  }
0xf7: {  	[tilespmem:s7+$0x1C760] =	vst v0;
	v0 =	vld [tilespmem:s7+$0x19780]  }
0xf8: {  	v1 =	vld.idx.msk [tilespmem:v1+s4+$0x0], $0xffff;
	_ =	sdelay $0x4  }
0xf9: {  	[tilespmem:s7+$0x1C770] =	vst v1;
	v1 =	vld [tilespmem:s7+$0x19790];
	_ =	sdelay $0x1  }
0xfa: {  	v0 =	vld.idx.msk [tilespmem:v0+s4+$0x0], $0xffff;
	_ =	sdelay $0x4  }
0xfb: {  	[tilespmem:s7+$0x1C780] =	vst v0;
	v0 =	vld [tilespmem:s7+$0x197A0]  }
0xfc: {  	v1 =	vld.idx.msk [tilespmem:v1+s4+$0x0], $0xffff;
	_ =	sdelay $0x4  }
0xfd: {  	[tilespmem:s7+$0x1C790] =	vst v1;
	v1 =	vld [tilespmem:s7+$0x197B0];
	_ =	sdelay $0x1  }
0xfe: {  	v0 =	vld.idx.msk [tilespmem:v0+s4+$0x0], $0xffff;
	_ =	sdelay $0x4  }
0xff: {  	[tilespmem:s7+$0x1C7A0] =	vst v0;
	v0 =	vld [tilespmem:s7+$0x197C0]  }
0x100: {  	v1 =	vld.idx.msk [tilespmem:v1+s4+$0x0], $0xffff;
	_ =	sdelay $0x4  }
0x101: {  	[tilespmem:s7+$0x1C7B0] =	vst v1;
	v1 =	vld [tilespmem:s7+$0x197D0];
	_ =	sdelay $0x1  }
0x102: {  	v0 =	vld.idx.msk [tilespmem:v0+s4+$0x0], $0xffff;
	_ =	sdelay $0x4  }
0x103: {  	[tilespmem:s7+$0x1C7C0] =	vst v0;
	v0 =	vld [tilespmem:s7+$0x197E0]  }
0x104: {  	v1 =	vld.idx.msk [tilespmem:v1+s4+$0x0], $0xffff;
	_ =	sdelay $0x4  }
0x105: {  	[tilespmem:s7+$0x1C7D0] =	vst v1;
	v1 =	vld [tilespmem:s7+$0x197F0];
	_ =	sdelay $0x1  }
0x106: {  	v0 =	vld.idx.msk [tilespmem:v0+s4+$0x0], $0xffff;
	_ =	sdelay $0x4  }
0x107: {  	[tilespmem:s7+$0x1C7E0] =	vst v0  }
0x108: {  	s18 =	sadd.s32 $0x4, s13;
	v0 =	vld.idx.msk [tilespmem:v1+s4+$0x0], $0xffff  }
0x109: {  	s19 =	sshll.u32 s18, $0x4  }
0x10a: {  	s18 =	sshll.u32 s18, $0x9;
	s19 =	sand.u32 $0x70, s19  }
0x10b: {  	s18 =	sand.u32 $0xF000, s18;
	s19 =	sadd.s32 s1, s19  }
0x10c: {  	s18 =	sadd.s32 s18, s19;
	s19 =	sadd.s32 s9, s17  }
0x10d: {  	[tilespmem:s7+$0x1C7F0] =	vst v0;
	s7 =	sshrl.u32 s19, $0x3  }
0x10e: {  	[tilespmem:s24], [sflag:$0x2] =	stream.strided.gather [hbm4b:s18+s20], $0x1000, s21, s20, $0x38;
	[tilespmem:$0x1E700] =	vst v63  }
0x10f: {  	s7 =	sadd.s32 s3, s7  }
0x110: {  	[hbm4b:s7+s20] =	stream.strided.scatter [tilespmem:s30], [sflag:$0x5], $0x1000, s21, s20, $0x38;
	[tilespmem:$0x1E700] =	vst v63  }
0x111: {  	_ =	swait.ge [sflag:s31], $0x1000  }
0x112: {  	[sflag:s31] =	ssyncset.done $0x0  }
0x113: {  	s7 =	simm.s32 @!p0 $0x6;
	[sflag:s31] =	ssyncadd.s32 $0xFFFFF000  }
0x114: {  	_ =	swait.ge @!p0 [sflag:s7], $0x1000  }
0x115: {  	[sflag:s7] =	ssyncset.done @!p0 $0x0  }
0x116: {  	s18 =	simm.s32 $0x0;
	[sflag:s7] =	ssyncadd.s32 @!p0 $0xFFFFF000  }
0x117: {  	v0 =	vld [tilespmem:s18+$0x1A700];
	_ =	sdelay $0x5  }
0x118: {  	v1 =	vld [tilespmem:s18+$0x1A710];
	_ =	sdelay $0x1  }
0x119: {  	v0 =	vld.idx.msk [tilespmem:v0+s4+$0x0], $0xffff;
	_ =	sdelay $0x4  }
0x11a: {  	[tilespmem:s18+$0x1D700] =	vst v0;
	v0 =	vld [tilespmem:s18+$0x1A720]  }
0x11b: {  	v1 =	vld.idx.msk [tilespmem:v1+s4+$0x0], $0xffff;
	_ =	sdelay $0x4  }
0x11c: {  	[tilespmem:s18+$0x1D710] =	vst v1;
	v1 =	vld [tilespmem:s18+$0x1A730];
	_ =	sdelay $0x1  }
0x11d: {  	v0 =	vld.idx.msk [tilespmem:v0+s4+$0x0], $0xffff;
	_ =	sdelay $0x4  }
0x11e: {  	[tilespmem:s18+$0x1D720] =	vst v0;
	v0 =	vld [tilespmem:s18+$0x1A740]  }
0x11f: {  	v1 =	vld.idx.msk [tilespmem:v1+s4+$0x0], $0xffff;
	_ =	sdelay $0x4  }
0x120: {  	[tilespmem:s18+$0x1D730] =	vst v1;
	v1 =	vld [tilespmem:s18+$0x1A750];
	_ =	sdelay $0x1  }
0x121: {  	v0 =	vld.idx.msk [tilespmem:v0+s4+$0x0], $0xffff;
	_ =	sdelay $0x4  }
0x122: {  	[tilespmem:s18+$0x1D740] =	vst v0;
	v0 =	vld [tilespmem:s18+$0x1A760]  }
0x123: {  	v1 =	vld.idx.msk [tilespmem:v1+s4+$0x0], $0xffff;
	_ =	sdelay $0x4  }
0x124: {  	[tilespmem:s18+$0x1D750] =	vst v1;
	v1 =	vld [tilespmem:s18+$0x1A770];
	_ =	sdelay $0x1  }
0x125: {  	v0 =	vld.idx.msk [tilespmem:v0+s4+$0x0], $0xffff;
	_ =	sdelay $0x4  }
0x126: {  	[tilespmem:s18+$0x1D760] =	vst v0;
	v0 =	vld [tilespmem:s18+$0x1A780]  }
0x127: {  	v1 =	vld.idx.msk [tilespmem:v1+s4+$0x0], $0xffff;
	_ =	sdelay $0x4  }
0x128: {  	[tilespmem:s18+$0x1D770] =	vst v1;
	v1 =	vld [tilespmem:s18+$0x1A790];
	_ =	sdelay $0x1  }
0x129: {  	v0 =	vld.idx.msk [tilespmem:v0+s4+$0x0], $0xffff;
	_ =	sdelay $0x4  }
0x12a: {  	[tilespmem:s18+$0x1D780] =	vst v0;
	v0 =	vld [tilespmem:s18+$0x1A7A0]  }
0x12b: {  	v1 =	vld.idx.msk [tilespmem:v1+s4+$0x0], $0xffff;
	_ =	sdelay $0x4  }
0x12c: {  	[tilespmem:s18+$0x1D790] =	vst v1;
	v1 =	vld [tilespmem:s18+$0x1A7B0];
	_ =	sdelay $0x1  }
0x12d: {  	v0 =	vld.idx.msk [tilespmem:v0+s4+$0x0], $0xffff;
	_ =	sdelay $0x4  }
0x12e: {  	[tilespmem:s18+$0x1D7A0] =	vst v0;
	v0 =	vld [tilespmem:s18+$0x1A7C0]  }
0x12f: {  	v1 =	vld.idx.msk [tilespmem:v1+s4+$0x0], $0xffff;
	_ =	sdelay $0x4  }
0x130: {  	[tilespmem:s18+$0x1D7B0] =	vst v1;
	v1 =	vld [tilespmem:s18+$0x1A7D0];
	_ =	sdelay $0x1  }
0x131: {  	v0 =	vld.idx.msk [tilespmem:v0+s4+$0x0], $0xffff;
	_ =	sdelay $0x4  }
0x132: {  	v2 =	vld [tilespmem:s18+$0x1A7E0];
	[tilespmem:s18+$0x1D7C0] =	vst v0  }
0x133: {  	v0 =	vld.idx.msk [tilespmem:v1+s4+$0x0], $0xffff;
	_ =	sdelay $0x4  }
0x134: {  	[tilespmem:s18+$0x1D7D0] =	vst v0;
	v0 =	vld [tilespmem:s18+$0x1A7F0];
	_ =	sdelay $0x1  }
0x135: {  	v1 =	vld.idx.msk [tilespmem:v2+s4+$0x0], $0xffff;
	_ =	sdelay $0x3  }
0x136: {  	s19 =	simm.s32 $0x800;
	s7 =	simm.s32 $0x100  }
.LBB2_7:
0x137: {  	p0 =	sne.s32 s19, $0x3C00;
	v2 =	vld [tilespmem:s7+$0x1A700];
	[tilespmem:s18+$0x1D7E0] =	vst v1  }
0x138: {  	v0 =	vld.idx.msk [tilespmem:v0+s4+$0x0], $0xffff;
	_ =	sdelay $0x5  }
0x139: {  	v1 =	vld [tilespmem:s7+$0x1A710];
	[tilespmem:s18+$0x1D7F0] =	vst v0;
	s18 =	smov.u32 s7  }
0x13a: {  	v0 =	vld.idx.msk [tilespmem:v2+s4+$0x0], $0xffff;
	_ =	sdelay $0x5  }
0x13b: {  	[tilespmem:s18+$0x1D700] =	vst v0;
	v0 =	vld [tilespmem:s18+$0x1A720]  }
0x13c: {  	v1 =	vld.idx.msk [tilespmem:v1+s4+$0x0], $0xffff;
	_ =	sdelay $0x5  }
0x13d: {  	[tilespmem:s18+$0x1D710] =	vst v1;
	v1 =	vld [tilespmem:s18+$0x1A730]  }
0x13e: {  	v0 =	vld.idx.msk [tilespmem:v0+s4+$0x0], $0xffff;
	_ =	sdelay $0x5  }
0x13f: {  	[tilespmem:s18+$0x1D720] =	vst v0;
	v0 =	vld [tilespmem:s18+$0x1A740]  }
0x140: {  	v1 =	vld.idx.msk [tilespmem:v1+s4+$0x0], $0xffff;
	_ =	sdelay $0x5  }
0x141: {  	[tilespmem:s18+$0x1D730] =	vst v1;
	v1 =	vld [tilespmem:s18+$0x1A750]  }
0x142: {  	v0 =	vld.idx.msk [tilespmem:v0+s4+$0x0], $0xffff;
	_ =	sdelay $0x5  }
0x143: {  	[tilespmem:s18+$0x1D740] =	vst v0;
	v0 =	vld [tilespmem:s18+$0x1A760]  }
0x144: {  	v1 =	vld.idx.msk [tilespmem:v1+s4+$0x0], $0xffff;
	_ =	sdelay $0x5  }
0x145: {  	[tilespmem:s18+$0x1D750] =	vst v1;
	v1 =	vld [tilespmem:s18+$0x1A770]  }
0x146: {  	v0 =	vld.idx.msk [tilespmem:v0+s4+$0x0], $0xffff;
	_ =	sdelay $0x5  }
0x147: {  	[tilespmem:s18+$0x1D760] =	vst v0;
	v0 =	vld [tilespmem:s18+$0x1A780]  }
0x148: {  	v1 =	vld.idx.msk [tilespmem:v1+s4+$0x0], $0xffff;
	_ =	sdelay $0x5  }
0x149: {  	[tilespmem:s18+$0x1D770] =	vst v1;
	v1 =	vld [tilespmem:s18+$0x1A790]  }
0x14a: {  	v0 =	vld.idx.msk [tilespmem:v0+s4+$0x0], $0xffff;
	_ =	sdelay $0x5  }
0x14b: {  	[tilespmem:s18+$0x1D780] =	vst v0;
	v0 =	vld [tilespmem:s18+$0x1A7A0]  }
0x14c: {  	v1 =	vld.idx.msk [tilespmem:v1+s4+$0x0], $0xffff;
	_ =	sdelay $0x5  }
0x14d: {  	[tilespmem:s18+$0x1D790] =	vst v1;
	v1 =	vld [tilespmem:s18+$0x1A7B0]  }
0x14e: {  	v0 =	vld.idx.msk [tilespmem:v0+s4+$0x0], $0xffff;
	_ =	sdelay $0x5  }
0x14f: {  	[tilespmem:s18+$0x1D7A0] =	vst v0;
	v0 =	vld [tilespmem:s18+$0x1A7C0]  }
0x150: {  	v1 =	vld.idx.msk [tilespmem:v1+s4+$0x0], $0xffff;
	_ =	sdelay $0x5  }
0x151: {  	[tilespmem:s18+$0x1D7B0] =	vst v1;
	v1 =	vld [tilespmem:s18+$0x1A7D0]  }
0x152: {  	v0 =	vld.idx.msk [tilespmem:v0+s4+$0x0], $0xffff;
	_ =	sdelay $0x5  }
0x153: {  	[tilespmem:s18+$0x1D7C0] =	vst v0;
	v2 =	vld [tilespmem:s18+$0x1A7E0]  }
0x154: {  	v0 =	vld.idx.msk [tilespmem:v1+s4+$0x0], $0xffff;
	_ =	sdelay $0x5  }
0x155: {  	[tilespmem:s18+$0x1D7D0] =	vst v0;
	v0 =	vld [tilespmem:s18+$0x1A7F0]  }
0x156: {  	v1 =	vld.idx.msk [tilespmem:v2+s4+$0x0], $0xffff  }
.Ltmp2:
0x157: {  	(pc) =	sbr.rel @p0 .LBB2_7-.Ltmp2, $2  }
0x158: {  	_ =	sdelay $0x2  }
0x159: {  	s7 =	sshra.s32 s19, $0x2;
	s19 =	sadd.s32 $0x400, s19  }
0x15a: {  	_ =	sdelay $0x1  }
0x15b: {  	v2 =	vld [tilespmem:s7+$0x1A700]  }
0x15c: {  	[tilespmem:s18+$0x1D7E0] =	vst v1  }
0x15d: {  	v0 =	vld.idx.msk [tilespmem:v0+s4+$0x0], $0xffff;
	_ =	sdelay $0x3  }
0x15e: {  	v1 =	vld [tilespmem:s7+$0x1A710]  }
0x15f: {  	[tilespmem:s18+$0x1D7F0] =	vst v0  }
0x160: {  	v0 =	vld.idx.msk [tilespmem:v2+s4+$0x0], $0xffff;
	_ =	sdelay $0x3  }
0x161: {  	v50 =	vld [tilespmem:s7+$0x1A720]  }
0x162: {  	[tilespmem:s7+$0x1D700] =	vst v0  }
0x163: {  	v1 =	vld.idx.msk [tilespmem:v1+s4+$0x0], $0xffff;
	_ =	sdelay $0x3  }
0x164: {  	v51 =	vld [tilespmem:s7+$0x1A730]  }
0x165: {  	[tilespmem:s7+$0x1D710] =	vst v1  }
0x166: {  	v0 =	vld.idx.msk [tilespmem:v50+s4+$0x0], $0xffff;
	_ =	sdelay $0x3  }
0x167: {  	v52 =	vld [tilespmem:s7+$0x1A740]  }
0x168: {  	[tilespmem:s7+$0x1D720] =	vst v0  }
0x169: {  	v1 =	vld.idx.msk [tilespmem:v51+s4+$0x0], $0xffff;
	_ =	sdelay $0x3  }
0x16a: {  	v53 =	vld [tilespmem:s7+$0x1A750]  }
0x16b: {  	[tilespmem:s7+$0x1D730] =	vst v1  }
0x16c: {  	v0 =	vld.idx.msk [tilespmem:v52+s4+$0x0], $0xffff;
	_ =	sdelay $0x3  }
0x16d: {  	v54 =	vld [tilespmem:s7+$0x1A760]  }
0x16e: {  	[tilespmem:s7+$0x1D740] =	vst v0  }
0x16f: {  	v1 =	vld.idx.msk [tilespmem:v53+s4+$0x0], $0xffff;
	_ =	sdelay $0x3  }
0x170: {  	v55 =	vld [tilespmem:s7+$0x1A770]  }
0x171: {  	[tilespmem:s7+$0x1D750] =	vst v1  }
0x172: {  	v0 =	vld.idx.msk [tilespmem:v54+s4+$0x0], $0xffff;
	_ =	sdelay $0x3  }
0x173: {  	v56 =	vld [tilespmem:s7+$0x1A780]  }
0x174: {  	[tilespmem:s7+$0x1D760] =	vst v0  }
0x175: {  	v1 =	vld.idx.msk [tilespmem:v55+s4+$0x0], $0xffff;
	_ =	sdelay $0x3  }
0x176: {  	v57 =	vld [tilespmem:s7+$0x1A790]  }
0x177: {  	[tilespmem:s7+$0x1D770] =	vst v1  }
0x178: {  	v0 =	vld.idx.msk [tilespmem:v56+s4+$0x0], $0xffff;
	_ =	sdelay $0x3  }
0x179: {  	v58 =	vld [tilespmem:s7+$0x1A7A0]  }
0x17a: {  	[tilespmem:s7+$0x1D780] =	vst v0  }
0x17b: {  	v1 =	vld.idx.msk [tilespmem:v57+s4+$0x0], $0xffff;
	_ =	sdelay $0x3  }
0x17c: {  	v59 =	vld [tilespmem:s7+$0x1A7B0]  }
0x17d: {  	[tilespmem:s7+$0x1D790] =	vst v1  }
0x17e: {  	v0 =	vld.idx.msk [tilespmem:v58+s4+$0x0], $0xffff;
	_ =	sdelay $0x3  }
0x17f: {  	v60 =	vld [tilespmem:s7+$0x1A7C0]  }
0x180: {  	[tilespmem:s7+$0x1D7A0] =	vst v0  }
0x181: {  	v1 =	vld.idx.msk [tilespmem:v59+s4+$0x0], $0xffff;
	_ =	sdelay $0x3  }
0x182: {  	v61 =	vld [tilespmem:s7+$0x1A7D0]  }
0x183: {  	[tilespmem:s7+$0x1D7B0] =	vst v1  }
0x184: {  	v0 =	vld.idx.msk [tilespmem:v60+s4+$0x0], $0xffff;
	_ =	sdelay $0x3  }
0x185: {  	v62 =	vld [tilespmem:s7+$0x1A7E0]  }
0x186: {  	[tilespmem:s7+$0x1D7C0] =	vst v0  }
0x187: {  	v1 =	vld.idx.msk [tilespmem:v61+s4+$0x0], $0xffff;
	_ =	sdelay $0x3  }
0x188: {  	v63 =	vld [tilespmem:s7+$0x1A7F0]  }
0x189: {  	[tilespmem:s7+$0x1D7D0] =	vst v1  }
0x18a: {  	v0 =	vld.idx.msk [tilespmem:v62+s4+$0x0], $0xffff;
	_ =	sdelay $0x4  }
0x18b: {  	[tilespmem:s7+$0x1D7E0] =	vst v0  }
0x18c: {  	p0 =	seq.s32 s12, $0xF;
	v0 =	vld.idx.msk [tilespmem:v63+s4+$0x0], $0xffff  }
0x18d: {  	s13 =	sadd.s32 @!p0 $0x5, s13  }
0x18e: {  	s18 =	sshll.u32 @!p0 s13, $0x4  }
0x18f: {  	s12 =	sadd.s32 $0x1, s12;
	s13 =	sshll.u32 @!p0 s13, $0x9;
	s18 =	sand.u32 @!p0 $0x70, s18  }
0x190: {  	s19 =	simm.s32 @!p0 $0x1A700;
	s13 =	sand.u32 @!p0 $0xF000, s13;
	s18 =	sadd.s32 @!p0 s1, s18  }
0x191: {  	s13 =	sadd.s32 @!p0 s13, s18;
	s18 =	simm.s32 @!p0 $0x400;
	[tilespmem:s7+$0x1D7F0] =	vst v0;
	s7 =	simm.s32 @!p0 $0x80  }
0x192: {  	[tilespmem:s19], [sflag:$0x3] =	stream.strided.gather @!p0 [hbm4b:s13+s7], $0x1000, s18, s7, $0x38;
	[tilespmem:$0x1E700] =	vst v63  }
0x193: {  	p0 =	sne.s32 s12, $0x10  }
.Ltmp3:
0x194: {  	_ = 	snop;
	(pc) =	sbr.rel @p0 .LBB2_2-.Ltmp3, $4  }
0x195: {  	s19 =	sadd.s32 s10, s17  }
0x196: {  	s7 =	sshrl.u32 s19, $0x3  }
0x197: {  	s7 =	sadd.s32 s3, s7  }
0x198: {  	[hbm4b:s7+s20] =	stream.strided.scatter [tilespmem:s0], [sflag:$0x6], $0x1000, s21, s20, $0x38;
	[tilespmem:$0x1E700] =	vst v63  }
0x199: {  	_ =	swait.ge [sflag:s26], $0x1000  }
0x19a: {  	[sflag:s26] =	ssyncset.done $0x0  }
0x19b: {  	[sflag:s26] =	ssyncadd.s32 $0xFFFFF000  }
0x19c: {  	_ =	swait.ge [sflag:s2], $0x1000  }
0x19d: {  	[sflag:s2] =	ssyncset.done $0x0  }
0x19e: {  	s12 =	simm.s32 $0x0;
	[sflag:s2] =	ssyncadd.s32 $0xFFFFF000  }
0x19f: {  	v0 =	vld [tilespmem:s12+$0x18700];
	_ =	sdelay $0x5  }
0x1a0: {  	v1 =	vld [tilespmem:s12+$0x18710];
	_ =	sdelay $0x1  }
0x1a1: {  	v0 =	vld.idx.msk [tilespmem:v0+s4+$0x0], $0xffff;
	_ =	sdelay $0x4  }
0x1a2: {  	[tilespmem:s12+$0x1B700] =	vst v0;
	v0 =	vld [tilespmem:s12+$0x18720]  }
0x1a3: {  	v1 =	vld.idx.msk [tilespmem:v1+s4+$0x0], $0xffff;
	_ =	sdelay $0x4  }
0x1a4: {  	[tilespmem:s12+$0x1B710] =	vst v1;
	v1 =	vld [tilespmem:s12+$0x18730];
	_ =	sdelay $0x1  }
0x1a5: {  	v0 =	vld.idx.msk [tilespmem:v0+s4+$0x0], $0xffff;
	_ =	sdelay $0x4  }
0x1a6: {  	[tilespmem:s12+$0x1B720] =	vst v0;
	v0 =	vld [tilespmem:s12+$0x18740]  }
0x1a7: {  	v1 =	vld.idx.msk [tilespmem:v1+s4+$0x0], $0xffff;
	_ =	sdelay $0x4  }
0x1a8: {  	[tilespmem:s12+$0x1B730] =	vst v1;
	v1 =	vld [tilespmem:s12+$0x18750];
	_ =	sdelay $0x1  }
0x1a9: {  	v0 =	vld.idx.msk [tilespmem:v0+s4+$0x0], $0xffff;
	_ =	sdelay $0x4  }
0x1aa: {  	[tilespmem:s12+$0x1B740] =	vst v0;
	v0 =	vld [tilespmem:s12+$0x18760]  }
0x1ab: {  	v1 =	vld.idx.msk [tilespmem:v1+s4+$0x0], $0xffff;
	_ =	sdelay $0x4  }
0x1ac: {  	[tilespmem:s12+$0x1B750] =	vst v1;
	v1 =	vld [tilespmem:s12+$0x18770];
	_ =	sdelay $0x1  }
0x1ad: {  	v0 =	vld.idx.msk [tilespmem:v0+s4+$0x0], $0xffff;
	_ =	sdelay $0x4  }
0x1ae: {  	[tilespmem:s12+$0x1B760] =	vst v0;
	v0 =	vld [tilespmem:s12+$0x18780]  }
0x1af: {  	v1 =	vld.idx.msk [tilespmem:v1+s4+$0x0], $0xffff;
	_ =	sdelay $0x4  }
0x1b0: {  	[tilespmem:s12+$0x1B770] =	vst v1;
	v1 =	vld [tilespmem:s12+$0x18790];
	_ =	sdelay $0x1  }
0x1b1: {  	v0 =	vld.idx.msk [tilespmem:v0+s4+$0x0], $0xffff;
	_ =	sdelay $0x4  }
0x1b2: {  	[tilespmem:s12+$0x1B780] =	vst v0;
	v0 =	vld [tilespmem:s12+$0x187A0]  }
0x1b3: {  	v1 =	vld.idx.msk [tilespmem:v1+s4+$0x0], $0xffff;
	_ =	sdelay $0x4  }
0x1b4: {  	[tilespmem:s12+$0x1B790] =	vst v1;
	v1 =	vld [tilespmem:s12+$0x187B0];
	_ =	sdelay $0x1  }
0x1b5: {  	v0 =	vld.idx.msk [tilespmem:v0+s4+$0x0], $0xffff;
	_ =	sdelay $0x4  }
0x1b6: {  	[tilespmem:s12+$0x1B7A0] =	vst v0;
	v0 =	vld [tilespmem:s12+$0x187C0]  }
0x1b7: {  	v1 =	vld.idx.msk [tilespmem:v1+s4+$0x0], $0xffff;
	_ =	sdelay $0x4  }
0x1b8: {  	[tilespmem:s12+$0x1B7B0] =	vst v1;
	v1 =	vld [tilespmem:s12+$0x187D0];
	_ =	sdelay $0x1  }
0x1b9: {  	v0 =	vld.idx.msk [tilespmem:v0+s4+$0x0], $0xffff;
	_ =	sdelay $0x4  }
0x1ba: {  	v2 =	vld [tilespmem:s12+$0x187E0];
	[tilespmem:s12+$0x1B7C0] =	vst v0  }
0x1bb: {  	v0 =	vld.idx.msk [tilespmem:v1+s4+$0x0], $0xffff;
	_ =	sdelay $0x4  }
0x1bc: {  	[tilespmem:s12+$0x1B7D0] =	vst v0;
	v0 =	vld [tilespmem:s12+$0x187F0];
	_ =	sdelay $0x1  }
0x1bd: {  	v1 =	vld.idx.msk [tilespmem:v2+s4+$0x0], $0xffff;
	_ =	sdelay $0x3  }
0x1be: {  	s7 =	simm.s32 $0x100;
	s13 =	simm.s32 $0x800  }
.LBB2_10:
0x1bf: {  	p0 =	sne.s32 s13, $0x3C00;
	v2 =	vld [tilespmem:s7+$0x18700];
	[tilespmem:s12+$0x1B7E0] =	vst v1  }
0x1c0: {  	v0 =	vld.idx.msk [tilespmem:v0+s4+$0x0], $0xffff;
	_ =	sdelay $0x5  }
0x1c1: {  	v1 =	vld [tilespmem:s7+$0x18710];
	[tilespmem:s12+$0x1B7F0] =	vst v0;
	s12 =	smov.u32 s7  }
0x1c2: {  	v0 =	vld.idx.msk [tilespmem:v2+s4+$0x0], $0xffff;
	_ =	sdelay $0x5  }
0x1c3: {  	[tilespmem:s12+$0x1B700] =	vst v0;
	v0 =	vld [tilespmem:s12+$0x18720]  }
0x1c4: {  	v1 =	vld.idx.msk [tilespmem:v1+s4+$0x0], $0xffff;
	_ =	sdelay $0x5  }
0x1c5: {  	[tilespmem:s12+$0x1B710] =	vst v1;
	v1 =	vld [tilespmem:s12+$0x18730]  }
0x1c6: {  	v0 =	vld.idx.msk [tilespmem:v0+s4+$0x0], $0xffff;
	_ =	sdelay $0x5  }
0x1c7: {  	[tilespmem:s12+$0x1B720] =	vst v0;
	v0 =	vld [tilespmem:s12+$0x18740]  }
0x1c8: {  	v1 =	vld.idx.msk [tilespmem:v1+s4+$0x0], $0xffff;
	_ =	sdelay $0x5  }
0x1c9: {  	[tilespmem:s12+$0x1B730] =	vst v1;
	v1 =	vld [tilespmem:s12+$0x18750]  }
0x1ca: {  	v0 =	vld.idx.msk [tilespmem:v0+s4+$0x0], $0xffff;
	_ =	sdelay $0x5  }
0x1cb: {  	[tilespmem:s12+$0x1B740] =	vst v0;
	v0 =	vld [tilespmem:s12+$0x18760]  }
0x1cc: {  	v1 =	vld.idx.msk [tilespmem:v1+s4+$0x0], $0xffff;
	_ =	sdelay $0x5  }
0x1cd: {  	[tilespmem:s12+$0x1B750] =	vst v1;
	v1 =	vld [tilespmem:s12+$0x18770]  }
0x1ce: {  	v0 =	vld.idx.msk [tilespmem:v0+s4+$0x0], $0xffff;
	_ =	sdelay $0x5  }
0x1cf: {  	[tilespmem:s12+$0x1B760] =	vst v0;
	v0 =	vld [tilespmem:s12+$0x18780]  }
0x1d0: {  	v1 =	vld.idx.msk [tilespmem:v1+s4+$0x0], $0xffff;
	_ =	sdelay $0x5  }
0x1d1: {  	[tilespmem:s12+$0x1B770] =	vst v1;
	v1 =	vld [tilespmem:s12+$0x18790]  }
0x1d2: {  	v0 =	vld.idx.msk [tilespmem:v0+s4+$0x0], $0xffff;
	_ =	sdelay $0x5  }
0x1d3: {  	[tilespmem:s12+$0x1B780] =	vst v0;
	v0 =	vld [tilespmem:s12+$0x187A0]  }
0x1d4: {  	v1 =	vld.idx.msk [tilespmem:v1+s4+$0x0], $0xffff;
	_ =	sdelay $0x5  }
0x1d5: {  	[tilespmem:s12+$0x1B790] =	vst v1;
	v1 =	vld [tilespmem:s12+$0x187B0]  }
0x1d6: {  	v0 =	vld.idx.msk [tilespmem:v0+s4+$0x0], $0xffff;
	_ =	sdelay $0x5  }
0x1d7: {  	[tilespmem:s12+$0x1B7A0] =	vst v0;
	v0 =	vld [tilespmem:s12+$0x187C0]  }
0x1d8: {  	v1 =	vld.idx.msk [tilespmem:v1+s4+$0x0], $0xffff;
	_ =	sdelay $0x5  }
0x1d9: {  	[tilespmem:s12+$0x1B7B0] =	vst v1;
	v1 =	vld [tilespmem:s12+$0x187D0]  }
0x1da: {  	v0 =	vld.idx.msk [tilespmem:v0+s4+$0x0], $0xffff;
	_ =	sdelay $0x5  }
0x1db: {  	[tilespmem:s12+$0x1B7C0] =	vst v0;
	v2 =	vld [tilespmem:s12+$0x187E0]  }
0x1dc: {  	v0 =	vld.idx.msk [tilespmem:v1+s4+$0x0], $0xffff;
	_ =	sdelay $0x5  }
0x1dd: {  	[tilespmem:s12+$0x1B7D0] =	vst v0;
	v0 =	vld [tilespmem:s12+$0x187F0]  }
0x1de: {  	v1 =	vld.idx.msk [tilespmem:v2+s4+$0x0], $0xffff  }
.Ltmp4:
0x1df: {  	(pc) =	sbr.rel @p0 .LBB2_10-.Ltmp4, $2  }
0x1e0: {  	_ =	sdelay $0x2  }
0x1e1: {  	s7 =	sshra.s32 s13, $0x2;
	s13 =	sadd.s32 $0x400, s13  }
0x1e2: {  	_ =	sdelay $0x1  }
0x1e3: {  	v2 =	vld [tilespmem:s7+$0x18700]  }
0x1e4: {  	[tilespmem:s12+$0x1B7E0] =	vst v1  }
0x1e5: {  	v0 =	vld.idx.msk [tilespmem:v0+s4+$0x0], $0xffff;
	_ =	sdelay $0x3  }
0x1e6: {  	v1 =	vld [tilespmem:s7+$0x18710]  }
0x1e7: {  	[tilespmem:s12+$0x1B7F0] =	vst v0  }
0x1e8: {  	v0 =	vld.idx.msk [tilespmem:v2+s4+$0x0], $0xffff;
	_ =	sdelay $0x4  }
0x1e9: {  	[tilespmem:s7+$0x1B700] =	vst v0;
	v0 =	vld [tilespmem:s7+$0x18720]  }
0x1ea: {  	v1 =	vld.idx.msk [tilespmem:v1+s4+$0x0], $0xffff;
	_ =	sdelay $0x4  }
0x1eb: {  	[tilespmem:s7+$0x1B710] =	vst v1;
	v1 =	vld [tilespmem:s7+$0x18730];
	_ =	sdelay $0x1  }
0x1ec: {  	v0 =	vld.idx.msk [tilespmem:v0+s4+$0x0], $0xffff;
	_ =	sdelay $0x4  }
0x1ed: {  	[tilespmem:s7+$0x1B720] =	vst v0;
	v0 =	vld [tilespmem:s7+$0x18740]  }
0x1ee: {  	v1 =	vld.idx.msk [tilespmem:v1+s4+$0x0], $0xffff;
	_ =	sdelay $0x4  }
0x1ef: {  	[tilespmem:s7+$0x1B730] =	vst v1;
	v1 =	vld [tilespmem:s7+$0x18750];
	_ =	sdelay $0x1  }
0x1f0: {  	v0 =	vld.idx.msk [tilespmem:v0+s4+$0x0], $0xffff;
	_ =	sdelay $0x4  }
0x1f1: {  	[tilespmem:s7+$0x1B740] =	vst v0;
	v0 =	vld [tilespmem:s7+$0x18760]  }
0x1f2: {  	v1 =	vld.idx.msk [tilespmem:v1+s4+$0x0], $0xffff;
	_ =	sdelay $0x4  }
0x1f3: {  	[tilespmem:s7+$0x1B750] =	vst v1;
	v1 =	vld [tilespmem:s7+$0x18770];
	_ =	sdelay $0x1  }
0x1f4: {  	v0 =	vld.idx.msk [tilespmem:v0+s4+$0x0], $0xffff;
	_ =	sdelay $0x4  }
0x1f5: {  	[tilespmem:s7+$0x1B760] =	vst v0;
	v0 =	vld [tilespmem:s7+$0x18780]  }
0x1f6: {  	v1 =	vld.idx.msk [tilespmem:v1+s4+$0x0], $0xffff;
	_ =	sdelay $0x4  }
0x1f7: {  	[tilespmem:s7+$0x1B770] =	vst v1;
	v1 =	vld [tilespmem:s7+$0x18790];
	_ =	sdelay $0x1  }
0x1f8: {  	v0 =	vld.idx.msk [tilespmem:v0+s4+$0x0], $0xffff;
	_ =	sdelay $0x4  }
0x1f9: {  	[tilespmem:s7+$0x1B780] =	vst v0;
	v0 =	vld [tilespmem:s7+$0x187A0]  }
0x1fa: {  	v1 =	vld.idx.msk [tilespmem:v1+s4+$0x0], $0xffff;
	_ =	sdelay $0x4  }
0x1fb: {  	[tilespmem:s7+$0x1B790] =	vst v1;
	v1 =	vld [tilespmem:s7+$0x187B0];
	_ =	sdelay $0x1  }
0x1fc: {  	v0 =	vld.idx.msk [tilespmem:v0+s4+$0x0], $0xffff;
	_ =	sdelay $0x4  }
0x1fd: {  	[tilespmem:s7+$0x1B7A0] =	vst v0;
	v0 =	vld [tilespmem:s7+$0x187C0]  }
0x1fe: {  	v1 =	vld.idx.msk [tilespmem:v1+s4+$0x0], $0xffff;
	_ =	sdelay $0x4  }
0x1ff: {  	[tilespmem:s7+$0x1B7B0] =	vst v1;
	v1 =	vld [tilespmem:s7+$0x187D0];
	_ =	sdelay $0x1  }
0x200: {  	v0 =	vld.idx.msk [tilespmem:v0+s4+$0x0], $0xffff;
	_ =	sdelay $0x4  }
0x201: {  	[tilespmem:s7+$0x1B7C0] =	vst v0;
	v0 =	vld [tilespmem:s7+$0x187E0]  }
0x202: {  	v1 =	vld.idx.msk [tilespmem:v1+s4+$0x0], $0xffff;
	_ =	sdelay $0x4  }
0x203: {  	[tilespmem:s7+$0x1B7D0] =	vst v1;
	v1 =	vld [tilespmem:s7+$0x187F0];
	_ =	sdelay $0x1  }
0x204: {  	v0 =	vld.idx.msk [tilespmem:v0+s4+$0x0], $0xffff;
	_ =	sdelay $0x4  }
0x205: {  	[tilespmem:s7+$0x1B7E0] =	vst v0  }
0x206: {  	v0 =	vld.idx.msk [tilespmem:v1+s4+$0x0], $0xffff;
	_ =	sdelay $0x4  }
0x207: {  	s19 =	rddreg [dreg:$0x6];
	[tilespmem:s7+$0x1B7F0] =	vst v0  }
0x208: {  	[hbm4b:s19+s20] =	stream.strided.scatter [tilespmem:s28], [sflag:$0x4], $0x1000, s21, s20, $0x38;
	[tilespmem:$0x1E700] =	vst v63  }
0x209: {  	_ =	swait.ge [sflag:s29], $0x1000  }
0x20a: {  	[sflag:s29] =	ssyncset.done $0x0  }
0x20b: {  	[sflag:s29] =	ssyncadd.s32 $0xFFFFF000  }
0x20c: {  	_ =	swait.ge [sflag:s25], $0x1000  }
0x20d: {  	[sflag:s25] =	ssyncset.done $0x0  }
0x20e: {  	s12 =	simm.s32 $0x0;
	[sflag:s25] =	ssyncadd.s32 $0xFFFFF000  }
0x20f: {  	v0 =	vld [tilespmem:s12+$0x19700];
	_ =	sdelay $0x5  }
0x210: {  	v1 =	vld [tilespmem:s12+$0x19710];
	_ =	sdelay $0x1  }
0x211: {  	v0 =	vld.idx.msk [tilespmem:v0+s4+$0x0], $0xffff;
	_ =	sdelay $0x4  }
0x212: {  	[tilespmem:s12+$0x1C700] =	vst v0;
	v0 =	vld [tilespmem:s12+$0x19720]  }
0x213: {  	v1 =	vld.idx.msk [tilespmem:v1+s4+$0x0], $0xffff;
	_ =	sdelay $0x4  }
0x214: {  	[tilespmem:s12+$0x1C710] =	vst v1;
	v1 =	vld [tilespmem:s12+$0x19730];
	_ =	sdelay $0x1  }
0x215: {  	v0 =	vld.idx.msk [tilespmem:v0+s4+$0x0], $0xffff;
	_ =	sdelay $0x4  }
0x216: {  	[tilespmem:s12+$0x1C720] =	vst v0;
	v0 =	vld [tilespmem:s12+$0x19740]  }
0x217: {  	v1 =	vld.idx.msk [tilespmem:v1+s4+$0x0], $0xffff;
	_ =	sdelay $0x4  }
0x218: {  	[tilespmem:s12+$0x1C730] =	vst v1;
	v1 =	vld [tilespmem:s12+$0x19750];
	_ =	sdelay $0x1  }
0x219: {  	v0 =	vld.idx.msk [tilespmem:v0+s4+$0x0], $0xffff;
	_ =	sdelay $0x4  }
0x21a: {  	[tilespmem:s12+$0x1C740] =	vst v0;
	v0 =	vld [tilespmem:s12+$0x19760]  }
0x21b: {  	v1 =	vld.idx.msk [tilespmem:v1+s4+$0x0], $0xffff;
	_ =	sdelay $0x4  }
0x21c: {  	[tilespmem:s12+$0x1C750] =	vst v1;
	v1 =	vld [tilespmem:s12+$0x19770];
	_ =	sdelay $0x1  }
0x21d: {  	v0 =	vld.idx.msk [tilespmem:v0+s4+$0x0], $0xffff;
	_ =	sdelay $0x4  }
0x21e: {  	[tilespmem:s12+$0x1C760] =	vst v0;
	v0 =	vld [tilespmem:s12+$0x19780]  }
0x21f: {  	v1 =	vld.idx.msk [tilespmem:v1+s4+$0x0], $0xffff;
	_ =	sdelay $0x4  }
0x220: {  	[tilespmem:s12+$0x1C770] =	vst v1;
	v1 =	vld [tilespmem:s12+$0x19790];
	_ =	sdelay $0x1  }
0x221: {  	v0 =	vld.idx.msk [tilespmem:v0+s4+$0x0], $0xffff;
	_ =	sdelay $0x4  }
0x222: {  	[tilespmem:s12+$0x1C780] =	vst v0;
	v0 =	vld [tilespmem:s12+$0x197A0]  }
0x223: {  	v1 =	vld.idx.msk [tilespmem:v1+s4+$0x0], $0xffff;
	_ =	sdelay $0x4  }
0x224: {  	[tilespmem:s12+$0x1C790] =	vst v1;
	v1 =	vld [tilespmem:s12+$0x197B0];
	_ =	sdelay $0x1  }
0x225: {  	v0 =	vld.idx.msk [tilespmem:v0+s4+$0x0], $0xffff;
	_ =	sdelay $0x4  }
0x226: {  	[tilespmem:s12+$0x1C7A0] =	vst v0;
	v0 =	vld [tilespmem:s12+$0x197C0]  }
0x227: {  	v1 =	vld.idx.msk [tilespmem:v1+s4+$0x0], $0xffff;
	_ =	sdelay $0x4  }
0x228: {  	[tilespmem:s12+$0x1C7B0] =	vst v1;
	v1 =	vld [tilespmem:s12+$0x197D0];
	_ =	sdelay $0x1  }
0x229: {  	v0 =	vld.idx.msk [tilespmem:v0+s4+$0x0], $0xffff;
	_ =	sdelay $0x4  }
0x22a: {  	v2 =	vld [tilespmem:s12+$0x197E0];
	[tilespmem:s12+$0x1C7C0] =	vst v0  }
0x22b: {  	v0 =	vld.idx.msk [tilespmem:v1+s4+$0x0], $0xffff;
	_ =	sdelay $0x4  }
0x22c: {  	[tilespmem:s12+$0x1C7D0] =	vst v0;
	v0 =	vld [tilespmem:s12+$0x197F0];
	_ =	sdelay $0x1  }
0x22d: {  	v1 =	vld.idx.msk [tilespmem:v2+s4+$0x0], $0xffff;
	_ =	sdelay $0x3  }
0x22e: {  	s13 =	simm.s32 $0x800;
	s7 =	simm.s32 $0x100  }
.LBB2_12:
0x22f: {  	p0 =	sne.s32 s13, $0x3C00;
	v2 =	vld [tilespmem:s7+$0x19700];
	[tilespmem:s12+$0x1C7E0] =	vst v1  }
0x230: {  	v0 =	vld.idx.msk [tilespmem:v0+s4+$0x0], $0xffff;
	_ =	sdelay $0x5  }
0x231: {  	v1 =	vld [tilespmem:s7+$0x19710];
	[tilespmem:s12+$0x1C7F0] =	vst v0;
	s12 =	smov.u32 s7  }
0x232: {  	v0 =	vld.idx.msk [tilespmem:v2+s4+$0x0], $0xffff;
	_ =	sdelay $0x5  }
0x233: {  	[tilespmem:s12+$0x1C700] =	vst v0;
	v0 =	vld [tilespmem:s12+$0x19720]  }
0x234: {  	v1 =	vld.idx.msk [tilespmem:v1+s4+$0x0], $0xffff;
	_ =	sdelay $0x5  }
0x235: {  	[tilespmem:s12+$0x1C710] =	vst v1;
	v1 =	vld [tilespmem:s12+$0x19730]  }
0x236: {  	v0 =	vld.idx.msk [tilespmem:v0+s4+$0x0], $0xffff;
	_ =	sdelay $0x5  }
0x237: {  	[tilespmem:s12+$0x1C720] =	vst v0;
	v0 =	vld [tilespmem:s12+$0x19740]  }
0x238: {  	v1 =	vld.idx.msk [tilespmem:v1+s4+$0x0], $0xffff;
	_ =	sdelay $0x5  }
0x239: {  	[tilespmem:s12+$0x1C730] =	vst v1;
	v1 =	vld [tilespmem:s12+$0x19750]  }
0x23a: {  	v0 =	vld.idx.msk [tilespmem:v0+s4+$0x0], $0xffff;
	_ =	sdelay $0x5  }
0x23b: {  	[tilespmem:s12+$0x1C740] =	vst v0;
	v0 =	vld [tilespmem:s12+$0x19760]  }
0x23c: {  	v1 =	vld.idx.msk [tilespmem:v1+s4+$0x0], $0xffff;
	_ =	sdelay $0x5  }
0x23d: {  	[tilespmem:s12+$0x1C750] =	vst v1;
	v1 =	vld [tilespmem:s12+$0x19770]  }
0x23e: {  	v0 =	vld.idx.msk [tilespmem:v0+s4+$0x0], $0xffff;
	_ =	sdelay $0x5  }
0x23f: {  	[tilespmem:s12+$0x1C760] =	vst v0;
	v0 =	vld [tilespmem:s12+$0x19780]  }
0x240: {  	v1 =	vld.idx.msk [tilespmem:v1+s4+$0x0], $0xffff;
	_ =	sdelay $0x5  }
0x241: {  	[tilespmem:s12+$0x1C770] =	vst v1;
	v1 =	vld [tilespmem:s12+$0x19790]  }
0x242: {  	v0 =	vld.idx.msk [tilespmem:v0+s4+$0x0], $0xffff;
	_ =	sdelay $0x5  }
0x243: {  	[tilespmem:s12+$0x1C780] =	vst v0;
	v0 =	vld [tilespmem:s12+$0x197A0]  }
0x244: {  	v1 =	vld.idx.msk [tilespmem:v1+s4+$0x0], $0xffff;
	_ =	sdelay $0x5  }
0x245: {  	[tilespmem:s12+$0x1C790] =	vst v1;
	v1 =	vld [tilespmem:s12+$0x197B0]  }
0x246: {  	v0 =	vld.idx.msk [tilespmem:v0+s4+$0x0], $0xffff;
	_ =	sdelay $0x5  }
0x247: {  	[tilespmem:s12+$0x1C7A0] =	vst v0;
	v0 =	vld [tilespmem:s12+$0x197C0]  }
0x248: {  	v1 =	vld.idx.msk [tilespmem:v1+s4+$0x0], $0xffff;
	_ =	sdelay $0x5  }
0x249: {  	[tilespmem:s12+$0x1C7B0] =	vst v1;
	v1 =	vld [tilespmem:s12+$0x197D0]  }
0x24a: {  	v0 =	vld.idx.msk [tilespmem:v0+s4+$0x0], $0xffff;
	_ =	sdelay $0x5  }
0x24b: {  	[tilespmem:s12+$0x1C7C0] =	vst v0;
	v2 =	vld [tilespmem:s12+$0x197E0]  }
0x24c: {  	v0 =	vld.idx.msk [tilespmem:v1+s4+$0x0], $0xffff;
	_ =	sdelay $0x5  }
0x24d: {  	[tilespmem:s12+$0x1C7D0] =	vst v0;
	v0 =	vld [tilespmem:s12+$0x197F0]  }
0x24e: {  	v1 =	vld.idx.msk [tilespmem:v2+s4+$0x0], $0xffff  }
.Ltmp5:
0x24f: {  	(pc) =	sbr.rel @p0 .LBB2_12-.Ltmp5, $2  }
0x250: {  	_ =	sdelay $0x2  }
0x251: {  	s7 =	sshra.s32 s13, $0x2;
	s13 =	sadd.s32 $0x400, s13  }
0x252: {  	_ =	sdelay $0x1  }
0x253: {  	v2 =	vld [tilespmem:s7+$0x19700]  }
0x254: {  	[tilespmem:s12+$0x1C7E0] =	vst v1  }
0x255: {  	v0 =	vld.idx.msk [tilespmem:v0+s4+$0x0], $0xffff;
	_ =	sdelay $0x3  }
0x256: {  	v1 =	vld [tilespmem:s7+$0x19710]  }
0x257: {  	[tilespmem:s12+$0x1C7F0] =	vst v0  }
0x258: {  	v0 =	vld.idx.msk [tilespmem:v2+s4+$0x0], $0xffff;
	_ =	sdelay $0x3  }
0x259: {  	v50 =	vld [tilespmem:s7+$0x19720]  }
0x25a: {  	[tilespmem:s7+$0x1C700] =	vst v0  }
0x25b: {  	v1 =	vld.idx.msk [tilespmem:v1+s4+$0x0], $0xffff;
	_ =	sdelay $0x3  }
0x25c: {  	v51 =	vld [tilespmem:s7+$0x19730]  }
0x25d: {  	[tilespmem:s7+$0x1C710] =	vst v1  }
0x25e: {  	v0 =	vld.idx.msk [tilespmem:v50+s4+$0x0], $0xffff;
	_ =	sdelay $0x3  }
0x25f: {  	v52 =	vld [tilespmem:s7+$0x19740]  }
0x260: {  	[tilespmem:s7+$0x1C720] =	vst v0  }
0x261: {  	v1 =	vld.idx.msk [tilespmem:v51+s4+$0x0], $0xffff;
	_ =	sdelay $0x3  }
0x262: {  	v53 =	vld [tilespmem:s7+$0x19750]  }
0x263: {  	[tilespmem:s7+$0x1C730] =	vst v1  }
0x264: {  	v0 =	vld.idx.msk [tilespmem:v52+s4+$0x0], $0xffff;
	_ =	sdelay $0x3  }
0x265: {  	v54 =	vld [tilespmem:s7+$0x19760]  }
0x266: {  	[tilespmem:s7+$0x1C740] =	vst v0  }
0x267: {  	v1 =	vld.idx.msk [tilespmem:v53+s4+$0x0], $0xffff;
	_ =	sdelay $0x3  }
0x268: {  	v55 =	vld [tilespmem:s7+$0x19770]  }
0x269: {  	[tilespmem:s7+$0x1C750] =	vst v1  }
0x26a: {  	v0 =	vld.idx.msk [tilespmem:v54+s4+$0x0], $0xffff;
	_ =	sdelay $0x3  }
0x26b: {  	v56 =	vld [tilespmem:s7+$0x19780]  }
0x26c: {  	[tilespmem:s7+$0x1C760] =	vst v0  }
0x26d: {  	v1 =	vld.idx.msk [tilespmem:v55+s4+$0x0], $0xffff;
	_ =	sdelay $0x3  }
0x26e: {  	v57 =	vld [tilespmem:s7+$0x19790]  }
0x26f: {  	[tilespmem:s7+$0x1C770] =	vst v1  }
0x270: {  	v0 =	vld.idx.msk [tilespmem:v56+s4+$0x0], $0xffff;
	_ =	sdelay $0x3  }
0x271: {  	v58 =	vld [tilespmem:s7+$0x197A0]  }
0x272: {  	[tilespmem:s7+$0x1C780] =	vst v0  }
0x273: {  	v1 =	vld.idx.msk [tilespmem:v57+s4+$0x0], $0xffff;
	_ =	sdelay $0x3  }
0x274: {  	v59 =	vld [tilespmem:s7+$0x197B0]  }
0x275: {  	[tilespmem:s7+$0x1C790] =	vst v1  }
0x276: {  	v0 =	vld.idx.msk [tilespmem:v58+s4+$0x0], $0xffff;
	_ =	sdelay $0x3  }
0x277: {  	v60 =	vld [tilespmem:s7+$0x197C0]  }
0x278: {  	[tilespmem:s7+$0x1C7A0] =	vst v0  }
0x279: {  	v1 =	vld.idx.msk [tilespmem:v59+s4+$0x0], $0xffff;
	_ =	sdelay $0x3  }
0x27a: {  	v61 =	vld [tilespmem:s7+$0x197D0]  }
0x27b: {  	[tilespmem:s7+$0x1C7B0] =	vst v1  }
0x27c: {  	v0 =	vld.idx.msk [tilespmem:v60+s4+$0x0], $0xffff;
	_ =	sdelay $0x3  }
0x27d: {  	v62 =	vld [tilespmem:s7+$0x197E0]  }
0x27e: {  	[tilespmem:s7+$0x1C7C0] =	vst v0  }
0x27f: {  	v1 =	vld.idx.msk [tilespmem:v61+s4+$0x0], $0xffff;
	_ =	sdelay $0x3  }
0x280: {  	v63 =	vld [tilespmem:s7+$0x197F0]  }
0x281: {  	[tilespmem:s7+$0x1C7D0] =	vst v1  }
0x282: {  	v0 =	vld.idx.msk [tilespmem:v62+s4+$0x0], $0xffff;
	_ =	sdelay $0x4  }
0x283: {  	[tilespmem:s7+$0x1C7E0] =	vst v0  }
0x284: {  	v0 =	vld.idx.msk [tilespmem:v63+s4+$0x0], $0xffff;
	_ =	sdelay $0x4  }
0x285: {  	s13 =	rddreg [dreg:$0x7];
	[tilespmem:s7+$0x1C7F0] =	vst v0  }
0x286: {  	[hbm4b:s13+s20] =	stream.strided.scatter [tilespmem:s30], [sflag:$0x5], $0x1000, s21, s20, $0x38;
	[tilespmem:$0x1E700] =	vst v63  }
0x287: {  	_ =	swait.ge [sflag:s2], $0x1000  }
0x288: {  	[sflag:s2] =	ssyncset.done $0x0  }
0x289: {  	[sflag:s2] =	ssyncadd.s32 $0xFFFFF000  }
0x28a: {  	_ =	swait.ge [sflag:s25], $0x1000  }
0x28b: {  	[sflag:s25] =	ssyncset.done $0x0  }
0x28c: {  	[sflag:s25] =	ssyncadd.s32 $0xFFFFF000  }
0x28d: {  	_ =	swait.ge [sflag:s5], $0x1000  }
0x28e: {  	[sflag:s5] =	ssyncset.done $0x0  }
0x28f: {  	s12 =	simm.s32 $0x0;
	s17 =	rddreg [dreg:$0x8];
	[sflag:s5] =	ssyncadd.s32 $0xFFFFF000  }
0x290: {  	[tilespmem:s12], [sflag:$0x7] =	stream.strided.gather [hbm4b:s17+s20], $0x18700, s21, s20, $0x38;
	[tilespmem:$0x1E700] =	vst v63  }
0x291: {  	_ =	swait.ge [sflag:s22], $0x18700  }
0x292: {  	[sflag:s22] =	ssyncset.done $0x0  }
0x293: {  	[sflag:s22] =	ssyncadd.s32 $0xFFFE7900  }
0x294: {  	[tilespmem:s23], [sflag:$0x1] =	stream.strided.gather [hbm4b:s1+s20], $0x1000, s21, s20, $0x38;
	[tilespmem:$0x1E700] =	vst v63  }
0x295: {  	s18 =	rddreg [dreg:$0x5]  }
0x296: {  	[tilespmem:s24], [sflag:$0x2] =	stream.strided.gather [hbm4b:s18+s20], $0x1000, s21, s20, $0x38;
	[tilespmem:$0x1E700] =	vst v63  }
0x297: {  	s19 =	simm.s32 $0x1A700  }
0x298: {  	[tilespmem:s19], [sflag:$0x3] =	stream.strided.gather [hbm4b:s8+s20], $0x1000, s21, s20, $0x38;
	[tilespmem:$0x1E700] =	vst v63  }
.LBB2_14:
0x299: {  	_ =	swait.ge [sflag:s26], $0x1000  }
0x29a: {  	p0 =	seq.s32 s12, $0x0;
	[sflag:s26] =	ssyncset.done $0x0  }
0x29b: {  	s7 =	simm.s32 @!p0 $0x4;
	[sflag:s26] =	ssyncadd.s32 $0xFFFFF000  }
0x29c: {  	_ =	swait.ge @!p0 [sflag:s7], $0x1000  }
0x29d: {  	[sflag:s7] =	ssyncset.done @!p0 $0x0  }
0x29e: {  	s17 =	simm.s32 $0x0;
	[sflag:s7] =	ssyncadd.s32 @!p0 $0xFFFFF000  }
0x29f: {  	v0 =	vld [tilespmem:s17+$0x18700];
	_ =	sdelay $0x5  }
0x2a0: {  	v1 =	vld [tilespmem:s17+$0x18710];
	_ =	sdelay $0x1  }
0x2a1: {  	v0 =	vld.idx.msk [tilespmem:v0+s4+$0x0], $0xffff;
	_ =	sdelay $0x4  }
0x2a2: {  	[tilespmem:s17+$0x1B700] =	vst v0;
	v0 =	vld [tilespmem:s17+$0x18720]  }
0x2a3: {  	v1 =	vld.idx.msk [tilespmem:v1+s4+$0x0], $0xffff;
	_ =	sdelay $0x4  }
0x2a4: {  	[tilespmem:s17+$0x1B710] =	vst v1;
	v1 =	vld [tilespmem:s17+$0x18730];
	_ =	sdelay $0x1  }
0x2a5: {  	v0 =	vld.idx.msk [tilespmem:v0+s4+$0x0], $0xffff;
	_ =	sdelay $0x4  }
0x2a6: {  	[tilespmem:s17+$0x1B720] =	vst v0;
	v0 =	vld [tilespmem:s17+$0x18740]  }
0x2a7: {  	v1 =	vld.idx.msk [tilespmem:v1+s4+$0x0], $0xffff;
	_ =	sdelay $0x4  }
0x2a8: {  	[tilespmem:s17+$0x1B730] =	vst v1;
	v1 =	vld [tilespmem:s17+$0x18750];
	_ =	sdelay $0x1  }
0x2a9: {  	v0 =	vld.idx.msk [tilespmem:v0+s4+$0x0], $0xffff;
	_ =	sdelay $0x4  }
0x2aa: {  	[tilespmem:s17+$0x1B740] =	vst v0;
	v0 =	vld [tilespmem:s17+$0x18760]  }
0x2ab: {  	v1 =	vld.idx.msk [tilespmem:v1+s4+$0x0], $0xffff;
	_ =	sdelay $0x4  }
0x2ac: {  	[tilespmem:s17+$0x1B750] =	vst v1;
	v1 =	vld [tilespmem:s17+$0x18770];
	_ =	sdelay $0x1  }
0x2ad: {  	v0 =	vld.idx.msk [tilespmem:v0+s4+$0x0], $0xffff;
	_ =	sdelay $0x4  }
0x2ae: {  	[tilespmem:s17+$0x1B760] =	vst v0;
	v0 =	vld [tilespmem:s17+$0x18780]  }
0x2af: {  	v1 =	vld.idx.msk [tilespmem:v1+s4+$0x0], $0xffff;
	_ =	sdelay $0x4  }
0x2b0: {  	[tilespmem:s17+$0x1B770] =	vst v1;
	v1 =	vld [tilespmem:s17+$0x18790];
	_ =	sdelay $0x1  }
0x2b1: {  	v0 =	vld.idx.msk [tilespmem:v0+s4+$0x0], $0xffff;
	_ =	sdelay $0x4  }
0x2b2: {  	[tilespmem:s17+$0x1B780] =	vst v0;
	v0 =	vld [tilespmem:s17+$0x187A0]  }
0x2b3: {  	v1 =	vld.idx.msk [tilespmem:v1+s4+$0x0], $0xffff;
	_ =	sdelay $0x4  }
0x2b4: {  	[tilespmem:s17+$0x1B790] =	vst v1;
	v1 =	vld [tilespmem:s17+$0x187B0];
	_ =	sdelay $0x1  }
0x2b5: {  	v0 =	vld.idx.msk [tilespmem:v0+s4+$0x0], $0xffff;
	_ =	sdelay $0x4  }
0x2b6: {  	[tilespmem:s17+$0x1B7A0] =	vst v0;
	v0 =	vld [tilespmem:s17+$0x187C0]  }
0x2b7: {  	v1 =	vld.idx.msk [tilespmem:v1+s4+$0x0], $0xffff;
	_ =	sdelay $0x4  }
0x2b8: {  	[tilespmem:s17+$0x1B7B0] =	vst v1;
	v1 =	vld [tilespmem:s17+$0x187D0];
	_ =	sdelay $0x1  }
0x2b9: {  	v0 =	vld.idx.msk [tilespmem:v0+s4+$0x0], $0xffff;
	_ =	sdelay $0x4  }
0x2ba: {  	v2 =	vld [tilespmem:s17+$0x187E0];
	[tilespmem:s17+$0x1B7C0] =	vst v0  }
0x2bb: {  	v0 =	vld.idx.msk [tilespmem:v1+s4+$0x0], $0xffff;
	_ =	sdelay $0x4  }
0x2bc: {  	[tilespmem:s17+$0x1B7D0] =	vst v0;
	v0 =	vld [tilespmem:s17+$0x187F0];
	_ =	sdelay $0x1  }
0x2bd: {  	v1 =	vld.idx.msk [tilespmem:v2+s4+$0x0], $0xffff;
	_ =	sdelay $0x3  }
0x2be: {  	s13 =	smul.u32 $0x3, s12;
	s18 =	simm.s32 $0x800;
	s7 =	simm.s32 $0x100  }
.LBB2_15:
0x2bf: {  	p1 =	sne.s32 s18, $0x3C00;
	v2 =	vld [tilespmem:s7+$0x18700];
	[tilespmem:s17+$0x1B7E0] =	vst v1  }
0x2c0: {  	v0 =	vld.idx.msk [tilespmem:v0+s4+$0x0], $0xffff;
	_ =	sdelay $0x5  }
0x2c1: {  	v1 =	vld [tilespmem:s7+$0x18710];
	[tilespmem:s17+$0x1B7F0] =	vst v0;
	s17 =	smov.u32 s7  }
0x2c2: {  	v0 =	vld.idx.msk [tilespmem:v2+s4+$0x0], $0xffff;
	_ =	sdelay $0x5  }
0x2c3: {  	[tilespmem:s17+$0x1B700] =	vst v0;
	v0 =	vld [tilespmem:s17+$0x18720]  }
0x2c4: {  	v1 =	vld.idx.msk [tilespmem:v1+s4+$0x0], $0xffff;
	_ =	sdelay $0x5  }
0x2c5: {  	[tilespmem:s17+$0x1B710] =	vst v1;
	v1 =	vld [tilespmem:s17+$0x18730]  }
0x2c6: {  	v0 =	vld.idx.msk [tilespmem:v0+s4+$0x0], $0xffff;
	_ =	sdelay $0x5  }
0x2c7: {  	[tilespmem:s17+$0x1B720] =	vst v0;
	v0 =	vld [tilespmem:s17+$0x18740]  }
0x2c8: {  	v1 =	vld.idx.msk [tilespmem:v1+s4+$0x0], $0xffff;
	_ =	sdelay $0x5  }
0x2c9: {  	[tilespmem:s17+$0x1B730] =	vst v1;
	v1 =	vld [tilespmem:s17+$0x18750]  }
0x2ca: {  	v0 =	vld.idx.msk [tilespmem:v0+s4+$0x0], $0xffff;
	_ =	sdelay $0x5  }
0x2cb: {  	[tilespmem:s17+$0x1B740] =	vst v0;
	v0 =	vld [tilespmem:s17+$0x18760]  }
0x2cc: {  	v1 =	vld.idx.msk [tilespmem:v1+s4+$0x0], $0xffff;
	_ =	sdelay $0x5  }
0x2cd: {  	[tilespmem:s17+$0x1B750] =	vst v1;
	v1 =	vld [tilespmem:s17+$0x18770]  }
0x2ce: {  	v0 =	vld.idx.msk [tilespmem:v0+s4+$0x0], $0xffff;
	_ =	sdelay $0x5  }
0x2cf: {  	[tilespmem:s17+$0x1B760] =	vst v0;
	v0 =	vld [tilespmem:s17+$0x18780]  }
0x2d0: {  	v1 =	vld.idx.msk [tilespmem:v1+s4+$0x0], $0xffff;
	_ =	sdelay $0x5  }
0x2d1: {  	[tilespmem:s17+$0x1B770] =	vst v1;
	v1 =	vld [tilespmem:s17+$0x18790]  }
0x2d2: {  	v0 =	vld.idx.msk [tilespmem:v0+s4+$0x0], $0xffff;
	_ =	sdelay $0x5  }
0x2d3: {  	[tilespmem:s17+$0x1B780] =	vst v0;
	v0 =	vld [tilespmem:s17+$0x187A0]  }
0x2d4: {  	v1 =	vld.idx.msk [tilespmem:v1+s4+$0x0], $0xffff;
	_ =	sdelay $0x5  }
0x2d5: {  	[tilespmem:s17+$0x1B790] =	vst v1;
	v1 =	vld [tilespmem:s17+$0x187B0]  }
0x2d6: {  	v0 =	vld.idx.msk [tilespmem:v0+s4+$0x0], $0xffff;
	_ =	sdelay $0x5  }
0x2d7: {  	[tilespmem:s17+$0x1B7A0] =	vst v0;
	v0 =	vld [tilespmem:s17+$0x187C0]  }
0x2d8: {  	v1 =	vld.idx.msk [tilespmem:v1+s4+$0x0], $0xffff;
	_ =	sdelay $0x5  }
0x2d9: {  	[tilespmem:s17+$0x1B7B0] =	vst v1;
	v1 =	vld [tilespmem:s17+$0x187D0]  }
0x2da: {  	v0 =	vld.idx.msk [tilespmem:v0+s4+$0x0], $0xffff;
	_ =	sdelay $0x5  }
0x2db: {  	[tilespmem:s17+$0x1B7C0] =	vst v0;
	v2 =	vld [tilespmem:s17+$0x187E0]  }
0x2dc: {  	v0 =	vld.idx.msk [tilespmem:v1+s4+$0x0], $0xffff;
	_ =	sdelay $0x5  }
0x2dd: {  	[tilespmem:s17+$0x1B7D0] =	vst v0;
	v0 =	vld [tilespmem:s17+$0x187F0]  }
0x2de: {  	v1 =	vld.idx.msk [tilespmem:v2+s4+$0x0], $0xffff  }
.Ltmp6:
0x2df: {  	(pc) =	sbr.rel @p1 .LBB2_15-.Ltmp6, $2  }
0x2e0: {  	_ =	sdelay $0x2  }
0x2e1: {  	s7 =	sshra.s32 s18, $0x2;
	s18 =	sadd.s32 $0x400, s18  }
0x2e2: {  	_ =	sdelay $0x1  }
0x2e3: {  	v2 =	vld [tilespmem:s7+$0x18700]  }
0x2e4: {  	[tilespmem:s17+$0x1B7E0] =	vst v1  }
0x2e5: {  	v0 =	vld.idx.msk [tilespmem:v0+s4+$0x0], $0xffff;
	_ =	sdelay $0x3  }
0x2e6: {  	v1 =	vld [tilespmem:s7+$0x18710]  }
0x2e7: {  	[tilespmem:s17+$0x1B7F0] =	vst v0  }
0x2e8: {  	v0 =	vld.idx.msk [tilespmem:v2+s4+$0x0], $0xffff;
	_ =	sdelay $0x4  }
0x2e9: {  	[tilespmem:s7+$0x1B700] =	vst v0;
	v0 =	vld [tilespmem:s7+$0x18720]  }
0x2ea: {  	v1 =	vld.idx.msk [tilespmem:v1+s4+$0x0], $0xffff;
	_ =	sdelay $0x4  }
0x2eb: {  	[tilespmem:s7+$0x1B710] =	vst v1;
	v1 =	vld [tilespmem:s7+$0x18730];
	_ =	sdelay $0x1  }
0x2ec: {  	v0 =	vld.idx.msk [tilespmem:v0+s4+$0x0], $0xffff;
	_ =	sdelay $0x4  }
0x2ed: {  	[tilespmem:s7+$0x1B720] =	vst v0;
	v0 =	vld [tilespmem:s7+$0x18740]  }
0x2ee: {  	v1 =	vld.idx.msk [tilespmem:v1+s4+$0x0], $0xffff;
	_ =	sdelay $0x4  }
0x2ef: {  	[tilespmem:s7+$0x1B730] =	vst v1;
	v1 =	vld [tilespmem:s7+$0x18750];
	_ =	sdelay $0x1  }
0x2f0: {  	v0 =	vld.idx.msk [tilespmem:v0+s4+$0x0], $0xffff;
	_ =	sdelay $0x4  }
0x2f1: {  	[tilespmem:s7+$0x1B740] =	vst v0;
	v0 =	vld [tilespmem:s7+$0x18760]  }
0x2f2: {  	v1 =	vld.idx.msk [tilespmem:v1+s4+$0x0], $0xffff;
	_ =	sdelay $0x4  }
0x2f3: {  	[tilespmem:s7+$0x1B750] =	vst v1;
	v1 =	vld [tilespmem:s7+$0x18770];
	_ =	sdelay $0x1  }
0x2f4: {  	v0 =	vld.idx.msk [tilespmem:v0+s4+$0x0], $0xffff;
	_ =	sdelay $0x4  }
0x2f5: {  	[tilespmem:s7+$0x1B760] =	vst v0;
	v0 =	vld [tilespmem:s7+$0x18780]  }
0x2f6: {  	v1 =	vld.idx.msk [tilespmem:v1+s4+$0x0], $0xffff;
	_ =	sdelay $0x4  }
0x2f7: {  	[tilespmem:s7+$0x1B770] =	vst v1;
	v1 =	vld [tilespmem:s7+$0x18790];
	_ =	sdelay $0x1  }
0x2f8: {  	v0 =	vld.idx.msk [tilespmem:v0+s4+$0x0], $0xffff;
	_ =	sdelay $0x4  }
0x2f9: {  	[tilespmem:s7+$0x1B780] =	vst v0;
	v0 =	vld [tilespmem:s7+$0x187A0]  }
0x2fa: {  	v1 =	vld.idx.msk [tilespmem:v1+s4+$0x0], $0xffff;
	_ =	sdelay $0x4  }
0x2fb: {  	[tilespmem:s7+$0x1B790] =	vst v1;
	v1 =	vld [tilespmem:s7+$0x187B0];
	_ =	sdelay $0x1  }
0x2fc: {  	v0 =	vld.idx.msk [tilespmem:v0+s4+$0x0], $0xffff;
	_ =	sdelay $0x4  }
0x2fd: {  	[tilespmem:s7+$0x1B7A0] =	vst v0;
	v0 =	vld [tilespmem:s7+$0x187C0]  }
0x2fe: {  	v1 =	vld.idx.msk [tilespmem:v1+s4+$0x0], $0xffff;
	_ =	sdelay $0x4  }
0x2ff: {  	[tilespmem:s7+$0x1B7B0] =	vst v1;
	v1 =	vld [tilespmem:s7+$0x187D0];
	_ =	sdelay $0x1  }
0x300: {  	v0 =	vld.idx.msk [tilespmem:v0+s4+$0x0], $0xffff;
	_ =	sdelay $0x4  }
0x301: {  	[tilespmem:s7+$0x1B7C0] =	vst v0;
	v0 =	vld [tilespmem:s7+$0x187E0]  }
0x302: {  	v1 =	vld.idx.msk [tilespmem:v1+s4+$0x0], $0xffff;
	_ =	sdelay $0x4  }
0x303: {  	[tilespmem:s7+$0x1B7D0] =	vst v1;
	v1 =	vld [tilespmem:s7+$0x187F0];
	_ =	sdelay $0x1  }
0x304: {  	v0 =	vld.idx.msk [tilespmem:v0+s4+$0x0], $0xffff;
	_ =	sdelay $0x3  }
0x305: {  	s19 =	sadd.s32 $0x3, s13  }
0x306: {  	s18 =	sshll.u32 s19, $0x4;
	[tilespmem:s7+$0x1B7E0] =	vst v0  }
0x307: {  	s18 =	sand.u32 $0x70, s18;
	s17 =	sshll.u32 s19, $0x9;
	v0 =	vld.idx.msk [tilespmem:v1+s4+$0x0], $0xffff  }
0x308: {  	s18 =	sadd.s32 s1, s18;
	s17 =	sand.u32 $0xF000, s17  }
0x309: {  	s18 =	sadd.s32 s17, s18;
	s17 =	smul.u32 $0xC0000, s12;
	_ =	sdelay $0x1  }
0x30a: {  	s19 =	sor.u32 s17, s14  }
0x30b: {  	[tilespmem:s7+$0x1B7F0] =	vst v0;
	s7 =	sshrl.u32 s19, $0x3  }
0x30c: {  	[tilespmem:s23], [sflag:$0x1] =	stream.strided.gather [hbm4b:s18+s20], $0x1000, s21, s20, $0x38;
	[tilespmem:$0x1E700] =	vst v63  }
0x30d: {  	s7 =	sadd.s32 s3, s7  }
0x30e: {  	[hbm4b:s7+s20] =	stream.strided.scatter [tilespmem:s28], [sflag:$0x4], $0x1000, s21, s20, $0x38;
	[tilespmem:$0x1E700] =	vst v63  }
0x30f: {  	_ =	swait.ge [sflag:s29], $0x1000  }
0x310: {  	[sflag:s29] =	ssyncset.done $0x0  }
0x311: {  	s7 =	simm.s32 @!p0 $0x5;
	[sflag:s29] =	ssyncadd.s32 $0xFFFFF000  }
0x312: {  	_ =	swait.ge @!p0 [sflag:s7], $0x1000  }
0x313: {  	[sflag:s7] =	ssyncset.done @!p0 $0x0  }
0x314: {  	s18 =	simm.s32 $0x0;
	[sflag:s7] =	ssyncadd.s32 @!p0 $0xFFFFF000  }
0x315: {  	v0 =	vld [tilespmem:s18+$0x19700];
	_ =	sdelay $0x5  }
0x316: {  	v1 =	vld [tilespmem:s18+$0x19710];
	_ =	sdelay $0x1  }
0x317: {  	v0 =	vld.idx.msk [tilespmem:v0+s4+$0x0], $0xffff;
	_ =	sdelay $0x4  }
0x318: {  	[tilespmem:s18+$0x1C700] =	vst v0;
	v0 =	vld [tilespmem:s18+$0x19720]  }
0x319: {  	v1 =	vld.idx.msk [tilespmem:v1+s4+$0x0], $0xffff;
	_ =	sdelay $0x4  }
0x31a: {  	[tilespmem:s18+$0x1C710] =	vst v1;
	v1 =	vld [tilespmem:s18+$0x19730];
	_ =	sdelay $0x1  }
0x31b: {  	v0 =	vld.idx.msk [tilespmem:v0+s4+$0x0], $0xffff;
	_ =	sdelay $0x4  }
0x31c: {  	[tilespmem:s18+$0x1C720] =	vst v0;
	v0 =	vld [tilespmem:s18+$0x19740]  }
0x31d: {  	v1 =	vld.idx.msk [tilespmem:v1+s4+$0x0], $0xffff;
	_ =	sdelay $0x4  }
0x31e: {  	[tilespmem:s18+$0x1C730] =	vst v1;
	v1 =	vld [tilespmem:s18+$0x19750];
	_ =	sdelay $0x1  }
0x31f: {  	v0 =	vld.idx.msk [tilespmem:v0+s4+$0x0], $0xffff;
	_ =	sdelay $0x4  }
0x320: {  	[tilespmem:s18+$0x1C740] =	vst v0;
	v0 =	vld [tilespmem:s18+$0x19760]  }
0x321: {  	v1 =	vld.idx.msk [tilespmem:v1+s4+$0x0], $0xffff;
	_ =	sdelay $0x4  }
0x322: {  	[tilespmem:s18+$0x1C750] =	vst v1;
	v1 =	vld [tilespmem:s18+$0x19770];
	_ =	sdelay $0x1  }
0x323: {  	v0 =	vld.idx.msk [tilespmem:v0+s4+$0x0], $0xffff;
	_ =	sdelay $0x4  }
0x324: {  	[tilespmem:s18+$0x1C760] =	vst v0;
	v0 =	vld [tilespmem:s18+$0x19780]  }
0x325: {  	v1 =	vld.idx.msk [tilespmem:v1+s4+$0x0], $0xffff;
	_ =	sdelay $0x4  }
0x326: {  	[tilespmem:s18+$0x1C770] =	vst v1;
	v1 =	vld [tilespmem:s18+$0x19790];
	_ =	sdelay $0x1  }
0x327: {  	v0 =	vld.idx.msk [tilespmem:v0+s4+$0x0], $0xffff;
	_ =	sdelay $0x4  }
0x328: {  	[tilespmem:s18+$0x1C780] =	vst v0;
	v0 =	vld [tilespmem:s18+$0x197A0]  }
0x329: {  	v1 =	vld.idx.msk [tilespmem:v1+s4+$0x0], $0xffff;
	_ =	sdelay $0x4  }
0x32a: {  	[tilespmem:s18+$0x1C790] =	vst v1;
	v1 =	vld [tilespmem:s18+$0x197B0];
	_ =	sdelay $0x1  }
0x32b: {  	v0 =	vld.idx.msk [tilespmem:v0+s4+$0x0], $0xffff;
	_ =	sdelay $0x4  }
0x32c: {  	[tilespmem:s18+$0x1C7A0] =	vst v0;
	v0 =	vld [tilespmem:s18+$0x197C0]  }
0x32d: {  	v1 =	vld.idx.msk [tilespmem:v1+s4+$0x0], $0xffff;
	_ =	sdelay $0x4  }
0x32e: {  	[tilespmem:s18+$0x1C7B0] =	vst v1;
	v1 =	vld [tilespmem:s18+$0x197D0];
	_ =	sdelay $0x1  }
0x32f: {  	v0 =	vld.idx.msk [tilespmem:v0+s4+$0x0], $0xffff;
	_ =	sdelay $0x4  }
0x330: {  	v2 =	vld [tilespmem:s18+$0x197E0];
	[tilespmem:s18+$0x1C7C0] =	vst v0  }
0x331: {  	v0 =	vld.idx.msk [tilespmem:v1+s4+$0x0], $0xffff;
	_ =	sdelay $0x4  }
0x332: {  	[tilespmem:s18+$0x1C7D0] =	vst v0;
	v0 =	vld [tilespmem:s18+$0x197F0];
	_ =	sdelay $0x1  }
0x333: {  	v1 =	vld.idx.msk [tilespmem:v2+s4+$0x0], $0xffff;
	_ =	sdelay $0x3  }
0x334: {  	s19 =	simm.s32 $0x800;
	s7 =	simm.s32 $0x100  }
.LBB2_17:
0x335: {  	p1 =	sne.s32 s19, $0x3C00;
	v2 =	vld [tilespmem:s7+$0x19700];
	[tilespmem:s18+$0x1C7E0] =	vst v1  }
0x336: {  	v0 =	vld.idx.msk [tilespmem:v0+s4+$0x0], $0xffff;
	_ =	sdelay $0x5  }
0x337: {  	v1 =	vld [tilespmem:s7+$0x19710];
	[tilespmem:s18+$0x1C7F0] =	vst v0;
	s18 =	smov.u32 s7  }
0x338: {  	v0 =	vld.idx.msk [tilespmem:v2+s4+$0x0], $0xffff;
	_ =	sdelay $0x5  }
0x339: {  	[tilespmem:s18+$0x1C700] =	vst v0;
	v0 =	vld [tilespmem:s18+$0x19720]  }
0x33a: {  	v1 =	vld.idx.msk [tilespmem:v1+s4+$0x0], $0xffff;
	_ =	sdelay $0x5  }
0x33b: {  	[tilespmem:s18+$0x1C710] =	vst v1;
	v1 =	vld [tilespmem:s18+$0x19730]  }
0x33c: {  	v0 =	vld.idx.msk [tilespmem:v0+s4+$0x0], $0xffff;
	_ =	sdelay $0x5  }
0x33d: {  	[tilespmem:s18+$0x1C720] =	vst v0;
	v0 =	vld [tilespmem:s18+$0x19740]  }
0x33e: {  	v1 =	vld.idx.msk [tilespmem:v1+s4+$0x0], $0xffff;
	_ =	sdelay $0x5  }
0x33f: {  	[tilespmem:s18+$0x1C730] =	vst v1;
	v1 =	vld [tilespmem:s18+$0x19750]  }
0x340: {  	v0 =	vld.idx.msk [tilespmem:v0+s4+$0x0], $0xffff;
	_ =	sdelay $0x5  }
0x341: {  	[tilespmem:s18+$0x1C740] =	vst v0;
	v0 =	vld [tilespmem:s18+$0x19760]  }
0x342: {  	v1 =	vld.idx.msk [tilespmem:v1+s4+$0x0], $0xffff;
	_ =	sdelay $0x5  }
0x343: {  	[tilespmem:s18+$0x1C750] =	vst v1;
	v1 =	vld [tilespmem:s18+$0x19770]  }
0x344: {  	v0 =	vld.idx.msk [tilespmem:v0+s4+$0x0], $0xffff;
	_ =	sdelay $0x5  }
0x345: {  	[tilespmem:s18+$0x1C760] =	vst v0;
	v0 =	vld [tilespmem:s18+$0x19780]  }
0x346: {  	v1 =	vld.idx.msk [tilespmem:v1+s4+$0x0], $0xffff;
	_ =	sdelay $0x5  }
0x347: {  	[tilespmem:s18+$0x1C770] =	vst v1;
	v1 =	vld [tilespmem:s18+$0x19790]  }
0x348: {  	v0 =	vld.idx.msk [tilespmem:v0+s4+$0x0], $0xffff;
	_ =	sdelay $0x5  }
0x349: {  	[tilespmem:s18+$0x1C780] =	vst v0;
	v0 =	vld [tilespmem:s18+$0x197A0]  }
0x34a: {  	v1 =	vld.idx.msk [tilespmem:v1+s4+$0x0], $0xffff;
	_ =	sdelay $0x5  }
0x34b: {  	[tilespmem:s18+$0x1C790] =	vst v1;
	v1 =	vld [tilespmem:s18+$0x197B0]  }
0x34c: {  	v0 =	vld.idx.msk [tilespmem:v0+s4+$0x0], $0xffff;
	_ =	sdelay $0x5  }
0x34d: {  	[tilespmem:s18+$0x1C7A0] =	vst v0;
	v0 =	vld [tilespmem:s18+$0x197C0]  }
0x34e: {  	v1 =	vld.idx.msk [tilespmem:v1+s4+$0x0], $0xffff;
	_ =	sdelay $0x5  }
0x34f: {  	[tilespmem:s18+$0x1C7B0] =	vst v1;
	v1 =	vld [tilespmem:s18+$0x197D0]  }
0x350: {  	v0 =	vld.idx.msk [tilespmem:v0+s4+$0x0], $0xffff;
	_ =	sdelay $0x5  }
0x351: {  	[tilespmem:s18+$0x1C7C0] =	vst v0;
	v2 =	vld [tilespmem:s18+$0x197E0]  }
0x352: {  	v0 =	vld.idx.msk [tilespmem:v1+s4+$0x0], $0xffff;
	_ =	sdelay $0x5  }
0x353: {  	[tilespmem:s18+$0x1C7D0] =	vst v0;
	v0 =	vld [tilespmem:s18+$0x197F0]  }
0x354: {  	v1 =	vld.idx.msk [tilespmem:v2+s4+$0x0], $0xffff  }
.Ltmp7:
0x355: {  	(pc) =	sbr.rel @p1 .LBB2_17-.Ltmp7, $2  }
0x356: {  	_ =	sdelay $0x2  }
0x357: {  	s7 =	sshra.s32 s19, $0x2;
	s19 =	sadd.s32 $0x400, s19  }
0x358: {  	_ =	sdelay $0x1  }
0x359: {  	v2 =	vld [tilespmem:s7+$0x19700]  }
0x35a: {  	[tilespmem:s18+$0x1C7E0] =	vst v1  }
0x35b: {  	v0 =	vld.idx.msk [tilespmem:v0+s4+$0x0], $0xffff;
	_ =	sdelay $0x3  }
0x35c: {  	v1 =	vld [tilespmem:s7+$0x19710]  }
0x35d: {  	[tilespmem:s18+$0x1C7F0] =	vst v0  }
0x35e: {  	v0 =	vld.idx.msk [tilespmem:v2+s4+$0x0], $0xffff;
	_ =	sdelay $0x4  }
0x35f: {  	[tilespmem:s7+$0x1C700] =	vst v0;
	v0 =	vld [tilespmem:s7+$0x19720]  }
0x360: {  	v1 =	vld.idx.msk [tilespmem:v1+s4+$0x0], $0xffff;
	_ =	sdelay $0x4  }
0x361: {  	[tilespmem:s7+$0x1C710] =	vst v1;
	v1 =	vld [tilespmem:s7+$0x19730];
	_ =	sdelay $0x1  }
0x362: {  	v0 =	vld.idx.msk [tilespmem:v0+s4+$0x0], $0xffff;
	_ =	sdelay $0x4  }
0x363: {  	[tilespmem:s7+$0x1C720] =	vst v0;
	v0 =	vld [tilespmem:s7+$0x19740]  }
0x364: {  	v1 =	vld.idx.msk [tilespmem:v1+s4+$0x0], $0xffff;
	_ =	sdelay $0x4  }
0x365: {  	[tilespmem:s7+$0x1C730] =	vst v1;
	v1 =	vld [tilespmem:s7+$0x19750];
	_ =	sdelay $0x1  }
0x366: {  	v0 =	vld.idx.msk [tilespmem:v0+s4+$0x0], $0xffff;
	_ =	sdelay $0x4  }
0x367: {  	[tilespmem:s7+$0x1C740] =	vst v0;
	v0 =	vld [tilespmem:s7+$0x19760]  }
0x368: {  	v1 =	vld.idx.msk [tilespmem:v1+s4+$0x0], $0xffff;
	_ =	sdelay $0x4  }
0x369: {  	[tilespmem:s7+$0x1C750] =	vst v1;
	v1 =	vld [tilespmem:s7+$0x19770];
	_ =	sdelay $0x1  }
0x36a: {  	v0 =	vld.idx.msk [tilespmem:v0+s4+$0x0], $0xffff;
	_ =	sdelay $0x4  }
0x36b: {  	[tilespmem:s7+$0x1C760] =	vst v0;
	v0 =	vld [tilespmem:s7+$0x19780]  }
0x36c: {  	v1 =	vld.idx.msk [tilespmem:v1+s4+$0x0], $0xffff;
	_ =	sdelay $0x4  }
0x36d: {  	[tilespmem:s7+$0x1C770] =	vst v1;
	v1 =	vld [tilespmem:s7+$0x19790];
	_ =	sdelay $0x1  }
0x36e: {  	v0 =	vld.idx.msk [tilespmem:v0+s4+$0x0], $0xffff;
	_ =	sdelay $0x4  }
0x36f: {  	[tilespmem:s7+$0x1C780] =	vst v0;
	v0 =	vld [tilespmem:s7+$0x197A0]  }
0x370: {  	v1 =	vld.idx.msk [tilespmem:v1+s4+$0x0], $0xffff;
	_ =	sdelay $0x4  }
0x371: {  	[tilespmem:s7+$0x1C790] =	vst v1;
	v1 =	vld [tilespmem:s7+$0x197B0];
	_ =	sdelay $0x1  }
0x372: {  	v0 =	vld.idx.msk [tilespmem:v0+s4+$0x0], $0xffff;
	_ =	sdelay $0x4  }
0x373: {  	[tilespmem:s7+$0x1C7A0] =	vst v0;
	v0 =	vld [tilespmem:s7+$0x197C0]  }
0x374: {  	v1 =	vld.idx.msk [tilespmem:v1+s4+$0x0], $0xffff;
	_ =	sdelay $0x4  }
0x375: {  	[tilespmem:s7+$0x1C7B0] =	vst v1;
	v1 =	vld [tilespmem:s7+$0x197D0];
	_ =	sdelay $0x1  }
0x376: {  	v0 =	vld.idx.msk [tilespmem:v0+s4+$0x0], $0xffff;
	_ =	sdelay $0x4  }
0x377: {  	[tilespmem:s7+$0x1C7C0] =	vst v0;
	v0 =	vld [tilespmem:s7+$0x197E0]  }
0x378: {  	v1 =	vld.idx.msk [tilespmem:v1+s4+$0x0], $0xffff;
	_ =	sdelay $0x4  }
0x379: {  	[tilespmem:s7+$0x1C7D0] =	vst v1;
	v1 =	vld [tilespmem:s7+$0x197F0];
	_ =	sdelay $0x1  }
0x37a: {  	v0 =	vld.idx.msk [tilespmem:v0+s4+$0x0], $0xffff;
	_ =	sdelay $0x4  }
0x37b: {  	[tilespmem:s7+$0x1C7E0] =	vst v0  }
0x37c: {  	s18 =	sadd.s32 $0x4, s13;
	v0 =	vld.idx.msk [tilespmem:v1+s4+$0x0], $0xffff  }
0x37d: {  	s19 =	sshll.u32 s18, $0x4  }
0x37e: {  	s18 =	sshll.u32 s18, $0x9;
	s19 =	sand.u32 $0x70, s19  }
0x37f: {  	s18 =	sand.u32 $0xF000, s18;
	s19 =	sadd.s32 s1, s19  }
0x380: {  	s18 =	sadd.s32 s18, s19;
	s19 =	sadd.s32 s15, s17  }
0x381: {  	[tilespmem:s7+$0x1C7F0] =	vst v0;
	s7 =	sshrl.u32 s19, $0x3  }
0x382: {  	[tilespmem:s24], [sflag:$0x2] =	stream.strided.gather [hbm4b:s18+s20], $0x1000, s21, s20, $0x38;
	[tilespmem:$0x1E700] =	vst v63  }
0x383: {  	s7 =	sadd.s32 s3, s7  }
0x384: {  	[hbm4b:s7+s20] =	stream.strided.scatter [tilespmem:s30], [sflag:$0x5], $0x1000, s21, s20, $0x38;
	[tilespmem:$0x1E700] =	vst v63  }
0x385: {  	_ =	swait.ge [sflag:s31], $0x1000  }
0x386: {  	[sflag:s31] =	ssyncset.done $0x0  }
0x387: {  	s7 =	simm.s32 @!p0 $0x6;
	[sflag:s31] =	ssyncadd.s32 $0xFFFFF000  }
0x388: {  	_ =	swait.ge @!p0 [sflag:s7], $0x1000  }
0x389: {  	[sflag:s7] =	ssyncset.done @!p0 $0x0  }
0x38a: {  	s18 =	simm.s32 $0x0;
	[sflag:s7] =	ssyncadd.s32 @!p0 $0xFFFFF000  }
0x38b: {  	v0 =	vld [tilespmem:s18+$0x1A700];
	_ =	sdelay $0x5  }
0x38c: {  	v1 =	vld [tilespmem:s18+$0x1A710];
	_ =	sdelay $0x1  }
0x38d: {  	v0 =	vld.idx.msk [tilespmem:v0+s4+$0x0], $0xffff;
	_ =	sdelay $0x4  }
0x38e: {  	[tilespmem:s18+$0x1D700] =	vst v0;
	v0 =	vld [tilespmem:s18+$0x1A720]  }
0x38f: {  	v1 =	vld.idx.msk [tilespmem:v1+s4+$0x0], $0xffff;
	_ =	sdelay $0x4  }
0x390: {  	[tilespmem:s18+$0x1D710] =	vst v1;
	v1 =	vld [tilespmem:s18+$0x1A730];
	_ =	sdelay $0x1  }
0x391: {  	v0 =	vld.idx.msk [tilespmem:v0+s4+$0x0], $0xffff;
	_ =	sdelay $0x4  }
0x392: {  	[tilespmem:s18+$0x1D720] =	vst v0;
	v0 =	vld [tilespmem:s18+$0x1A740]  }
0x393: {  	v1 =	vld.idx.msk [tilespmem:v1+s4+$0x0], $0xffff;
	_ =	sdelay $0x4  }
0x394: {  	[tilespmem:s18+$0x1D730] =	vst v1;
	v1 =	vld [tilespmem:s18+$0x1A750];
	_ =	sdelay $0x1  }
0x395: {  	v0 =	vld.idx.msk [tilespmem:v0+s4+$0x0], $0xffff;
	_ =	sdelay $0x4  }
0x396: {  	[tilespmem:s18+$0x1D740] =	vst v0;
	v0 =	vld [tilespmem:s18+$0x1A760]  }
0x397: {  	v1 =	vld.idx.msk [tilespmem:v1+s4+$0x0], $0xffff;
	_ =	sdelay $0x4  }
0x398: {  	[tilespmem:s18+$0x1D750] =	vst v1;
	v1 =	vld [tilespmem:s18+$0x1A770];
	_ =	sdelay $0x1  }
0x399: {  	v0 =	vld.idx.msk [tilespmem:v0+s4+$0x0], $0xffff;
	_ =	sdelay $0x4  }
0x39a: {  	[tilespmem:s18+$0x1D760] =	vst v0;
	v0 =	vld [tilespmem:s18+$0x1A780]  }
0x39b: {  	v1 =	vld.idx.msk [tilespmem:v1+s4+$0x0], $0xffff;
	_ =	sdelay $0x4  }
0x39c: {  	[tilespmem:s18+$0x1D770] =	vst v1;
	v1 =	vld [tilespmem:s18+$0x1A790];
	_ =	sdelay $0x1  }
0x39d: {  	v0 =	vld.idx.msk [tilespmem:v0+s4+$0x0], $0xffff;
	_ =	sdelay $0x4  }
0x39e: {  	[tilespmem:s18+$0x1D780] =	vst v0;
	v0 =	vld [tilespmem:s18+$0x1A7A0]  }
0x39f: {  	v1 =	vld.idx.msk [tilespmem:v1+s4+$0x0], $0xffff;
	_ =	sdelay $0x4  }
0x3a0: {  	[tilespmem:s18+$0x1D790] =	vst v1;
	v1 =	vld [tilespmem:s18+$0x1A7B0];
	_ =	sdelay $0x1  }
0x3a1: {  	v0 =	vld.idx.msk [tilespmem:v0+s4+$0x0], $0xffff;
	_ =	sdelay $0x4  }
0x3a2: {  	[tilespmem:s18+$0x1D7A0] =	vst v0;
	v0 =	vld [tilespmem:s18+$0x1A7C0]  }
0x3a3: {  	v1 =	vld.idx.msk [tilespmem:v1+s4+$0x0], $0xffff;
	_ =	sdelay $0x4  }
0x3a4: {  	[tilespmem:s18+$0x1D7B0] =	vst v1;
	v1 =	vld [tilespmem:s18+$0x1A7D0];
	_ =	sdelay $0x1  }
0x3a5: {  	v0 =	vld.idx.msk [tilespmem:v0+s4+$0x0], $0xffff;
	_ =	sdelay $0x4  }
0x3a6: {  	v2 =	vld [tilespmem:s18+$0x1A7E0];
	[tilespmem:s18+$0x1D7C0] =	vst v0  }
0x3a7: {  	v0 =	vld.idx.msk [tilespmem:v1+s4+$0x0], $0xffff;
	_ =	sdelay $0x4  }
0x3a8: {  	[tilespmem:s18+$0x1D7D0] =	vst v0;
	v0 =	vld [tilespmem:s18+$0x1A7F0];
	_ =	sdelay $0x1  }
0x3a9: {  	v1 =	vld.idx.msk [tilespmem:v2+s4+$0x0], $0xffff;
	_ =	sdelay $0x3  }
0x3aa: {  	s19 =	simm.s32 $0x800;
	s7 =	simm.s32 $0x100  }
.LBB2_19:
0x3ab: {  	p0 =	sne.s32 s19, $0x3C00;
	v2 =	vld [tilespmem:s7+$0x1A700];
	[tilespmem:s18+$0x1D7E0] =	vst v1  }
0x3ac: {  	v0 =	vld.idx.msk [tilespmem:v0+s4+$0x0], $0xffff;
	_ =	sdelay $0x5  }
0x3ad: {  	v1 =	vld [tilespmem:s7+$0x1A710];
	[tilespmem:s18+$0x1D7F0] =	vst v0;
	s18 =	smov.u32 s7  }
0x3ae: {  	v0 =	vld.idx.msk [tilespmem:v2+s4+$0x0], $0xffff;
	_ =	sdelay $0x5  }
0x3af: {  	[tilespmem:s18+$0x1D700] =	vst v0;
	v0 =	vld [tilespmem:s18+$0x1A720]  }
0x3b0: {  	v1 =	vld.idx.msk [tilespmem:v1+s4+$0x0], $0xffff;
	_ =	sdelay $0x5  }
0x3b1: {  	[tilespmem:s18+$0x1D710] =	vst v1;
	v1 =	vld [tilespmem:s18+$0x1A730]  }
0x3b2: {  	v0 =	vld.idx.msk [tilespmem:v0+s4+$0x0], $0xffff;
	_ =	sdelay $0x5  }
0x3b3: {  	[tilespmem:s18+$0x1D720] =	vst v0;
	v0 =	vld [tilespmem:s18+$0x1A740]  }
0x3b4: {  	v1 =	vld.idx.msk [tilespmem:v1+s4+$0x0], $0xffff;
	_ =	sdelay $0x5  }
0x3b5: {  	[tilespmem:s18+$0x1D730] =	vst v1;
	v1 =	vld [tilespmem:s18+$0x1A750]  }
0x3b6: {  	v0 =	vld.idx.msk [tilespmem:v0+s4+$0x0], $0xffff;
	_ =	sdelay $0x5  }
0x3b7: {  	[tilespmem:s18+$0x1D740] =	vst v0;
	v0 =	vld [tilespmem:s18+$0x1A760]  }
0x3b8: {  	v1 =	vld.idx.msk [tilespmem:v1+s4+$0x0], $0xffff;
	_ =	sdelay $0x5  }
0x3b9: {  	[tilespmem:s18+$0x1D750] =	vst v1;
	v1 =	vld [tilespmem:s18+$0x1A770]  }
0x3ba: {  	v0 =	vld.idx.msk [tilespmem:v0+s4+$0x0], $0xffff;
	_ =	sdelay $0x5  }
0x3bb: {  	[tilespmem:s18+$0x1D760] =	vst v0;
	v0 =	vld [tilespmem:s18+$0x1A780]  }
0x3bc: {  	v1 =	vld.idx.msk [tilespmem:v1+s4+$0x0], $0xffff;
	_ =	sdelay $0x5  }
0x3bd: {  	[tilespmem:s18+$0x1D770] =	vst v1;
	v1 =	vld [tilespmem:s18+$0x1A790]  }
0x3be: {  	v0 =	vld.idx.msk [tilespmem:v0+s4+$0x0], $0xffff;
	_ =	sdelay $0x5  }
0x3bf: {  	[tilespmem:s18+$0x1D780] =	vst v0;
	v0 =	vld [tilespmem:s18+$0x1A7A0]  }
0x3c0: {  	v1 =	vld.idx.msk [tilespmem:v1+s4+$0x0], $0xffff;
	_ =	sdelay $0x5  }
0x3c1: {  	[tilespmem:s18+$0x1D790] =	vst v1;
	v1 =	vld [tilespmem:s18+$0x1A7B0]  }
0x3c2: {  	v0 =	vld.idx.msk [tilespmem:v0+s4+$0x0], $0xffff;
	_ =	sdelay $0x5  }
0x3c3: {  	[tilespmem:s18+$0x1D7A0] =	vst v0;
	v0 =	vld [tilespmem:s18+$0x1A7C0]  }
0x3c4: {  	v1 =	vld.idx.msk [tilespmem:v1+s4+$0x0], $0xffff;
	_ =	sdelay $0x5  }
0x3c5: {  	[tilespmem:s18+$0x1D7B0] =	vst v1;
	v1 =	vld [tilespmem:s18+$0x1A7D0]  }
0x3c6: {  	v0 =	vld.idx.msk [tilespmem:v0+s4+$0x0], $0xffff;
	_ =	sdelay $0x5  }
0x3c7: {  	[tilespmem:s18+$0x1D7C0] =	vst v0;
	v2 =	vld [tilespmem:s18+$0x1A7E0]  }
0x3c8: {  	v0 =	vld.idx.msk [tilespmem:v1+s4+$0x0], $0xffff;
	_ =	sdelay $0x5  }
0x3c9: {  	[tilespmem:s18+$0x1D7D0] =	vst v0;
	v0 =	vld [tilespmem:s18+$0x1A7F0]  }
0x3ca: {  	v1 =	vld.idx.msk [tilespmem:v2+s4+$0x0], $0xffff  }
.Ltmp8:
0x3cb: {  	(pc) =	sbr.rel @p0 .LBB2_19-.Ltmp8, $2  }
0x3cc: {  	_ =	sdelay $0x2  }
0x3cd: {  	s7 =	sshra.s32 s19, $0x2;
	s19 =	sadd.s32 $0x400, s19  }
0x3ce: {  	_ =	sdelay $0x1  }
0x3cf: {  	v2 =	vld [tilespmem:s7+$0x1A700]  }
0x3d0: {  	[tilespmem:s18+$0x1D7E0] =	vst v1  }
0x3d1: {  	v0 =	vld.idx.msk [tilespmem:v0+s4+$0x0], $0xffff;
	_ =	sdelay $0x3  }
0x3d2: {  	v1 =	vld [tilespmem:s7+$0x1A710]  }
0x3d3: {  	[tilespmem:s18+$0x1D7F0] =	vst v0  }
0x3d4: {  	v0 =	vld.idx.msk [tilespmem:v2+s4+$0x0], $0xffff;
	_ =	sdelay $0x3  }
0x3d5: {  	v50 =	vld [tilespmem:s7+$0x1A720]  }
0x3d6: {  	[tilespmem:s7+$0x1D700] =	vst v0  }
0x3d7: {  	v1 =	vld.idx.msk [tilespmem:v1+s4+$0x0], $0xffff;
	_ =	sdelay $0x3  }
0x3d8: {  	v51 =	vld [tilespmem:s7+$0x1A730]  }
0x3d9: {  	[tilespmem:s7+$0x1D710] =	vst v1  }
0x3da: {  	v0 =	vld.idx.msk [tilespmem:v50+s4+$0x0], $0xffff;
	_ =	sdelay $0x3  }
0x3db: {  	v52 =	vld [tilespmem:s7+$0x1A740]  }
0x3dc: {  	[tilespmem:s7+$0x1D720] =	vst v0  }
0x3dd: {  	v1 =	vld.idx.msk [tilespmem:v51+s4+$0x0], $0xffff;
	_ =	sdelay $0x3  }
0x3de: {  	v53 =	vld [tilespmem:s7+$0x1A750]  }
0x3df: {  	[tilespmem:s7+$0x1D730] =	vst v1  }
0x3e0: {  	v0 =	vld.idx.msk [tilespmem:v52+s4+$0x0], $0xffff;
	_ =	sdelay $0x3  }
0x3e1: {  	v54 =	vld [tilespmem:s7+$0x1A760]  }
0x3e2: {  	[tilespmem:s7+$0x1D740] =	vst v0  }
0x3e3: {  	v1 =	vld.idx.msk [tilespmem:v53+s4+$0x0], $0xffff;
	_ =	sdelay $0x3  }
0x3e4: {  	v55 =	vld [tilespmem:s7+$0x1A770]  }
0x3e5: {  	[tilespmem:s7+$0x1D750] =	vst v1  }
0x3e6: {  	v0 =	vld.idx.msk [tilespmem:v54+s4+$0x0], $0xffff;
	_ =	sdelay $0x3  }
0x3e7: {  	v56 =	vld [tilespmem:s7+$0x1A780]  }
0x3e8: {  	[tilespmem:s7+$0x1D760] =	vst v0  }
0x3e9: {  	v1 =	vld.idx.msk [tilespmem:v55+s4+$0x0], $0xffff;
	_ =	sdelay $0x3  }
0x3ea: {  	v57 =	vld [tilespmem:s7+$0x1A790]  }
0x3eb: {  	[tilespmem:s7+$0x1D770] =	vst v1  }
0x3ec: {  	v0 =	vld.idx.msk [tilespmem:v56+s4+$0x0], $0xffff;
	_ =	sdelay $0x3  }
0x3ed: {  	v58 =	vld [tilespmem:s7+$0x1A7A0]  }
0x3ee: {  	[tilespmem:s7+$0x1D780] =	vst v0  }
0x3ef: {  	v1 =	vld.idx.msk [tilespmem:v57+s4+$0x0], $0xffff;
	_ =	sdelay $0x3  }
0x3f0: {  	v59 =	vld [tilespmem:s7+$0x1A7B0]  }
0x3f1: {  	[tilespmem:s7+$0x1D790] =	vst v1  }
0x3f2: {  	v0 =	vld.idx.msk [tilespmem:v58+s4+$0x0], $0xffff;
	_ =	sdelay $0x3  }
0x3f3: {  	v60 =	vld [tilespmem:s7+$0x1A7C0]  }
0x3f4: {  	[tilespmem:s7+$0x1D7A0] =	vst v0  }
0x3f5: {  	v1 =	vld.idx.msk [tilespmem:v59+s4+$0x0], $0xffff;
	_ =	sdelay $0x3  }
0x3f6: {  	v61 =	vld [tilespmem:s7+$0x1A7D0]  }
0x3f7: {  	[tilespmem:s7+$0x1D7B0] =	vst v1  }
0x3f8: {  	v0 =	vld.idx.msk [tilespmem:v60+s4+$0x0], $0xffff;
	_ =	sdelay $0x3  }
0x3f9: {  	v62 =	vld [tilespmem:s7+$0x1A7E0]  }
0x3fa: {  	[tilespmem:s7+$0x1D7C0] =	vst v0  }
0x3fb: {  	v1 =	vld.idx.msk [tilespmem:v61+s4+$0x0], $0xffff;
	_ =	sdelay $0x3  }
0x3fc: {  	v63 =	vld [tilespmem:s7+$0x1A7F0]  }
0x3fd: {  	[tilespmem:s7+$0x1D7D0] =	vst v1  }
0x3fe: {  	v0 =	vld.idx.msk [tilespmem:v62+s4+$0x0], $0xffff;
	_ =	sdelay $0x4  }
0x3ff: {  	[tilespmem:s7+$0x1D7E0] =	vst v0  }
0x400: {  	p0 =	seq.s32 s12, $0xF;
	v0 =	vld.idx.msk [tilespmem:v63+s4+$0x0], $0xffff  }
0x401: {  	s13 =	sadd.s32 @!p0 $0x5, s13  }
0x402: {  	s18 =	sshll.u32 @!p0 s13, $0x4  }
0x403: {  	s12 =	sadd.s32 $0x1, s12;
	s13 =	sshll.u32 @!p0 s13, $0x9;
	s18 =	sand.u32 @!p0 $0x70, s18  }
0x404: {  	s19 =	simm.s32 @!p0 $0x1A700;
	s13 =	sand.u32 @!p0 $0xF000, s13;
	s18 =	sadd.s32 @!p0 s1, s18  }
0x405: {  	s13 =	sadd.s32 @!p0 s13, s18;
	s18 =	simm.s32 @!p0 $0x400;
	[tilespmem:s7+$0x1D7F0] =	vst v0;
	s7 =	simm.s32 @!p0 $0x80  }
0x406: {  	[tilespmem:s19], [sflag:$0x3] =	stream.strided.gather @!p0 [hbm4b:s13+s7], $0x1000, s18, s7, $0x38;
	[tilespmem:$0x1E700] =	vst v63  }
0x407: {  	p0 =	sne.s32 s12, $0x10  }
.Ltmp9:
0x408: {  	_ = 	snop;
	(pc) =	sbr.rel @p0 .LBB2_14-.Ltmp9, $4  }
0x409: {  	s19 =	sadd.s32 s16, s17  }
0x40a: {  	s7 =	sshrl.u32 s19, $0x3  }
0x40b: {  	s7 =	sadd.s32 s3, s7  }
0x40c: {  	[hbm4b:s7+s20] =	stream.strided.scatter [tilespmem:s0], [sflag:$0x6], $0x1000, s21, s20, $0x38;
	[tilespmem:$0x1E700] =	vst v63  }
0x40d: {  	_ =	swait.ge [sflag:s26], $0x1000  }
0x40e: {  	[sflag:s26] =	ssyncset.done $0x0  }
0x40f: {  	[sflag:s26] =	ssyncadd.s32 $0xFFFFF000  }
0x410: {  	_ =	swait.ge [sflag:s2], $0x1000  }
0x411: {  	[sflag:s2] =	ssyncset.done $0x0  }
0x412: {  	s12 =	simm.s32 $0x0;
	[sflag:s2] =	ssyncadd.s32 $0xFFFFF000  }
0x413: {  	v0 =	vld [tilespmem:s12+$0x18700];
	_ =	sdelay $0x5  }
0x414: {  	v1 =	vld [tilespmem:s12+$0x18710];
	_ =	sdelay $0x1  }
0x415: {  	v0 =	vld.idx.msk [tilespmem:v0+s4+$0x0], $0xffff;
	_ =	sdelay $0x4  }
0x416: {  	[tilespmem:s12+$0x1B700] =	vst v0;
	v0 =	vld [tilespmem:s12+$0x18720]  }
0x417: {  	v1 =	vld.idx.msk [tilespmem:v1+s4+$0x0], $0xffff;
	_ =	sdelay $0x4  }
0x418: {  	[tilespmem:s12+$0x1B710] =	vst v1;
	v1 =	vld [tilespmem:s12+$0x18730];
	_ =	sdelay $0x1  }
0x419: {  	v0 =	vld.idx.msk [tilespmem:v0+s4+$0x0], $0xffff;
	_ =	sdelay $0x4  }
0x41a: {  	[tilespmem:s12+$0x1B720] =	vst v0;
	v0 =	vld [tilespmem:s12+$0x18740]  }
0x41b: {  	v1 =	vld.idx.msk [tilespmem:v1+s4+$0x0], $0xffff;
	_ =	sdelay $0x4  }
0x41c: {  	[tilespmem:s12+$0x1B730] =	vst v1;
	v1 =	vld [tilespmem:s12+$0x18750];
	_ =	sdelay $0x1  }
0x41d: {  	v0 =	vld.idx.msk [tilespmem:v0+s4+$0x0], $0xffff;
	_ =	sdelay $0x4  }
0x41e: {  	[tilespmem:s12+$0x1B740] =	vst v0;
	v0 =	vld [tilespmem:s12+$0x18760]  }
0x41f: {  	v1 =	vld.idx.msk [tilespmem:v1+s4+$0x0], $0xffff;
	_ =	sdelay $0x4  }
0x420: {  	[tilespmem:s12+$0x1B750] =	vst v1;
	v1 =	vld [tilespmem:s12+$0x18770];
	_ =	sdelay $0x1  }
0x421: {  	v0 =	vld.idx.msk [tilespmem:v0+s4+$0x0], $0xffff;
	_ =	sdelay $0x4  }
0x422: {  	[tilespmem:s12+$0x1B760] =	vst v0;
	v0 =	vld [tilespmem:s12+$0x18780]  }
0x423: {  	v1 =	vld.idx.msk [tilespmem:v1+s4+$0x0], $0xffff;
	_ =	sdelay $0x4  }
0x424: {  	[tilespmem:s12+$0x1B770] =	vst v1;
	v1 =	vld [tilespmem:s12+$0x18790];
	_ =	sdelay $0x1  }
0x425: {  	v0 =	vld.idx.msk [tilespmem:v0+s4+$0x0], $0xffff;
	_ =	sdelay $0x4  }
0x426: {  	[tilespmem:s12+$0x1B780] =	vst v0;
	v0 =	vld [tilespmem:s12+$0x187A0]  }
0x427: {  	v1 =	vld.idx.msk [tilespmem:v1+s4+$0x0], $0xffff;
	_ =	sdelay $0x4  }
0x428: {  	[tilespmem:s12+$0x1B790] =	vst v1;
	v1 =	vld [tilespmem:s12+$0x187B0];
	_ =	sdelay $0x1  }
0x429: {  	v0 =	vld.idx.msk [tilespmem:v0+s4+$0x0], $0xffff;
	_ =	sdelay $0x4  }
0x42a: {  	[tilespmem:s12+$0x1B7A0] =	vst v0;
	v0 =	vld [tilespmem:s12+$0x187C0]  }
0x42b: {  	v1 =	vld.idx.msk [tilespmem:v1+s4+$0x0], $0xffff;
	_ =	sdelay $0x4  }
0x42c: {  	[tilespmem:s12+$0x1B7B0] =	vst v1;
	v1 =	vld [tilespmem:s12+$0x187D0];
	_ =	sdelay $0x1  }
0x42d: {  	v0 =	vld.idx.msk [tilespmem:v0+s4+$0x0], $0xffff;
	_ =	sdelay $0x4  }
0x42e: {  	v2 =	vld [tilespmem:s12+$0x187E0];
	[tilespmem:s12+$0x1B7C0] =	vst v0  }
0x42f: {  	v0 =	vld.idx.msk [tilespmem:v1+s4+$0x0], $0xffff;
	_ =	sdelay $0x4  }
0x430: {  	[tilespmem:s12+$0x1B7D0] =	vst v0;
	v0 =	vld [tilespmem:s12+$0x187F0];
	_ =	sdelay $0x1  }
0x431: {  	v1 =	vld.idx.msk [tilespmem:v2+s4+$0x0], $0xffff;
	_ =	sdelay $0x3  }
0x432: {  	s7 =	simm.s32 $0x100;
	s13 =	simm.s32 $0x800  }
.LBB2_22:
0x433: {  	p0 =	sne.s32 s13, $0x3C00;
	v2 =	vld [tilespmem:s7+$0x18700];
	[tilespmem:s12+$0x1B7E0] =	vst v1  }
0x434: {  	v0 =	vld.idx.msk [tilespmem:v0+s4+$0x0], $0xffff;
	_ =	sdelay $0x5  }
0x435: {  	v1 =	vld [tilespmem:s7+$0x18710];
	[tilespmem:s12+$0x1B7F0] =	vst v0;
	s12 =	smov.u32 s7  }
0x436: {  	v0 =	vld.idx.msk [tilespmem:v2+s4+$0x0], $0xffff;
	_ =	sdelay $0x5  }
0x437: {  	[tilespmem:s12+$0x1B700] =	vst v0;
	v0 =	vld [tilespmem:s12+$0x18720]  }
0x438: {  	v1 =	vld.idx.msk [tilespmem:v1+s4+$0x0], $0xffff;
	_ =	sdelay $0x5  }
0x439: {  	[tilespmem:s12+$0x1B710] =	vst v1;
	v1 =	vld [tilespmem:s12+$0x18730]  }
0x43a: {  	v0 =	vld.idx.msk [tilespmem:v0+s4+$0x0], $0xffff;
	_ =	sdelay $0x5  }
0x43b: {  	[tilespmem:s12+$0x1B720] =	vst v0;
	v0 =	vld [tilespmem:s12+$0x18740]  }
0x43c: {  	v1 =	vld.idx.msk [tilespmem:v1+s4+$0x0], $0xffff;
	_ =	sdelay $0x5  }
0x43d: {  	[tilespmem:s12+$0x1B730] =	vst v1;
	v1 =	vld [tilespmem:s12+$0x18750]  }
0x43e: {  	v0 =	vld.idx.msk [tilespmem:v0+s4+$0x0], $0xffff;
	_ =	sdelay $0x5  }
0x43f: {  	[tilespmem:s12+$0x1B740] =	vst v0;
	v0 =	vld [tilespmem:s12+$0x18760]  }
0x440: {  	v1 =	vld.idx.msk [tilespmem:v1+s4+$0x0], $0xffff;
	_ =	sdelay $0x5  }
0x441: {  	[tilespmem:s12+$0x1B750] =	vst v1;
	v1 =	vld [tilespmem:s12+$0x18770]  }
0x442: {  	v0 =	vld.idx.msk [tilespmem:v0+s4+$0x0], $0xffff;
	_ =	sdelay $0x5  }
0x443: {  	[tilespmem:s12+$0x1B760] =	vst v0;
	v0 =	vld [tilespmem:s12+$0x18780]  }
0x444: {  	v1 =	vld.idx.msk [tilespmem:v1+s4+$0x0], $0xffff;
	_ =	sdelay $0x5  }
0x445: {  	[tilespmem:s12+$0x1B770] =	vst v1;
	v1 =	vld [tilespmem:s12+$0x18790]  }
0x446: {  	v0 =	vld.idx.msk [tilespmem:v0+s4+$0x0], $0xffff;
	_ =	sdelay $0x5  }
0x447: {  	[tilespmem:s12+$0x1B780] =	vst v0;
	v0 =	vld [tilespmem:s12+$0x187A0]  }
0x448: {  	v1 =	vld.idx.msk [tilespmem:v1+s4+$0x0], $0xffff;
	_ =	sdelay $0x5  }
0x449: {  	[tilespmem:s12+$0x1B790] =	vst v1;
	v1 =	vld [tilespmem:s12+$0x187B0]  }
0x44a: {  	v0 =	vld.idx.msk [tilespmem:v0+s4+$0x0], $0xffff;
	_ =	sdelay $0x5  }
0x44b: {  	[tilespmem:s12+$0x1B7A0] =	vst v0;
	v0 =	vld [tilespmem:s12+$0x187C0]  }
0x44c: {  	v1 =	vld.idx.msk [tilespmem:v1+s4+$0x0], $0xffff;
	_ =	sdelay $0x5  }
0x44d: {  	[tilespmem:s12+$0x1B7B0] =	vst v1;
	v1 =	vld [tilespmem:s12+$0x187D0]  }
0x44e: {  	v0 =	vld.idx.msk [tilespmem:v0+s4+$0x0], $0xffff;
	_ =	sdelay $0x5  }
0x44f: {  	[tilespmem:s12+$0x1B7C0] =	vst v0;
	v2 =	vld [tilespmem:s12+$0x187E0]  }
0x450: {  	v0 =	vld.idx.msk [tilespmem:v1+s4+$0x0], $0xffff;
	_ =	sdelay $0x5  }
0x451: {  	[tilespmem:s12+$0x1B7D0] =	vst v0;
	v0 =	vld [tilespmem:s12+$0x187F0]  }
0x452: {  	v1 =	vld.idx.msk [tilespmem:v2+s4+$0x0], $0xffff  }
.Ltmp10:
0x453: {  	(pc) =	sbr.rel @p0 .LBB2_22-.Ltmp10, $2  }
0x454: {  	_ =	sdelay $0x2  }
0x455: {  	s7 =	sshra.s32 s13, $0x2;
	s13 =	sadd.s32 $0x400, s13  }
0x456: {  	_ =	sdelay $0x1  }
0x457: {  	v2 =	vld [tilespmem:s7+$0x18700]  }
0x458: {  	[tilespmem:s12+$0x1B7E0] =	vst v1  }
0x459: {  	v0 =	vld.idx.msk [tilespmem:v0+s4+$0x0], $0xffff;
	_ =	sdelay $0x3  }
0x45a: {  	v1 =	vld [tilespmem:s7+$0x18710]  }
0x45b: {  	[tilespmem:s12+$0x1B7F0] =	vst v0  }
0x45c: {  	v0 =	vld.idx.msk [tilespmem:v2+s4+$0x0], $0xffff;
	_ =	sdelay $0x4  }
0x45d: {  	[tilespmem:s7+$0x1B700] =	vst v0;
	v0 =	vld [tilespmem:s7+$0x18720]  }
0x45e: {  	v1 =	vld.idx.msk [tilespmem:v1+s4+$0x0], $0xffff;
	_ =	sdelay $0x4  }
0x45f: {  	[tilespmem:s7+$0x1B710] =	vst v1;
	v1 =	vld [tilespmem:s7+$0x18730];
	_ =	sdelay $0x1  }
0x460: {  	v0 =	vld.idx.msk [tilespmem:v0+s4+$0x0], $0xffff;
	_ =	sdelay $0x4  }
0x461: {  	[tilespmem:s7+$0x1B720] =	vst v0;
	v0 =	vld [tilespmem:s7+$0x18740]  }
0x462: {  	v1 =	vld.idx.msk [tilespmem:v1+s4+$0x0], $0xffff;
	_ =	sdelay $0x4  }
0x463: {  	[tilespmem:s7+$0x1B730] =	vst v1;
	v1 =	vld [tilespmem:s7+$0x18750];
	_ =	sdelay $0x1  }
0x464: {  	v0 =	vld.idx.msk [tilespmem:v0+s4+$0x0], $0xffff;
	_ =	sdelay $0x4  }
0x465: {  	[tilespmem:s7+$0x1B740] =	vst v0;
	v0 =	vld [tilespmem:s7+$0x18760]  }
0x466: {  	v1 =	vld.idx.msk [tilespmem:v1+s4+$0x0], $0xffff;
	_ =	sdelay $0x4  }
0x467: {  	[tilespmem:s7+$0x1B750] =	vst v1;
	v1 =	vld [tilespmem:s7+$0x18770];
	_ =	sdelay $0x1  }
0x468: {  	v0 =	vld.idx.msk [tilespmem:v0+s4+$0x0], $0xffff;
	_ =	sdelay $0x4  }
0x469: {  	[tilespmem:s7+$0x1B760] =	vst v0;
	v0 =	vld [tilespmem:s7+$0x18780]  }
0x46a: {  	v1 =	vld.idx.msk [tilespmem:v1+s4+$0x0], $0xffff;
	_ =	sdelay $0x4  }
0x46b: {  	[tilespmem:s7+$0x1B770] =	vst v1;
	v1 =	vld [tilespmem:s7+$0x18790];
	_ =	sdelay $0x1  }
0x46c: {  	v0 =	vld.idx.msk [tilespmem:v0+s4+$0x0], $0xffff;
	_ =	sdelay $0x4  }
0x46d: {  	[tilespmem:s7+$0x1B780] =	vst v0;
	v0 =	vld [tilespmem:s7+$0x187A0]  }
0x46e: {  	v1 =	vld.idx.msk [tilespmem:v1+s4+$0x0], $0xffff;
	_ =	sdelay $0x4  }
0x46f: {  	[tilespmem:s7+$0x1B790] =	vst v1;
	v1 =	vld [tilespmem:s7+$0x187B0];
	_ =	sdelay $0x1  }
0x470: {  	v0 =	vld.idx.msk [tilespmem:v0+s4+$0x0], $0xffff;
	_ =	sdelay $0x4  }
0x471: {  	[tilespmem:s7+$0x1B7A0] =	vst v0;
	v0 =	vld [tilespmem:s7+$0x187C0]  }
0x472: {  	v1 =	vld.idx.msk [tilespmem:v1+s4+$0x0], $0xffff;
	_ =	sdelay $0x4  }
0x473: {  	[tilespmem:s7+$0x1B7B0] =	vst v1;
	v1 =	vld [tilespmem:s7+$0x187D0];
	_ =	sdelay $0x1  }
0x474: {  	v0 =	vld.idx.msk [tilespmem:v0+s4+$0x0], $0xffff;
	_ =	sdelay $0x4  }
0x475: {  	[tilespmem:s7+$0x1B7C0] =	vst v0;
	v0 =	vld [tilespmem:s7+$0x187E0]  }
0x476: {  	v1 =	vld.idx.msk [tilespmem:v1+s4+$0x0], $0xffff;
	_ =	sdelay $0x4  }
0x477: {  	[tilespmem:s7+$0x1B7D0] =	vst v1;
	v1 =	vld [tilespmem:s7+$0x187F0];
	_ =	sdelay $0x1  }
0x478: {  	v0 =	vld.idx.msk [tilespmem:v0+s4+$0x0], $0xffff;
	_ =	sdelay $0x4  }
0x479: {  	[tilespmem:s7+$0x1B7E0] =	vst v0  }
0x47a: {  	v0 =	vld.idx.msk [tilespmem:v1+s4+$0x0], $0xffff;
	_ =	sdelay $0x4  }
0x47b: {  	s19 =	rddreg [dreg:$0x9];
	[tilespmem:s7+$0x1B7F0] =	vst v0  }
0x47c: {  	[hbm4b:s19+s20] =	stream.strided.scatter [tilespmem:s28], [sflag:$0x4], $0x1000, s21, s20, $0x38;
	[tilespmem:$0x1E700] =	vst v63  }
0x47d: {  	_ =	swait.ge [sflag:s29], $0x1000  }
0x47e: {  	[sflag:s29] =	ssyncset.done $0x0  }
0x47f: {  	[sflag:s29] =	ssyncadd.s32 $0xFFFFF000  }
0x480: {  	_ =	swait.ge [sflag:s25], $0x1000  }
0x481: {  	[sflag:s25] =	ssyncset.done $0x0  }
0x482: {  	s12 =	simm.s32 $0x0;
	[sflag:s25] =	ssyncadd.s32 $0xFFFFF000  }
0x483: {  	v0 =	vld [tilespmem:s12+$0x19700];
	_ =	sdelay $0x5  }
0x484: {  	v1 =	vld [tilespmem:s12+$0x19710];
	_ =	sdelay $0x1  }
0x485: {  	v0 =	vld.idx.msk [tilespmem:v0+s4+$0x0], $0xffff;
	_ =	sdelay $0x4  }
0x486: {  	[tilespmem:s12+$0x1C700] =	vst v0;
	v0 =	vld [tilespmem:s12+$0x19720]  }
0x487: {  	v1 =	vld.idx.msk [tilespmem:v1+s4+$0x0], $0xffff;
	_ =	sdelay $0x4  }
0x488: {  	[tilespmem:s12+$0x1C710] =	vst v1;
	v1 =	vld [tilespmem:s12+$0x19730];
	_ =	sdelay $0x1  }
0x489: {  	v0 =	vld.idx.msk [tilespmem:v0+s4+$0x0], $0xffff;
	_ =	sdelay $0x4  }
0x48a: {  	[tilespmem:s12+$0x1C720] =	vst v0;
	v0 =	vld [tilespmem:s12+$0x19740]  }
0x48b: {  	v1 =	vld.idx.msk [tilespmem:v1+s4+$0x0], $0xffff;
	_ =	sdelay $0x4  }
0x48c: {  	[tilespmem:s12+$0x1C730] =	vst v1;
	v1 =	vld [tilespmem:s12+$0x19750];
	_ =	sdelay $0x1  }
0x48d: {  	v0 =	vld.idx.msk [tilespmem:v0+s4+$0x0], $0xffff;
	_ =	sdelay $0x4  }
0x48e: {  	[tilespmem:s12+$0x1C740] =	vst v0;
	v0 =	vld [tilespmem:s12+$0x19760]  }
0x48f: {  	v1 =	vld.idx.msk [tilespmem:v1+s4+$0x0], $0xffff;
	_ =	sdelay $0x4  }
0x490: {  	[tilespmem:s12+$0x1C750] =	vst v1;
	v1 =	vld [tilespmem:s12+$0x19770];
	_ =	sdelay $0x1  }
0x491: {  	v0 =	vld.idx.msk [tilespmem:v0+s4+$0x0], $0xffff;
	_ =	sdelay $0x4  }
0x492: {  	[tilespmem:s12+$0x1C760] =	vst v0;
	v0 =	vld [tilespmem:s12+$0x19780]  }
0x493: {  	v1 =	vld.idx.msk [tilespmem:v1+s4+$0x0], $0xffff;
	_ =	sdelay $0x4  }
0x494: {  	[tilespmem:s12+$0x1C770] =	vst v1;
	v1 =	vld [tilespmem:s12+$0x19790];
	_ =	sdelay $0x1  }
0x495: {  	v0 =	vld.idx.msk [tilespmem:v0+s4+$0x0], $0xffff;
	_ =	sdelay $0x4  }
0x496: {  	[tilespmem:s12+$0x1C780] =	vst v0;
	v0 =	vld [tilespmem:s12+$0x197A0]  }
0x497: {  	v1 =	vld.idx.msk [tilespmem:v1+s4+$0x0], $0xffff;
	_ =	sdelay $0x4  }
0x498: {  	[tilespmem:s12+$0x1C790] =	vst v1;
	v1 =	vld [tilespmem:s12+$0x197B0];
	_ =	sdelay $0x1  }
0x499: {  	v0 =	vld.idx.msk [tilespmem:v0+s4+$0x0], $0xffff;
	_ =	sdelay $0x4  }
0x49a: {  	[tilespmem:s12+$0x1C7A0] =	vst v0;
	v0 =	vld [tilespmem:s12+$0x197C0]  }
0x49b: {  	v1 =	vld.idx.msk [tilespmem:v1+s4+$0x0], $0xffff;
	_ =	sdelay $0x4  }
0x49c: {  	[tilespmem:s12+$0x1C7B0] =	vst v1;
	v1 =	vld [tilespmem:s12+$0x197D0];
	_ =	sdelay $0x1  }
0x49d: {  	v0 =	vld.idx.msk [tilespmem:v0+s4+$0x0], $0xffff;
	_ =	sdelay $0x4  }
0x49e: {  	v2 =	vld [tilespmem:s12+$0x197E0];
	[tilespmem:s12+$0x1C7C0] =	vst v0  }
0x49f: {  	v0 =	vld.idx.msk [tilespmem:v1+s4+$0x0], $0xffff;
	_ =	sdelay $0x4  }
0x4a0: {  	[tilespmem:s12+$0x1C7D0] =	vst v0;
	v0 =	vld [tilespmem:s12+$0x197F0];
	_ =	sdelay $0x1  }
0x4a1: {  	v1 =	vld.idx.msk [tilespmem:v2+s4+$0x0], $0xffff;
	_ =	sdelay $0x3  }
0x4a2: {  	s13 =	simm.s32 $0x800;
	s7 =	simm.s32 $0x100  }
.LBB2_24:
0x4a3: {  	p0 =	sne.s32 s13, $0x3C00;
	v2 =	vld [tilespmem:s7+$0x19700];
	[tilespmem:s12+$0x1C7E0] =	vst v1  }
0x4a4: {  	v0 =	vld.idx.msk [tilespmem:v0+s4+$0x0], $0xffff;
	_ =	sdelay $0x5  }
0x4a5: {  	v1 =	vld [tilespmem:s7+$0x19710];
	[tilespmem:s12+$0x1C7F0] =	vst v0;
	s12 =	smov.u32 s7  }
0x4a6: {  	v0 =	vld.idx.msk [tilespmem:v2+s4+$0x0], $0xffff;
	_ =	sdelay $0x5  }
0x4a7: {  	[tilespmem:s12+$0x1C700] =	vst v0;
	v0 =	vld [tilespmem:s12+$0x19720]  }
0x4a8: {  	v1 =	vld.idx.msk [tilespmem:v1+s4+$0x0], $0xffff;
	_ =	sdelay $0x5  }
0x4a9: {  	[tilespmem:s12+$0x1C710] =	vst v1;
	v1 =	vld [tilespmem:s12+$0x19730]  }
0x4aa: {  	v0 =	vld.idx.msk [tilespmem:v0+s4+$0x0], $0xffff;
	_ =	sdelay $0x5  }
0x4ab: {  	[tilespmem:s12+$0x1C720] =	vst v0;
	v0 =	vld [tilespmem:s12+$0x19740]  }
0x4ac: {  	v1 =	vld.idx.msk [tilespmem:v1+s4+$0x0], $0xffff;
	_ =	sdelay $0x5  }
0x4ad: {  	[tilespmem:s12+$0x1C730] =	vst v1;
	v1 =	vld [tilespmem:s12+$0x19750]  }
0x4ae: {  	v0 =	vld.idx.msk [tilespmem:v0+s4+$0x0], $0xffff;
	_ =	sdelay $0x5  }
0x4af: {  	[tilespmem:s12+$0x1C740] =	vst v0;
	v0 =	vld [tilespmem:s12+$0x19760]  }
0x4b0: {  	v1 =	vld.idx.msk [tilespmem:v1+s4+$0x0], $0xffff;
	_ =	sdelay $0x5  }
0x4b1: {  	[tilespmem:s12+$0x1C750] =	vst v1;
	v1 =	vld [tilespmem:s12+$0x19770]  }
0x4b2: {  	v0 =	vld.idx.msk [tilespmem:v0+s4+$0x0], $0xffff;
	_ =	sdelay $0x5  }
0x4b3: {  	[tilespmem:s12+$0x1C760] =	vst v0;
	v0 =	vld [tilespmem:s12+$0x19780]  }
0x4b4: {  	v1 =	vld.idx.msk [tilespmem:v1+s4+$0x0], $0xffff;
	_ =	sdelay $0x5  }
0x4b5: {  	[tilespmem:s12+$0x1C770] =	vst v1;
	v1 =	vld [tilespmem:s12+$0x19790]  }
0x4b6: {  	v0 =	vld.idx.msk [tilespmem:v0+s4+$0x0], $0xffff;
	_ =	sdelay $0x5  }
0x4b7: {  	[tilespmem:s12+$0x1C780] =	vst v0;
	v0 =	vld [tilespmem:s12+$0x197A0]  }
0x4b8: {  	v1 =	vld.idx.msk [tilespmem:v1+s4+$0x0], $0xffff;
	_ =	sdelay $0x5  }
0x4b9: {  	[tilespmem:s12+$0x1C790] =	vst v1;
	v1 =	vld [tilespmem:s12+$0x197B0]  }
0x4ba: {  	v0 =	vld.idx.msk [tilespmem:v0+s4+$0x0], $0xffff;
	_ =	sdelay $0x5  }
0x4bb: {  	[tilespmem:s12+$0x1C7A0] =	vst v0;
	v0 =	vld [tilespmem:s12+$0x197C0]  }
0x4bc: {  	v1 =	vld.idx.msk [tilespmem:v1+s4+$0x0], $0xffff;
	_ =	sdelay $0x5  }
0x4bd: {  	[tilespmem:s12+$0x1C7B0] =	vst v1;
	v1 =	vld [tilespmem:s12+$0x197D0]  }
0x4be: {  	v0 =	vld.idx.msk [tilespmem:v0+s4+$0x0], $0xffff;
	_ =	sdelay $0x5  }
0x4bf: {  	[tilespmem:s12+$0x1C7C0] =	vst v0;
	v2 =	vld [tilespmem:s12+$0x197E0]  }
0x4c0: {  	v0 =	vld.idx.msk [tilespmem:v1+s4+$0x0], $0xffff;
	_ =	sdelay $0x5  }
0x4c1: {  	[tilespmem:s12+$0x1C7D0] =	vst v0;
	v0 =	vld [tilespmem:s12+$0x197F0]  }
0x4c2: {  	v1 =	vld.idx.msk [tilespmem:v2+s4+$0x0], $0xffff  }
.Ltmp11:
0x4c3: {  	(pc) =	sbr.rel @p0 .LBB2_24-.Ltmp11, $2  }
0x4c4: {  	_ =	sdelay $0x2  }
0x4c5: {  	s7 =	sshra.s32 s13, $0x2;
	s13 =	sadd.s32 $0x400, s13  }
0x4c6: {  	_ =	sdelay $0x1  }
0x4c7: {  	v2 =	vld [tilespmem:s7+$0x19700]  }
0x4c8: {  	[tilespmem:s12+$0x1C7E0] =	vst v1  }
0x4c9: {  	v0 =	vld.idx.msk [tilespmem:v0+s4+$0x0], $0xffff;
	_ =	sdelay $0x3  }
0x4ca: {  	v1 =	vld [tilespmem:s7+$0x19710]  }
0x4cb: {  	[tilespmem:s12+$0x1C7F0] =	vst v0  }
0x4cc: {  	v0 =	vld.idx.msk [tilespmem:v2+s4+$0x0], $0xffff;
	_ =	sdelay $0x3  }
0x4cd: {  	v50 =	vld [tilespmem:s7+$0x19720]  }
0x4ce: {  	[tilespmem:s7+$0x1C700] =	vst v0  }
0x4cf: {  	v1 =	vld.idx.msk [tilespmem:v1+s4+$0x0], $0xffff;
	_ =	sdelay $0x3  }
0x4d0: {  	v51 =	vld [tilespmem:s7+$0x19730]  }
0x4d1: {  	[tilespmem:s7+$0x1C710] =	vst v1  }
0x4d2: {  	v0 =	vld.idx.msk [tilespmem:v50+s4+$0x0], $0xffff;
	_ =	sdelay $0x3  }
0x4d3: {  	v52 =	vld [tilespmem:s7+$0x19740]  }
0x4d4: {  	[tilespmem:s7+$0x1C720] =	vst v0  }
0x4d5: {  	v1 =	vld.idx.msk [tilespmem:v51+s4+$0x0], $0xffff;
	_ =	sdelay $0x3  }
0x4d6: {  	v53 =	vld [tilespmem:s7+$0x19750]  }
0x4d7: {  	[tilespmem:s7+$0x1C730] =	vst v1  }
0x4d8: {  	v0 =	vld.idx.msk [tilespmem:v52+s4+$0x0], $0xffff;
	_ =	sdelay $0x3  }
0x4d9: {  	v54 =	vld [tilespmem:s7+$0x19760]  }
0x4da: {  	[tilespmem:s7+$0x1C740] =	vst v0  }
0x4db: {  	v1 =	vld.idx.msk [tilespmem:v53+s4+$0x0], $0xffff;
	_ =	sdelay $0x3  }
0x4dc: {  	v55 =	vld [tilespmem:s7+$0x19770]  }
0x4dd: {  	[tilespmem:s7+$0x1C750] =	vst v1  }
0x4de: {  	v0 =	vld.idx.msk [tilespmem:v54+s4+$0x0], $0xffff;
	_ =	sdelay $0x3  }
0x4df: {  	v56 =	vld [tilespmem:s7+$0x19780]  }
0x4e0: {  	[tilespmem:s7+$0x1C760] =	vst v0  }
0x4e1: {  	v1 =	vld.idx.msk [tilespmem:v55+s4+$0x0], $0xffff;
	_ =	sdelay $0x3  }
0x4e2: {  	v57 =	vld [tilespmem:s7+$0x19790]  }
0x4e3: {  	[tilespmem:s7+$0x1C770] =	vst v1  }
0x4e4: {  	v0 =	vld.idx.msk [tilespmem:v56+s4+$0x0], $0xffff;
	_ =	sdelay $0x3  }
0x4e5: {  	v58 =	vld [tilespmem:s7+$0x197A0]  }
0x4e6: {  	[tilespmem:s7+$0x1C780] =	vst v0  }
0x4e7: {  	v1 =	vld.idx.msk [tilespmem:v57+s4+$0x0], $0xffff;
	_ =	sdelay $0x3  }
0x4e8: {  	v59 =	vld [tilespmem:s7+$0x197B0]  }
0x4e9: {  	[tilespmem:s7+$0x1C790] =	vst v1  }
0x4ea: {  	v0 =	vld.idx.msk [tilespmem:v58+s4+$0x0], $0xffff;
	_ =	sdelay $0x3  }
0x4eb: {  	v60 =	vld [tilespmem:s7+$0x197C0]  }
0x4ec: {  	[tilespmem:s7+$0x1C7A0] =	vst v0  }
0x4ed: {  	v1 =	vld.idx.msk [tilespmem:v59+s4+$0x0], $0xffff;
	_ =	sdelay $0x3  }
0x4ee: {  	v61 =	vld [tilespmem:s7+$0x197D0]  }
0x4ef: {  	[tilespmem:s7+$0x1C7B0] =	vst v1  }
0x4f0: {  	v0 =	vld.idx.msk [tilespmem:v60+s4+$0x0], $0xffff;
	_ =	sdelay $0x3  }
0x4f1: {  	v62 =	vld [tilespmem:s7+$0x197E0]  }
0x4f2: {  	[tilespmem:s7+$0x1C7C0] =	vst v0  }
0x4f3: {  	v1 =	vld.idx.msk [tilespmem:v61+s4+$0x0], $0xffff;
	_ =	sdelay $0x3  }
0x4f4: {  	v63 =	vld [tilespmem:s7+$0x197F0]  }
0x4f5: {  	[tilespmem:s7+$0x1C7D0] =	vst v1  }
0x4f6: {  	v0 =	vld.idx.msk [tilespmem:v62+s4+$0x0], $0xffff;
	_ =	sdelay $0x4  }
0x4f7: {  	[tilespmem:s7+$0x1C7E0] =	vst v0  }
0x4f8: {  	v0 =	vld.idx.msk [tilespmem:v63+s4+$0x0], $0xffff;
	_ =	sdelay $0x4  }
0x4f9: {  	s18 =	rddreg [dreg:$0xa];
	[tilespmem:s7+$0x1C7F0] =	vst v0  }
0x4fa: {  	[hbm4b:s18+s20] =	stream.strided.scatter [tilespmem:s30], [sflag:$0x5], $0x1000, s21, s20, $0x38;
	[tilespmem:$0x1E700] =	vst v63  }
0x4fb: {  	_ =	swait.ge [sflag:s2], $0x1000  }
0x4fc: {  	[sflag:s2] =	ssyncset.done $0x0  }
0x4fd: {  	[sflag:s2] =	ssyncadd.s32 $0xFFFFF000  }
0x4fe: {  	_ =	swait.ge [sflag:s25], $0x1000  }
0x4ff: {  	[sflag:s25] =	ssyncset.done $0x0  }
0x500: {  	[sflag:s25] =	ssyncadd.s32 $0xFFFFF000  }
0x501: {  	_ =	swait.ge [sflag:s5], $0x1000  }
0x502: {  	s11 =	sadd.s32 $0x1, s11;
	s19 =	rddreg [dreg:$0xb]  }
0x503: {  	p0 =	sne.s32 s11, s19  }
.Ltmp12:
0x504: {  	_ = 	snop;
	(pc) =	sbr.rel @p0 .LBB2_1-.Ltmp12, $3  }
0x505: {  	_ =	sdelay $0x1  }
0x506: {  	[sflag:s5] =	ssyncset.done $0x0  }
0x507: {  	[sflag:s5] =	ssyncadd.s32 $0xFFFFF000  }
0x508: {  	_ =	sfence.sel $0x180000  }
0x509: {  	[bflag:$0x0] =	sbarrier.arrive $0xFFFF  }
0x50a: {  	_ =	strace $0x90000047  }
0x50b: {  	s0 =	stileid.u32;
	[bflag:$0x2] =	sbarrier.arrive $0xFFFF  }
0x50c: {  	p0 =	sne.s32 s0, $0x0;
	s0 =	rddreg [dreg:$0x3]  }
0x50d: {  	s0 =	sadd.s32 @!p0 $0x100000, s0  }
0x50e: {  	[sflag:s0] =	ssyncadd.tile.s32 @!p0 $0x1;
	_ =	shalt  }
.Lfunc_end2:
_tile_overlayer_lowered:
.L_overlay_start_2:
0x50f: {  	(tag) =	ssettag $0x2  }
0x510: {  	s0 =	rddreg [dreg:$0x0];
	s2 =	stileid.u32  }
0x511: {  	s1 =	rddreg [dreg:$0x1];
	p0 =	sne.s32 s2, $0x0  }
0x512: {  	s3 =	rddreg [dreg:$0x2];
	[bflag:$0x3] =	sbarrier.arrive $0xFFFF;
	s2 =	simm.s32 @!p0 $0x1C07  }
0x513: {  	[timem:s3], [sflag:s2] =	dma.local @!p0 [hbm:s0], s1  }
0x514: {  	s0 =	simm.s32 @!p0 $0x7  }
0x515: {  	_ =	swait.ge @!p0 [sflag:s0], s1  }
0x516: {  	s1 =	ssub.s32 @!p0 $0x0, s1;
	[sflag:s0] =	ssyncset.done @!p0 $0x0  }
0x517: {  	[sflag:s0] =	ssyncadd.s32 @!p0 s1  }
0x518: {  	[bflag:$0x3] =	sbarrier.arrive $0xFFFF  }
0x519: {  	_ =	shalt  }

</sc_bundles>
